<compile_context>
chip_gen: v7x
topology: tpu7x:2x2x1
jax: 0.10.2.dev20260603
libtpu: 0.0.44.dev20260713+nightly
codegen_flags: <defaults>
</compile_context>

<pallas_src>
import functools

import jax
import jax.numpy as jnp
from jax import lax
from jax.experimental import pallas as pl
from jax.experimental.pallas import tpu as pltpu
from jax.experimental.pallas import tpu_sc as plsc

B = 16384
E = 16
T = 20
NC = 2
NS = 16
NW = NC * NS
PERW = B // NW
CB = 128
CA = 128
NCHA = PERW // CA
CT = CA * T
NG = CT // 128

_EPS = 1e-8
_EPS2 = 1e-16

_MESH = plsc.VectorSubcoreMesh(core_axis_name="c", subcore_axis_name="s",
                               num_cores=NC, num_subcores=NS)


def _rsqrt(x):
    i = lax.bitcast_convert_type(x, jnp.int32)
    i = jnp.int32(0x5F3759DF) - lax.shift_right_logical(i, 1)
    y = lax.bitcast_convert_type(i, jnp.float32)
    for _ in range(3):
        y = y * (1.5 - 0.5 * x * y * y)
    return y


def _wid():
    return lax.axis_index("s") * NC + lax.axis_index("c")


def _content_body(uti_hbm, w_hbm, iti_hbm, tt_hbm, out_hbm,
                  tidx_v, w_v, tag_rows, uc_buf, ic_buf, out_v, sem_tag):
    base0 = _wid() * PERW
    lanes = lax.iota(jnp.int32, 16)

    def chunk_body(ci, carry):
        base = pl.multiple_of(base0 + ci * CA, CA)
        tbase = pl.multiple_of(base * T, CT)

        pltpu.sync_copy(uti_hbm.at[pl.ds(tbase, CT)], tidx_v.at[pl.ds(0, CT)])
        pltpu.sync_copy(iti_hbm.at[pl.ds(tbase, CT)], tidx_v.at[pl.ds(CT, CT)])
        pltpu.sync_copy(w_hbm.at[pl.ds(tbase, CT)], w_v)

        def fire(k, c):
            off = pl.multiple_of(k * 128, 128)
            pltpu.async_copy(tt_hbm.at[tidx_v.at[pl.ds(off, 128)]],
                             tag_rows.at[pl.ds(off, 128)], sem_tag)
            return c

        lax.fori_loop(0, 2 * NG, fire, 0)
        pltpu.make_async_copy(tt_hbm.at[pl.ds(0, 2 * CT)], tag_rows,
                              sem_tag).wait()

        def elem(b, c):
            j = b * T
            jv = jnp.broadcast_to(j, (16,))
            w0 = plsc.load_gather(w_v, [jv])
            w1 = plsc.load_gather(w_v, [jv + 1])
            uc0 = tag_rows[j, :] * w0
            uc1 = tag_rows[j + 1, :] * w1
            ic0 = tag_rows[CT + j, :]
            ic1 = tag_rows[CT + j + 1, :]
            for t in range(2, T, 2):
                wt0 = plsc.load_gather(w_v, [jv + t])
                wt1 = plsc.load_gather(w_v, [jv + t + 1])
                uc0 = uc0 + tag_rows[j + t, :] * wt0
                uc1 = uc1 + tag_rows[j + t + 1, :] * wt1
                ic0 = ic0 + tag_rows[CT + j + t, :]
                ic1 = ic1 + tag_rows[CT + j + t + 1, :]
            uc_buf[b, :] = uc0 + uc1
            ic_buf[b, :] = ic0 + ic1
            return c

        lax.fori_loop(0, CA, elem, 0)

        def group(g, c):
            rows = g * 16 + lanes
            rows20 = rows * T
            zero = jnp.zeros((16,), jnp.float32)
            dotk = zero
            sa = zero
            sb = zero
            wsum = zero
            for e in range(E):
                ce = jnp.full((16,), e, jnp.int32)
                ae = plsc.load_gather(uc_buf, [rows, ce])
                be = plsc.load_gather(ic_buf, [rows, ce])
                dotk = dotk + ae * be
                sa = sa + ae * ae
                sb = sb + be * be
            for t in range(T):
                wsum = wsum + plsc.load_gather(w_v, [rows20 + t])

            s_u = 1.0 / (wsum + _EPS)
            na2 = jnp.maximum(sa * s_u * s_u, _EPS2)
            nb2 = jnp.maximum(sb * (1.0 / (T * T)), _EPS2)
            content = dotk * (s_u * (1.0 / T)) * _rsqrt(na2 * nb2)
            off = pl.multiple_of(g * 16, 16)
            out_v[pl.ds(off, 16)] = content
            return c

        lax.fori_loop(0, CA // 16, group, 0)
        pltpu.sync_copy(out_v, out_hbm.at[pl.ds(base, CA)])
        return carry

    lax.fori_loop(0, NCHA, chunk_body, 0)


_content_call = functools.partial(
    pl.kernel,
    out_type=jax.ShapeDtypeStruct((B,), jnp.float32),
    mesh=_MESH,
    compiler_params=pltpu.CompilerParams(needs_layout_passes=False,
                                         use_tc_tiling_on_sc=False),
    scratch_types=[
        pltpu.VMEM((2 * CT,), jnp.int32),
        pltpu.VMEM((CT,), jnp.float32),
        pltpu.VMEM((2 * CT, E), jnp.float32),
        pltpu.VMEM((CA, E), jnp.float32),
        pltpu.VMEM((CA, E), jnp.float32),
        pltpu.VMEM((CA,), jnp.float32),
        pltpu.SemaphoreType.DMA,
    ],
)(_content_body)


def _collab_body(ui_hbm, ii_hbm, content_hbm, ut_hbm, it_hbm, out_hbm,
                 uidx_v, iidx_v, urows_t, irows_t, content_v, out_v, sem):
    base0 = pl.multiple_of(_wid() * PERW, PERW)
    lanes = lax.iota(jnp.int32, 16)

    pltpu.sync_copy(ui_hbm.at[pl.ds(base0, PERW)], uidx_v)
    pltpu.sync_copy(ii_hbm.at[pl.ds(base0, PERW)], iidx_v)
    pltpu.sync_copy(content_hbm.at[pl.ds(base0, PERW)], content_v)

    def chunk(ci, carry):
        cbase = pl.multiple_of(ci * CB, CB)

        def fire(g, c):
            off = pl.multiple_of(cbase + g * 16, 16)
            uv = uidx_v[pl.ds(off, 16)]
            iv = iidx_v[pl.ds(off, 16)]
            for t in range(16):
                pltpu.async_copy(ut_hbm.at[pl.ds(uv[t], 1), :],
                                 urows_t.at[pl.ds(g * 16 + t, 1), :], sem)
                pltpu.async_copy(it_hbm.at[pl.ds(iv[t], 1), :],
                                 irows_t.at[pl.ds(g * 16 + t, 1), :], sem)
            return c

        lax.fori_loop(0, CB // 16, fire, 0)

        def drain(g, c):
            off = pl.multiple_of(cbase + g * 16, 16)
            uv = uidx_v[pl.ds(off, 16)]
            iv = iidx_v[pl.ds(off, 16)]
            for t in range(16):
                pltpu.make_async_copy(ut_hbm.at[pl.ds(uv[t], 1), :],
                                      urows_t.at[pl.ds(g * 16 + t, 1), :],
                                      sem).wait()
                pltpu.make_async_copy(it_hbm.at[pl.ds(iv[t], 1), :],
                                      irows_t.at[pl.ds(g * 16 + t, 1), :],
                                      sem).wait()
            return c

        lax.fori_loop(0, CB // 16, drain, 0)

        def group(g, c):
            rows = g * 16 + lanes
            zero = jnp.zeros((16,), jnp.float32)
            dotc = zero
            su = zero
            sv = zero
            for e in range(E):
                ce = jnp.full((16,), e, jnp.int32)
                ue = plsc.load_gather(urows_t, [rows, ce])
                ve = plsc.load_gather(irows_t, [rows, ce])
                dotc = dotc + ue * ve
                su = su + ue * ue
                sv = sv + ve * ve
            collab = dotc * _rsqrt(jnp.maximum(su, _EPS2) *
                                   jnp.maximum(sv, _EPS2))
            off = pl.multiple_of(cbase + g * 16, 16)
            content = content_v[pl.ds(off, 16)]
            out_v[pl.ds(off, 16)] = 0.5 * collab + 0.5 * content
            return c

        lax.fori_loop(0, CB // 16, group, 0)
        return carry

    lax.fori_loop(0, PERW // CB, chunk, 0)
    pltpu.sync_copy(out_v, out_hbm.at[pl.ds(base0, PERW)])


_collab_call = functools.partial(
    pl.kernel,
    out_type=jax.ShapeDtypeStruct((B,), jnp.float32),
    mesh=_MESH,
    compiler_params=pltpu.CompilerParams(needs_layout_passes=False,
                                         use_tc_tiling_on_sc=True,
                                         has_side_effects=False),
    scratch_types=[
        pltpu.VMEM((PERW,), jnp.int32),
        pltpu.VMEM((PERW,), jnp.int32),
        pltpu.VMEM((CB, E), jnp.float32),
        pltpu.VMEM((CB, E), jnp.float32),
        pltpu.VMEM((PERW,), jnp.float32),
        pltpu.VMEM((PERW,), jnp.float32),
        pltpu.SemaphoreType.DMA,
    ],
)(_collab_body)


def kernel(user_idx, item_idx, user_tag_idx, user_tag_weights, item_tag_idx,
           user_table, item_table, tag_table):
    ui = user_idx.astype(jnp.int32)
    ii = item_idx.astype(jnp.int32)
    uti = user_tag_idx.reshape(-1).astype(jnp.int32)
    w = user_tag_weights.reshape(-1).astype(jnp.float32)
    iti = item_tag_idx.reshape(-1).astype(jnp.int32)
    content = _content_call(uti, w, iti, tag_table)
    return _collab_call(ui, ii, content, user_table, item_table)

# --- scband reference (transcript-rebuilt; emitter-appended) ---
"""Pipeline reference for scband-hybrid-recommender-1382979469350 (READ-ONLY COPY).

The authoritative reference and input builder live on the scoring server;
editing this copy changes nothing except your own understanding.
"""

import jax, jax.numpy as jnp
import numpy as np

NUM_USERS = 1000000
NUM_ITEMS = 1000000
NUM_TAGS = 100000
EMB = 16
ALPHA = 0.5
BETA = 0.5
B = 16384
TU = 20
TI = 20


def setup_inputs(seed: int = 0) -> dict:
    key = jax.random.key(seed)
    ks = jax.random.split(key, 8)
    return {
        "user_idx": jax.random.randint(ks[0], (B,), 0, NUM_USERS, dtype=jnp.int64) if jax.config.read('jax_enable_x64') else jax.random.randint(ks[0], (B,), 0, NUM_USERS),
        "item_idx": jax.random.randint(ks[1], (B,), 0, NUM_ITEMS),
        "user_tag_idx": jax.random.randint(ks[2], (B, TU), 0, NUM_TAGS),
        "user_tag_weights": jax.random.uniform(ks[3], (B, TU), dtype=jnp.float32),
        "item_tag_idx": jax.random.randint(ks[4], (B, TI), 0, NUM_TAGS),
        "user_table": jax.random.normal(ks[5], (NUM_USERS, EMB), dtype=jnp.float32) * 0.05,
        "item_table": jax.random.normal(ks[6], (NUM_ITEMS, EMB), dtype=jnp.float32) * 0.05,
        "tag_table": jax.random.normal(ks[7], (NUM_TAGS, EMB), dtype=jnp.float32) * 0.05,
    }


def _cosine(a, b, eps=1e-8):
    # matches torch.nn.functional.cosine_similarity semantics (norm clamped by eps)
    na = jnp.maximum(jnp.sqrt(jnp.sum(a * a, axis=-1)), eps)
    nb = jnp.maximum(jnp.sqrt(jnp.sum(b * b, axis=-1)), eps)
    return jnp.sum(a * b, axis=-1) / (na * nb)


def reference(user_idx, item_idx, user_tag_idx, user_tag_weights, item_tag_idx, user_table, item_table, tag_table):
    # collaborative-filtering score: gather user/item embeddings, cosine sim
    user_cf = jnp.take(user_table, user_idx, axis=0)          # [B, E]
    item_cf = jnp.take(item_table, item_idx, axis=0)          # [B, E]
    collab_score = _cosine(user_cf, item_cf)                  # [B]

    # user content vector: weighted average of tag embeddings
    ut = jnp.take(tag_table, user_tag_idx, axis=0)            # [B, TU, E]
    w = user_tag_weights[..., None]                           # [B, TU, 1]
    user_content = jnp.sum(ut * w, axis=1) / (jnp.sum(w, axis=1) + 1e-8)  # [B, E]

    # item content vector: mean of tag embeddings
    it = jnp.take(tag_table, item_tag_idx, axis=0)            # [B, TI, E]
    item_content = jnp.mean(it, axis=1)                       # [B, E]

    content_score = _cosine(user_content, item_content)       # [B]

    final_score = ALPHA * collab_score + BETA * content_score
    return final_score

if __name__ == "__main__":
    import jax
    _d = setup_inputs()
    print(jax.jit(kernel)(*tuple(_d.values())))

</pallas_src>

<mosaic_0001>
#map = affine_map<(d0, d1) -> (0)>
#map1 = affine_map<(d0, d1) -> (0, 0)>
module attributes {stable_mosaic.version = 14 : i64} {
  func.func @_collab_body(%arg0: i32, %arg1: i32, %arg2: memref<16384xi32, #tpu.memory_space<hbm>>, %arg3: memref<16384xi32, #tpu.memory_space<hbm>>, %arg4: memref<16384xf32, #tpu.memory_space<hbm>>, %arg5: memref<1000000x16xf32, #tpu.memory_space<hbm>>, %arg6: memref<1000000x16xf32, #tpu.memory_space<hbm>>, %arg7: memref<16384xf32, #tpu.memory_space<hbm>>, %arg8: memref<512xi32, #tpu.memory_space<vmem>>, %arg9: memref<512xi32, #tpu.memory_space<vmem>>, %arg10: memref<128x16xf32, #tpu.memory_space<vmem>>, %arg11: memref<128x16xf32, #tpu.memory_space<vmem>>, %arg12: memref<512xf32, #tpu.memory_space<vmem>>, %arg13: memref<512xf32, #tpu.memory_space<vmem>>, %arg14: memref<!tpu.dma_semaphore, #tpu.memory_space<semaphore_mem>>) attributes {dimension_semantics = [#tpu.dimension_semantics<core_parallel>, #tpu.dimension_semantics<subcore_parallel>], iteration_bounds = array<i64: 2, 16>, scalar_prefetch = 0 : i64, scratch_operands = 7 : i64, tpu.core_type = #tpu.core_type<sc_vector_subcore>, window_params = [{transform_indices = #map}, {transform_indices = #map}, {transform_indices = #map}, {transform_indices = #map1}, {transform_indices = #map1}, {transform_indices = #map}]} {
    %mul3A = arith.constant 2 : i32
    %mul3A_0 = arith.muli %arg1, %mul3A : i32
    %add3A = arith.addi %mul3A_0, %arg0 : i32
    %mul3A_1 = arith.constant 512 : i32
    %mul3A_2 = arith.muli %add3A, %mul3A_1 : i32
    %multiple_of3A = tpu.assume_multiple %mul3A_2, 512 : i32
    %iota3A = tpu.iota {dimensions = array<i32: 0>} : vector<16xi32>
    "tpu.region"() ({
      %run_scoped3A = tpu.sem_alloc : memref<!tpu.dma_semaphore, #tpu.memory_space<semaphore_mem>>
      %dma_start3A = tpu.memref_slice %arg2[%multiple_of3A] : memref<16384xi32, #tpu.memory_space<hbm>> -> memref<512xi32, #tpu.memory_space<hbm>>
      %dma_start3A_8 = tpu.memref_slice %arg2[%multiple_of3A] : memref<16384xi32, #tpu.memory_space<hbm>> -> memref<512xi32, #tpu.memory_space<hbm>>
      tpu.enqueue_dma source(%dma_start3A_8 : memref<512xi32, #tpu.memory_space<hbm>>) target(%arg8 : memref<512xi32, #tpu.memory_space<vmem>>) target_semaphore(%run_scoped3A : memref<!tpu.dma_semaphore, #tpu.memory_space<semaphore_mem>>)
      %dma_wait3A = tpu.memref_slice %arg2[%multiple_of3A] : memref<16384xi32, #tpu.memory_space<hbm>> -> memref<512xi32, #tpu.memory_space<hbm>>
      %dma_wait3A_9 = tpu.memref_slice %arg2[%multiple_of3A] : memref<16384xi32, #tpu.memory_space<hbm>> -> memref<512xi32, #tpu.memory_space<hbm>>
      tpu.wait_dma2 semaphore(%run_scoped3A : memref<!tpu.dma_semaphore, #tpu.memory_space<semaphore_mem>>) src(%dma_wait3A_9 : memref<512xi32, #tpu.memory_space<hbm>>) dst(%arg8 : memref<512xi32, #tpu.memory_space<vmem>>)
      tpu.yield
    }) : () -> ()
    "tpu.region"() ({
      %run_scoped3A = tpu.sem_alloc : memref<!tpu.dma_semaphore, #tpu.memory_space<semaphore_mem>>
      %dma_start3A = tpu.memref_slice %arg3[%multiple_of3A] : memref<16384xi32, #tpu.memory_space<hbm>> -> memref<512xi32, #tpu.memory_space<hbm>>
      %dma_start3A_8 = tpu.memref_slice %arg3[%multiple_of3A] : memref<16384xi32, #tpu.memory_space<hbm>> -> memref<512xi32, #tpu.memory_space<hbm>>
      tpu.enqueue_dma source(%dma_start3A_8 : memref<512xi32, #tpu.memory_space<hbm>>) target(%arg9 : memref<512xi32, #tpu.memory_space<vmem>>) target_semaphore(%run_scoped3A : memref<!tpu.dma_semaphore, #tpu.memory_space<semaphore_mem>>)
      %dma_wait3A = tpu.memref_slice %arg3[%multiple_of3A] : memref<16384xi32, #tpu.memory_space<hbm>> -> memref<512xi32, #tpu.memory_space<hbm>>
      %dma_wait3A_9 = tpu.memref_slice %arg3[%multiple_of3A] : memref<16384xi32, #tpu.memory_space<hbm>> -> memref<512xi32, #tpu.memory_space<hbm>>
      tpu.wait_dma2 semaphore(%run_scoped3A : memref<!tpu.dma_semaphore, #tpu.memory_space<semaphore_mem>>) src(%dma_wait3A_9 : memref<512xi32, #tpu.memory_space<hbm>>) dst(%arg9 : memref<512xi32, #tpu.memory_space<vmem>>)
      tpu.yield
    }) : () -> ()
    "tpu.region"() ({
      %run_scoped3A = tpu.sem_alloc : memref<!tpu.dma_semaphore, #tpu.memory_space<semaphore_mem>>
      %dma_start3A = tpu.memref_slice %arg4[%multiple_of3A] : memref<16384xf32, #tpu.memory_space<hbm>> -> memref<512xf32, #tpu.memory_space<hbm>>
      %dma_start3A_8 = tpu.memref_slice %arg4[%multiple_of3A] : memref<16384xf32, #tpu.memory_space<hbm>> -> memref<512xf32, #tpu.memory_space<hbm>>
      tpu.enqueue_dma source(%dma_start3A_8 : memref<512xf32, #tpu.memory_space<hbm>>) target(%arg12 : memref<512xf32, #tpu.memory_space<vmem>>) target_semaphore(%run_scoped3A : memref<!tpu.dma_semaphore, #tpu.memory_space<semaphore_mem>>)
      %dma_wait3A = tpu.memref_slice %arg4[%multiple_of3A] : memref<16384xf32, #tpu.memory_space<hbm>> -> memref<512xf32, #tpu.memory_space<hbm>>
      %dma_wait3A_9 = tpu.memref_slice %arg4[%multiple_of3A] : memref<16384xf32, #tpu.memory_space<hbm>> -> memref<512xf32, #tpu.memory_space<hbm>>
      tpu.wait_dma2 semaphore(%run_scoped3A : memref<!tpu.dma_semaphore, #tpu.memory_space<semaphore_mem>>) src(%dma_wait3A_9 : memref<512xf32, #tpu.memory_space<hbm>>) dst(%arg12 : memref<512xf32, #tpu.memory_space<vmem>>)
      tpu.yield
    }) : () -> ()
    %scan3A = arith.constant 0 : i32
    %scan3A_3 = arith.constant 0 : i32
    %scan3A_4 = arith.constant 4 : i32
    %scan3A_5 = arith.addi %scan3A_3, %scan3A_4 : i32
    %scan3A_6 = arith.constant 1 : i32
    scf.for %scan3A_8 = %scan3A_3 to %scan3A_5 step %scan3A_6  : i32 {
      %mul3A_9 = arith.constant 128 : i32
      %mul3A_10 = arith.muli %scan3A_8, %mul3A_9 : i32
      %multiple_of3A_11 = tpu.assume_multiple %mul3A_10, 128 : i32
      %scan3A_12 = arith.constant 0 : i32
      %scan3A_13 = arith.constant 0 : i32
      %scan3A_14 = arith.constant 8 : i32
      %scan3A_15 = arith.addi %scan3A_13, %scan3A_14 : i32
      %scan3A_16 = arith.constant 1 : i32
      scf.for %scan3A_30 = %scan3A_13 to %scan3A_15 step %scan3A_16  : i32 {
        %mul3A_31 = arith.constant 16 : i32
        %mul3A_32 = arith.muli %scan3A_30, %mul3A_31 : i32
        %add3A_33 = arith.addi %multiple_of3A_11, %mul3A_32 : i32
        %multiple_of3A_34 = tpu.assume_multiple %add3A_33, 16 : i32
        %get3A = arith.index_cast %multiple_of3A_34 : i32 to index
        %get3A_35 = tpu.vector_load %arg8[%get3A] {strides = array<i32>} : memref<512xi32, #tpu.memory_space<vmem>>, vector<16xi32>,
        %get3A_36 = arith.index_cast %multiple_of3A_34 : i32 to index
        %get3A_37 = tpu.vector_load %arg9[%get3A_36] {strides = array<i32>} : memref<512xi32, #tpu.memory_space<vmem>>, vector<16xi32>,
        %slice3A = vector.extract_strided_slice %get3A_35 {offsets = [0], sizes = [1], strides = [1]} : vector<16xi32> to vector<1xi32>
        %squeeze3A = vector.extract %slice3A[0] : i32 from vector<1xi32>
        %mul3A_38 = arith.constant 16 : i32
        %mul3A_39 = arith.muli %scan3A_30, %mul3A_38 : i32
        %add3A_40 = arith.constant 0 : i32
        %add3A_41 = arith.addi %mul3A_39, %add3A_40 : i32
        %dma_start3A = arith.constant 0 : i32
        %dma_start3A_42 = tpu.memref_slice %arg10[%add3A_41, %dma_start3A] : memref<128x16xf32, #tpu.memory_space<vmem>> -> memref<1x16xf32, #tpu.memory_space<vmem>>
        %dma_start3A_43 = arith.constant 0 : i32
        %dma_start3A_44 = tpu.memref_slice %arg5[%squeeze3A, %dma_start3A_43] : memref<1000000x16xf32, #tpu.memory_space<hbm>> -> memref<1x16xf32, #tpu.memory_space<hbm>>
        %dma_start3A_45 = arith.constant 0 : i32
        %dma_start3A_46 = tpu.memref_slice %arg10[%add3A_41, %dma_start3A_45] : memref<128x16xf32, #tpu.memory_space<vmem>> -> memref<1x16xf32, #tpu.memory_space<vmem>>
        %dma_start3A_47 = arith.constant 0 : i32
        %dma_start3A_48 = tpu.memref_slice %arg5[%squeeze3A, %dma_start3A_47] : memref<1000000x16xf32, #tpu.memory_space<hbm>> -> memref<1x16xf32, #tpu.memory_space<hbm>>
        tpu.enqueue_dma source(%dma_start3A_48 : memref<1x16xf32, #tpu.memory_space<hbm>>) target(%dma_start3A_46 : memref<1x16xf32, #tpu.memory_space<vmem>>) target_semaphore(%arg14 : memref<!tpu.dma_semaphore, #tpu.memory_space<semaphore_mem>>)
        %slice3A_49 = vector.extract_strided_slice %get3A_37 {offsets = [0], sizes = [1], strides = [1]} : vector<16xi32> to vector<1xi32>
        %squeeze3A_50 = vector.extract %slice3A_49[0] : i32 from vector<1xi32>
        %mul3A_51 = arith.constant 16 : i32
        %mul3A_52 = arith.muli %scan3A_30, %mul3A_51 : i32
        %add3A_53 = arith.constant 0 : i32
        %add3A_54 = arith.addi %mul3A_52, %add3A_53 : i32
        %dma_start3A_55 = arith.constant 0 : i32
        %dma_start3A_56 = tpu.memref_slice %arg11[%add3A_54, %dma_start3A_55] : memref<128x16xf32, #tpu.memory_space<vmem>> -> memref<1x16xf32, #tpu.memory_space<vmem>>
        %dma_start3A_57 = arith.constant 0 : i32
        %dma_start3A_58 = tpu.memref_slice %arg6[%squeeze3A_50, %dma_start3A_57] : memref<1000000x16xf32, #tpu.memory_space<hbm>> -> memref<1x16xf32, #tpu.memory_space<hbm>>
        %dma_start3A_59 = arith.constant 0 : i32
        %dma_start3A_60 = tpu.memref_slice %arg11[%add3A_54, %dma_start3A_59] : memref<128x16xf32, #tpu.memory_space<vmem>> -> memref<1x16xf32, #tpu.memory_space<vmem>>
        %dma_start3A_61 = arith.constant 0 : i32
        %dma_start3A_62 = tpu.memref_slice %arg6[%squeeze3A_50, %dma_start3A_61] : memref<1000000x16xf32, #tpu.memory_space<hbm>> -> memref<1x16xf32, #tpu.memory_space<hbm>>
        tpu.enqueue_dma source(%dma_start3A_62 : memref<1x16xf32, #tpu.memory_space<hbm>>) target(%dma_start3A_60 : memref<1x16xf32, #tpu.memory_space<vmem>>) target_semaphore(%arg14 : memref<!tpu.dma_semaphore, #tpu.memory_space<semaphore_mem>>)
        %slice3A_63 = vector.extract_strided_slice %get3A_35 {offsets = [1], sizes = [1], strides = [1]} : vector<16xi32> to vector<1xi32>
        %squeeze3A_64 = vector.extract %slice3A_63[0] : i32 from vector<1xi32>
        %mul3A_65 = arith.constant 16 : i32
        %mul3A_66 = arith.muli %scan3A_30, %mul3A_65 : i32
        %add3A_67 = arith.constant 1 : i32
        %add3A_68 = arith.addi %mul3A_66, %add3A_67 : i32
        %dma_start3A_69 = arith.constant 0 : i32
        %dma_start3A_70 = tpu.memref_slice %arg10[%add3A_68, %dma_start3A_69] : memref<128x16xf32, #tpu.memory_space<vmem>> -> memref<1x16xf32, #tpu.memory_space<vmem>>
        %dma_start3A_71 = arith.constant 0 : i32
        %dma_start3A_72 = tpu.memref_slice %arg5[%squeeze3A_64, %dma_start3A_71] : memref<1000000x16xf32, #tpu.memory_space<hbm>> -> memref<1x16xf32, #tpu.memory_space<hbm>>
        %dma_start3A_73 = arith.constant 0 : i32
        %dma_start3A_74 = tpu.memref_slice %arg10[%add3A_68, %dma_start3A_73] : memref<128x16xf32, #tpu.memory_space<vmem>> -> memref<1x16xf32, #tpu.memory_space<vmem>>
        %dma_start3A_75 = arith.constant 0 : i32
        %dma_start3A_76 = tpu.memref_slice %arg5[%squeeze3A_64, %dma_start3A_75] : memref<1000000x16xf32, #tpu.memory_space<hbm>> -> memref<1x16xf32, #tpu.memory_space<hbm>>
        tpu.enqueue_dma source(%dma_start3A_76 : memref<1x16xf32, #tpu.memory_space<hbm>>) target(%dma_start3A_74 : memref<1x16xf32, #tpu.memory_space<vmem>>) target_semaphore(%arg14 : memref<!tpu.dma_semaphore, #tpu.memory_space<semaphore_mem>>)
        %slice3A_77 = vector.extract_strided_slice %get3A_37 {offsets = [1], sizes = [1], strides = [1]} : vector<16xi32> to vector<1xi32>
        %squeeze3A_78 = vector.extract %slice3A_77[0] : i32 from vector<1xi32>
        %mul3A_79 = arith.constant 16 : i32
        %mul3A_80 = arith.muli %scan3A_30, %mul3A_79 : i32
        %add3A_81 = arith.constant 1 : i32
        %add3A_82 = arith.addi %mul3A_80, %add3A_81 : i32
        %dma_start3A_83 = arith.constant 0 : i32
        %dma_start3A_84 = tpu.memref_slice %arg11[%add3A_82, %dma_start3A_83] : memref<128x16xf32, #tpu.memory_space<vmem>> -> memref<1x16xf32, #tpu.memory_space<vmem>>
        %dma_start3A_85 = arith.constant 0 : i32
        %dma_start3A_86 = tpu.memref_slice %arg6[%squeeze3A_78, %dma_start3A_85] : memref<1000000x16xf32, #tpu.memory_space<hbm>> -> memref<1x16xf32, #tpu.memory_space<hbm>>
        %dma_start3A_87 = arith.constant 0 : i32
        %dma_start3A_88 = tpu.memref_slice %arg11[%add3A_82, %dma_start3A_87] : memref<128x16xf32, #tpu.memory_space<vmem>> -> memref<1x16xf32, #tpu.memory_space<vmem>>
        %dma_start3A_89 = arith.constant 0 : i32
        %dma_start3A_90 = tpu.memref_slice %arg6[%squeeze3A_78, %dma_start3A_89] : memref<1000000x16xf32, #tpu.memory_space<hbm>> -> memref<1x16xf32, #tpu.memory_space<hbm>>
        tpu.enqueue_dma source(%dma_start3A_90 : memref<1x16xf32, #tpu.memory_space<hbm>>) target(%dma_start3A_88 : memref<1x16xf32, #tpu.memory_space<vmem>>) target_semaphore(%arg14 : memref<!tpu.dma_semaphore, #tpu.memory_space<semaphore_mem>>)
        %slice3A_91 = vector.extract_strided_slice %get3A_35 {offsets = [2], sizes = [1], strides = [1]} : vector<16xi32> to vector<1xi32>
        %squeeze3A_92 = vector.extract %slice3A_91[0] : i32 from vector<1xi32>
        %mul3A_93 = arith.constant 16 : i32
        %mul3A_94 = arith.muli %scan3A_30, %mul3A_93 : i32
        %add3A_95 = arith.constant 2 : i32
        %add3A_96 = arith.addi %mul3A_94, %add3A_95 : i32
        %dma_start3A_97 = arith.constant 0 : i32
        %dma_start3A_98 = tpu.memref_slice %arg10[%add3A_96, %dma_start3A_97] : memref<128x16xf32, #tpu.memory_space<vmem>> -> memref<1x16xf32, #tpu.memory_space<vmem>>
        %dma_start3A_99 = arith.constant 0 : i32
        %dma_start3A_100 = tpu.memref_slice %arg5[%squeeze3A_92, %dma_start3A_99] : memref<1000000x16xf32, #tpu.memory_space<hbm>> -> memref<1x16xf32, #tpu.memory_space<hbm>>
        %dma_start3A_101 = arith.constant 0 : i32
        %dma_start3A_102 = tpu.memref_slice %arg10[%add3A_96, %dma_start3A_101] : memref<128x16xf32, #tpu.memory_space<vmem>> -> memref<1x16xf32, #tpu.memory_space<vmem>>
        %dma_start3A_103 = arith.constant 0 : i32
        %dma_start3A_104 = tpu.memref_slice %arg5[%squeeze3A_92, %dma_start3A_103] : memref<1000000x16xf32, #tpu.memory_space<hbm>> -> memref<1x16xf32, #tpu.memory_space<hbm>>
        tpu.enqueue_dma source(%dma_start3A_104 : memref<1x16xf32, #tpu.memory_space<hbm>>) target(%dma_start3A_102 : memref<1x16xf32, #tpu.memory_space<vmem>>) target_semaphore(%arg14 : memref<!tpu.dma_semaphore, #tpu.memory_space<semaphore_mem>>)
        %slice3A_105 = vector.extract_strided_slice %get3A_37 {offsets = [2], sizes = [1], strides = [1]} : vector<16xi32> to vector<1xi32>
        %squeeze3A_106 = vector.extract %slice3A_105[0] : i32 from vector<1xi32>
        %mul3A_107 = arith.constant 16 : i32
        %mul3A_108 = arith.muli %scan3A_30, %mul3A_107 : i32
        %add3A_109 = arith.constant 2 : i32
        %add3A_110 = arith.addi %mul3A_108, %add3A_109 : i32
        %dma_start3A_111 = arith.constant 0 : i32
        %dma_start3A_112 = tpu.memref_slice %arg11[%add3A_110, %dma_start3A_111] : memref<128x16xf32, #tpu.memory_space<vmem>> -> memref<1x16xf32, #tpu.memory_space<vmem>>
        %dma_start3A_113 = arith.constant 0 : i32
        %dma_start3A_114 = tpu.memref_slice %arg6[%squeeze3A_106, %dma_start3A_113] : memref<1000000x16xf32, #tpu.memory_space<hbm>> -> memref<1x16xf32, #tpu.memory_space<hbm>>
        %dma_start3A_115 = arith.constant 0 : i32
        %dma_start3A_116 = tpu.memref_slice %arg11[%add3A_110, %dma_start3A_115] : memref<128x16xf32, #tpu.memory_space<vmem>> -> memref<1x16xf32, #tpu.memory_space<vmem>>
        %dma_start3A_117 = arith.constant 0 : i32
        %dma_start3A_118 = tpu.memref_slice %arg6[%squeeze3A_106, %dma_start3A_117] : memref<1000000x16xf32, #tpu.memory_space<hbm>> -> memref<1x16xf32, #tpu.memory_space<hbm>>
        tpu.enqueue_dma source(%dma_start3A_118 : memref<1x16xf32, #tpu.memory_space<hbm>>) target(%dma_start3A_116 : memref<1x16xf32, #tpu.memory_space<vmem>>) target_semaphore(%arg14 : memref<!tpu.dma_semaphore, #tpu.memory_space<semaphore_mem>>)
        %slice3A_119 = vector.extract_strided_slice %get3A_35 {offsets = [3], sizes = [1], strides = [1]} : vector<16xi32> to vector<1xi32>
        %squeeze3A_120 = vector.extract %slice3A_119[0] : i32 from vector<1xi32>
        %mul3A_121 = arith.constant 16 : i32
        %mul3A_122 = arith.muli %scan3A_30, %mul3A_121 : i32
        %add3A_123 = arith.constant 3 : i32
        %add3A_124 = arith.addi %mul3A_122, %add3A_123 : i32
        %dma_start3A_125 = arith.constant 0 : i32
        %dma_start3A_126 = tpu.memref_slice %arg10[%add3A_124, %dma_start3A_125] : memref<128x16xf32, #tpu.memory_space<vmem>> -> memref<1x16xf32, #tpu.memory_space<vmem>>
        %dma_start3A_127 = arith.constant 0 : i32
        %dma_start3A_128 = tpu.memref_slice %arg5[%squeeze3A_120, %dma_start3A_127] : memref<1000000x16xf32, #tpu.memory_space<hbm>> -> memref<1x16xf32, #tpu.memory_space<hbm>>
        %dma_start3A_129 = arith.constant 0 : i32
        %dma_start3A_130 = tpu.memref_slice %arg10[%add3A_124, %dma_start3A_129] : memref<128x16xf32, #tpu.memory_space<vmem>> -> memref<1x16xf32, #tpu.memory_space<vmem>>
        %dma_start3A_131 = arith.constant 0 : i32
        %dma_start3A_132 = tpu.memref_slice %arg5[%squeeze3A_120, %dma_start3A_131] : memref<1000000x16xf32, #tpu.memory_space<hbm>> -> memref<1x16xf32, #tpu.memory_space<hbm>>
        tpu.enqueue_dma source(%dma_start3A_132 : memref<1x16xf32, #tpu.memory_space<hbm>>) target(%dma_start3A_130 : memref<1x16xf32, #tpu.memory_space<vmem>>) target_semaphore(%arg14 : memref<!tpu.dma_semaphore, #tpu.memory_space<semaphore_mem>>)
        %slice3A_133 = vector.extract_strided_slice %get3A_37 {offsets = [3], sizes = [1], strides = [1]} : vector<16xi32> to vector<1xi32>
        %squeeze3A_134 = vector.extract %slice3A_133[0] : i32 from vector<1xi32>
        %mul3A_135 = arith.constant 16 : i32
        %mul3A_136 = arith.muli %scan3A_30, %mul3A_135 : i32
        %add3A_137 = arith.constant 3 : i32
        %add3A_138 = arith.addi %mul3A_136, %add3A_137 : i32
        %dma_start3A_139 = arith.constant 0 : i32
        %dma_start3A_140 = tpu.memref_slice %arg11[%add3A_138, %dma_start3A_139] : memref<128x16xf32, #tpu.memory_space<vmem>> -> memref<1x16xf32, #tpu.memory_space<vmem>>
        %dma_start3A_141 = arith.constant 0 : i32
        %dma_start3A_142 = tpu.memref_slice %arg6[%squeeze3A_134, %dma_start3A_141] : memref<1000000x16xf32, #tpu.memory_space<hbm>> -> memref<1x16xf32, #tpu.memory_space<hbm>>
        %dma_start3A_143 = arith.constant 0 : i32
        %dma_start3A_144 = tpu.memref_slice %arg11[%add3A_138, %dma_start3A_143] : memref<128x16xf32, #tpu.memory_space<vmem>> -> memref<1x16xf32, #tpu.memory_space<vmem>>
        %dma_start3A_145 = arith.constant 0 : i32
        %dma_start3A_146 = tpu.memref_slice %arg6[%squeeze3A_134, %dma_start3A_145] : memref<1000000x16xf32, #tpu.memory_space<hbm>> -> memref<1x16xf32, #tpu.memory_space<hbm>>
        tpu.enqueue_dma source(%dma_start3A_146 : memref<1x16xf32, #tpu.memory_space<hbm>>) target(%dma_start3A_144 : memref<1x16xf32, #tpu.memory_space<vmem>>) target_semaphore(%arg14 : memref<!tpu.dma_semaphore, #tpu.memory_space<semaphore_mem>>)
        %slice3A_147 = vector.extract_strided_slice %get3A_35 {offsets = [4], sizes = [1], strides = [1]} : vector<16xi32> to vector<1xi32>
        %squeeze3A_148 = vector.extract %slice3A_147[0] : i32 from vector<1xi32>
        %mul3A_149 = arith.constant 16 : i32
        %mul3A_150 = arith.muli %scan3A_30, %mul3A_149 : i32
        %add3A_151 = arith.constant 4 : i32
        %add3A_152 = arith.addi %mul3A_150, %add3A_151 : i32
        %dma_start3A_153 = arith.constant 0 : i32
        %dma_start3A_154 = tpu.memref_slice %arg10[%add3A_152, %dma_start3A_153] : memref<128x16xf32, #tpu.memory_space<vmem>> -> memref<1x16xf32, #tpu.memory_space<vmem>>
        %dma_start3A_155 = arith.constant 0 : i32
        %dma_start3A_156 = tpu.memref_slice %arg5[%squeeze3A_148, %dma_start3A_155] : memref<1000000x16xf32, #tpu.memory_space<hbm>> -> memref<1x16xf32, #tpu.memory_space<hbm>>
        %dma_start3A_157 = arith.constant 0 : i32
        %dma_start3A_158 = tpu.memref_slice %arg10[%add3A_152, %dma_start3A_157] : memref<128x16xf32, #tpu.memory_space<vmem>> -> memref<1x16xf32, #tpu.memory_space<vmem>>
        %dma_start3A_159 = arith.constant 0 : i32
        %dma_start3A_160 = tpu.memref_slice %arg5[%squeeze3A_148, %dma_start3A_159] : memref<1000000x16xf32, #tpu.memory_space<hbm>> -> memref<1x16xf32, #tpu.memory_space<hbm>>
        tpu.enqueue_dma source(%dma_start3A_160 : memref<1x16xf32, #tpu.memory_space<hbm>>) target(%dma_start3A_158 : memref<1x16xf32, #tpu.memory_space<vmem>>) target_semaphore(%arg14 : memref<!tpu.dma_semaphore, #tpu.memory_space<semaphore_mem>>)
        %slice3A_161 = vector.extract_strided_slice %get3A_37 {offsets = [4], sizes = [1], strides = [1]} : vector<16xi32> to vector<1xi32>
        %squeeze3A_162 = vector.extract %slice3A_161[0] : i32 from vector<1xi32>
        %mul3A_163 = arith.constant 16 : i32
        %mul3A_164 = arith.muli %scan3A_30, %mul3A_163 : i32
        %add3A_165 = arith.constant 4 : i32
        %add3A_166 = arith.addi %mul3A_164, %add3A_165 : i32
        %dma_start3A_167 = arith.constant 0 : i32
        %dma_start3A_168 = tpu.memref_slice %arg11[%add3A_166, %dma_start3A_167] : memref<128x16xf32, #tpu.memory_space<vmem>> -> memref<1x16xf32, #tpu.memory_space<vmem>>
        %dma_start3A_169 = arith.constant 0 : i32
        %dma_start3A_170 = tpu.memref_slice %arg6[%squeeze3A_162, %dma_start3A_169] : memref<1000000x16xf32, #tpu.memory_space<hbm>> -> memref<1x16xf32, #tpu.memory_space<hbm>>
        %dma_start3A_171 = arith.constant 0 : i32
        %dma_start3A_172 = tpu.memref_slice %arg11[%add3A_166, %dma_start3A_171] : memref<128x16xf32, #tpu.memory_space<vmem>> -> memref<1x16xf32, #tpu.memory_space<vmem>>
        %dma_start3A_173 = arith.constant 0 : i32
        %dma_start3A_174 = tpu.memref_slice %arg6[%squeeze3A_162, %dma_start3A_173] : memref<1000000x16xf32, #tpu.memory_space<hbm>> -> memref<1x16xf32, #tpu.memory_space<hbm>>
        tpu.enqueue_dma source(%dma_start3A_174 : memref<1x16xf32, #tpu.memory_space<hbm>>) target(%dma_start3A_172 : memref<1x16xf32, #tpu.memory_space<vmem>>) target_semaphore(%arg14 : memref<!tpu.dma_semaphore, #tpu.memory_space<semaphore_mem>>)
        %slice3A_175 = vector.extract_strided_slice %get3A_35 {offsets = [5], sizes = [1], strides = [1]} : vector<16xi32> to vector<1xi32>
        %squeeze3A_176 = vector.extract %slice3A_175[0] : i32 from vector<1xi32>
        %mul3A_177 = arith.constant 16 : i32
        %mul3A_178 = arith.muli %scan3A_30, %mul3A_177 : i32
        %add3A_179 = arith.constant 5 : i32
        %add3A_180 = arith.addi %mul3A_178, %add3A_179 : i32
        %dma_start3A_181 = arith.constant 0 : i32
        %dma_start3A_182 = tpu.memref_slice %arg10[%add3A_180, %dma_start3A_181] : memref<128x16xf32, #tpu.memory_space<vmem>> -> memref<1x16xf32, #tpu.memory_space<vmem>>
        %dma_start3A_183 = arith.constant 0 : i32
        %dma_start3A_184 = tpu.memref_slice %arg5[%squeeze3A_176, %dma_start3A_183] : memref<1000000x16xf32, #tpu.memory_space<hbm>> -> memref<1x16xf32, #tpu.memory_space<hbm>>
        %dma_start3A_185 = arith.constant 0 : i32
        %dma_start3A_186 = tpu.memref_slice %arg10[%add3A_180, %dma_start3A_185] : memref<128x16xf32, #tpu.memory_space<vmem>> -> memref<1x16xf32, #tpu.memory_space<vmem>>
        %dma_start3A_187 = arith.constant 0 : i32
        %dma_start3A_188 = tpu.memref_slice %arg5[%squeeze3A_176, %dma_start3A_187] : memref<1000000x16xf32, #tpu.memory_space<hbm>> -> memref<1x16xf32, #tpu.memory_space<hbm>>
        tpu.enqueue_dma source(%dma_start3A_188 : memref<1x16xf32, #tpu.memory_space<hbm>>) target(%dma_start3A_186 : memref<1x16xf32, #tpu.memory_space<vmem>>) target_semaphore(%arg14 : memref<!tpu.dma_semaphore, #tpu.memory_space<semaphore_mem>>)
        %slice3A_189 = vector.extract_strided_slice %get3A_37 {offsets = [5], sizes = [1], strides = [1]} : vector<16xi32> to vector<1xi32>
        %squeeze3A_190 = vector.extract %slice3A_189[0] : i32 from vector<1xi32>
        %mul3A_191 = arith.constant 16 : i32
        %mul3A_192 = arith.muli %scan3A_30, %mul3A_191 : i32
        %add3A_193 = arith.constant 5 : i32
        %add3A_194 = arith.addi %mul3A_192, %add3A_193 : i32
        %dma_start3A_195 = arith.constant 0 : i32
        %dma_start3A_196 = tpu.memref_slice %arg11[%add3A_194, %dma_start3A_195] : memref<128x16xf32, #tpu.memory_space<vmem>> -> memref<1x16xf32, #tpu.memory_space<vmem>>
        %dma_start3A_197 = arith.constant 0 : i32
        %dma_start3A_198 = tpu.memref_slice %arg6[%squeeze3A_190, %dma_start3A_197] : memref<1000000x16xf32, #tpu.memory_space<hbm>> -> memref<1x16xf32, #tpu.memory_space<hbm>>
        %dma_start3A_199 = arith.constant 0 : i32
        %dma_start3A_200 = tpu.memref_slice %arg11[%add3A_194, %dma_start3A_199] : memref<128x16xf32, #tpu.memory_space<vmem>> -> memref<1x16xf32, #tpu.memory_space<vmem>>
        %dma_start3A_201 = arith.constant 0 : i32
        %dma_start3A_202 = tpu.memref_slice %arg6[%squeeze3A_190, %dma_start3A_201] : memref<1000000x16xf32, #tpu.memory_space<hbm>> -> memref<1x16xf32, #tpu.memory_space<hbm>>
        tpu.enqueue_dma source(%dma_start3A_202 : memref<1x16xf32, #tpu.memory_space<hbm>>) target(%dma_start3A_200 : memref<1x16xf32, #tpu.memory_space<vmem>>) target_semaphore(%arg14 : memref<!tpu.dma_semaphore, #tpu.memory_space<semaphore_mem>>)
        %slice3A_203 = vector.extract_strided_slice %get3A_35 {offsets = [6], sizes = [1], strides = [1]} : vector<16xi32> to vector<1xi32>
        %squeeze3A_204 = vector.extract %slice3A_203[0] : i32 from vector<1xi32>
        %mul3A_205 = arith.constant 16 : i32
        %mul3A_206 = arith.muli %scan3A_30, %mul3A_205 : i32
        %add3A_207 = arith.constant 6 : i32
        %add3A_208 = arith.addi %mul3A_206, %add3A_207 : i32
        %dma_start3A_209 = arith.constant 0 : i32
        %dma_start3A_210 = tpu.memref_slice %arg10[%add3A_208, %dma_start3A_209] : memref<128x16xf32, #tpu.memory_space<vmem>> -> memref<1x16xf32, #tpu.memory_space<vmem>>
        %dma_start3A_211 = arith.constant 0 : i32
        %dma_start3A_212 = tpu.memref_slice %arg5[%squeeze3A_204, %dma_start3A_211] : memref<1000000x16xf32, #tpu.memory_space<hbm>> -> memref<1x16xf32, #tpu.memory_space<hbm>>
        %dma_start3A_213 = arith.constant 0 : i32
        %dma_start3A_214 = tpu.memref_slice %arg10[%add3A_208, %dma_start3A_213] : memref<128x16xf32, #tpu.memory_space<vmem>> -> memref<1x16xf32, #tpu.memory_space<vmem>>
        %dma_start3A_215 = arith.constant 0 : i32
        %dma_start3A_216 = tpu.memref_slice %arg5[%squeeze3A_204, %dma_start3A_215] : memref<1000000x16xf32, #tpu.memory_space<hbm>> -> memref<1x16xf32, #tpu.memory_space<hbm>>
        tpu.enqueue_dma source(%dma_start3A_216 : memref<1x16xf32, #tpu.memory_space<hbm>>) target(%dma_start3A_214 : memref<1x16xf32, #tpu.memory_space<vmem>>) target_semaphore(%arg14 : memref<!tpu.dma_semaphore, #tpu.memory_space<semaphore_mem>>)
        %slice3A_217 = vector.extract_strided_slice %get3A_37 {offsets = [6], sizes = [1], strides = [1]} : vector<16xi32> to vector<1xi32>
        %squeeze3A_218 = vector.extract %slice3A_217[0] : i32 from vector<1xi32>
        %mul3A_219 = arith.constant 16 : i32
        %mul3A_220 = arith.muli %scan3A_30, %mul3A_219 : i32
        %add3A_221 = arith.constant 6 : i32
        %add3A_222 = arith.addi %mul3A_220, %add3A_221 : i32
        %dma_start3A_223 = arith.constant 0 : i32
        %dma_start3A_224 = tpu.memref_slice %arg11[%add3A_222, %dma_start3A_223] : memref<128x16xf32, #tpu.memory_space<vmem>> -> memref<1x16xf32, #tpu.memory_space<vmem>>
        %dma_start3A_225 = arith.constant 0 : i32
        %dma_start3A_226 = tpu.memref_slice %arg6[%squeeze3A_218, %dma_start3A_225] : memref<1000000x16xf32, #tpu.memory_space<hbm>> -> memref<1x16xf32, #tpu.memory_space<hbm>>
        %dma_start3A_227 = arith.constant 0 : i32
        %dma_start3A_228 = tpu.memref_slice %arg11[%add3A_222, %dma_start3A_227] : memref<128x16xf32, #tpu.memory_space<vmem>> -> memref<1x16xf32, #tpu.memory_space<vmem>>
        %dma_start3A_229 = arith.constant 0 : i32
        %dma_start3A_230 = tpu.memref_slice %arg6[%squeeze3A_218, %dma_start3A_229] : memref<1000000x16xf32, #tpu.memory_space<hbm>> -> memref<1x16xf32, #tpu.memory_space<hbm>>
        tpu.enqueue_dma source(%dma_start3A_230 : memref<1x16xf32, #tpu.memory_space<hbm>>) target(%dma_start3A_228 : memref<1x16xf32, #tpu.memory_space<vmem>>) target_semaphore(%arg14 : memref<!tpu.dma_semaphore, #tpu.memory_space<semaphore_mem>>)
        %slice3A_231 = vector.extract_strided_slice %get3A_35 {offsets = [7], sizes = [1], strides = [1]} : vector<16xi32> to vector<1xi32>
        %squeeze3A_232 = vector.extract %slice3A_231[0] : i32 from vector<1xi32>
        %mul3A_233 = arith.constant 16 : i32
        %mul3A_234 = arith.muli %scan3A_30, %mul3A_233 : i32
        %add3A_235 = arith.constant 7 : i32
        %add3A_236 = arith.addi %mul3A_234, %add3A_235 : i32
        %dma_start3A_237 = arith.constant 0 : i32
        %dma_start3A_238 = tpu.memref_slice %arg10[%add3A_236, %dma_start3A_237] : memref<128x16xf32, #tpu.memory_space<vmem>> -> memref<1x16xf32, #tpu.memory_space<vmem>>
        %dma_start3A_239 = arith.constant 0 : i32
        %dma_start3A_240 = tpu.memref_slice %arg5[%squeeze3A_232, %dma_start3A_239] : memref<1000000x16xf32, #tpu.memory_space<hbm>> -> memref<1x16xf32, #tpu.memory_space<hbm>>
        %dma_start3A_241 = arith.constant 0 : i32
        %dma_start3A_242 = tpu.memref_slice %arg10[%add3A_236, %dma_start3A_241] : memref<128x16xf32, #tpu.memory_space<vmem>> -> memref<1x16xf32, #tpu.memory_space<vmem>>
        %dma_start3A_243 = arith.constant 0 : i32
        %dma_start3A_244 = tpu.memref_slice %arg5[%squeeze3A_232, %dma_start3A_243] : memref<1000000x16xf32, #tpu.memory_space<hbm>> -> memref<1x16xf32, #tpu.memory_space<hbm>>
        tpu.enqueue_dma source(%dma_start3A_244 : memref<1x16xf32, #tpu.memory_space<hbm>>) target(%dma_start3A_242 : memref<1x16xf32, #tpu.memory_space<vmem>>) target_semaphore(%arg14 : memref<!tpu.dma_semaphore, #tpu.memory_space<semaphore_mem>>)
        %slice3A_245 = vector.extract_strided_slice %get3A_37 {offsets = [7], sizes = [1], strides = [1]} : vector<16xi32> to vector<1xi32>
        %squeeze3A_246 = vector.extract %slice3A_245[0] : i32 from vector<1xi32>
        %mul3A_247 = arith.constant 16 : i32
        %mul3A_248 = arith.muli %scan3A_30, %mul3A_247 : i32
        %add3A_249 = arith.constant 7 : i32
        %add3A_250 = arith.addi %mul3A_248, %add3A_249 : i32
        %dma_start3A_251 = arith.constant 0 : i32
        %dma_start3A_252 = tpu.memref_slice %arg11[%add3A_250, %dma_start3A_251] : memref<128x16xf32, #tpu.memory_space<vmem>> -> memref<1x16xf32, #tpu.memory_space<vmem>>
        %dma_start3A_253 = arith.constant 0 : i32
        %dma_start3A_254 = tpu.memref_slice %arg6[%squeeze3A_246, %dma_start3A_253] : memref<1000000x16xf32, #tpu.memory_space<hbm>> -> memref<1x16xf32, #tpu.memory_space<hbm>>
        %dma_start3A_255 = arith.constant 0 : i32
        %dma_start3A_256 = tpu.memref_slice %arg11[%add3A_250, %dma_start3A_255] : memref<128x16xf32, #tpu.memory_space<vmem>> -> memref<1x16xf32, #tpu.memory_space<vmem>>
        %dma_start3A_257 = arith.constant 0 : i32
        %dma_start3A_258 = tpu.memref_slice %arg6[%squeeze3A_246, %dma_start3A_257] : memref<1000000x16xf32, #tpu.memory_space<hbm>> -> memref<1x16xf32, #tpu.memory_space<hbm>>
        tpu.enqueue_dma source(%dma_start3A_258 : memref<1x16xf32, #tpu.memory_space<hbm>>) target(%dma_start3A_256 : memref<1x16xf32, #tpu.memory_space<vmem>>) target_semaphore(%arg14 : memref<!tpu.dma_semaphore, #tpu.memory_space<semaphore_mem>>)
        %slice3A_259 = vector.extract_strided_slice %get3A_35 {offsets = [8], sizes = [1], strides = [1]} : vector<16xi32> to vector<1xi32>
        %squeeze3A_260 = vector.extract %slice3A_259[0] : i32 from vector<1xi32>
        %mul3A_261 = arith.constant 16 : i32
        %mul3A_262 = arith.muli %scan3A_30, %mul3A_261 : i32
        %add3A_263 = arith.constant 8 : i32
        %add3A_264 = arith.addi %mul3A_262, %add3A_263 : i32
        %dma_start3A_265 = arith.constant 0 : i32
        %dma_start3A_266 = tpu.memref_slice %arg10[%add3A_264, %dma_start3A_265] : memref<128x16xf32, #tpu.memory_space<vmem>> -> memref<1x16xf32, #tpu.memory_space<vmem>>
        %dma_start3A_267 = arith.constant 0 : i32
        %dma_start3A_268 = tpu.memref_slice %arg5[%squeeze3A_260, %dma_start3A_267] : memref<1000000x16xf32, #tpu.memory_space<hbm>> -> memref<1x16xf32, #tpu.memory_space<hbm>>
        %dma_start3A_269 = arith.constant 0 : i32
        %dma_start3A_270 = tpu.memref_slice %arg10[%add3A_264, %dma_start3A_269] : memref<128x16xf32, #tpu.memory_space<vmem>> -> memref<1x16xf32, #tpu.memory_space<vmem>>
        %dma_start3A_271 = arith.constant 0 : i32
        %dma_start3A_272 = tpu.memref_slice %arg5[%squeeze3A_260, %dma_start3A_271] : memref<1000000x16xf32, #tpu.memory_space<hbm>> -> memref<1x16xf32, #tpu.memory_space<hbm>>
        tpu.enqueue_dma source(%dma_start3A_272 : memref<1x16xf32, #tpu.memory_space<hbm>>) target(%dma_start3A_270 : memref<1x16xf32, #tpu.memory_space<vmem>>) target_semaphore(%arg14 : memref<!tpu.dma_semaphore, #tpu.memory_space<semaphore_mem>>)
        %slice3A_273 = vector.extract_strided_slice %get3A_37 {offsets = [8], sizes = [1], strides = [1]} : vector<16xi32> to vector<1xi32>
        %squeeze3A_274 = vector.extract %slice3A_273[0] : i32 from vector<1xi32>
        %mul3A_275 = arith.constant 16 : i32
        %mul3A_276 = arith.muli %scan3A_30, %mul3A_275 : i32
        %add3A_277 = arith.constant 8 : i32
        %add3A_278 = arith.addi %mul3A_276, %add3A_277 : i32
        %dma_start3A_279 = arith.constant 0 : i32
        %dma_start3A_280 = tpu.memref_slice %arg11[%add3A_278, %dma_start3A_279] : memref<128x16xf32, #tpu.memory_space<vmem>> -> memref<1x16xf32, #tpu.memory_space<vmem>>
        %dma_start3A_281 = arith.constant 0 : i32
        %dma_start3A_282 = tpu.memref_slice %arg6[%squeeze3A_274, %dma_start3A_281] : memref<1000000x16xf32, #tpu.memory_space<hbm>> -> memref<1x16xf32, #tpu.memory_space<hbm>>
        %dma_start3A_283 = arith.constant 0 : i32
        %dma_start3A_284 = tpu.memref_slice %arg11[%add3A_278, %dma_start3A_283] : memref<128x16xf32, #tpu.memory_space<vmem>> -> memref<1x16xf32, #tpu.memory_space<vmem>>
        %dma_start3A_285 = arith.constant 0 : i32
        %dma_start3A_286 = tpu.memref_slice %arg6[%squeeze3A_274, %dma_start3A_285] : memref<1000000x16xf32, #tpu.memory_space<hbm>> -> memref<1x16xf32, #tpu.memory_space<hbm>>
        tpu.enqueue_dma source(%dma_start3A_286 : memref<1x16xf32, #tpu.memory_space<hbm>>) target(%dma_start3A_284 : memref<1x16xf32, #tpu.memory_space<vmem>>) target_semaphore(%arg14 : memref<!tpu.dma_semaphore, #tpu.memory_space<semaphore_mem>>)
        %slice3A_287 = vector.extract_strided_slice %get3A_35 {offsets = [9], sizes = [1], strides = [1]} : vector<16xi32> to vector<1xi32>
        %squeeze3A_288 = vector.extract %slice3A_287[0] : i32 from vector<1xi32>
        %mul3A_289 = arith.constant 16 : i32
        %mul3A_290 = arith.muli %scan3A_30, %mul3A_289 : i32
        %add3A_291 = arith.constant 9 : i32
        %add3A_292 = arith.addi %mul3A_290, %add3A_291 : i32
        %dma_start3A_293 = arith.constant 0 : i32
        %dma_start3A_294 = tpu.memref_slice %arg10[%add3A_292, %dma_start3A_293] : memref<128x16xf32, #tpu.memory_space<vmem>> -> memref<1x16xf32, #tpu.memory_space<vmem>>
        %dma_start3A_295 = arith.constant 0 : i32
        %dma_start3A_296 = tpu.memref_slice %arg5[%squeeze3A_288, %dma_start3A_295] : memref<1000000x16xf32, #tpu.memory_space<hbm>> -> memref<1x16xf32, #tpu.memory_space<hbm>>
        %dma_start3A_297 = arith.constant 0 : i32
        %dma_start3A_298 = tpu.memref_slice %arg10[%add3A_292, %dma_start3A_297] : memref<128x16xf32, #tpu.memory_space<vmem>> -> memref<1x16xf32, #tpu.memory_space<vmem>>
        %dma_start3A_299 = arith.constant 0 : i32
        %dma_start3A_300 = tpu.memref_slice %arg5[%squeeze3A_288, %dma_start3A_299] : memref<1000000x16xf32, #tpu.memory_space<hbm>> -> memref<1x16xf32, #tpu.memory_space<hbm>>
        tpu.enqueue_dma source(%dma_start3A_300 : memref<1x16xf32, #tpu.memory_space<hbm>>) target(%dma_start3A_298 : memref<1x16xf32, #tpu.memory_space<vmem>>) target_semaphore(%arg14 : memref<!tpu.dma_semaphore, #tpu.memory_space<semaphore_mem>>)
        %slice3A_301 = vector.extract_strided_slice %get3A_37 {offsets = [9], sizes = [1], strides = [1]} : vector<16xi32> to vector<1xi32>
        %squeeze3A_302 = vector.extract %slice3A_301[0] : i32 from vector<1xi32>
        %mul3A_303 = arith.constant 16 : i32
        %mul3A_304 = arith.muli %scan3A_30, %mul3A_303 : i32
        %add3A_305 = arith.constant 9 : i32
        %add3A_306 = arith.addi %mul3A_304, %add3A_305 : i32
        %dma_start3A_307 = arith.constant 0 : i32
        %dma_start3A_308 = tpu.memref_slice %arg11[%add3A_306, %dma_start3A_307] : memref<128x16xf32, #tpu.memory_space<vmem>> -> memref<1x16xf32, #tpu.memory_space<vmem>>
        %dma_start3A_309 = arith.constant 0 : i32
        %dma_start3A_310 = tpu.memref_slice %arg6[%squeeze3A_302, %dma_start3A_309] : memref<1000000x16xf32, #tpu.memory_space<hbm>> -> memref<1x16xf32, #tpu.memory_space<hbm>>
        %dma_start3A_311 = arith.constant 0 : i32
        %dma_start3A_312 = tpu.memref_slice %arg11[%add3A_306, %dma_start3A_311] : memref<128x16xf32, #tpu.memory_space<vmem>> -> memref<1x16xf32, #tpu.memory_space<vmem>>
        %dma_start3A_313 = arith.constant 0 : i32
        %dma_start3A_314 = tpu.memref_slice %arg6[%squeeze3A_302, %dma_start3A_313] : memref<1000000x16xf32, #tpu.memory_space<hbm>> -> memref<1x16xf32, #tpu.memory_space<hbm>>
        tpu.enqueue_dma source(%dma_start3A_314 : memref<1x16xf32, #tpu.memory_space<hbm>>) target(%dma_start3A_312 : memref<1x16xf32, #tpu.memory_space<vmem>>) target_semaphore(%arg14 : memref<!tpu.dma_semaphore, #tpu.memory_space<semaphore_mem>>)
        %slice3A_315 = vector.extract_strided_slice %get3A_35 {offsets = [10], sizes = [1], strides = [1]} : vector<16xi32> to vector<1xi32>
        %squeeze3A_316 = vector.extract %slice3A_315[0] : i32 from vector<1xi32>
        %mul3A_317 = arith.constant 16 : i32
        %mul3A_318 = arith.muli %scan3A_30, %mul3A_317 : i32
        %add3A_319 = arith.constant 10 : i32
        %add3A_320 = arith.addi %mul3A_318, %add3A_319 : i32
        %dma_start3A_321 = arith.constant 0 : i32
        %dma_start3A_322 = tpu.memref_slice %arg10[%add3A_320, %dma_start3A_321] : memref<128x16xf32, #tpu.memory_space<vmem>> -> memref<1x16xf32, #tpu.memory_space<vmem>>
        %dma_start3A_323 = arith.constant 0 : i32
        %dma_start3A_324 = tpu.memref_slice %arg5[%squeeze3A_316, %dma_start3A_323] : memref<1000000x16xf32, #tpu.memory_space<hbm>> -> memref<1x16xf32, #tpu.memory_space<hbm>>
        %dma_start3A_325 = arith.constant 0 : i32
        %dma_start3A_326 = tpu.memref_slice %arg10[%add3A_320, %dma_start3A_325] : memref<128x16xf32, #tpu.memory_space<vmem>> -> memref<1x16xf32, #tpu.memory_space<vmem>>
        %dma_start3A_327 = arith.constant 0 : i32
        %dma_start3A_328 = tpu.memref_slice %arg5[%squeeze3A_316, %dma_start3A_327] : memref<1000000x16xf32, #tpu.memory_space<hbm>> -> memref<1x16xf32, #tpu.memory_space<hbm>>
        tpu.enqueue_dma source(%dma_start3A_328 : memref<1x16xf32, #tpu.memory_space<hbm>>) target(%dma_start3A_326 : memref<1x16xf32, #tpu.memory_space<vmem>>) target_semaphore(%arg14 : memref<!tpu.dma_semaphore, #tpu.memory_space<semaphore_mem>>)
        %slice3A_329 = vector.extract_strided_slice %get3A_37 {offsets = [10], sizes = [1], strides = [1]} : vector<16xi32> to vector<1xi32>
        %squeeze3A_330 = vector.extract %slice3A_329[0] : i32 from vector<1xi32>
        %mul3A_331 = arith.constant 16 : i32
        %mul3A_332 = arith.muli %scan3A_30, %mul3A_331 : i32
        %add3A_333 = arith.constant 10 : i32
        %add3A_334 = arith.addi %mul3A_332, %add3A_333 : i32
        %dma_start3A_335 = arith.constant 0 : i32
        %dma_start3A_336 = tpu.memref_slice %arg11[%add3A_334, %dma_start3A_335] : memref<128x16xf32, #tpu.memory_space<vmem>> -> memref<1x16xf32, #tpu.memory_space<vmem>>
        %dma_start3A_337 = arith.constant 0 : i32
        %dma_start3A_338 = tpu.memref_slice %arg6[%squeeze3A_330, %dma_start3A_337] : memref<1000000x16xf32, #tpu.memory_space<hbm>> -> memref<1x16xf32, #tpu.memory_space<hbm>>
        %dma_start3A_339 = arith.constant 0 : i32
        %dma_start3A_340 = tpu.memref_slice %arg11[%add3A_334, %dma_start3A_339] : memref<128x16xf32, #tpu.memory_space<vmem>> -> memref<1x16xf32, #tpu.memory_space<vmem>>
        %dma_start3A_341 = arith.constant 0 : i32
        %dma_start3A_342 = tpu.memref_slice %arg6[%squeeze3A_330, %dma_start3A_341] : memref<1000000x16xf32, #tpu.memory_space<hbm>> -> memref<1x16xf32, #tpu.memory_space<hbm>>
        tpu.enqueue_dma source(%dma_start3A_342 : memref<1x16xf32, #tpu.memory_space<hbm>>) target(%dma_start3A_340 : memref<1x16xf32, #tpu.memory_space<vmem>>) target_semaphore(%arg14 : memref<!tpu.dma_semaphore, #tpu.memory_space<semaphore_mem>>)
        %slice3A_343 = vector.extract_strided_slice %get3A_35 {offsets = [11], sizes = [1], strides = [1]} : vector<16xi32> to vector<1xi32>
        %squeeze3A_344 = vector.extract %slice3A_343[0] : i32 from vector<1xi32>
        %mul3A_345 = arith.constant 16 : i32
        %mul3A_346 = arith.muli %scan3A_30, %mul3A_345 : i32
        %add3A_347 = arith.constant 11 : i32
        %add3A_348 = arith.addi %mul3A_346, %add3A_347 : i32
        %dma_start3A_349 = arith.constant 0 : i32
        %dma_start3A_350 = tpu.memref_slice %arg10[%add3A_348, %dma_start3A_349] : memref<128x16xf32, #tpu.memory_space<vmem>> -> memref<1x16xf32, #tpu.memory_space<vmem>>
        %dma_start3A_351 = arith.constant 0 : i32
        %dma_start3A_352 = tpu.memref_slice %arg5[%squeeze3A_344, %dma_start3A_351] : memref<1000000x16xf32, #tpu.memory_space<hbm>> -> memref<1x16xf32, #tpu.memory_space<hbm>>
        %dma_start3A_353 = arith.constant 0 : i32
        %dma_start3A_354 = tpu.memref_slice %arg10[%add3A_348, %dma_start3A_353] : memref<128x16xf32, #tpu.memory_space<vmem>> -> memref<1x16xf32, #tpu.memory_space<vmem>>
        %dma_start3A_355 = arith.constant 0 : i32
        %dma_start3A_356 = tpu.memref_slice %arg5[%squeeze3A_344, %dma_start3A_355] : memref<1000000x16xf32, #tpu.memory_space<hbm>> -> memref<1x16xf32, #tpu.memory_space<hbm>>
        tpu.enqueue_dma source(%dma_start3A_356 : memref<1x16xf32, #tpu.memory_space<hbm>>) target(%dma_start3A_354 : memref<1x16xf32, #tpu.memory_space<vmem>>) target_semaphore(%arg14 : memref<!tpu.dma_semaphore, #tpu.memory_space<semaphore_mem>>)
        %slice3A_357 = vector.extract_strided_slice %get3A_37 {offsets = [11], sizes = [1], strides = [1]} : vector<16xi32> to vector<1xi32>
        %squeeze3A_358 = vector.extract %slice3A_357[0] : i32 from vector<1xi32>
        %mul3A_359 = arith.constant 16 : i32
        %mul3A_360 = arith.muli %scan3A_30, %mul3A_359 : i32
        %add3A_361 = arith.constant 11 : i32
        %add3A_362 = arith.addi %mul3A_360, %add3A_361 : i32
        %dma_start3A_363 = arith.constant 0 : i32
        %dma_start3A_364 = tpu.memref_slice %arg11[%add3A_362, %dma_start3A_363] : memref<128x16xf32, #tpu.memory_space<vmem>> -> memref<1x16xf32, #tpu.memory_space<vmem>>
        %dma_start3A_365 = arith.constant 0 : i32
        %dma_start3A_366 = tpu.memref_slice %arg6[%squeeze3A_358, %dma_start3A_365] : memref<1000000x16xf32, #tpu.memory_space<hbm>> -> memref<1x16xf32, #tpu.memory_space<hbm>>
        %dma_start3A_367 = arith.constant 0 : i32
        %dma_start3A_368 = tpu.memref_slice %arg11[%add3A_362, %dma_start3A_367] : memref<128x16xf32, #tpu.memory_space<vmem>> -> memref<1x16xf32, #tpu.memory_space<vmem>>
        %dma_start3A_369 = arith.constant 0 : i32
        %dma_start3A_370 = tpu.memref_slice %arg6[%squeeze3A_358, %dma_start3A_369] : memref<1000000x16xf32, #tpu.memory_space<hbm>> -> memref<1x16xf32, #tpu.memory_space<hbm>>
        tpu.enqueue_dma source(%dma_start3A_370 : memref<1x16xf32, #tpu.memory_space<hbm>>) target(%dma_start3A_368 : memref<1x16xf32, #tpu.memory_space<vmem>>) target_semaphore(%arg14 : memref<!tpu.dma_semaphore, #tpu.memory_space<semaphore_mem>>)
        %slice3A_371 = vector.extract_strided_slice %get3A_35 {offsets = [12], sizes = [1], strides = [1]} : vector<16xi32> to vector<1xi32>
        %squeeze3A_372 = vector.extract %slice3A_371[0] : i32 from vector<1xi32>
        %mul3A_373 = arith.constant 16 : i32
        %mul3A_374 = arith.muli %scan3A_30, %mul3A_373 : i32
        %add3A_375 = arith.constant 12 : i32
        %add3A_376 = arith.addi %mul3A_374, %add3A_375 : i32
        %dma_start3A_377 = arith.constant 0 : i32
        %dma_start3A_378 = tpu.memref_slice %arg10[%add3A_376, %dma_start3A_377] : memref<128x16xf32, #tpu.memory_space<vmem>> -> memref<1x16xf32, #tpu.memory_space<vmem>>
        %dma_start3A_379 = arith.constant 0 : i32
        %dma_start3A_380 = tpu.memref_slice %arg5[%squeeze3A_372, %dma_start3A_379] : memref<1000000x16xf32, #tpu.memory_space<hbm>> -> memref<1x16xf32, #tpu.memory_space<hbm>>
        %dma_start3A_381 = arith.constant 0 : i32
        %dma_start3A_382 = tpu.memref_slice %arg10[%add3A_376, %dma_start3A_381] : memref<128x16xf32, #tpu.memory_space<vmem>> -> memref<1x16xf32, #tpu.memory_space<vmem>>
        %dma_start3A_383 = arith.constant 0 : i32
        %dma_start3A_384 = tpu.memref_slice %arg5[%squeeze3A_372, %dma_start3A_383] : memref<1000000x16xf32, #tpu.memory_space<hbm>> -> memref<1x16xf32, #tpu.memory_space<hbm>>
        tpu.enqueue_dma source(%dma_start3A_384 : memref<1x16xf32, #tpu.memory_space<hbm>>) target(%dma_start3A_382 : memref<1x16xf32, #tpu.memory_space<vmem>>) target_semaphore(%arg14 : memref<!tpu.dma_semaphore, #tpu.memory_space<semaphore_mem>>)
        %slice3A_385 = vector.extract_strided_slice %get3A_37 {offsets = [12], sizes = [1], strides = [1]} : vector<16xi32> to vector<1xi32>
        %squeeze3A_386 = vector.extract %slice3A_385[0] : i32 from vector<1xi32>
        %mul3A_387 = arith.constant 16 : i32
        %mul3A_388 = arith.muli %scan3A_30, %mul3A_387 : i32
        %add3A_389 = arith.constant 12 : i32
        %add3A_390 = arith.addi %mul3A_388, %add3A_389 : i32
        %dma_start3A_391 = arith.constant 0 : i32
        %dma_start3A_392 = tpu.memref_slice %arg11[%add3A_390, %dma_start3A_391] : memref<128x16xf32, #tpu.memory_space<vmem>> -> memref<1x16xf32, #tpu.memory_space<vmem>>
        %dma_start3A_393 = arith.constant 0 : i32
        %dma_start3A_394 = tpu.memref_slice %arg6[%squeeze3A_386, %dma_start3A_393] : memref<1000000x16xf32, #tpu.memory_space<hbm>> -> memref<1x16xf32, #tpu.memory_space<hbm>>
        %dma_start3A_395 = arith.constant 0 : i32
        %dma_start3A_396 = tpu.memref_slice %arg11[%add3A_390, %dma_start3A_395] : memref<128x16xf32, #tpu.memory_space<vmem>> -> memref<1x16xf32, #tpu.memory_space<vmem>>
        %dma_start3A_397 = arith.constant 0 : i32
        %dma_start3A_398 = tpu.memref_slice %arg6[%squeeze3A_386, %dma_start3A_397] : memref<1000000x16xf32, #tpu.memory_space<hbm>> -> memref<1x16xf32, #tpu.memory_space<hbm>>
        tpu.enqueue_dma source(%dma_start3A_398 : memref<1x16xf32, #tpu.memory_space<hbm>>) target(%dma_start3A_396 : memref<1x16xf32, #tpu.memory_space<vmem>>) target_semaphore(%arg14 : memref<!tpu.dma_semaphore, #tpu.memory_space<semaphore_mem>>)
        %slice3A_399 = vector.extract_strided_slice %get3A_35 {offsets = [13], sizes = [1], strides = [1]} : vector<16xi32> to vector<1xi32>
        %squeeze3A_400 = vector.extract %slice3A_399[0] : i32 from vector<1xi32>
        %mul3A_401 = arith.constant 16 : i32
        %mul3A_402 = arith.muli %scan3A_30, %mul3A_401 : i32
        %add3A_403 = arith.constant 13 : i32
        %add3A_404 = arith.addi %mul3A_402, %add3A_403 : i32
        %dma_start3A_405 = arith.constant 0 : i32
        %dma_start3A_406 = tpu.memref_slice %arg10[%add3A_404, %dma_start3A_405] : memref<128x16xf32, #tpu.memory_space<vmem>> -> memref<1x16xf32, #tpu.memory_space<vmem>>
        %dma_start3A_407 = arith.constant 0 : i32
        %dma_start3A_408 = tpu.memref_slice %arg5[%squeeze3A_400, %dma_start3A_407] : memref<1000000x16xf32, #tpu.memory_space<hbm>> -> memref<1x16xf32, #tpu.memory_space<hbm>>
        %dma_start3A_409 = arith.constant 0 : i32
        %dma_start3A_410 = tpu.memref_slice %arg10[%add3A_404, %dma_start3A_409] : memref<128x16xf32, #tpu.memory_space<vmem>> -> memref<1x16xf32, #tpu.memory_space<vmem>>
        %dma_start3A_411 = arith.constant 0 : i32
        %dma_start3A_412 = tpu.memref_slice %arg5[%squeeze3A_400, %dma_start3A_411] : memref<1000000x16xf32, #tpu.memory_space<hbm>> -> memref<1x16xf32, #tpu.memory_space<hbm>>
        tpu.enqueue_dma source(%dma_start3A_412 : memref<1x16xf32, #tpu.memory_space<hbm>>) target(%dma_start3A_410 : memref<1x16xf32, #tpu.memory_space<vmem>>) target_semaphore(%arg14 : memref<!tpu.dma_semaphore, #tpu.memory_space<semaphore_mem>>)
        %slice3A_413 = vector.extract_strided_slice %get3A_37 {offsets = [13], sizes = [1], strides = [1]} : vector<16xi32> to vector<1xi32>
        %squeeze3A_414 = vector.extract %slice3A_413[0] : i32 from vector<1xi32>
        %mul3A_415 = arith.constant 16 : i32
        %mul3A_416 = arith.muli %scan3A_30, %mul3A_415 : i32
        %add3A_417 = arith.constant 13 : i32
        %add3A_418 = arith.addi %mul3A_416, %add3A_417 : i32
        %dma_start3A_419 = arith.constant 0 : i32
        %dma_start3A_420 = tpu.memref_slice %arg11[%add3A_418, %dma_start3A_419] : memref<128x16xf32, #tpu.memory_space<vmem>> -> memref<1x16xf32, #tpu.memory_space<vmem>>
        %dma_start3A_421 = arith.constant 0 : i32
        %dma_start3A_422 = tpu.memref_slice %arg6[%squeeze3A_414, %dma_start3A_421] : memref<1000000x16xf32, #tpu.memory_space<hbm>> -> memref<1x16xf32, #tpu.memory_space<hbm>>
        %dma_start3A_423 = arith.constant 0 : i32
        %dma_start3A_424 = tpu.memref_slice %arg11[%add3A_418, %dma_start3A_423] : memref<128x16xf32, #tpu.memory_space<vmem>> -> memref<1x16xf32, #tpu.memory_space<vmem>>
        %dma_start3A_425 = arith.constant 0 : i32
        %dma_start3A_426 = tpu.memref_slice %arg6[%squeeze3A_414, %dma_start3A_425] : memref<1000000x16xf32, #tpu.memory_space<hbm>> -> memref<1x16xf32, #tpu.memory_space<hbm>>
        tpu.enqueue_dma source(%dma_start3A_426 : memref<1x16xf32, #tpu.memory_space<hbm>>) target(%dma_start3A_424 : memref<1x16xf32, #tpu.memory_space<vmem>>) target_semaphore(%arg14 : memref<!tpu.dma_semaphore, #tpu.memory_space<semaphore_mem>>)
        %slice3A_427 = vector.extract_strided_slice %get3A_35 {offsets = [14], sizes = [1], strides = [1]} : vector<16xi32> to vector<1xi32>
        %squeeze3A_428 = vector.extract %slice3A_427[0] : i32 from vector<1xi32>
        %mul3A_429 = arith.constant 16 : i32
        %mul3A_430 = arith.muli %scan3A_30, %mul3A_429 : i32
        %add3A_431 = arith.constant 14 : i32
        %add3A_432 = arith.addi %mul3A_430, %add3A_431 : i32
        %dma_start3A_433 = arith.constant 0 : i32
        %dma_start3A_434 = tpu.memref_slice %arg10[%add3A_432, %dma_start3A_433] : memref<128x16xf32, #tpu.memory_space<vmem>> -> memref<1x16xf32, #tpu.memory_space<vmem>>
        %dma_start3A_435 = arith.constant 0 : i32
        %dma_start3A_436 = tpu.memref_slice %arg5[%squeeze3A_428, %dma_start3A_435] : memref<1000000x16xf32, #tpu.memory_space<hbm>> -> memref<1x16xf32, #tpu.memory_space<hbm>>
        %dma_start3A_437 = arith.constant 0 : i32
        %dma_start3A_438 = tpu.memref_slice %arg10[%add3A_432, %dma_start3A_437] : memref<128x16xf32, #tpu.memory_space<vmem>> -> memref<1x16xf32, #tpu.memory_space<vmem>>
        %dma_start3A_439 = arith.constant 0 : i32
        %dma_start3A_440 = tpu.memref_slice %arg5[%squeeze3A_428, %dma_start3A_439] : memref<1000000x16xf32, #tpu.memory_space<hbm>> -> memref<1x16xf32, #tpu.memory_space<hbm>>
        tpu.enqueue_dma source(%dma_start3A_440 : memref<1x16xf32, #tpu.memory_space<hbm>>) target(%dma_start3A_438 : memref<1x16xf32, #tpu.memory_space<vmem>>) target_semaphore(%arg14 : memref<!tpu.dma_semaphore, #tpu.memory_space<semaphore_mem>>)
        %slice3A_441 = vector.extract_strided_slice %get3A_37 {offsets = [14], sizes = [1], strides = [1]} : vector<16xi32> to vector<1xi32>
        %squeeze3A_442 = vector.extract %slice3A_441[0] : i32 from vector<1xi32>
        %mul3A_443 = arith.constant 16 : i32
        %mul3A_444 = arith.muli %scan3A_30, %mul3A_443 : i32
        %add3A_445 = arith.constant 14 : i32
        %add3A_446 = arith.addi %mul3A_444, %add3A_445 : i32
        %dma_start3A_447 = arith.constant 0 : i32
        %dma_start3A_448 = tpu.memref_slice %arg11[%add3A_446, %dma_start3A_447] : memref<128x16xf32, #tpu.memory_space<vmem>> -> memref<1x16xf32, #tpu.memory_space<vmem>>
        %dma_start3A_449 = arith.constant 0 : i32
        %dma_start3A_450 = tpu.memref_slice %arg6[%squeeze3A_442, %dma_start3A_449] : memref<1000000x16xf32, #tpu.memory_space<hbm>> -> memref<1x16xf32, #tpu.memory_space<hbm>>
        %dma_start3A_451 = arith.constant 0 : i32
        %dma_start3A_452 = tpu.memref_slice %arg11[%add3A_446, %dma_start3A_451] : memref<128x16xf32, #tpu.memory_space<vmem>> -> memref<1x16xf32, #tpu.memory_space<vmem>>
        %dma_start3A_453 = arith.constant 0 : i32
        %dma_start3A_454 = tpu.memref_slice %arg6[%squeeze3A_442, %dma_start3A_453] : memref<1000000x16xf32, #tpu.memory_space<hbm>> -> memref<1x16xf32, #tpu.memory_space<hbm>>
        tpu.enqueue_dma source(%dma_start3A_454 : memref<1x16xf32, #tpu.memory_space<hbm>>) target(%dma_start3A_452 : memref<1x16xf32, #tpu.memory_space<vmem>>) target_semaphore(%arg14 : memref<!tpu.dma_semaphore, #tpu.memory_space<semaphore_mem>>)
        %slice3A_455 = vector.extract_strided_slice %get3A_35 {offsets = [15], sizes = [1], strides = [1]} : vector<16xi32> to vector<1xi32>
        %squeeze3A_456 = vector.extract %slice3A_455[0] : i32 from vector<1xi32>
        %mul3A_457 = arith.constant 16 : i32
        %mul3A_458 = arith.muli %scan3A_30, %mul3A_457 : i32
        %add3A_459 = arith.constant 15 : i32
        %add3A_460 = arith.addi %mul3A_458, %add3A_459 : i32
        %dma_start3A_461 = arith.constant 0 : i32
        %dma_start3A_462 = tpu.memref_slice %arg10[%add3A_460, %dma_start3A_461] : memref<128x16xf32, #tpu.memory_space<vmem>> -> memref<1x16xf32, #tpu.memory_space<vmem>>
        %dma_start3A_463 = arith.constant 0 : i32
        %dma_start3A_464 = tpu.memref_slice %arg5[%squeeze3A_456, %dma_start3A_463] : memref<1000000x16xf32, #tpu.memory_space<hbm>> -> memref<1x16xf32, #tpu.memory_space<hbm>>
        %dma_start3A_465 = arith.constant 0 : i32
        %dma_start3A_466 = tpu.memref_slice %arg10[%add3A_460, %dma_start3A_465] : memref<128x16xf32, #tpu.memory_space<vmem>> -> memref<1x16xf32, #tpu.memory_space<vmem>>
        %dma_start3A_467 = arith.constant 0 : i32
        %dma_start3A_468 = tpu.memref_slice %arg5[%squeeze3A_456, %dma_start3A_467] : memref<1000000x16xf32, #tpu.memory_space<hbm>> -> memref<1x16xf32, #tpu.memory_space<hbm>>
        tpu.enqueue_dma source(%dma_start3A_468 : memref<1x16xf32, #tpu.memory_space<hbm>>) target(%dma_start3A_466 : memref<1x16xf32, #tpu.memory_space<vmem>>) target_semaphore(%arg14 : memref<!tpu.dma_semaphore, #tpu.memory_space<semaphore_mem>>)
        %slice3A_469 = vector.extract_strided_slice %get3A_37 {offsets = [15], sizes = [1], strides = [1]} : vector<16xi32> to vector<1xi32>
        %squeeze3A_470 = vector.extract %slice3A_469[0] : i32 from vector<1xi32>
        %mul3A_471 = arith.constant 16 : i32
        %mul3A_472 = arith.muli %scan3A_30, %mul3A_471 : i32
        %add3A_473 = arith.constant 15 : i32
        %add3A_474 = arith.addi %mul3A_472, %add3A_473 : i32
        %dma_start3A_475 = arith.constant 0 : i32
        %dma_start3A_476 = tpu.memref_slice %arg11[%add3A_474, %dma_start3A_475] : memref<128x16xf32, #tpu.memory_space<vmem>> -> memref<1x16xf32, #tpu.memory_space<vmem>>
        %dma_start3A_477 = arith.constant 0 : i32
        %dma_start3A_478 = tpu.memref_slice %arg6[%squeeze3A_470, %dma_start3A_477] : memref<1000000x16xf32, #tpu.memory_space<hbm>> -> memref<1x16xf32, #tpu.memory_space<hbm>>
        %dma_start3A_479 = arith.constant 0 : i32
        %dma_start3A_480 = tpu.memref_slice %arg11[%add3A_474, %dma_start3A_479] : memref<128x16xf32, #tpu.memory_space<vmem>> -> memref<1x16xf32, #tpu.memory_space<vmem>>
        %dma_start3A_481 = arith.constant 0 : i32
        %dma_start3A_482 = tpu.memref_slice %arg6[%squeeze3A_470, %dma_start3A_481] : memref<1000000x16xf32, #tpu.memory_space<hbm>> -> memref<1x16xf32, #tpu.memory_space<hbm>>
        tpu.enqueue_dma source(%dma_start3A_482 : memref<1x16xf32, #tpu.memory_space<hbm>>) target(%dma_start3A_480 : memref<1x16xf32, #tpu.memory_space<vmem>>) target_semaphore(%arg14 : memref<!tpu.dma_semaphore, #tpu.memory_space<semaphore_mem>>)
      }
      %scan3A_17 = arith.constant 8 : i32
      %scan3A_18 = arith.constant 0 : i32
      %scan3A_19 = arith.constant 0 : i32
      %scan3A_20 = arith.constant 8 : i32
      %scan3A_21 = arith.addi %scan3A_19, %scan3A_20 : i32
      %scan3A_22 = arith.constant 1 : i32
      scf.for %scan3A_30 = %scan3A_19 to %scan3A_21 step %scan3A_22  : i32 {
        %mul3A_31 = arith.constant 16 : i32
        %mul3A_32 = arith.muli %scan3A_30, %mul3A_31 : i32
        %add3A_33 = arith.addi %multiple_of3A_11, %mul3A_32 : i32
        %multiple_of3A_34 = tpu.assume_multiple %add3A_33, 16 : i32
        %get3A = arith.index_cast %multiple_of3A_34 : i32 to index
        %get3A_35 = tpu.vector_load %arg8[%get3A] {strides = array<i32>} : memref<512xi32, #tpu.memory_space<vmem>>, vector<16xi32>,
        %get3A_36 = arith.index_cast %multiple_of3A_34 : i32 to index
        %get3A_37 = tpu.vector_load %arg9[%get3A_36] {strides = array<i32>} : memref<512xi32, #tpu.memory_space<vmem>>, vector<16xi32>,
        %slice3A = vector.extract_strided_slice %get3A_35 {offsets = [0], sizes = [1], strides = [1]} : vector<16xi32> to vector<1xi32>
        %squeeze3A = vector.extract %slice3A[0] : i32 from vector<1xi32>
        %mul3A_38 = arith.constant 16 : i32
        %mul3A_39 = arith.muli %scan3A_30, %mul3A_38 : i32
        %add3A_40 = arith.constant 0 : i32
        %add3A_41 = arith.addi %mul3A_39, %add3A_40 : i32
        %dma_wait3A = arith.constant 0 : i32
        %dma_wait3A_42 = tpu.memref_slice %arg10[%add3A_41, %dma_wait3A] : memref<128x16xf32, #tpu.memory_space<vmem>> -> memref<1x16xf32, #tpu.memory_space<vmem>>
        %dma_wait3A_43 = arith.constant 0 : i32
        %dma_wait3A_44 = tpu.memref_slice %arg5[%squeeze3A, %dma_wait3A_43] : memref<1000000x16xf32, #tpu.memory_space<hbm>> -> memref<1x16xf32, #tpu.memory_space<hbm>>
        %dma_wait3A_45 = arith.constant 0 : i32
        %dma_wait3A_46 = tpu.memref_slice %arg10[%add3A_41, %dma_wait3A_45] : memref<128x16xf32, #tpu.memory_space<vmem>> -> memref<1x16xf32, #tpu.memory_space<vmem>>
        %dma_wait3A_47 = arith.constant 0 : i32
        %dma_wait3A_48 = tpu.memref_slice %arg5[%squeeze3A, %dma_wait3A_47] : memref<1000000x16xf32, #tpu.memory_space<hbm>> -> memref<1x16xf32, #tpu.memory_space<hbm>>
        tpu.wait_dma2 semaphore(%arg14 : memref<!tpu.dma_semaphore, #tpu.memory_space<semaphore_mem>>) src(%dma_wait3A_48 : memref<1x16xf32, #tpu.memory_space<hbm>>) dst(%dma_wait3A_46 : memref<1x16xf32, #tpu.memory_space<vmem>>)
        %slice3A_49 = vector.extract_strided_slice %get3A_37 {offsets = [0], sizes = [1], strides = [1]} : vector<16xi32> to vector<1xi32>
        %squeeze3A_50 = vector.extract %slice3A_49[0] : i32 from vector<1xi32>
        %mul3A_51 = arith.constant 16 : i32
        %mul3A_52 = arith.muli %scan3A_30, %mul3A_51 : i32
        %add3A_53 = arith.constant 0 : i32
        %add3A_54 = arith.addi %mul3A_52, %add3A_53 : i32
        %dma_wait3A_55 = arith.constant 0 : i32
        %dma_wait3A_56 = tpu.memref_slice %arg11[%add3A_54, %dma_wait3A_55] : memref<128x16xf32, #tpu.memory_space<vmem>> -> memref<1x16xf32, #tpu.memory_space<vmem>>
        %dma_wait3A_57 = arith.constant 0 : i32
        %dma_wait3A_58 = tpu.memref_slice %arg6[%squeeze3A_50, %dma_wait3A_57] : memref<1000000x16xf32, #tpu.memory_space<hbm>> -> memref<1x16xf32, #tpu.memory_space<hbm>>
        %dma_wait3A_59 = arith.constant 0 : i32
        %dma_wait3A_60 = tpu.memref_slice %arg11[%add3A_54, %dma_wait3A_59] : memref<128x16xf32, #tpu.memory_space<vmem>> -> memref<1x16xf32, #tpu.memory_space<vmem>>
        %dma_wait3A_61 = arith.constant 0 : i32
        %dma_wait3A_62 = tpu.memref_slice %arg6[%squeeze3A_50, %dma_wait3A_61] : memref<1000000x16xf32, #tpu.memory_space<hbm>> -> memref<1x16xf32, #tpu.memory_space<hbm>>
        tpu.wait_dma2 semaphore(%arg14 : memref<!tpu.dma_semaphore, #tpu.memory_space<semaphore_mem>>) src(%dma_wait3A_62 : memref<1x16xf32, #tpu.memory_space<hbm>>) dst(%dma_wait3A_60 : memref<1x16xf32, #tpu.memory_space<vmem>>)
        %slice3A_63 = vector.extract_strided_slice %get3A_35 {offsets = [1], sizes = [1], strides = [1]} : vector<16xi32> to vector<1xi32>
        %squeeze3A_64 = vector.extract %slice3A_63[0] : i32 from vector<1xi32>
        %mul3A_65 = arith.constant 16 : i32
        %mul3A_66 = arith.muli %scan3A_30, %mul3A_65 : i32
        %add3A_67 = arith.constant 1 : i32
        %add3A_68 = arith.addi %mul3A_66, %add3A_67 : i32
        %dma_wait3A_69 = arith.constant 0 : i32
        %dma_wait3A_70 = tpu.memref_slice %arg10[%add3A_68, %dma_wait3A_69] : memref<128x16xf32, #tpu.memory_space<vmem>> -> memref<1x16xf32, #tpu.memory_space<vmem>>
        %dma_wait3A_71 = arith.constant 0 : i32
        %dma_wait3A_72 = tpu.memref_slice %arg5[%squeeze3A_64, %dma_wait3A_71] : memref<1000000x16xf32, #tpu.memory_space<hbm>> -> memref<1x16xf32, #tpu.memory_space<hbm>>
        %dma_wait3A_73 = arith.constant 0 : i32
        %dma_wait3A_74 = tpu.memref_slice %arg10[%add3A_68, %dma_wait3A_73] : memref<128x16xf32, #tpu.memory_space<vmem>> -> memref<1x16xf32, #tpu.memory_space<vmem>>
        %dma_wait3A_75 = arith.constant 0 : i32
        %dma_wait3A_76 = tpu.memref_slice %arg5[%squeeze3A_64, %dma_wait3A_75] : memref<1000000x16xf32, #tpu.memory_space<hbm>> -> memref<1x16xf32, #tpu.memory_space<hbm>>
        tpu.wait_dma2 semaphore(%arg14 : memref<!tpu.dma_semaphore, #tpu.memory_space<semaphore_mem>>) src(%dma_wait3A_76 : memref<1x16xf32, #tpu.memory_space<hbm>>) dst(%dma_wait3A_74 : memref<1x16xf32, #tpu.memory_space<vmem>>)
        %slice3A_77 = vector.extract_strided_slice %get3A_37 {offsets = [1], sizes = [1], strides = [1]} : vector<16xi32> to vector<1xi32>
        %squeeze3A_78 = vector.extract %slice3A_77[0] : i32 from vector<1xi32>
        %mul3A_79 = arith.constant 16 : i32
        %mul3A_80 = arith.muli %scan3A_30, %mul3A_79 : i32
        %add3A_81 = arith.constant 1 : i32
        %add3A_82 = arith.addi %mul3A_80, %add3A_81 : i32
        %dma_wait3A_83 = arith.constant 0 : i32
        %dma_wait3A_84 = tpu.memref_slice %arg11[%add3A_82, %dma_wait3A_83] : memref<128x16xf32, #tpu.memory_space<vmem>> -> memref<1x16xf32, #tpu.memory_space<vmem>>
        %dma_wait3A_85 = arith.constant 0 : i32
        %dma_wait3A_86 = tpu.memref_slice %arg6[%squeeze3A_78, %dma_wait3A_85] : memref<1000000x16xf32, #tpu.memory_space<hbm>> -> memref<1x16xf32, #tpu.memory_space<hbm>>
        %dma_wait3A_87 = arith.constant 0 : i32
        %dma_wait3A_88 = tpu.memref_slice %arg11[%add3A_82, %dma_wait3A_87] : memref<128x16xf32, #tpu.memory_space<vmem>> -> memref<1x16xf32, #tpu.memory_space<vmem>>
        %dma_wait3A_89 = arith.constant 0 : i32
        %dma_wait3A_90 = tpu.memref_slice %arg6[%squeeze3A_78, %dma_wait3A_89] : memref<1000000x16xf32, #tpu.memory_space<hbm>> -> memref<1x16xf32, #tpu.memory_space<hbm>>
        tpu.wait_dma2 semaphore(%arg14 : memref<!tpu.dma_semaphore, #tpu.memory_space<semaphore_mem>>) src(%dma_wait3A_90 : memref<1x16xf32, #tpu.memory_space<hbm>>) dst(%dma_wait3A_88 : memref<1x16xf32, #tpu.memory_space<vmem>>)
        %slice3A_91 = vector.extract_strided_slice %get3A_35 {offsets = [2], sizes = [1], strides = [1]} : vector<16xi32> to vector<1xi32>
        %squeeze3A_92 = vector.extract %slice3A_91[0] : i32 from vector<1xi32>
        %mul3A_93 = arith.constant 16 : i32
        %mul3A_94 = arith.muli %scan3A_30, %mul3A_93 : i32
        %add3A_95 = arith.constant 2 : i32
        %add3A_96 = arith.addi %mul3A_94, %add3A_95 : i32
        %dma_wait3A_97 = arith.constant 0 : i32
        %dma_wait3A_98 = tpu.memref_slice %arg10[%add3A_96, %dma_wait3A_97] : memref<128x16xf32, #tpu.memory_space<vmem>> -> memref<1x16xf32, #tpu.memory_space<vmem>>
        %dma_wait3A_99 = arith.constant 0 : i32
        %dma_wait3A_100 = tpu.memref_slice %arg5[%squeeze3A_92, %dma_wait3A_99] : memref<1000000x16xf32, #tpu.memory_space<hbm>> -> memref<1x16xf32, #tpu.memory_space<hbm>>
        %dma_wait3A_101 = arith.constant 0 : i32
        %dma_wait3A_102 = tpu.memref_slice %arg10[%add3A_96, %dma_wait3A_101] : memref<128x16xf32, #tpu.memory_space<vmem>> -> memref<1x16xf32, #tpu.memory_space<vmem>>
        %dma_wait3A_103 = arith.constant 0 : i32
        %dma_wait3A_104 = tpu.memref_slice %arg5[%squeeze3A_92, %dma_wait3A_103] : memref<1000000x16xf32, #tpu.memory_space<hbm>> -> memref<1x16xf32, #tpu.memory_space<hbm>>
        tpu.wait_dma2 semaphore(%arg14 : memref<!tpu.dma_semaphore, #tpu.memory_space<semaphore_mem>>) src(%dma_wait3A_104 : memref<1x16xf32, #tpu.memory_space<hbm>>) dst(%dma_wait3A_102 : memref<1x16xf32, #tpu.memory_space<vmem>>)
        %slice3A_105 = vector.extract_strided_slice %get3A_37 {offsets = [2], sizes = [1], strides = [1]} : vector<16xi32> to vector<1xi32>
        %squeeze3A_106 = vector.extract %slice3A_105[0] : i32 from vector<1xi32>
        %mul3A_107 = arith.constant 16 : i32
        %mul3A_108 = arith.muli %scan3A_30, %mul3A_107 : i32
        %add3A_109 = arith.constant 2 : i32
        %add3A_110 = arith.addi %mul3A_108, %add3A_109 : i32
        %dma_wait3A_111 = arith.constant 0 : i32
        %dma_wait3A_112 = tpu.memref_slice %arg11[%add3A_110, %dma_wait3A_111] : memref<128x16xf32, #tpu.memory_space<vmem>> -> memref<1x16xf32, #tpu.memory_space<vmem>>
        %dma_wait3A_113 = arith.constant 0 : i32
        %dma_wait3A_114 = tpu.memref_slice %arg6[%squeeze3A_106, %dma_wait3A_113] : memref<1000000x16xf32, #tpu.memory_space<hbm>> -> memref<1x16xf32, #tpu.memory_space<hbm>>
        %dma_wait3A_115 = arith.constant 0 : i32
        %dma_wait3A_116 = tpu.memref_slice %arg11[%add3A_110, %dma_wait3A_115] : memref<128x16xf32, #tpu.memory_space<vmem>> -> memref<1x16xf32, #tpu.memory_space<vmem>>
        %dma_wait3A_117 = arith.constant 0 : i32
        %dma_wait3A_118 = tpu.memref_slice %arg6[%squeeze3A_106, %dma_wait3A_117] : memref<1000000x16xf32, #tpu.memory_space<hbm>> -> memref<1x16xf32, #tpu.memory_space<hbm>>
        tpu.wait_dma2 semaphore(%arg14 : memref<!tpu.dma_semaphore, #tpu.memory_space<semaphore_mem>>) src(%dma_wait3A_118 : memref<1x16xf32, #tpu.memory_space<hbm>>) dst(%dma_wait3A_116 : memref<1x16xf32, #tpu.memory_space<vmem>>)
        %slice3A_119 = vector.extract_strided_slice %get3A_35 {offsets = [3], sizes = [1], strides = [1]} : vector<16xi32> to vector<1xi32>
        %squeeze3A_120 = vector.extract %slice3A_119[0] : i32 from vector<1xi32>
        %mul3A_121 = arith.constant 16 : i32
        %mul3A_122 = arith.muli %scan3A_30, %mul3A_121 : i32
        %add3A_123 = arith.constant 3 : i32
        %add3A_124 = arith.addi %mul3A_122, %add3A_123 : i32
        %dma_wait3A_125 = arith.constant 0 : i32
        %dma_wait3A_126 = tpu.memref_slice %arg10[%add3A_124, %dma_wait3A_125] : memref<128x16xf32, #tpu.memory_space<vmem>> -> memref<1x16xf32, #tpu.memory_space<vmem>>
        %dma_wait3A_127 = arith.constant 0 : i32
        %dma_wait3A_128 = tpu.memref_slice %arg5[%squeeze3A_120, %dma_wait3A_127] : memref<1000000x16xf32, #tpu.memory_space<hbm>> -> memref<1x16xf32, #tpu.memory_space<hbm>>
        %dma_wait3A_129 = arith.constant 0 : i32
        %dma_wait3A_130 = tpu.memref_slice %arg10[%add3A_124, %dma_wait3A_129] : memref<128x16xf32, #tpu.memory_space<vmem>> -> memref<1x16xf32, #tpu.memory_space<vmem>>
        %dma_wait3A_131 = arith.constant 0 : i32
        %dma_wait3A_132 = tpu.memref_slice %arg5[%squeeze3A_120, %dma_wait3A_131] : memref<1000000x16xf32, #tpu.memory_space<hbm>> -> memref<1x16xf32, #tpu.memory_space<hbm>>
        tpu.wait_dma2 semaphore(%arg14 : memref<!tpu.dma_semaphore, #tpu.memory_space<semaphore_mem>>) src(%dma_wait3A_132 : memref<1x16xf32, #tpu.memory_space<hbm>>) dst(%dma_wait3A_130 : memref<1x16xf32, #tpu.memory_space<vmem>>)
        %slice3A_133 = vector.extract_strided_slice %get3A_37 {offsets = [3], sizes = [1], strides = [1]} : vector<16xi32> to vector<1xi32>
        %squeeze3A_134 = vector.extract %slice3A_133[0] : i32 from vector<1xi32>
        %mul3A_135 = arith.constant 16 : i32
        %mul3A_136 = arith.muli %scan3A_30, %mul3A_135 : i32
        %add3A_137 = arith.constant 3 : i32
        %add3A_138 = arith.addi %mul3A_136, %add3A_137 : i32
        %dma_wait3A_139 = arith.constant 0 : i32
        %dma_wait3A_140 = tpu.memref_slice %arg11[%add3A_138, %dma_wait3A_139] : memref<128x16xf32, #tpu.memory_space<vmem>> -> memref<1x16xf32, #tpu.memory_space<vmem>>
        %dma_wait3A_141 = arith.constant 0 : i32
        %dma_wait3A_142 = tpu.memref_slice %arg6[%squeeze3A_134, %dma_wait3A_141] : memref<1000000x16xf32, #tpu.memory_space<hbm>> -> memref<1x16xf32, #tpu.memory_space<hbm>>
        %dma_wait3A_143 = arith.constant 0 : i32
        %dma_wait3A_144 = tpu.memref_slice %arg11[%add3A_138, %dma_wait3A_143] : memref<128x16xf32, #tpu.memory_space<vmem>> -> memref<1x16xf32, #tpu.memory_space<vmem>>
        %dma_wait3A_145 = arith.constant 0 : i32
        %dma_wait3A_146 = tpu.memref_slice %arg6[%squeeze3A_134, %dma_wait3A_145] : memref<1000000x16xf32, #tpu.memory_space<hbm>> -> memref<1x16xf32, #tpu.memory_space<hbm>>
        tpu.wait_dma2 semaphore(%arg14 : memref<!tpu.dma_semaphore, #tpu.memory_space<semaphore_mem>>) src(%dma_wait3A_146 : memref<1x16xf32, #tpu.memory_space<hbm>>) dst(%dma_wait3A_144 : memref<1x16xf32, #tpu.memory_space<vmem>>)
        %slice3A_147 = vector.extract_strided_slice %get3A_35 {offsets = [4], sizes = [1], strides = [1]} : vector<16xi32> to vector<1xi32>
        %squeeze3A_148 = vector.extract %slice3A_147[0] : i32 from vector<1xi32>
        %mul3A_149 = arith.constant 16 : i32
        %mul3A_150 = arith.muli %scan3A_30, %mul3A_149 : i32
        %add3A_151 = arith.constant 4 : i32
        %add3A_152 = arith.addi %mul3A_150, %add3A_151 : i32
        %dma_wait3A_153 = arith.constant 0 : i32
        %dma_wait3A_154 = tpu.memref_slice %arg10[%add3A_152, %dma_wait3A_153] : memref<128x16xf32, #tpu.memory_space<vmem>> -> memref<1x16xf32, #tpu.memory_space<vmem>>
        %dma_wait3A_155 = arith.constant 0 : i32
        %dma_wait3A_156 = tpu.memref_slice %arg5[%squeeze3A_148, %dma_wait3A_155] : memref<1000000x16xf32, #tpu.memory_space<hbm>> -> memref<1x16xf32, #tpu.memory_space<hbm>>
        %dma_wait3A_157 = arith.constant 0 : i32
        %dma_wait3A_158 = tpu.memref_slice %arg10[%add3A_152, %dma_wait3A_157] : memref<128x16xf32, #tpu.memory_space<vmem>> -> memref<1x16xf32, #tpu.memory_space<vmem>>
        %dma_wait3A_159 = arith.constant 0 : i32
        %dma_wait3A_160 = tpu.memref_slice %arg5[%squeeze3A_148, %dma_wait3A_159] : memref<1000000x16xf32, #tpu.memory_space<hbm>> -> memref<1x16xf32, #tpu.memory_space<hbm>>
        tpu.wait_dma2 semaphore(%arg14 : memref<!tpu.dma_semaphore, #tpu.memory_space<semaphore_mem>>) src(%dma_wait3A_160 : memref<1x16xf32, #tpu.memory_space<hbm>>) dst(%dma_wait3A_158 : memref<1x16xf32, #tpu.memory_space<vmem>>)
        %slice3A_161 = vector.extract_strided_slice %get3A_37 {offsets = [4], sizes = [1], strides = [1]} : vector<16xi32> to vector<1xi32>
        %squeeze3A_162 = vector.extract %slice3A_161[0] : i32 from vector<1xi32>
        %mul3A_163 = arith.constant 16 : i32
        %mul3A_164 = arith.muli %scan3A_30, %mul3A_163 : i32
        %add3A_165 = arith.constant 4 : i32
        %add3A_166 = arith.addi %mul3A_164, %add3A_165 : i32
        %dma_wait3A_167 = arith.constant 0 : i32
        %dma_wait3A_168 = tpu.memref_slice %arg11[%add3A_166, %dma_wait3A_167] : memref<128x16xf32, #tpu.memory_space<vmem>> -> memref<1x16xf32, #tpu.memory_space<vmem>>
        %dma_wait3A_169 = arith.constant 0 : i32
        %dma_wait3A_170 = tpu.memref_slice %arg6[%squeeze3A_162, %dma_wait3A_169] : memref<1000000x16xf32, #tpu.memory_space<hbm>> -> memref<1x16xf32, #tpu.memory_space<hbm>>
        %dma_wait3A_171 = arith.constant 0 : i32
        %dma_wait3A_172 = tpu.memref_slice %arg11[%add3A_166, %dma_wait3A_171] : memref<128x16xf32, #tpu.memory_space<vmem>> -> memref<1x16xf32, #tpu.memory_space<vmem>>
        %dma_wait3A_173 = arith.constant 0 : i32
        %dma_wait3A_174 = tpu.memref_slice %arg6[%squeeze3A_162, %dma_wait3A_173] : memref<1000000x16xf32, #tpu.memory_space<hbm>> -> memref<1x16xf32, #tpu.memory_space<hbm>>
        tpu.wait_dma2 semaphore(%arg14 : memref<!tpu.dma_semaphore, #tpu.memory_space<semaphore_mem>>) src(%dma_wait3A_174 : memref<1x16xf32, #tpu.memory_space<hbm>>) dst(%dma_wait3A_172 : memref<1x16xf32, #tpu.memory_space<vmem>>)
        %slice3A_175 = vector.extract_strided_slice %get3A_35 {offsets = [5], sizes = [1], strides = [1]} : vector<16xi32> to vector<1xi32>
        %squeeze3A_176 = vector.extract %slice3A_175[0] : i32 from vector<1xi32>
        %mul3A_177 = arith.constant 16 : i32
        %mul3A_178 = arith.muli %scan3A_30, %mul3A_177 : i32
        %add3A_179 = arith.constant 5 : i32
        %add3A_180 = arith.addi %mul3A_178, %add3A_179 : i32
        %dma_wait3A_181 = arith.constant 0 : i32
        %dma_wait3A_182 = tpu.memref_slice %arg10[%add3A_180, %dma_wait3A_181] : memref<128x16xf32, #tpu.memory_space<vmem>> -> memref<1x16xf32, #tpu.memory_space<vmem>>
        %dma_wait3A_183 = arith.constant 0 : i32
        %dma_wait3A_184 = tpu.memref_slice %arg5[%squeeze3A_176, %dma_wait3A_183] : memref<1000000x16xf32, #tpu.memory_space<hbm>> -> memref<1x16xf32, #tpu.memory_space<hbm>>
        %dma_wait3A_185 = arith.constant 0 : i32
        %dma_wait3A_186 = tpu.memref_slice %arg10[%add3A_180, %dma_wait3A_185] : memref<128x16xf32, #tpu.memory_space<vmem>> -> memref<1x16xf32, #tpu.memory_space<vmem>>
        %dma_wait3A_187 = arith.constant 0 : i32
        %dma_wait3A_188 = tpu.memref_slice %arg5[%squeeze3A_176, %dma_wait3A_187] : memref<1000000x16xf32, #tpu.memory_space<hbm>> -> memref<1x16xf32, #tpu.memory_space<hbm>>
        tpu.wait_dma2 semaphore(%arg14 : memref<!tpu.dma_semaphore, #tpu.memory_space<semaphore_mem>>) src(%dma_wait3A_188 : memref<1x16xf32, #tpu.memory_space<hbm>>) dst(%dma_wait3A_186 : memref<1x16xf32, #tpu.memory_space<vmem>>)
        %slice3A_189 = vector.extract_strided_slice %get3A_37 {offsets = [5], sizes = [1], strides = [1]} : vector<16xi32> to vector<1xi32>
        %squeeze3A_190 = vector.extract %slice3A_189[0] : i32 from vector<1xi32>
        %mul3A_191 = arith.constant 16 : i32
        %mul3A_192 = arith.muli %scan3A_30, %mul3A_191 : i32
        %add3A_193 = arith.constant 5 : i32
        %add3A_194 = arith.addi %mul3A_192, %add3A_193 : i32
        %dma_wait3A_195 = arith.constant 0 : i32
        %dma_wait3A_196 = tpu.memref_slice %arg11[%add3A_194, %dma_wait3A_195] : memref<128x16xf32, #tpu.memory_space<vmem>> -> memref<1x16xf32, #tpu.memory_space<vmem>>
        %dma_wait3A_197 = arith.constant 0 : i32
        %dma_wait3A_198 = tpu.memref_slice %arg6[%squeeze3A_190, %dma_wait3A_197] : memref<1000000x16xf32, #tpu.memory_space<hbm>> -> memref<1x16xf32, #tpu.memory_space<hbm>>
        %dma_wait3A_199 = arith.constant 0 : i32
        %dma_wait3A_200 = tpu.memref_slice %arg11[%add3A_194, %dma_wait3A_199] : memref<128x16xf32, #tpu.memory_space<vmem>> -> memref<1x16xf32, #tpu.memory_space<vmem>>
        %dma_wait3A_201 = arith.constant 0 : i32
        %dma_wait3A_202 = tpu.memref_slice %arg6[%squeeze3A_190, %dma_wait3A_201] : memref<1000000x16xf32, #tpu.memory_space<hbm>> -> memref<1x16xf32, #tpu.memory_space<hbm>>
        tpu.wait_dma2 semaphore(%arg14 : memref<!tpu.dma_semaphore, #tpu.memory_space<semaphore_mem>>) src(%dma_wait3A_202 : memref<1x16xf32, #tpu.memory_space<hbm>>) dst(%dma_wait3A_200 : memref<1x16xf32, #tpu.memory_space<vmem>>)
        %slice3A_203 = vector.extract_strided_slice %get3A_35 {offsets = [6], sizes = [1], strides = [1]} : vector<16xi32> to vector<1xi32>
        %squeeze3A_204 = vector.extract %slice3A_203[0] : i32 from vector<1xi32>
        %mul3A_205 = arith.constant 16 : i32
        %mul3A_206 = arith.muli %scan3A_30, %mul3A_205 : i32
        %add3A_207 = arith.constant 6 : i32
        %add3A_208 = arith.addi %mul3A_206, %add3A_207 : i32
        %dma_wait3A_209 = arith.constant 0 : i32
        %dma_wait3A_210 = tpu.memref_slice %arg10[%add3A_208, %dma_wait3A_209] : memref<128x16xf32, #tpu.memory_space<vmem>> -> memref<1x16xf32, #tpu.memory_space<vmem>>
        %dma_wait3A_211 = arith.constant 0 : i32
        %dma_wait3A_212 = tpu.memref_slice %arg5[%squeeze3A_204, %dma_wait3A_211] : memref<1000000x16xf32, #tpu.memory_space<hbm>> -> memref<1x16xf32, #tpu.memory_space<hbm>>
        %dma_wait3A_213 = arith.constant 0 : i32
        %dma_wait3A_214 = tpu.memref_slice %arg10[%add3A_208, %dma_wait3A_213] : memref<128x16xf32, #tpu.memory_space<vmem>> -> memref<1x16xf32, #tpu.memory_space<vmem>>
        %dma_wait3A_215 = arith.constant 0 : i32
        %dma_wait3A_216 = tpu.memref_slice %arg5[%squeeze3A_204, %dma_wait3A_215] : memref<1000000x16xf32, #tpu.memory_space<hbm>> -> memref<1x16xf32, #tpu.memory_space<hbm>>
        tpu.wait_dma2 semaphore(%arg14 : memref<!tpu.dma_semaphore, #tpu.memory_space<semaphore_mem>>) src(%dma_wait3A_216 : memref<1x16xf32, #tpu.memory_space<hbm>>) dst(%dma_wait3A_214 : memref<1x16xf32, #tpu.memory_space<vmem>>)
        %slice3A_217 = vector.extract_strided_slice %get3A_37 {offsets = [6], sizes = [1], strides = [1]} : vector<16xi32> to vector<1xi32>
        %squeeze3A_218 = vector.extract %slice3A_217[0] : i32 from vector<1xi32>
        %mul3A_219 = arith.constant 16 : i32
        %mul3A_220 = arith.muli %scan3A_30, %mul3A_219 : i32
        %add3A_221 = arith.constant 6 : i32
        %add3A_222 = arith.addi %mul3A_220, %add3A_221 : i32
        %dma_wait3A_223 = arith.constant 0 : i32
        %dma_wait3A_224 = tpu.memref_slice %arg11[%add3A_222, %dma_wait3A_223] : memref<128x16xf32, #tpu.memory_space<vmem>> -> memref<1x16xf32, #tpu.memory_space<vmem>>
        %dma_wait3A_225 = arith.constant 0 : i32
        %dma_wait3A_226 = tpu.memref_slice %arg6[%squeeze3A_218, %dma_wait3A_225] : memref<1000000x16xf32, #tpu.memory_space<hbm>> -> memref<1x16xf32, #tpu.memory_space<hbm>>
        %dma_wait3A_227 = arith.constant 0 : i32
        %dma_wait3A_228 = tpu.memref_slice %arg11[%add3A_222, %dma_wait3A_227] : memref<128x16xf32, #tpu.memory_space<vmem>> -> memref<1x16xf32, #tpu.memory_space<vmem>>
        %dma_wait3A_229 = arith.constant 0 : i32
        %dma_wait3A_230 = tpu.memref_slice %arg6[%squeeze3A_218, %dma_wait3A_229] : memref<1000000x16xf32, #tpu.memory_space<hbm>> -> memref<1x16xf32, #tpu.memory_space<hbm>>
        tpu.wait_dma2 semaphore(%arg14 : memref<!tpu.dma_semaphore, #tpu.memory_space<semaphore_mem>>) src(%dma_wait3A_230 : memref<1x16xf32, #tpu.memory_space<hbm>>) dst(%dma_wait3A_228 : memref<1x16xf32, #tpu.memory_space<vmem>>)
        %slice3A_231 = vector.extract_strided_slice %get3A_35 {offsets = [7], sizes = [1], strides = [1]} : vector<16xi32> to vector<1xi32>
        %squeeze3A_232 = vector.extract %slice3A_231[0] : i32 from vector<1xi32>
        %mul3A_233 = arith.constant 16 : i32
        %mul3A_234 = arith.muli %scan3A_30, %mul3A_233 : i32
        %add3A_235 = arith.constant 7 : i32
        %add3A_236 = arith.addi %mul3A_234, %add3A_235 : i32
        %dma_wait3A_237 = arith.constant 0 : i32
        %dma_wait3A_238 = tpu.memref_slice %arg10[%add3A_236, %dma_wait3A_237] : memref<128x16xf32, #tpu.memory_space<vmem>> -> memref<1x16xf32, #tpu.memory_space<vmem>>
        %dma_wait3A_239 = arith.constant 0 : i32
        %dma_wait3A_240 = tpu.memref_slice %arg5[%squeeze3A_232, %dma_wait3A_239] : memref<1000000x16xf32, #tpu.memory_space<hbm>> -> memref<1x16xf32, #tpu.memory_space<hbm>>
        %dma_wait3A_241 = arith.constant 0 : i32
        %dma_wait3A_242 = tpu.memref_slice %arg10[%add3A_236, %dma_wait3A_241] : memref<128x16xf32, #tpu.memory_space<vmem>> -> memref<1x16xf32, #tpu.memory_space<vmem>>
        %dma_wait3A_243 = arith.constant 0 : i32
        %dma_wait3A_244 = tpu.memref_slice %arg5[%squeeze3A_232, %dma_wait3A_243] : memref<1000000x16xf32, #tpu.memory_space<hbm>> -> memref<1x16xf32, #tpu.memory_space<hbm>>
        tpu.wait_dma2 semaphore(%arg14 : memref<!tpu.dma_semaphore, #tpu.memory_space<semaphore_mem>>) src(%dma_wait3A_244 : memref<1x16xf32, #tpu.memory_space<hbm>>) dst(%dma_wait3A_242 : memref<1x16xf32, #tpu.memory_space<vmem>>)
        %slice3A_245 = vector.extract_strided_slice %get3A_37 {offsets = [7], sizes = [1], strides = [1]} : vector<16xi32> to vector<1xi32>
        %squeeze3A_246 = vector.extract %slice3A_245[0] : i32 from vector<1xi32>
        %mul3A_247 = arith.constant 16 : i32
        %mul3A_248 = arith.muli %scan3A_30, %mul3A_247 : i32
        %add3A_249 = arith.constant 7 : i32
        %add3A_250 = arith.addi %mul3A_248, %add3A_249 : i32
        %dma_wait3A_251 = arith.constant 0 : i32
        %dma_wait3A_252 = tpu.memref_slice %arg11[%add3A_250, %dma_wait3A_251] : memref<128x16xf32, #tpu.memory_space<vmem>> -> memref<1x16xf32, #tpu.memory_space<vmem>>
        %dma_wait3A_253 = arith.constant 0 : i32
        %dma_wait3A_254 = tpu.memref_slice %arg6[%squeeze3A_246, %dma_wait3A_253] : memref<1000000x16xf32, #tpu.memory_space<hbm>> -> memref<1x16xf32, #tpu.memory_space<hbm>>
        %dma_wait3A_255 = arith.constant 0 : i32
        %dma_wait3A_256 = tpu.memref_slice %arg11[%add3A_250, %dma_wait3A_255] : memref<128x16xf32, #tpu.memory_space<vmem>> -> memref<1x16xf32, #tpu.memory_space<vmem>>
        %dma_wait3A_257 = arith.constant 0 : i32
        %dma_wait3A_258 = tpu.memref_slice %arg6[%squeeze3A_246, %dma_wait3A_257] : memref<1000000x16xf32, #tpu.memory_space<hbm>> -> memref<1x16xf32, #tpu.memory_space<hbm>>
        tpu.wait_dma2 semaphore(%arg14 : memref<!tpu.dma_semaphore, #tpu.memory_space<semaphore_mem>>) src(%dma_wait3A_258 : memref<1x16xf32, #tpu.memory_space<hbm>>) dst(%dma_wait3A_256 : memref<1x16xf32, #tpu.memory_space<vmem>>)
        %slice3A_259 = vector.extract_strided_slice %get3A_35 {offsets = [8], sizes = [1], strides = [1]} : vector<16xi32> to vector<1xi32>
        %squeeze3A_260 = vector.extract %slice3A_259[0] : i32 from vector<1xi32>
        %mul3A_261 = arith.constant 16 : i32
        %mul3A_262 = arith.muli %scan3A_30, %mul3A_261 : i32
        %add3A_263 = arith.constant 8 : i32
        %add3A_264 = arith.addi %mul3A_262, %add3A_263 : i32
        %dma_wait3A_265 = arith.constant 0 : i32
        %dma_wait3A_266 = tpu.memref_slice %arg10[%add3A_264, %dma_wait3A_265] : memref<128x16xf32, #tpu.memory_space<vmem>> -> memref<1x16xf32, #tpu.memory_space<vmem>>
        %dma_wait3A_267 = arith.constant 0 : i32
        %dma_wait3A_268 = tpu.memref_slice %arg5[%squeeze3A_260, %dma_wait3A_267] : memref<1000000x16xf32, #tpu.memory_space<hbm>> -> memref<1x16xf32, #tpu.memory_space<hbm>>
        %dma_wait3A_269 = arith.constant 0 : i32
        %dma_wait3A_270 = tpu.memref_slice %arg10[%add3A_264, %dma_wait3A_269] : memref<128x16xf32, #tpu.memory_space<vmem>> -> memref<1x16xf32, #tpu.memory_space<vmem>>
        %dma_wait3A_271 = arith.constant 0 : i32
        %dma_wait3A_272 = tpu.memref_slice %arg5[%squeeze3A_260, %dma_wait3A_271] : memref<1000000x16xf32, #tpu.memory_space<hbm>> -> memref<1x16xf32, #tpu.memory_space<hbm>>
        tpu.wait_dma2 semaphore(%arg14 : memref<!tpu.dma_semaphore, #tpu.memory_space<semaphore_mem>>) src(%dma_wait3A_272 : memref<1x16xf32, #tpu.memory_space<hbm>>) dst(%dma_wait3A_270 : memref<1x16xf32, #tpu.memory_space<vmem>>)
        %slice3A_273 = vector.extract_strided_slice %get3A_37 {offsets = [8], sizes = [1], strides = [1]} : vector<16xi32> to vector<1xi32>
        %squeeze3A_274 = vector.extract %slice3A_273[0] : i32 from vector<1xi32>
        %mul3A_275 = arith.constant 16 : i32
        %mul3A_276 = arith.muli %scan3A_30, %mul3A_275 : i32
        %add3A_277 = arith.constant 8 : i32
        %add3A_278 = arith.addi %mul3A_276, %add3A_277 : i32
        %dma_wait3A_279 = arith.constant 0 : i32
        %dma_wait3A_280 = tpu.memref_slice %arg11[%add3A_278, %dma_wait3A_279] : memref<128x16xf32, #tpu.memory_space<vmem>> -> memref<1x16xf32, #tpu.memory_space<vmem>>
        %dma_wait3A_281 = arith.constant 0 : i32
        %dma_wait3A_282 = tpu.memref_slice %arg6[%squeeze3A_274, %dma_wait3A_281] : memref<1000000x16xf32, #tpu.memory_space<hbm>> -> memref<1x16xf32, #tpu.memory_space<hbm>>
        %dma_wait3A_283 = arith.constant 0 : i32
        %dma_wait3A_284 = tpu.memref_slice %arg11[%add3A_278, %dma_wait3A_283] : memref<128x16xf32, #tpu.memory_space<vmem>> -> memref<1x16xf32, #tpu.memory_space<vmem>>
        %dma_wait3A_285 = arith.constant 0 : i32
        %dma_wait3A_286 = tpu.memref_slice %arg6[%squeeze3A_274, %dma_wait3A_285] : memref<1000000x16xf32, #tpu.memory_space<hbm>> -> memref<1x16xf32, #tpu.memory_space<hbm>>
        tpu.wait_dma2 semaphore(%arg14 : memref<!tpu.dma_semaphore, #tpu.memory_space<semaphore_mem>>) src(%dma_wait3A_286 : memref<1x16xf32, #tpu.memory_space<hbm>>) dst(%dma_wait3A_284 : memref<1x16xf32, #tpu.memory_space<vmem>>)
        %slice3A_287 = vector.extract_strided_slice %get3A_35 {offsets = [9], sizes = [1], strides = [1]} : vector<16xi32> to vector<1xi32>
        %squeeze3A_288 = vector.extract %slice3A_287[0] : i32 from vector<1xi32>
        %mul3A_289 = arith.constant 16 : i32
        %mul3A_290 = arith.muli %scan3A_30, %mul3A_289 : i32
        %add3A_291 = arith.constant 9 : i32
        %add3A_292 = arith.addi %mul3A_290, %add3A_291 : i32
        %dma_wait3A_293 = arith.constant 0 : i32
        %dma_wait3A_294 = tpu.memref_slice %arg10[%add3A_292, %dma_wait3A_293] : memref<128x16xf32, #tpu.memory_space<vmem>> -> memref<1x16xf32, #tpu.memory_space<vmem>>
        %dma_wait3A_295 = arith.constant 0 : i32
        %dma_wait3A_296 = tpu.memref_slice %arg5[%squeeze3A_288, %dma_wait3A_295] : memref<1000000x16xf32, #tpu.memory_space<hbm>> -> memref<1x16xf32, #tpu.memory_space<hbm>>
        %dma_wait3A_297 = arith.constant 0 : i32
        %dma_wait3A_298 = tpu.memref_slice %arg10[%add3A_292, %dma_wait3A_297] : memref<128x16xf32, #tpu.memory_space<vmem>> -> memref<1x16xf32, #tpu.memory_space<vmem>>
        %dma_wait3A_299 = arith.constant 0 : i32
        %dma_wait3A_300 = tpu.memref_slice %arg5[%squeeze3A_288, %dma_wait3A_299] : memref<1000000x16xf32, #tpu.memory_space<hbm>> -> memref<1x16xf32, #tpu.memory_space<hbm>>
        tpu.wait_dma2 semaphore(%arg14 : memref<!tpu.dma_semaphore, #tpu.memory_space<semaphore_mem>>) src(%dma_wait3A_300 : memref<1x16xf32, #tpu.memory_space<hbm>>) dst(%dma_wait3A_298 : memref<1x16xf32, #tpu.memory_space<vmem>>)
        %slice3A_301 = vector.extract_strided_slice %get3A_37 {offsets = [9], sizes = [1], strides = [1]} : vector<16xi32> to vector<1xi32>
        %squeeze3A_302 = vector.extract %slice3A_301[0] : i32 from vector<1xi32>
        %mul3A_303 = arith.constant 16 : i32
        %mul3A_304 = arith.muli %scan3A_30, %mul3A_303 : i32
        %add3A_305 = arith.constant 9 : i32
        %add3A_306 = arith.addi %mul3A_304, %add3A_305 : i32
        %dma_wait3A_307 = arith.constant 0 : i32
        %dma_wait3A_308 = tpu.memref_slice %arg11[%add3A_306, %dma_wait3A_307] : memref<128x16xf32, #tpu.memory_space<vmem>> -> memref<1x16xf32, #tpu.memory_space<vmem>>
        %dma_wait3A_309 = arith.constant 0 : i32
        %dma_wait3A_310 = tpu.memref_slice %arg6[%squeeze3A_302, %dma_wait3A_309] : memref<1000000x16xf32, #tpu.memory_space<hbm>> -> memref<1x16xf32, #tpu.memory_space<hbm>>
        %dma_wait3A_311 = arith.constant 0 : i32
        %dma_wait3A_312 = tpu.memref_slice %arg11[%add3A_306, %dma_wait3A_311] : memref<128x16xf32, #tpu.memory_space<vmem>> -> memref<1x16xf32, #tpu.memory_space<vmem>>
        %dma_wait3A_313 = arith.constant 0 : i32
        %dma_wait3A_314 = tpu.memref_slice %arg6[%squeeze3A_302, %dma_wait3A_313] : memref<1000000x16xf32, #tpu.memory_space<hbm>> -> memref<1x16xf32, #tpu.memory_space<hbm>>
        tpu.wait_dma2 semaphore(%arg14 : memref<!tpu.dma_semaphore, #tpu.memory_space<semaphore_mem>>) src(%dma_wait3A_314 : memref<1x16xf32, #tpu.memory_space<hbm>>) dst(%dma_wait3A_312 : memref<1x16xf32, #tpu.memory_space<vmem>>)
        %slice3A_315 = vector.extract_strided_slice %get3A_35 {offsets = [10], sizes = [1], strides = [1]} : vector<16xi32> to vector<1xi32>
        %squeeze3A_316 = vector.extract %slice3A_315[0] : i32 from vector<1xi32>
        %mul3A_317 = arith.constant 16 : i32
        %mul3A_318 = arith.muli %scan3A_30, %mul3A_317 : i32
        %add3A_319 = arith.constant 10 : i32
        %add3A_320 = arith.addi %mul3A_318, %add3A_319 : i32
        %dma_wait3A_321 = arith.constant 0 : i32
        %dma_wait3A_322 = tpu.memref_slice %arg10[%add3A_320, %dma_wait3A_321] : memref<128x16xf32, #tpu.memory_space<vmem>> -> memref<1x16xf32, #tpu.memory_space<vmem>>
        %dma_wait3A_323 = arith.constant 0 : i32
        %dma_wait3A_324 = tpu.memref_slice %arg5[%squeeze3A_316, %dma_wait3A_323] : memref<1000000x16xf32, #tpu.memory_space<hbm>> -> memref<1x16xf32, #tpu.memory_space<hbm>>
        %dma_wait3A_325 = arith.constant 0 : i32
        %dma_wait3A_326 = tpu.memref_slice %arg10[%add3A_320, %dma_wait3A_325] : memref<128x16xf32, #tpu.memory_space<vmem>> -> memref<1x16xf32, #tpu.memory_space<vmem>>
        %dma_wait3A_327 = arith.constant 0 : i32
        %dma_wait3A_328 = tpu.memref_slice %arg5[%squeeze3A_316, %dma_wait3A_327] : memref<1000000x16xf32, #tpu.memory_space<hbm>> -> memref<1x16xf32, #tpu.memory_space<hbm>>
        tpu.wait_dma2 semaphore(%arg14 : memref<!tpu.dma_semaphore, #tpu.memory_space<semaphore_mem>>) src(%dma_wait3A_328 : memref<1x16xf32, #tpu.memory_space<hbm>>) dst(%dma_wait3A_326 : memref<1x16xf32, #tpu.memory_space<vmem>>)
        %slice3A_329 = vector.extract_strided_slice %get3A_37 {offsets = [10], sizes = [1], strides = [1]} : vector<16xi32> to vector<1xi32>
        %squeeze3A_330 = vector.extract %slice3A_329[0] : i32 from vector<1xi32>
        %mul3A_331 = arith.constant 16 : i32
        %mul3A_332 = arith.muli %scan3A_30, %mul3A_331 : i32
        %add3A_333 = arith.constant 10 : i32
        %add3A_334 = arith.addi %mul3A_332, %add3A_333 : i32
        %dma_wait3A_335 = arith.constant 0 : i32
        %dma_wait3A_336 = tpu.memref_slice %arg11[%add3A_334, %dma_wait3A_335] : memref<128x16xf32, #tpu.memory_space<vmem>> -> memref<1x16xf32, #tpu.memory_space<vmem>>
        %dma_wait3A_337 = arith.constant 0 : i32
        %dma_wait3A_338 = tpu.memref_slice %arg6[%squeeze3A_330, %dma_wait3A_337] : memref<1000000x16xf32, #tpu.memory_space<hbm>> -> memref<1x16xf32, #tpu.memory_space<hbm>>
        %dma_wait3A_339 = arith.constant 0 : i32
        %dma_wait3A_340 = tpu.memref_slice %arg11[%add3A_334, %dma_wait3A_339] : memref<128x16xf32, #tpu.memory_space<vmem>> -> memref<1x16xf32, #tpu.memory_space<vmem>>
        %dma_wait3A_341 = arith.constant 0 : i32
        %dma_wait3A_342 = tpu.memref_slice %arg6[%squeeze3A_330, %dma_wait3A_341] : memref<1000000x16xf32, #tpu.memory_space<hbm>> -> memref<1x16xf32, #tpu.memory_space<hbm>>
        tpu.wait_dma2 semaphore(%arg14 : memref<!tpu.dma_semaphore, #tpu.memory_space<semaphore_mem>>) src(%dma_wait3A_342 : memref<1x16xf32, #tpu.memory_space<hbm>>) dst(%dma_wait3A_340 : memref<1x16xf32, #tpu.memory_space<vmem>>)
        %slice3A_343 = vector.extract_strided_slice %get3A_35 {offsets = [11], sizes = [1], strides = [1]} : vector<16xi32> to vector<1xi32>
        %squeeze3A_344 = vector.extract %slice3A_343[0] : i32 from vector<1xi32>
        %mul3A_345 = arith.constant 16 : i32
        %mul3A_346 = arith.muli %scan3A_30, %mul3A_345 : i32
        %add3A_347 = arith.constant 11 : i32
        %add3A_348 = arith.addi %mul3A_346, %add3A_347 : i32
        %dma_wait3A_349 = arith.constant 0 : i32
        %dma_wait3A_350 = tpu.memref_slice %arg10[%add3A_348, %dma_wait3A_349] : memref<128x16xf32, #tpu.memory_space<vmem>> -> memref<1x16xf32, #tpu.memory_space<vmem>>
        %dma_wait3A_351 = arith.constant 0 : i32
        %dma_wait3A_352 = tpu.memref_slice %arg5[%squeeze3A_344, %dma_wait3A_351] : memref<1000000x16xf32, #tpu.memory_space<hbm>> -> memref<1x16xf32, #tpu.memory_space<hbm>>
        %dma_wait3A_353 = arith.constant 0 : i32
        %dma_wait3A_354 = tpu.memref_slice %arg10[%add3A_348, %dma_wait3A_353] : memref<128x16xf32, #tpu.memory_space<vmem>> -> memref<1x16xf32, #tpu.memory_space<vmem>>
        %dma_wait3A_355 = arith.constant 0 : i32
        %dma_wait3A_356 = tpu.memref_slice %arg5[%squeeze3A_344, %dma_wait3A_355] : memref<1000000x16xf32, #tpu.memory_space<hbm>> -> memref<1x16xf32, #tpu.memory_space<hbm>>
        tpu.wait_dma2 semaphore(%arg14 : memref<!tpu.dma_semaphore, #tpu.memory_space<semaphore_mem>>) src(%dma_wait3A_356 : memref<1x16xf32, #tpu.memory_space<hbm>>) dst(%dma_wait3A_354 : memref<1x16xf32, #tpu.memory_space<vmem>>)
        %slice3A_357 = vector.extract_strided_slice %get3A_37 {offsets = [11], sizes = [1], strides = [1]} : vector<16xi32> to vector<1xi32>
        %squeeze3A_358 = vector.extract %slice3A_357[0] : i32 from vector<1xi32>
        %mul3A_359 = arith.constant 16 : i32
        %mul3A_360 = arith.muli %scan3A_30, %mul3A_359 : i32
        %add3A_361 = arith.constant 11 : i32
        %add3A_362 = arith.addi %mul3A_360, %add3A_361 : i32
        %dma_wait3A_363 = arith.constant 0 : i32
        %dma_wait3A_364 = tpu.memref_slice %arg11[%add3A_362, %dma_wait3A_363] : memref<128x16xf32, #tpu.memory_space<vmem>> -> memref<1x16xf32, #tpu.memory_space<vmem>>
        %dma_wait3A_365 = arith.constant 0 : i32
        %dma_wait3A_366 = tpu.memref_slice %arg6[%squeeze3A_358, %dma_wait3A_365] : memref<1000000x16xf32, #tpu.memory_space<hbm>> -> memref<1x16xf32, #tpu.memory_space<hbm>>
        %dma_wait3A_367 = arith.constant 0 : i32
        %dma_wait3A_368 = tpu.memref_slice %arg11[%add3A_362, %dma_wait3A_367] : memref<128x16xf32, #tpu.memory_space<vmem>> -> memref<1x16xf32, #tpu.memory_space<vmem>>
        %dma_wait3A_369 = arith.constant 0 : i32
        %dma_wait3A_370 = tpu.memref_slice %arg6[%squeeze3A_358, %dma_wait3A_369] : memref<1000000x16xf32, #tpu.memory_space<hbm>> -> memref<1x16xf32, #tpu.memory_space<hbm>>
        tpu.wait_dma2 semaphore(%arg14 : memref<!tpu.dma_semaphore, #tpu.memory_space<semaphore_mem>>) src(%dma_wait3A_370 : memref<1x16xf32, #tpu.memory_space<hbm>>) dst(%dma_wait3A_368 : memref<1x16xf32, #tpu.memory_space<vmem>>)
        %slice3A_371 = vector.extract_strided_slice %get3A_35 {offsets = [12], sizes = [1], strides = [1]} : vector<16xi32> to vector<1xi32>
        %squeeze3A_372 = vector.extract %slice3A_371[0] : i32 from vector<1xi32>
        %mul3A_373 = arith.constant 16 : i32
        %mul3A_374 = arith.muli %scan3A_30, %mul3A_373 : i32
        %add3A_375 = arith.constant 12 : i32
        %add3A_376 = arith.addi %mul3A_374, %add3A_375 : i32
        %dma_wait3A_377 = arith.constant 0 : i32
        %dma_wait3A_378 = tpu.memref_slice %arg10[%add3A_376, %dma_wait3A_377] : memref<128x16xf32, #tpu.memory_space<vmem>> -> memref<1x16xf32, #tpu.memory_space<vmem>>
        %dma_wait3A_379 = arith.constant 0 : i32
        %dma_wait3A_380 = tpu.memref_slice %arg5[%squeeze3A_372, %dma_wait3A_379] : memref<1000000x16xf32, #tpu.memory_space<hbm>> -> memref<1x16xf32, #tpu.memory_space<hbm>>
        %dma_wait3A_381 = arith.constant 0 : i32
        %dma_wait3A_382 = tpu.memref_slice %arg10[%add3A_376, %dma_wait3A_381] : memref<128x16xf32, #tpu.memory_space<vmem>> -> memref<1x16xf32, #tpu.memory_space<vmem>>
        %dma_wait3A_383 = arith.constant 0 : i32
        %dma_wait3A_384 = tpu.memref_slice %arg5[%squeeze3A_372, %dma_wait3A_383] : memref<1000000x16xf32, #tpu.memory_space<hbm>> -> memref<1x16xf32, #tpu.memory_space<hbm>>
        tpu.wait_dma2 semaphore(%arg14 : memref<!tpu.dma_semaphore, #tpu.memory_space<semaphore_mem>>) src(%dma_wait3A_384 : memref<1x16xf32, #tpu.memory_space<hbm>>) dst(%dma_wait3A_382 : memref<1x16xf32, #tpu.memory_space<vmem>>)
        %slice3A_385 = vector.extract_strided_slice %get3A_37 {offsets = [12], sizes = [1], strides = [1]} : vector<16xi32> to vector<1xi32>
        %squeeze3A_386 = vector.extract %slice3A_385[0] : i32 from vector<1xi32>
        %mul3A_387 = arith.constant 16 : i32
        %mul3A_388 = arith.muli %scan3A_30, %mul3A_387 : i32
        %add3A_389 = arith.constant 12 : i32
        %add3A_390 = arith.addi %mul3A_388, %add3A_389 : i32
        %dma_wait3A_391 = arith.constant 0 : i32
        %dma_wait3A_392 = tpu.memref_slice %arg11[%add3A_390, %dma_wait3A_391] : memref<128x16xf32, #tpu.memory_space<vmem>> -> memref<1x16xf32, #tpu.memory_space<vmem>>
        %dma_wait3A_393 = arith.constant 0 : i32
        %dma_wait3A_394 = tpu.memref_slice %arg6[%squeeze3A_386, %dma_wait3A_393] : memref<1000000x16xf32, #tpu.memory_space<hbm>> -> memref<1x16xf32, #tpu.memory_space<hbm>>
        %dma_wait3A_395 = arith.constant 0 : i32
        %dma_wait3A_396 = tpu.memref_slice %arg11[%add3A_390, %dma_wait3A_395] : memref<128x16xf32, #tpu.memory_space<vmem>> -> memref<1x16xf32, #tpu.memory_space<vmem>>
        %dma_wait3A_397 = arith.constant 0 : i32
        %dma_wait3A_398 = tpu.memref_slice %arg6[%squeeze3A_386, %dma_wait3A_397] : memref<1000000x16xf32, #tpu.memory_space<hbm>> -> memref<1x16xf32, #tpu.memory_space<hbm>>
        tpu.wait_dma2 semaphore(%arg14 : memref<!tpu.dma_semaphore, #tpu.memory_space<semaphore_mem>>) src(%dma_wait3A_398 : memref<1x16xf32, #tpu.memory_space<hbm>>) dst(%dma_wait3A_396 : memref<1x16xf32, #tpu.memory_space<vmem>>)
        %slice3A_399 = vector.extract_strided_slice %get3A_35 {offsets = [13], sizes = [1], strides = [1]} : vector<16xi32> to vector<1xi32>
        %squeeze3A_400 = vector.extract %slice3A_399[0] : i32 from vector<1xi32>
        %mul3A_401 = arith.constant 16 : i32
        %mul3A_402 = arith.muli %scan3A_30, %mul3A_401 : i32
        %add3A_403 = arith.constant 13 : i32
        %add3A_404 = arith.addi %mul3A_402, %add3A_403 : i32
        %dma_wait3A_405 = arith.constant 0 : i32
        %dma_wait3A_406 = tpu.memref_slice %arg10[%add3A_404, %dma_wait3A_405] : memref<128x16xf32, #tpu.memory_space<vmem>> -> memref<1x16xf32, #tpu.memory_space<vmem>>
        %dma_wait3A_407 = arith.constant 0 : i32
        %dma_wait3A_408 = tpu.memref_slice %arg5[%squeeze3A_400, %dma_wait3A_407] : memref<1000000x16xf32, #tpu.memory_space<hbm>> -> memref<1x16xf32, #tpu.memory_space<hbm>>
        %dma_wait3A_409 = arith.constant 0 : i32
        %dma_wait3A_410 = tpu.memref_slice %arg10[%add3A_404, %dma_wait3A_409] : memref<128x16xf32, #tpu.memory_space<vmem>> -> memref<1x16xf32, #tpu.memory_space<vmem>>
        %dma_wait3A_411 = arith.constant 0 : i32
        %dma_wait3A_412 = tpu.memref_slice %arg5[%squeeze3A_400, %dma_wait3A_411] : memref<1000000x16xf32, #tpu.memory_space<hbm>> -> memref<1x16xf32, #tpu.memory_space<hbm>>
        tpu.wait_dma2 semaphore(%arg14 : memref<!tpu.dma_semaphore, #tpu.memory_space<semaphore_mem>>) src(%dma_wait3A_412 : memref<1x16xf32, #tpu.memory_space<hbm>>) dst(%dma_wait3A_410 : memref<1x16xf32, #tpu.memory_space<vmem>>)
        %slice3A_413 = vector.extract_strided_slice %get3A_37 {offsets = [13], sizes = [1], strides = [1]} : vector<16xi32> to vector<1xi32>
        %squeeze3A_414 = vector.extract %slice3A_413[0] : i32 from vector<1xi32>
        %mul3A_415 = arith.constant 16 : i32
        %mul3A_416 = arith.muli %scan3A_30, %mul3A_415 : i32
        %add3A_417 = arith.constant 13 : i32
        %add3A_418 = arith.addi %mul3A_416, %add3A_417 : i32
        %dma_wait3A_419 = arith.constant 0 : i32
        %dma_wait3A_420 = tpu.memref_slice %arg11[%add3A_418, %dma_wait3A_419] : memref<128x16xf32, #tpu.memory_space<vmem>> -> memref<1x16xf32, #tpu.memory_space<vmem>>
        %dma_wait3A_421 = arith.constant 0 : i32
        %dma_wait3A_422 = tpu.memref_slice %arg6[%squeeze3A_414, %dma_wait3A_421] : memref<1000000x16xf32, #tpu.memory_space<hbm>> -> memref<1x16xf32, #tpu.memory_space<hbm>>
        %dma_wait3A_423 = arith.constant 0 : i32
        %dma_wait3A_424 = tpu.memref_slice %arg11[%add3A_418, %dma_wait3A_423] : memref<128x16xf32, #tpu.memory_space<vmem>> -> memref<1x16xf32, #tpu.memory_space<vmem>>
        %dma_wait3A_425 = arith.constant 0 : i32
        %dma_wait3A_426 = tpu.memref_slice %arg6[%squeeze3A_414, %dma_wait3A_425] : memref<1000000x16xf32, #tpu.memory_space<hbm>> -> memref<1x16xf32, #tpu.memory_space<hbm>>
        tpu.wait_dma2 semaphore(%arg14 : memref<!tpu.dma_semaphore, #tpu.memory_space<semaphore_mem>>) src(%dma_wait3A_426 : memref<1x16xf32, #tpu.memory_space<hbm>>) dst(%dma_wait3A_424 : memref<1x16xf32, #tpu.memory_space<vmem>>)
        %slice3A_427 = vector.extract_strided_slice %get3A_35 {offsets = [14], sizes = [1], strides = [1]} : vector<16xi32> to vector<1xi32>
        %squeeze3A_428 = vector.extract %slice3A_427[0] : i32 from vector<1xi32>
        %mul3A_429 = arith.constant 16 : i32
        %mul3A_430 = arith.muli %scan3A_30, %mul3A_429 : i32
        %add3A_431 = arith.constant 14 : i32
        %add3A_432 = arith.addi %mul3A_430, %add3A_431 : i32
        %dma_wait3A_433 = arith.constant 0 : i32
        %dma_wait3A_434 = tpu.memref_slice %arg10[%add3A_432, %dma_wait3A_433] : memref<128x16xf32, #tpu.memory_space<vmem>> -> memref<1x16xf32, #tpu.memory_space<vmem>>
        %dma_wait3A_435 = arith.constant 0 : i32
        %dma_wait3A_436 = tpu.memref_slice %arg5[%squeeze3A_428, %dma_wait3A_435] : memref<1000000x16xf32, #tpu.memory_space<hbm>> -> memref<1x16xf32, #tpu.memory_space<hbm>>
        %dma_wait3A_437 = arith.constant 0 : i32
        %dma_wait3A_438 = tpu.memref_slice %arg10[%add3A_432, %dma_wait3A_437] : memref<128x16xf32, #tpu.memory_space<vmem>> -> memref<1x16xf32, #tpu.memory_space<vmem>>
        %dma_wait3A_439 = arith.constant 0 : i32
        %dma_wait3A_440 = tpu.memref_slice %arg5[%squeeze3A_428, %dma_wait3A_439] : memref<1000000x16xf32, #tpu.memory_space<hbm>> -> memref<1x16xf32, #tpu.memory_space<hbm>>
        tpu.wait_dma2 semaphore(%arg14 : memref<!tpu.dma_semaphore, #tpu.memory_space<semaphore_mem>>) src(%dma_wait3A_440 : memref<1x16xf32, #tpu.memory_space<hbm>>) dst(%dma_wait3A_438 : memref<1x16xf32, #tpu.memory_space<vmem>>)
        %slice3A_441 = vector.extract_strided_slice %get3A_37 {offsets = [14], sizes = [1], strides = [1]} : vector<16xi32> to vector<1xi32>
        %squeeze3A_442 = vector.extract %slice3A_441[0] : i32 from vector<1xi32>
        %mul3A_443 = arith.constant 16 : i32
        %mul3A_444 = arith.muli %scan3A_30, %mul3A_443 : i32
        %add3A_445 = arith.constant 14 : i32
        %add3A_446 = arith.addi %mul3A_444, %add3A_445 : i32
        %dma_wait3A_447 = arith.constant 0 : i32
        %dma_wait3A_448 = tpu.memref_slice %arg11[%add3A_446, %dma_wait3A_447] : memref<128x16xf32, #tpu.memory_space<vmem>> -> memref<1x16xf32, #tpu.memory_space<vmem>>
        %dma_wait3A_449 = arith.constant 0 : i32
        %dma_wait3A_450 = tpu.memref_slice %arg6[%squeeze3A_442, %dma_wait3A_449] : memref<1000000x16xf32, #tpu.memory_space<hbm>> -> memref<1x16xf32, #tpu.memory_space<hbm>>
        %dma_wait3A_451 = arith.constant 0 : i32
        %dma_wait3A_452 = tpu.memref_slice %arg11[%add3A_446, %dma_wait3A_451] : memref<128x16xf32, #tpu.memory_space<vmem>> -> memref<1x16xf32, #tpu.memory_space<vmem>>
        %dma_wait3A_453 = arith.constant 0 : i32
        %dma_wait3A_454 = tpu.memref_slice %arg6[%squeeze3A_442, %dma_wait3A_453] : memref<1000000x16xf32, #tpu.memory_space<hbm>> -> memref<1x16xf32, #tpu.memory_space<hbm>>
        tpu.wait_dma2 semaphore(%arg14 : memref<!tpu.dma_semaphore, #tpu.memory_space<semaphore_mem>>) src(%dma_wait3A_454 : memref<1x16xf32, #tpu.memory_space<hbm>>) dst(%dma_wait3A_452 : memref<1x16xf32, #tpu.memory_space<vmem>>)
        %slice3A_455 = vector.extract_strided_slice %get3A_35 {offsets = [15], sizes = [1], strides = [1]} : vector<16xi32> to vector<1xi32>
        %squeeze3A_456 = vector.extract %slice3A_455[0] : i32 from vector<1xi32>
        %mul3A_457 = arith.constant 16 : i32
        %mul3A_458 = arith.muli %scan3A_30, %mul3A_457 : i32
        %add3A_459 = arith.constant 15 : i32
        %add3A_460 = arith.addi %mul3A_458, %add3A_459 : i32
        %dma_wait3A_461 = arith.constant 0 : i32
        %dma_wait3A_462 = tpu.memref_slice %arg10[%add3A_460, %dma_wait3A_461] : memref<128x16xf32, #tpu.memory_space<vmem>> -> memref<1x16xf32, #tpu.memory_space<vmem>>
        %dma_wait3A_463 = arith.constant 0 : i32
        %dma_wait3A_464 = tpu.memref_slice %arg5[%squeeze3A_456, %dma_wait3A_463] : memref<1000000x16xf32, #tpu.memory_space<hbm>> -> memref<1x16xf32, #tpu.memory_space<hbm>>
        %dma_wait3A_465 = arith.constant 0 : i32
        %dma_wait3A_466 = tpu.memref_slice %arg10[%add3A_460, %dma_wait3A_465] : memref<128x16xf32, #tpu.memory_space<vmem>> -> memref<1x16xf32, #tpu.memory_space<vmem>>
        %dma_wait3A_467 = arith.constant 0 : i32
        %dma_wait3A_468 = tpu.memref_slice %arg5[%squeeze3A_456, %dma_wait3A_467] : memref<1000000x16xf32, #tpu.memory_space<hbm>> -> memref<1x16xf32, #tpu.memory_space<hbm>>
        tpu.wait_dma2 semaphore(%arg14 : memref<!tpu.dma_semaphore, #tpu.memory_space<semaphore_mem>>) src(%dma_wait3A_468 : memref<1x16xf32, #tpu.memory_space<hbm>>) dst(%dma_wait3A_466 : memref<1x16xf32, #tpu.memory_space<vmem>>)
        %slice3A_469 = vector.extract_strided_slice %get3A_37 {offsets = [15], sizes = [1], strides = [1]} : vector<16xi32> to vector<1xi32>
        %squeeze3A_470 = vector.extract %slice3A_469[0] : i32 from vector<1xi32>
        %mul3A_471 = arith.constant 16 : i32
        %mul3A_472 = arith.muli %scan3A_30, %mul3A_471 : i32
        %add3A_473 = arith.constant 15 : i32
        %add3A_474 = arith.addi %mul3A_472, %add3A_473 : i32
        %dma_wait3A_475 = arith.constant 0 : i32
        %dma_wait3A_476 = tpu.memref_slice %arg11[%add3A_474, %dma_wait3A_475] : memref<128x16xf32, #tpu.memory_space<vmem>> -> memref<1x16xf32, #tpu.memory_space<vmem>>
        %dma_wait3A_477 = arith.constant 0 : i32
        %dma_wait3A_478 = tpu.memref_slice %arg6[%squeeze3A_470, %dma_wait3A_477] : memref<1000000x16xf32, #tpu.memory_space<hbm>> -> memref<1x16xf32, #tpu.memory_space<hbm>>
        %dma_wait3A_479 = arith.constant 0 : i32
        %dma_wait3A_480 = tpu.memref_slice %arg11[%add3A_474, %dma_wait3A_479] : memref<128x16xf32, #tpu.memory_space<vmem>> -> memref<1x16xf32, #tpu.memory_space<vmem>>
        %dma_wait3A_481 = arith.constant 0 : i32
        %dma_wait3A_482 = tpu.memref_slice %arg6[%squeeze3A_470, %dma_wait3A_481] : memref<1000000x16xf32, #tpu.memory_space<hbm>> -> memref<1x16xf32, #tpu.memory_space<hbm>>
        tpu.wait_dma2 semaphore(%arg14 : memref<!tpu.dma_semaphore, #tpu.memory_space<semaphore_mem>>) src(%dma_wait3A_482 : memref<1x16xf32, #tpu.memory_space<hbm>>) dst(%dma_wait3A_480 : memref<1x16xf32, #tpu.memory_space<vmem>>)
      }
      %scan3A_23 = arith.constant 8 : i32
      %scan3A_24 = arith.constant 0 : i32
      %scan3A_25 = arith.constant 0 : i32
      %scan3A_26 = arith.constant 8 : i32
      %scan3A_27 = arith.addi %scan3A_25, %scan3A_26 : i32
      %scan3A_28 = arith.constant 1 : i32
      scf.for %scan3A_30 = %scan3A_25 to %scan3A_27 step %scan3A_28  : i32 {
        %mul3A_31 = arith.constant 16 : i32
        %mul3A_32 = arith.muli %scan3A_30, %mul3A_31 : i32
        %add3A_33 = vector.broadcast %mul3A_32 : i32 to vector<16xi32>
        %add3A_34 = arith.addi %add3A_33, %iota3A : vector<16xi32>
        %broadcast_in_dim3A = arith.constant 0.000000e+00 : f32
        %broadcast_in_dim3A_35 = vector.broadcast %broadcast_in_dim3A : f32 to vector<16xf32>
        %broadcast_in_dim3A_36 = arith.constant 0 : i32
        %broadcast_in_dim3A_37 = vector.broadcast %broadcast_in_dim3A_36 : i32 to vector<16xi32>
        %gather3A = tpu.vector_load_idx %arg10[%add3A_34, %broadcast_in_dim3A_37] : memref<128x16xf32, #tpu.memory_space<vmem>>[vector<16xi32>, vector<16xi32>], vector<16xf32>,
        %gather3A_38 = tpu.vector_load_idx %arg11[%add3A_34, %broadcast_in_dim3A_37] : memref<128x16xf32, #tpu.memory_space<vmem>>[vector<16xi32>, vector<16xi32>], vector<16xf32>,
        %mul3A_39 = arith.mulf %gather3A, %gather3A_38 : vector<16xf32>
        %add3A_40 = arith.addf %broadcast_in_dim3A_35, %mul3A_39 : vector<16xf32>
        %mul3A_41 = arith.mulf %gather3A, %gather3A : vector<16xf32>
        %add3A_42 = arith.addf %broadcast_in_dim3A_35, %mul3A_41 : vector<16xf32>
        %mul3A_43 = arith.mulf %gather3A_38, %gather3A_38 : vector<16xf32>
        %add3A_44 = arith.addf %broadcast_in_dim3A_35, %mul3A_43 : vector<16xf32>
        %broadcast_in_dim3A_45 = arith.constant 1 : i32
        %broadcast_in_dim3A_46 = vector.broadcast %broadcast_in_dim3A_45 : i32 to vector<16xi32>
        %gather3A_47 = tpu.vector_load_idx %arg10[%add3A_34, %broadcast_in_dim3A_46] : memref<128x16xf32, #tpu.memory_space<vmem>>[vector<16xi32>, vector<16xi32>], vector<16xf32>,
        %gather3A_48 = tpu.vector_load_idx %arg11[%add3A_34, %broadcast_in_dim3A_46] : memref<128x16xf32, #tpu.memory_space<vmem>>[vector<16xi32>, vector<16xi32>], vector<16xf32>,
        %mul3A_49 = arith.mulf %gather3A_47, %gather3A_48 : vector<16xf32>
        %add3A_50 = arith.addf %add3A_40, %mul3A_49 : vector<16xf32>
        %mul3A_51 = arith.mulf %gather3A_47, %gather3A_47 : vector<16xf32>
        %add3A_52 = arith.addf %add3A_42, %mul3A_51 : vector<16xf32>
        %mul3A_53 = arith.mulf %gather3A_48, %gather3A_48 : vector<16xf32>
        %add3A_54 = arith.addf %add3A_44, %mul3A_53 : vector<16xf32>
        %broadcast_in_dim3A_55 = arith.constant 2 : i32
        %broadcast_in_dim3A_56 = vector.broadcast %broadcast_in_dim3A_55 : i32 to vector<16xi32>
        %gather3A_57 = tpu.vector_load_idx %arg10[%add3A_34, %broadcast_in_dim3A_56] : memref<128x16xf32, #tpu.memory_space<vmem>>[vector<16xi32>, vector<16xi32>], vector<16xf32>,
        %gather3A_58 = tpu.vector_load_idx %arg11[%add3A_34, %broadcast_in_dim3A_56] : memref<128x16xf32, #tpu.memory_space<vmem>>[vector<16xi32>, vector<16xi32>], vector<16xf32>,
        %mul3A_59 = arith.mulf %gather3A_57, %gather3A_58 : vector<16xf32>
        %add3A_60 = arith.addf %add3A_50, %mul3A_59 : vector<16xf32>
        %mul3A_61 = arith.mulf %gather3A_57, %gather3A_57 : vector<16xf32>
        %add3A_62 = arith.addf %add3A_52, %mul3A_61 : vector<16xf32>
        %mul3A_63 = arith.mulf %gather3A_58, %gather3A_58 : vector<16xf32>
        %add3A_64 = arith.addf %add3A_54, %mul3A_63 : vector<16xf32>
        %broadcast_in_dim3A_65 = arith.constant 3 : i32
        %broadcast_in_dim3A_66 = vector.broadcast %broadcast_in_dim3A_65 : i32 to vector<16xi32>
        %gather3A_67 = tpu.vector_load_idx %arg10[%add3A_34, %broadcast_in_dim3A_66] : memref<128x16xf32, #tpu.memory_space<vmem>>[vector<16xi32>, vector<16xi32>], vector<16xf32>,
        %gather3A_68 = tpu.vector_load_idx %arg11[%add3A_34, %broadcast_in_dim3A_66] : memref<128x16xf32, #tpu.memory_space<vmem>>[vector<16xi32>, vector<16xi32>], vector<16xf32>,
        %mul3A_69 = arith.mulf %gather3A_67, %gather3A_68 : vector<16xf32>
        %add3A_70 = arith.addf %add3A_60, %mul3A_69 : vector<16xf32>
        %mul3A_71 = arith.mulf %gather3A_67, %gather3A_67 : vector<16xf32>
        %add3A_72 = arith.addf %add3A_62, %mul3A_71 : vector<16xf32>
        %mul3A_73 = arith.mulf %gather3A_68, %gather3A_68 : vector<16xf32>
        %add3A_74 = arith.addf %add3A_64, %mul3A_73 : vector<16xf32>
        %broadcast_in_dim3A_75 = arith.constant 4 : i32
        %broadcast_in_dim3A_76 = vector.broadcast %broadcast_in_dim3A_75 : i32 to vector<16xi32>
        %gather3A_77 = tpu.vector_load_idx %arg10[%add3A_34, %broadcast_in_dim3A_76] : memref<128x16xf32, #tpu.memory_space<vmem>>[vector<16xi32>, vector<16xi32>], vector<16xf32>,
        %gather3A_78 = tpu.vector_load_idx %arg11[%add3A_34, %broadcast_in_dim3A_76] : memref<128x16xf32, #tpu.memory_space<vmem>>[vector<16xi32>, vector<16xi32>], vector<16xf32>,
        %mul3A_79 = arith.mulf %gather3A_77, %gather3A_78 : vector<16xf32>
        %add3A_80 = arith.addf %add3A_70, %mul3A_79 : vector<16xf32>
        %mul3A_81 = arith.mulf %gather3A_77, %gather3A_77 : vector<16xf32>
        %add3A_82 = arith.addf %add3A_72, %mul3A_81 : vector<16xf32>
        %mul3A_83 = arith.mulf %gather3A_78, %gather3A_78 : vector<16xf32>
        %add3A_84 = arith.addf %add3A_74, %mul3A_83 : vector<16xf32>
        %broadcast_in_dim3A_85 = arith.constant 5 : i32
        %broadcast_in_dim3A_86 = vector.broadcast %broadcast_in_dim3A_85 : i32 to vector<16xi32>
        %gather3A_87 = tpu.vector_load_idx %arg10[%add3A_34, %broadcast_in_dim3A_86] : memref<128x16xf32, #tpu.memory_space<vmem>>[vector<16xi32>, vector<16xi32>], vector<16xf32>,
        %gather3A_88 = tpu.vector_load_idx %arg11[%add3A_34, %broadcast_in_dim3A_86] : memref<128x16xf32, #tpu.memory_space<vmem>>[vector<16xi32>, vector<16xi32>], vector<16xf32>,
        %mul3A_89 = arith.mulf %gather3A_87, %gather3A_88 : vector<16xf32>
        %add3A_90 = arith.addf %add3A_80, %mul3A_89 : vector<16xf32>
        %mul3A_91 = arith.mulf %gather3A_87, %gather3A_87 : vector<16xf32>
        %add3A_92 = arith.addf %add3A_82, %mul3A_91 : vector<16xf32>
        %mul3A_93 = arith.mulf %gather3A_88, %gather3A_88 : vector<16xf32>
        %add3A_94 = arith.addf %add3A_84, %mul3A_93 : vector<16xf32>
        %broadcast_in_dim3A_95 = arith.constant 6 : i32
        %broadcast_in_dim3A_96 = vector.broadcast %broadcast_in_dim3A_95 : i32 to vector<16xi32>
        %gather3A_97 = tpu.vector_load_idx %arg10[%add3A_34, %broadcast_in_dim3A_96] : memref<128x16xf32, #tpu.memory_space<vmem>>[vector<16xi32>, vector<16xi32>], vector<16xf32>,
        %gather3A_98 = tpu.vector_load_idx %arg11[%add3A_34, %broadcast_in_dim3A_96] : memref<128x16xf32, #tpu.memory_space<vmem>>[vector<16xi32>, vector<16xi32>], vector<16xf32>,
        %mul3A_99 = arith.mulf %gather3A_97, %gather3A_98 : vector<16xf32>
        %add3A_100 = arith.addf %add3A_90, %mul3A_99 : vector<16xf32>
        %mul3A_101 = arith.mulf %gather3A_97, %gather3A_97 : vector<16xf32>
        %add3A_102 = arith.addf %add3A_92, %mul3A_101 : vector<16xf32>
        %mul3A_103 = arith.mulf %gather3A_98, %gather3A_98 : vector<16xf32>
        %add3A_104 = arith.addf %add3A_94, %mul3A_103 : vector<16xf32>
        %broadcast_in_dim3A_105 = arith.constant 7 : i32
        %broadcast_in_dim3A_106 = vector.broadcast %broadcast_in_dim3A_105 : i32 to vector<16xi32>
        %gather3A_107 = tpu.vector_load_idx %arg10[%add3A_34, %broadcast_in_dim3A_106] : memref<128x16xf32, #tpu.memory_space<vmem>>[vector<16xi32>, vector<16xi32>], vector<16xf32>,
        %gather3A_108 = tpu.vector_load_idx %arg11[%add3A_34, %broadcast_in_dim3A_106] : memref<128x16xf32, #tpu.memory_space<vmem>>[vector<16xi32>, vector<16xi32>], vector<16xf32>,
        %mul3A_109 = arith.mulf %gather3A_107, %gather3A_108 : vector<16xf32>
        %add3A_110 = arith.addf %add3A_100, %mul3A_109 : vector<16xf32>
        %mul3A_111 = arith.mulf %gather3A_107, %gather3A_107 : vector<16xf32>
        %add3A_112 = arith.addf %add3A_102, %mul3A_111 : vector<16xf32>
        %mul3A_113 = arith.mulf %gather3A_108, %gather3A_108 : vector<16xf32>
        %add3A_114 = arith.addf %add3A_104, %mul3A_113 : vector<16xf32>
        %broadcast_in_dim3A_115 = arith.constant 8 : i32
        %broadcast_in_dim3A_116 = vector.broadcast %broadcast_in_dim3A_115 : i32 to vector<16xi32>
        %gather3A_117 = tpu.vector_load_idx %arg10[%add3A_34, %broadcast_in_dim3A_116] : memref<128x16xf32, #tpu.memory_space<vmem>>[vector<16xi32>, vector<16xi32>], vector<16xf32>,
        %gather3A_118 = tpu.vector_load_idx %arg11[%add3A_34, %broadcast_in_dim3A_116] : memref<128x16xf32, #tpu.memory_space<vmem>>[vector<16xi32>, vector<16xi32>], vector<16xf32>,
        %mul3A_119 = arith.mulf %gather3A_117, %gather3A_118 : vector<16xf32>
        %add3A_120 = arith.addf %add3A_110, %mul3A_119 : vector<16xf32>
        %mul3A_121 = arith.mulf %gather3A_117, %gather3A_117 : vector<16xf32>
        %add3A_122 = arith.addf %add3A_112, %mul3A_121 : vector<16xf32>
        %mul3A_123 = arith.mulf %gather3A_118, %gather3A_118 : vector<16xf32>
        %add3A_124 = arith.addf %add3A_114, %mul3A_123 : vector<16xf32>
        %broadcast_in_dim3A_125 = arith.constant 9 : i32
        %broadcast_in_dim3A_126 = vector.broadcast %broadcast_in_dim3A_125 : i32 to vector<16xi32>
        %gather3A_127 = tpu.vector_load_idx %arg10[%add3A_34, %broadcast_in_dim3A_126] : memref<128x16xf32, #tpu.memory_space<vmem>>[vector<16xi32>, vector<16xi32>], vector<16xf32>,
        %gather3A_128 = tpu.vector_load_idx %arg11[%add3A_34, %broadcast_in_dim3A_126] : memref<128x16xf32, #tpu.memory_space<vmem>>[vector<16xi32>, vector<16xi32>], vector<16xf32>,
        %mul3A_129 = arith.mulf %gather3A_127, %gather3A_128 : vector<16xf32>
        %add3A_130 = arith.addf %add3A_120, %mul3A_129 : vector<16xf32>
        %mul3A_131 = arith.mulf %gather3A_127, %gather3A_127 : vector<16xf32>
        %add3A_132 = arith.addf %add3A_122, %mul3A_131 : vector<16xf32>
        %mul3A_133 = arith.mulf %gather3A_128, %gather3A_128 : vector<16xf32>
        %add3A_134 = arith.addf %add3A_124, %mul3A_133 : vector<16xf32>
        %broadcast_in_dim3A_135 = arith.constant 10 : i32
        %broadcast_in_dim3A_136 = vector.broadcast %broadcast_in_dim3A_135 : i32 to vector<16xi32>
        %gather3A_137 = tpu.vector_load_idx %arg10[%add3A_34, %broadcast_in_dim3A_136] : memref<128x16xf32, #tpu.memory_space<vmem>>[vector<16xi32>, vector<16xi32>], vector<16xf32>,
        %gather3A_138 = tpu.vector_load_idx %arg11[%add3A_34, %broadcast_in_dim3A_136] : memref<128x16xf32, #tpu.memory_space<vmem>>[vector<16xi32>, vector<16xi32>], vector<16xf32>,
        %mul3A_139 = arith.mulf %gather3A_137, %gather3A_138 : vector<16xf32>
        %add3A_140 = arith.addf %add3A_130, %mul3A_139 : vector<16xf32>
        %mul3A_141 = arith.mulf %gather3A_137, %gather3A_137 : vector<16xf32>
        %add3A_142 = arith.addf %add3A_132, %mul3A_141 : vector<16xf32>
        %mul3A_143 = arith.mulf %gather3A_138, %gather3A_138 : vector<16xf32>
        %add3A_144 = arith.addf %add3A_134, %mul3A_143 : vector<16xf32>
        %broadcast_in_dim3A_145 = arith.constant 11 : i32
        %broadcast_in_dim3A_146 = vector.broadcast %broadcast_in_dim3A_145 : i32 to vector<16xi32>
        %gather3A_147 = tpu.vector_load_idx %arg10[%add3A_34, %broadcast_in_dim3A_146] : memref<128x16xf32, #tpu.memory_space<vmem>>[vector<16xi32>, vector<16xi32>], vector<16xf32>,
        %gather3A_148 = tpu.vector_load_idx %arg11[%add3A_34, %broadcast_in_dim3A_146] : memref<128x16xf32, #tpu.memory_space<vmem>>[vector<16xi32>, vector<16xi32>], vector<16xf32>,
        %mul3A_149 = arith.mulf %gather3A_147, %gather3A_148 : vector<16xf32>
        %add3A_150 = arith.addf %add3A_140, %mul3A_149 : vector<16xf32>
        %mul3A_151 = arith.mulf %gather3A_147, %gather3A_147 : vector<16xf32>
        %add3A_152 = arith.addf %add3A_142, %mul3A_151 : vector<16xf32>
        %mul3A_153 = arith.mulf %gather3A_148, %gather3A_148 : vector<16xf32>
        %add3A_154 = arith.addf %add3A_144, %mul3A_153 : vector<16xf32>
        %broadcast_in_dim3A_155 = arith.constant 12 : i32
        %broadcast_in_dim3A_156 = vector.broadcast %broadcast_in_dim3A_155 : i32 to vector<16xi32>
        %gather3A_157 = tpu.vector_load_idx %arg10[%add3A_34, %broadcast_in_dim3A_156] : memref<128x16xf32, #tpu.memory_space<vmem>>[vector<16xi32>, vector<16xi32>], vector<16xf32>,
        %gather3A_158 = tpu.vector_load_idx %arg11[%add3A_34, %broadcast_in_dim3A_156] : memref<128x16xf32, #tpu.memory_space<vmem>>[vector<16xi32>, vector<16xi32>], vector<16xf32>,
        %mul3A_159 = arith.mulf %gather3A_157, %gather3A_158 : vector<16xf32>
        %add3A_160 = arith.addf %add3A_150, %mul3A_159 : vector<16xf32>
        %mul3A_161 = arith.mulf %gather3A_157, %gather3A_157 : vector<16xf32>
        %add3A_162 = arith.addf %add3A_152, %mul3A_161 : vector<16xf32>
        %mul3A_163 = arith.mulf %gather3A_158, %gather3A_158 : vector<16xf32>
        %add3A_164 = arith.addf %add3A_154, %mul3A_163 : vector<16xf32>
        %broadcast_in_dim3A_165 = arith.constant 13 : i32
        %broadcast_in_dim3A_166 = vector.broadcast %broadcast_in_dim3A_165 : i32 to vector<16xi32>
        %gather3A_167 = tpu.vector_load_idx %arg10[%add3A_34, %broadcast_in_dim3A_166] : memref<128x16xf32, #tpu.memory_space<vmem>>[vector<16xi32>, vector<16xi32>], vector<16xf32>,
        %gather3A_168 = tpu.vector_load_idx %arg11[%add3A_34, %broadcast_in_dim3A_166] : memref<128x16xf32, #tpu.memory_space<vmem>>[vector<16xi32>, vector<16xi32>], vector<16xf32>,
        %mul3A_169 = arith.mulf %gather3A_167, %gather3A_168 : vector<16xf32>
        %add3A_170 = arith.addf %add3A_160, %mul3A_169 : vector<16xf32>
        %mul3A_171 = arith.mulf %gather3A_167, %gather3A_167 : vector<16xf32>
        %add3A_172 = arith.addf %add3A_162, %mul3A_171 : vector<16xf32>
        %mul3A_173 = arith.mulf %gather3A_168, %gather3A_168 : vector<16xf32>
        %add3A_174 = arith.addf %add3A_164, %mul3A_173 : vector<16xf32>
        %broadcast_in_dim3A_175 = arith.constant 14 : i32
        %broadcast_in_dim3A_176 = vector.broadcast %broadcast_in_dim3A_175 : i32 to vector<16xi32>
        %gather3A_177 = tpu.vector_load_idx %arg10[%add3A_34, %broadcast_in_dim3A_176] : memref<128x16xf32, #tpu.memory_space<vmem>>[vector<16xi32>, vector<16xi32>], vector<16xf32>,
        %gather3A_178 = tpu.vector_load_idx %arg11[%add3A_34, %broadcast_in_dim3A_176] : memref<128x16xf32, #tpu.memory_space<vmem>>[vector<16xi32>, vector<16xi32>], vector<16xf32>,
        %mul3A_179 = arith.mulf %gather3A_177, %gather3A_178 : vector<16xf32>
        %add3A_180 = arith.addf %add3A_170, %mul3A_179 : vector<16xf32>
        %mul3A_181 = arith.mulf %gather3A_177, %gather3A_177 : vector<16xf32>
        %add3A_182 = arith.addf %add3A_172, %mul3A_181 : vector<16xf32>
        %mul3A_183 = arith.mulf %gather3A_178, %gather3A_178 : vector<16xf32>
        %add3A_184 = arith.addf %add3A_174, %mul3A_183 : vector<16xf32>
        %broadcast_in_dim3A_185 = arith.constant 15 : i32
        %broadcast_in_dim3A_186 = vector.broadcast %broadcast_in_dim3A_185 : i32 to vector<16xi32>
        %gather3A_187 = tpu.vector_load_idx %arg10[%add3A_34, %broadcast_in_dim3A_186] : memref<128x16xf32, #tpu.memory_space<vmem>>[vector<16xi32>, vector<16xi32>], vector<16xf32>,
        %gather3A_188 = tpu.vector_load_idx %arg11[%add3A_34, %broadcast_in_dim3A_186] : memref<128x16xf32, #tpu.memory_space<vmem>>[vector<16xi32>, vector<16xi32>], vector<16xf32>,
        %mul3A_189 = arith.mulf %gather3A_187, %gather3A_188 : vector<16xf32>
        %add3A_190 = arith.addf %add3A_180, %mul3A_189 : vector<16xf32>
        %mul3A_191 = arith.mulf %gather3A_187, %gather3A_187 : vector<16xf32>
        %add3A_192 = arith.addf %add3A_182, %mul3A_191 : vector<16xf32>
        %mul3A_193 = arith.mulf %gather3A_188, %gather3A_188 : vector<16xf32>
        %add3A_194 = arith.addf %add3A_184, %mul3A_193 : vector<16xf32>
        %max3A = arith.constant 1.000000e-16 : f32
        %max3A_195 = vector.broadcast %max3A : f32 to vector<16xf32>
        %max3A_196 = arith.maximumf %add3A_192, %max3A_195 : vector<16xf32>
        %max3A_197 = arith.constant 1.000000e-16 : f32
        %max3A_198 = vector.broadcast %max3A_197 : f32 to vector<16xf32>
        %max3A_199 = arith.maximumf %add3A_194, %max3A_198 : vector<16xf32>
        %mul3A_200 = arith.mulf %max3A_196, %max3A_199 : vector<16xf32>
        %bitcast_convert_type3A = tpu.bitcast %mul3A_200 : vector<16xf32> -> vector<16xi32>
        %shift_right_logical3A = arith.constant 1 : i32
        %shift_right_logical3A_201 = vector.broadcast %shift_right_logical3A : i32 to vector<16xi32>
        %shift_right_logical3A_202 = arith.shrui %bitcast_convert_type3A, %shift_right_logical3A_201 : vector<16xi32>
        %sub3A = arith.constant 1597463007 : i32
        %sub3A_203 = vector.broadcast %sub3A : i32 to vector<16xi32>
        %sub3A_204 = arith.subi %sub3A_203, %shift_right_logical3A_202 : vector<16xi32>
        %bitcast_convert_type3A_205 = tpu.bitcast %sub3A_204 : vector<16xi32> -> vector<16xf32>
        %mul3A_206 = arith.constant 5.000000e-01 : f32
        %mul3A_207 = vector.broadcast %mul3A_206 : f32 to vector<16xf32>
        %mul3A_208 = arith.mulf %mul3A_207, %mul3A_200 : vector<16xf32>
        %mul3A_209 = arith.mulf %mul3A_208, %bitcast_convert_type3A_205 : vector<16xf32>
        %mul3A_210 = arith.mulf %mul3A_209, %bitcast_convert_type3A_205 : vector<16xf32>
        %sub3A_211 = arith.constant 1.500000e+00 : f32
        %sub3A_212 = vector.broadcast %sub3A_211 : f32 to vector<16xf32>
        %sub3A_213 = arith.subf %sub3A_212, %mul3A_210 : vector<16xf32>
        %mul3A_214 = arith.mulf %bitcast_convert_type3A_205, %sub3A_213 : vector<16xf32>
        %mul3A_215 = arith.constant 5.000000e-01 : f32
        %mul3A_216 = vector.broadcast %mul3A_215 : f32 to vector<16xf32>
        %mul3A_217 = arith.mulf %mul3A_216, %mul3A_200 : vector<16xf32>
        %mul3A_218 = arith.mulf %mul3A_217, %mul3A_214 : vector<16xf32>
        %mul3A_219 = arith.mulf %mul3A_218, %mul3A_214 : vector<16xf32>
        %sub3A_220 = arith.constant 1.500000e+00 : f32
        %sub3A_221 = vector.broadcast %sub3A_220 : f32 to vector<16xf32>
        %sub3A_222 = arith.subf %sub3A_221, %mul3A_219 : vector<16xf32>
        %mul3A_223 = arith.mulf %mul3A_214, %sub3A_222 : vector<16xf32>
        %mul3A_224 = arith.constant 5.000000e-01 : f32
        %mul3A_225 = vector.broadcast %mul3A_224 : f32 to vector<16xf32>
        %mul3A_226 = arith.mulf %mul3A_225, %mul3A_200 : vector<16xf32>
        %mul3A_227 = arith.mulf %mul3A_226, %mul3A_223 : vector<16xf32>
        %mul3A_228 = arith.mulf %mul3A_227, %mul3A_223 : vector<16xf32>
        %sub3A_229 = arith.constant 1.500000e+00 : f32
        %sub3A_230 = vector.broadcast %sub3A_229 : f32 to vector<16xf32>
        %sub3A_231 = arith.subf %sub3A_230, %mul3A_228 : vector<16xf32>
        %mul3A_232 = arith.mulf %mul3A_223, %sub3A_231 : vector<16xf32>
        %mul3A_233 = arith.mulf %add3A_190, %mul3A_232 : vector<16xf32>
        %mul3A_234 = arith.constant 16 : i32
        %mul3A_235 = arith.muli %scan3A_30, %mul3A_234 : i32
        %add3A_236 = arith.addi %multiple_of3A_11, %mul3A_235 : i32
        %multiple_of3A_237 = tpu.assume_multiple %add3A_236, 16 : i32
        %get3A = arith.index_cast %multiple_of3A_237 : i32 to index
        %get3A_238 = tpu.vector_load %arg12[%get3A] {strides = array<i32>} : memref<512xf32, #tpu.memory_space<vmem>>, vector<16xf32>,
        %mul3A_239 = arith.constant 5.000000e-01 : f32
        %mul3A_240 = vector.broadcast %mul3A_239 : f32 to vector<16xf32>
        %mul3A_241 = arith.mulf %mul3A_240, %mul3A_233 : vector<16xf32>
        %mul3A_242 = arith.constant 5.000000e-01 : f32
        %mul3A_243 = vector.broadcast %mul3A_242 : f32 to vector<16xf32>
        %mul3A_244 = arith.mulf %mul3A_243, %get3A_238 : vector<16xf32>
        %add3A_245 = arith.addf %mul3A_241, %mul3A_244 : vector<16xf32>
        %swap3A = arith.index_cast %multiple_of3A_237 : i32 to index
        %swap3A_246 = tpu.vector_load %arg13[%swap3A] {strides = array<i32>} : memref<512xf32, #tpu.memory_space<vmem>>, vector<16xf32>,
        tpu.vector_store %arg13[%swap3A], %add3A_245 {strides = array<i32>} : memref<512xf32, #tpu.memory_space<vmem>>, vector<16xf32>,
      }
      %scan3A_29 = arith.constant 8 : i32
    }
    %scan3A_7 = arith.constant 4 : i32
    "tpu.region"() ({
      %run_scoped3A = tpu.sem_alloc : memref<!tpu.dma_semaphore, #tpu.memory_space<semaphore_mem>>
      %dma_start3A = tpu.memref_slice %arg7[%multiple_of3A] : memref<16384xf32, #tpu.memory_space<hbm>> -> memref<512xf32, #tpu.memory_space<hbm>>
      %dma_start3A_8 = tpu.memref_slice %arg7[%multiple_of3A] : memref<16384xf32, #tpu.memory_space<hbm>> -> memref<512xf32, #tpu.memory_space<hbm>>
      tpu.enqueue_dma source(%arg13 : memref<512xf32, #tpu.memory_space<vmem>>) target(%dma_start3A_8 : memref<512xf32, #tpu.memory_space<hbm>>) target_semaphore(%run_scoped3A : memref<!tpu.dma_semaphore, #tpu.memory_space<semaphore_mem>>)
      %dma_wait3A = tpu.memref_slice %arg7[%multiple_of3A] : memref<16384xf32, #tpu.memory_space<hbm>> -> memref<512xf32, #tpu.memory_space<hbm>>
      %dma_wait3A_9 = tpu.memref_slice %arg7[%multiple_of3A] : memref<16384xf32, #tpu.memory_space<hbm>> -> memref<512xf32, #tpu.memory_space<hbm>>
      tpu.wait_dma2 semaphore(%run_scoped3A : memref<!tpu.dma_semaphore, #tpu.memory_space<semaphore_mem>>) src(%arg13 : memref<512xf32, #tpu.memory_space<vmem>>) dst(%dma_wait3A_9 : memref<512xf32, #tpu.memory_space<hbm>>)
      tpu.yield
    }) : () -> ()
    return
  }
}

#map = affine_map<(d0, d1) -> (0)>
#map1 = affine_map<(d0, d1) -> (0, 0)>
module attributes {stable_mosaic.version = 14 : i64} {
  func.func @_content_body(%arg0: i32, %arg1: i32, %arg2: memref<327680xi32, #tpu.memory_space<hbm>>, %arg3: memref<327680xf32, #tpu.memory_space<hbm>>, %arg4: memref<327680xi32, #tpu.memory_space<hbm>>, %arg5: memref<100000x16xf32, #tpu.memory_space<hbm>>, %arg6: memref<16384xf32, #tpu.memory_space<hbm>>, %arg7: memref<5120xi32, #tpu.memory_space<vmem>>, %arg8: memref<2560xf32, #tpu.memory_space<vmem>>, %arg9: memref<5120x16xf32, #tpu.memory_space<vmem>>, %arg10: memref<128x16xf32, #tpu.memory_space<vmem>>, %arg11: memref<128x16xf32, #tpu.memory_space<vmem>>, %arg12: memref<128xf32, #tpu.memory_space<vmem>>, %arg13: memref<!tpu.dma_semaphore, #tpu.memory_space<semaphore_mem>>) attributes {dimension_semantics = [#tpu.dimension_semantics<core_parallel>, #tpu.dimension_semantics<subcore_parallel>], iteration_bounds = array<i64: 2, 16>, scalar_prefetch = 0 : i64, scratch_operands = 7 : i64, tpu.core_type = #tpu.core_type<sc_vector_subcore>, window_params = [{transform_indices = #map}, {transform_indices = #map}, {transform_indices = #map}, {transform_indices = #map1}, {transform_indices = #map}]} {
    %mul3A = arith.constant 2 : i32
    %mul3A_0 = arith.muli %arg1, %mul3A : i32
    %add3A = arith.addi %mul3A_0, %arg0 : i32
    %mul3A_1 = arith.constant 512 : i32
    %mul3A_2 = arith.muli %add3A, %mul3A_1 : i32
    %iota3A = tpu.iota {dimensions = array<i32: 0>} : vector<16xi32>
    %scan3A = arith.constant 0 : i32
    %scan3A_3 = arith.constant 0 : i32
    %scan3A_4 = arith.constant 4 : i32
    %scan3A_5 = arith.addi %scan3A_3, %scan3A_4 : i32
    %scan3A_6 = arith.constant 1 : i32
    scf.for %scan3A_8 = %scan3A_3 to %scan3A_5 step %scan3A_6  : i32 {
      %mul3A_9 = arith.constant 128 : i32
      %mul3A_10 = arith.muli %scan3A_8, %mul3A_9 : i32
      %add3A_11 = arith.addi %mul3A_2, %mul3A_10 : i32
      %multiple_of3A = tpu.assume_multiple %add3A_11, 128 : i32
      %mul3A_12 = arith.constant 20 : i32
      %mul3A_13 = arith.muli %multiple_of3A, %mul3A_12 : i32
      %multiple_of3A_14 = tpu.assume_multiple %mul3A_13, 2560 : i32
      "tpu.region"() ({
        %run_scoped3A = tpu.sem_alloc : memref<!tpu.dma_semaphore, #tpu.memory_space<semaphore_mem>>
        %dma_start3A = arith.constant 0 : i32
        %dma_start3A_38 = tpu.memref_slice %arg7[%dma_start3A] : memref<5120xi32, #tpu.memory_space<vmem>> -> memref<2560xi32, #tpu.memory_space<vmem>>
        %dma_start3A_39 = tpu.memref_slice %arg2[%multiple_of3A_14] : memref<327680xi32, #tpu.memory_space<hbm>> -> memref<2560xi32, #tpu.memory_space<hbm>>
        %dma_start3A_40 = arith.constant 0 : i32
        %dma_start3A_41 = tpu.memref_slice %arg7[%dma_start3A_40] : memref<5120xi32, #tpu.memory_space<vmem>> -> memref<2560xi32, #tpu.memory_space<vmem>>
        %dma_start3A_42 = tpu.memref_slice %arg2[%multiple_of3A_14] : memref<327680xi32, #tpu.memory_space<hbm>> -> memref<2560xi32, #tpu.memory_space<hbm>>
        tpu.enqueue_dma source(%dma_start3A_42 : memref<2560xi32, #tpu.memory_space<hbm>>) target(%dma_start3A_41 : memref<2560xi32, #tpu.memory_space<vmem>>) target_semaphore(%run_scoped3A : memref<!tpu.dma_semaphore, #tpu.memory_space<semaphore_mem>>)
        %dma_wait3A_43 = arith.constant 0 : i32
        %dma_wait3A_44 = tpu.memref_slice %arg7[%dma_wait3A_43] : memref<5120xi32, #tpu.memory_space<vmem>> -> memref<2560xi32, #tpu.memory_space<vmem>>
        %dma_wait3A_45 = tpu.memref_slice %arg2[%multiple_of3A_14] : memref<327680xi32, #tpu.memory_space<hbm>> -> memref<2560xi32, #tpu.memory_space<hbm>>
        %dma_wait3A_46 = arith.constant 0 : i32
        %dma_wait3A_47 = tpu.memref_slice %arg7[%dma_wait3A_46] : memref<5120xi32, #tpu.memory_space<vmem>> -> memref<2560xi32, #tpu.memory_space<vmem>>
        %dma_wait3A_48 = tpu.memref_slice %arg2[%multiple_of3A_14] : memref<327680xi32, #tpu.memory_space<hbm>> -> memref<2560xi32, #tpu.memory_space<hbm>>
        tpu.wait_dma2 semaphore(%run_scoped3A : memref<!tpu.dma_semaphore, #tpu.memory_space<semaphore_mem>>) src(%dma_wait3A_48 : memref<2560xi32, #tpu.memory_space<hbm>>) dst(%dma_wait3A_47 : memref<2560xi32, #tpu.memory_space<vmem>>)
        tpu.yield
      }) : () -> ()
      "tpu.region"() ({
        %run_scoped3A = tpu.sem_alloc : memref<!tpu.dma_semaphore, #tpu.memory_space<semaphore_mem>>
        %dma_start3A = arith.constant 2560 : i32
        %dma_start3A_38 = tpu.memref_slice %arg7[%dma_start3A] : memref<5120xi32, #tpu.memory_space<vmem>> -> memref<2560xi32, #tpu.memory_space<vmem>>
        %dma_start3A_39 = tpu.memref_slice %arg4[%multiple_of3A_14] : memref<327680xi32, #tpu.memory_space<hbm>> -> memref<2560xi32, #tpu.memory_space<hbm>>
        %dma_start3A_40 = arith.constant 2560 : i32
        %dma_start3A_41 = tpu.memref_slice %arg7[%dma_start3A_40] : memref<5120xi32, #tpu.memory_space<vmem>> -> memref<2560xi32, #tpu.memory_space<vmem>>
        %dma_start3A_42 = tpu.memref_slice %arg4[%multiple_of3A_14] : memref<327680xi32, #tpu.memory_space<hbm>> -> memref<2560xi32, #tpu.memory_space<hbm>>
        tpu.enqueue_dma source(%dma_start3A_42 : memref<2560xi32, #tpu.memory_space<hbm>>) target(%dma_start3A_41 : memref<2560xi32, #tpu.memory_space<vmem>>) target_semaphore(%run_scoped3A : memref<!tpu.dma_semaphore, #tpu.memory_space<semaphore_mem>>)
        %dma_wait3A_43 = arith.constant 2560 : i32
        %dma_wait3A_44 = tpu.memref_slice %arg7[%dma_wait3A_43] : memref<5120xi32, #tpu.memory_space<vmem>> -> memref<2560xi32, #tpu.memory_space<vmem>>
        %dma_wait3A_45 = tpu.memref_slice %arg4[%multiple_of3A_14] : memref<327680xi32, #tpu.memory_space<hbm>> -> memref<2560xi32, #tpu.memory_space<hbm>>
        %dma_wait3A_46 = arith.constant 2560 : i32
        %dma_wait3A_47 = tpu.memref_slice %arg7[%dma_wait3A_46] : memref<5120xi32, #tpu.memory_space<vmem>> -> memref<2560xi32, #tpu.memory_space<vmem>>
        %dma_wait3A_48 = tpu.memref_slice %arg4[%multiple_of3A_14] : memref<327680xi32, #tpu.memory_space<hbm>> -> memref<2560xi32, #tpu.memory_space<hbm>>
        tpu.wait_dma2 semaphore(%run_scoped3A : memref<!tpu.dma_semaphore, #tpu.memory_space<semaphore_mem>>) src(%dma_wait3A_48 : memref<2560xi32, #tpu.memory_space<hbm>>) dst(%dma_wait3A_47 : memref<2560xi32, #tpu.memory_space<vmem>>)
        tpu.yield
      }) : () -> ()
      "tpu.region"() ({
        %run_scoped3A = tpu.sem_alloc : memref<!tpu.dma_semaphore, #tpu.memory_space<semaphore_mem>>
        %dma_start3A = tpu.memref_slice %arg3[%multiple_of3A_14] : memref<327680xf32, #tpu.memory_space<hbm>> -> memref<2560xf32, #tpu.memory_space<hbm>>
        %dma_start3A_38 = tpu.memref_slice %arg3[%multiple_of3A_14] : memref<327680xf32, #tpu.memory_space<hbm>> -> memref<2560xf32, #tpu.memory_space<hbm>>
        tpu.enqueue_dma source(%dma_start3A_38 : memref<2560xf32, #tpu.memory_space<hbm>>) target(%arg8 : memref<2560xf32, #tpu.memory_space<vmem>>) target_semaphore(%run_scoped3A : memref<!tpu.dma_semaphore, #tpu.memory_space<semaphore_mem>>)
        %dma_wait3A_39 = tpu.memref_slice %arg3[%multiple_of3A_14] : memref<327680xf32, #tpu.memory_space<hbm>> -> memref<2560xf32, #tpu.memory_space<hbm>>
        %dma_wait3A_40 = tpu.memref_slice %arg3[%multiple_of3A_14] : memref<327680xf32, #tpu.memory_space<hbm>> -> memref<2560xf32, #tpu.memory_space<hbm>>
        tpu.wait_dma2 semaphore(%run_scoped3A : memref<!tpu.dma_semaphore, #tpu.memory_space<semaphore_mem>>) src(%dma_wait3A_40 : memref<2560xf32, #tpu.memory_space<hbm>>) dst(%arg8 : memref<2560xf32, #tpu.memory_space<vmem>>)
        tpu.yield
      }) : () -> ()
      %scan3A_15 = arith.constant 0 : i32
      %scan3A_16 = arith.constant 0 : i32
      %scan3A_17 = arith.constant 40 : i32
      %scan3A_18 = arith.addi %scan3A_16, %scan3A_17 : i32
      %scan3A_19 = arith.constant 1 : i32
      scf.for %scan3A_38 = %scan3A_16 to %scan3A_18 step %scan3A_19  : i32 {
        %mul3A_39 = arith.constant 128 : i32
        %mul3A_40 = arith.muli %scan3A_38, %mul3A_39 : i32
        %multiple_of3A_41 = tpu.assume_multiple %mul3A_40, 128 : i32
        %dma_start3A = arith.constant 0 : i32
        %dma_start3A_42 = tpu.memref_slice %arg9[%multiple_of3A_41, %dma_start3A] : memref<5120x16xf32, #tpu.memory_space<vmem>> -> memref<128x16xf32, #tpu.memory_space<vmem>>
        %dma_start3A_43 = tpu.memref_slice %arg7[%multiple_of3A_41] : memref<5120xi32, #tpu.memory_space<vmem>> -> memref<128xi32, #tpu.memory_space<vmem>>
        %dma_start3A_44 = arith.constant 0 : i32
        %dma_start3A_45 = arith.constant 0 : i32
        %dma_start3A_46 = tpu.memref_slice %arg5[%dma_start3A_44, %dma_start3A_45] : memref<100000x16xf32, #tpu.memory_space<hbm>> -> memref<100000x16xf32, #tpu.memory_space<hbm>>
        tpu.enqueue_indirect_dma source(%dma_start3A_46 : memref<100000x16xf32, #tpu.memory_space<hbm>>) target(%dma_start3A_42 : memref<128x16xf32, #tpu.memory_space<vmem>>) offsets(%dma_start3A_43 : memref<128xi32, #tpu.memory_space<vmem>>) semaphore(%arg13 : memref<!tpu.dma_semaphore, #tpu.memory_space<semaphore_mem>>)
      }
      %scan3A_20 = arith.constant 40 : i32
      %dma_wait3A = arith.constant 0 : i32
      %dma_wait3A_21 = arith.constant 0 : i32
      %dma_wait3A_22 = tpu.memref_slice %arg5[%dma_wait3A, %dma_wait3A_21] : memref<100000x16xf32, #tpu.memory_space<hbm>> -> memref<5120x16xf32, #tpu.memory_space<hbm>>
      %dma_wait3A_23 = arith.constant 0 : i32
      %dma_wait3A_24 = arith.constant 0 : i32
      %dma_wait3A_25 = tpu.memref_slice %arg5[%dma_wait3A_23, %dma_wait3A_24] : memref<100000x16xf32, #tpu.memory_space<hbm>> -> memref<5120x16xf32, #tpu.memory_space<hbm>>
      tpu.wait_dma2 semaphore(%arg13 : memref<!tpu.dma_semaphore, #tpu.memory_space<semaphore_mem>>) src(%dma_wait3A_25 : memref<5120x16xf32, #tpu.memory_space<hbm>>) dst(%arg9 : memref<5120x16xf32, #tpu.memory_space<vmem>>)
      %scan3A_26 = arith.constant 0 : i32
      %scan3A_27 = arith.constant 0 : i32
      %scan3A_28 = arith.constant 128 : i32
      %scan3A_29 = arith.addi %scan3A_27, %scan3A_28 : i32
      %scan3A_30 = arith.constant 1 : i32
      scf.for %scan3A_38 = %scan3A_27 to %scan3A_29 step %scan3A_30  : i32 {
        %mul3A_39 = arith.constant 20 : i32
        %mul3A_40 = arith.muli %scan3A_38, %mul3A_39 : i32
        %broadcast_in_dim3A = vector.broadcast %mul3A_40 : i32 to vector<16xi32>
        %gather3A = tpu.vector_load_idx %arg8[%broadcast_in_dim3A] : memref<2560xf32, #tpu.memory_space<vmem>>[vector<16xi32>], vector<16xf32>,
        %add3A_41 = arith.constant 1 : i32
        %add3A_42 = vector.broadcast %add3A_41 : i32 to vector<16xi32>
        %add3A_43 = arith.addi %broadcast_in_dim3A, %add3A_42 : vector<16xi32>
        %gather3A_44 = tpu.vector_load_idx %arg8[%add3A_43] : memref<2560xf32, #tpu.memory_space<vmem>>[vector<16xi32>], vector<16xf32>,
        %get3A = arith.index_cast %mul3A_40 : i32 to index
        %get3A_45 = arith.constant 0 : index
        %get3A_46 = tpu.vector_load %arg9[%get3A, %get3A_45] {strides = array<i32>} : memref<5120x16xf32, #tpu.memory_space<vmem>>, vector<16xf32>,
        %mul3A_47 = arith.mulf %get3A_46, %gather3A : vector<16xf32>
        %add3A_48 = arith.constant 1 : i32
        %add3A_49 = arith.addi %mul3A_40, %add3A_48 : i32
        %get3A_50 = arith.index_cast %add3A_49 : i32 to index
        %get3A_51 = arith.constant 0 : index
        %get3A_52 = tpu.vector_load %arg9[%get3A_50, %get3A_51] {strides = array<i32>} : memref<5120x16xf32, #tpu.memory_space<vmem>>, vector<16xf32>,
        %mul3A_53 = arith.mulf %get3A_52, %gather3A_44 : vector<16xf32>
        %add3A_54 = arith.constant 2560 : i32
        %add3A_55 = arith.addi %add3A_54, %mul3A_40 : i32
        %get3A_56 = arith.index_cast %add3A_55 : i32 to index
        %get3A_57 = arith.constant 0 : index
        %get3A_58 = tpu.vector_load %arg9[%get3A_56, %get3A_57] {strides = array<i32>} : memref<5120x16xf32, #tpu.memory_space<vmem>>, vector<16xf32>,
        %add3A_59 = arith.constant 2560 : i32
        %add3A_60 = arith.addi %add3A_59, %mul3A_40 : i32
        %add3A_61 = arith.constant 1 : i32
        %add3A_62 = arith.addi %add3A_60, %add3A_61 : i32
        %get3A_63 = arith.index_cast %add3A_62 : i32 to index
        %get3A_64 = arith.constant 0 : index
        %get3A_65 = tpu.vector_load %arg9[%get3A_63, %get3A_64] {strides = array<i32>} : memref<5120x16xf32, #tpu.memory_space<vmem>>, vector<16xf32>,
        %add3A_66 = arith.constant 2 : i32
        %add3A_67 = vector.broadcast %add3A_66 : i32 to vector<16xi32>
        %add3A_68 = arith.addi %broadcast_in_dim3A, %add3A_67 : vector<16xi32>
        %gather3A_69 = tpu.vector_load_idx %arg8[%add3A_68] : memref<2560xf32, #tpu.memory_space<vmem>>[vector<16xi32>], vector<16xf32>,
        %add3A_70 = arith.constant 2 : i32
        %add3A_71 = vector.broadcast %add3A_70 : i32 to vector<16xi32>
        %add3A_72 = arith.addi %broadcast_in_dim3A, %add3A_71 : vector<16xi32>
        %add3A_73 = arith.constant 1 : i32
        %add3A_74 = vector.broadcast %add3A_73 : i32 to vector<16xi32>
        %add3A_75 = arith.addi %add3A_72, %add3A_74 : vector<16xi32>
        %gather3A_76 = tpu.vector_load_idx %arg8[%add3A_75] : memref<2560xf32, #tpu.memory_space<vmem>>[vector<16xi32>], vector<16xf32>,
        %add3A_77 = arith.constant 2 : i32
        %add3A_78 = arith.addi %mul3A_40, %add3A_77 : i32
        %get3A_79 = arith.index_cast %add3A_78 : i32 to index
        %get3A_80 = arith.constant 0 : index
        %get3A_81 = tpu.vector_load %arg9[%get3A_79, %get3A_80] {strides = array<i32>} : memref<5120x16xf32, #tpu.memory_space<vmem>>, vector<16xf32>,
        %mul3A_82 = arith.mulf %get3A_81, %gather3A_69 : vector<16xf32>
        %add3A_83 = arith.addf %mul3A_47, %mul3A_82 : vector<16xf32>
        %add3A_84 = arith.constant 2 : i32
        %add3A_85 = arith.addi %mul3A_40, %add3A_84 : i32
        %add3A_86 = arith.constant 1 : i32
        %add3A_87 = arith.addi %add3A_85, %add3A_86 : i32
        %get3A_88 = arith.index_cast %add3A_87 : i32 to index
        %get3A_89 = arith.constant 0 : index
        %get3A_90 = tpu.vector_load %arg9[%get3A_88, %get3A_89] {strides = array<i32>} : memref<5120x16xf32, #tpu.memory_space<vmem>>, vector<16xf32>,
        %mul3A_91 = arith.mulf %get3A_90, %gather3A_76 : vector<16xf32>
        %add3A_92 = arith.addf %mul3A_53, %mul3A_91 : vector<16xf32>
        %add3A_93 = arith.constant 2560 : i32
        %add3A_94 = arith.addi %add3A_93, %mul3A_40 : i32
        %add3A_95 = arith.constant 2 : i32
        %add3A_96 = arith.addi %add3A_94, %add3A_95 : i32
        %get3A_97 = arith.index_cast %add3A_96 : i32 to index
        %get3A_98 = arith.constant 0 : index
        %get3A_99 = tpu.vector_load %arg9[%get3A_97, %get3A_98] {strides = array<i32>} : memref<5120x16xf32, #tpu.memory_space<vmem>>, vector<16xf32>,
        %add3A_100 = arith.addf %get3A_58, %get3A_99 : vector<16xf32>
        %add3A_101 = arith.constant 2560 : i32
        %add3A_102 = arith.addi %add3A_101, %mul3A_40 : i32
        %add3A_103 = arith.constant 2 : i32
        %add3A_104 = arith.addi %add3A_102, %add3A_103 : i32
        %add3A_105 = arith.constant 1 : i32
        %add3A_106 = arith.addi %add3A_104, %add3A_105 : i32
        %get3A_107 = arith.index_cast %add3A_106 : i32 to index
        %get3A_108 = arith.constant 0 : index
        %get3A_109 = tpu.vector_load %arg9[%get3A_107, %get3A_108] {strides = array<i32>} : memref<5120x16xf32, #tpu.memory_space<vmem>>, vector<16xf32>,
        %add3A_110 = arith.addf %get3A_65, %get3A_109 : vector<16xf32>
        %add3A_111 = arith.constant 4 : i32
        %add3A_112 = vector.broadcast %add3A_111 : i32 to vector<16xi32>
        %add3A_113 = arith.addi %broadcast_in_dim3A, %add3A_112 : vector<16xi32>
        %gather3A_114 = tpu.vector_load_idx %arg8[%add3A_113] : memref<2560xf32, #tpu.memory_space<vmem>>[vector<16xi32>], vector<16xf32>,
        %add3A_115 = arith.constant 4 : i32
        %add3A_116 = vector.broadcast %add3A_115 : i32 to vector<16xi32>
        %add3A_117 = arith.addi %broadcast_in_dim3A, %add3A_116 : vector<16xi32>
        %add3A_118 = arith.constant 1 : i32
        %add3A_119 = vector.broadcast %add3A_118 : i32 to vector<16xi32>
        %add3A_120 = arith.addi %add3A_117, %add3A_119 : vector<16xi32>
        %gather3A_121 = tpu.vector_load_idx %arg8[%add3A_120] : memref<2560xf32, #tpu.memory_space<vmem>>[vector<16xi32>], vector<16xf32>,
        %add3A_122 = arith.constant 4 : i32
        %add3A_123 = arith.addi %mul3A_40, %add3A_122 : i32
        %get3A_124 = arith.index_cast %add3A_123 : i32 to index
        %get3A_125 = arith.constant 0 : index
        %get3A_126 = tpu.vector_load %arg9[%get3A_124, %get3A_125] {strides = array<i32>} : memref<5120x16xf32, #tpu.memory_space<vmem>>, vector<16xf32>,
        %mul3A_127 = arith.mulf %get3A_126, %gather3A_114 : vector<16xf32>
        %add3A_128 = arith.addf %add3A_83, %mul3A_127 : vector<16xf32>
        %add3A_129 = arith.constant 4 : i32
        %add3A_130 = arith.addi %mul3A_40, %add3A_129 : i32
        %add3A_131 = arith.constant 1 : i32
        %add3A_132 = arith.addi %add3A_130, %add3A_131 : i32
        %get3A_133 = arith.index_cast %add3A_132 : i32 to index
        %get3A_134 = arith.constant 0 : index
        %get3A_135 = tpu.vector_load %arg9[%get3A_133, %get3A_134] {strides = array<i32>} : memref<5120x16xf32, #tpu.memory_space<vmem>>, vector<16xf32>,
        %mul3A_136 = arith.mulf %get3A_135, %gather3A_121 : vector<16xf32>
        %add3A_137 = arith.addf %add3A_92, %mul3A_136 : vector<16xf32>
        %add3A_138 = arith.constant 2560 : i32
        %add3A_139 = arith.addi %add3A_138, %mul3A_40 : i32
        %add3A_140 = arith.constant 4 : i32
        %add3A_141 = arith.addi %add3A_139, %add3A_140 : i32
        %get3A_142 = arith.index_cast %add3A_141 : i32 to index
        %get3A_143 = arith.constant 0 : index
        %get3A_144 = tpu.vector_load %arg9[%get3A_142, %get3A_143] {strides = array<i32>} : memref<5120x16xf32, #tpu.memory_space<vmem>>, vector<16xf32>,
        %add3A_145 = arith.addf %add3A_100, %get3A_144 : vector<16xf32>
        %add3A_146 = arith.constant 2560 : i32
        %add3A_147 = arith.addi %add3A_146, %mul3A_40 : i32
        %add3A_148 = arith.constant 4 : i32
        %add3A_149 = arith.addi %add3A_147, %add3A_148 : i32
        %add3A_150 = arith.constant 1 : i32
        %add3A_151 = arith.addi %add3A_149, %add3A_150 : i32
        %get3A_152 = arith.index_cast %add3A_151 : i32 to index
        %get3A_153 = arith.constant 0 : index
        %get3A_154 = tpu.vector_load %arg9[%get3A_152, %get3A_153] {strides = array<i32>} : memref<5120x16xf32, #tpu.memory_space<vmem>>, vector<16xf32>,
        %add3A_155 = arith.addf %add3A_110, %get3A_154 : vector<16xf32>
        %add3A_156 = arith.constant 6 : i32
        %add3A_157 = vector.broadcast %add3A_156 : i32 to vector<16xi32>
        %add3A_158 = arith.addi %broadcast_in_dim3A, %add3A_157 : vector<16xi32>
        %gather3A_159 = tpu.vector_load_idx %arg8[%add3A_158] : memref<2560xf32, #tpu.memory_space<vmem>>[vector<16xi32>], vector<16xf32>,
        %add3A_160 = arith.constant 6 : i32
        %add3A_161 = vector.broadcast %add3A_160 : i32 to vector<16xi32>
        %add3A_162 = arith.addi %broadcast_in_dim3A, %add3A_161 : vector<16xi32>
        %add3A_163 = arith.constant 1 : i32
        %add3A_164 = vector.broadcast %add3A_163 : i32 to vector<16xi32>
        %add3A_165 = arith.addi %add3A_162, %add3A_164 : vector<16xi32>
        %gather3A_166 = tpu.vector_load_idx %arg8[%add3A_165] : memref<2560xf32, #tpu.memory_space<vmem>>[vector<16xi32>], vector<16xf32>,
        %add3A_167 = arith.constant 6 : i32
        %add3A_168 = arith.addi %mul3A_40, %add3A_167 : i32
        %get3A_169 = arith.index_cast %add3A_168 : i32 to index
        %get3A_170 = arith.constant 0 : index
        %get3A_171 = tpu.vector_load %arg9[%get3A_169, %get3A_170] {strides = array<i32>} : memref<5120x16xf32, #tpu.memory_space<vmem>>, vector<16xf32>,
        %mul3A_172 = arith.mulf %get3A_171, %gather3A_159 : vector<16xf32>
        %add3A_173 = arith.addf %add3A_128, %mul3A_172 : vector<16xf32>
        %add3A_174 = arith.constant 6 : i32
        %add3A_175 = arith.addi %mul3A_40, %add3A_174 : i32
        %add3A_176 = arith.constant 1 : i32
        %add3A_177 = arith.addi %add3A_175, %add3A_176 : i32
        %get3A_178 = arith.index_cast %add3A_177 : i32 to index
        %get3A_179 = arith.constant 0 : index
        %get3A_180 = tpu.vector_load %arg9[%get3A_178, %get3A_179] {strides = array<i32>} : memref<5120x16xf32, #tpu.memory_space<vmem>>, vector<16xf32>,
        %mul3A_181 = arith.mulf %get3A_180, %gather3A_166 : vector<16xf32>
        %add3A_182 = arith.addf %add3A_137, %mul3A_181 : vector<16xf32>
        %add3A_183 = arith.constant 2560 : i32
        %add3A_184 = arith.addi %add3A_183, %mul3A_40 : i32
        %add3A_185 = arith.constant 6 : i32
        %add3A_186 = arith.addi %add3A_184, %add3A_185 : i32
        %get3A_187 = arith.index_cast %add3A_186 : i32 to index
        %get3A_188 = arith.constant 0 : index
        %get3A_189 = tpu.vector_load %arg9[%get3A_187, %get3A_188] {strides = array<i32>} : memref<5120x16xf32, #tpu.memory_space<vmem>>, vector<16xf32>,
        %add3A_190 = arith.addf %add3A_145, %get3A_189 : vector<16xf32>
        %add3A_191 = arith.constant 2560 : i32
        %add3A_192 = arith.addi %add3A_191, %mul3A_40 : i32
        %add3A_193 = arith.constant 6 : i32
        %add3A_194 = arith.addi %add3A_192, %add3A_193 : i32
        %add3A_195 = arith.constant 1 : i32
        %add3A_196 = arith.addi %add3A_194, %add3A_195 : i32
        %get3A_197 = arith.index_cast %add3A_196 : i32 to index
        %get3A_198 = arith.constant 0 : index
        %get3A_199 = tpu.vector_load %arg9[%get3A_197, %get3A_198] {strides = array<i32>} : memref<5120x16xf32, #tpu.memory_space<vmem>>, vector<16xf32>,
        %add3A_200 = arith.addf %add3A_155, %get3A_199 : vector<16xf32>
        %add3A_201 = arith.constant 8 : i32
        %add3A_202 = vector.broadcast %add3A_201 : i32 to vector<16xi32>
        %add3A_203 = arith.addi %broadcast_in_dim3A, %add3A_202 : vector<16xi32>
        %gather3A_204 = tpu.vector_load_idx %arg8[%add3A_203] : memref<2560xf32, #tpu.memory_space<vmem>>[vector<16xi32>], vector<16xf32>,
        %add3A_205 = arith.constant 8 : i32
        %add3A_206 = vector.broadcast %add3A_205 : i32 to vector<16xi32>
        %add3A_207 = arith.addi %broadcast_in_dim3A, %add3A_206 : vector<16xi32>
        %add3A_208 = arith.constant 1 : i32
        %add3A_209 = vector.broadcast %add3A_208 : i32 to vector<16xi32>
        %add3A_210 = arith.addi %add3A_207, %add3A_209 : vector<16xi32>
        %gather3A_211 = tpu.vector_load_idx %arg8[%add3A_210] : memref<2560xf32, #tpu.memory_space<vmem>>[vector<16xi32>], vector<16xf32>,
        %add3A_212 = arith.constant 8 : i32
        %add3A_213 = arith.addi %mul3A_40, %add3A_212 : i32
        %get3A_214 = arith.index_cast %add3A_213 : i32 to index
        %get3A_215 = arith.constant 0 : index
        %get3A_216 = tpu.vector_load %arg9[%get3A_214, %get3A_215] {strides = array<i32>} : memref<5120x16xf32, #tpu.memory_space<vmem>>, vector<16xf32>,
        %mul3A_217 = arith.mulf %get3A_216, %gather3A_204 : vector<16xf32>
        %add3A_218 = arith.addf %add3A_173, %mul3A_217 : vector<16xf32>
        %add3A_219 = arith.constant 8 : i32
        %add3A_220 = arith.addi %mul3A_40, %add3A_219 : i32
        %add3A_221 = arith.constant 1 : i32
        %add3A_222 = arith.addi %add3A_220, %add3A_221 : i32
        %get3A_223 = arith.index_cast %add3A_222 : i32 to index
        %get3A_224 = arith.constant 0 : index
        %get3A_225 = tpu.vector_load %arg9[%get3A_223, %get3A_224] {strides = array<i32>} : memref<5120x16xf32, #tpu.memory_space<vmem>>, vector<16xf32>,
        %mul3A_226 = arith.mulf %get3A_225, %gather3A_211 : vector<16xf32>
        %add3A_227 = arith.addf %add3A_182, %mul3A_226 : vector<16xf32>
        %add3A_228 = arith.constant 2560 : i32
        %add3A_229 = arith.addi %add3A_228, %mul3A_40 : i32
        %add3A_230 = arith.constant 8 : i32
        %add3A_231 = arith.addi %add3A_229, %add3A_230 : i32
        %get3A_232 = arith.index_cast %add3A_231 : i32 to index
        %get3A_233 = arith.constant 0 : index
        %get3A_234 = tpu.vector_load %arg9[%get3A_232, %get3A_233] {strides = array<i32>} : memref<5120x16xf32, #tpu.memory_space<vmem>>, vector<16xf32>,
        %add3A_235 = arith.addf %add3A_190, %get3A_234 : vector<16xf32>
        %add3A_236 = arith.constant 2560 : i32
        %add3A_237 = arith.addi %add3A_236, %mul3A_40 : i32
        %add3A_238 = arith.constant 8 : i32
        %add3A_239 = arith.addi %add3A_237, %add3A_238 : i32
        %add3A_240 = arith.constant 1 : i32
        %add3A_241 = arith.addi %add3A_239, %add3A_240 : i32
        %get3A_242 = arith.index_cast %add3A_241 : i32 to index
        %get3A_243 = arith.constant 0 : index
        %get3A_244 = tpu.vector_load %arg9[%get3A_242, %get3A_243] {strides = array<i32>} : memref<5120x16xf32, #tpu.memory_space<vmem>>, vector<16xf32>,
        %add3A_245 = arith.addf %add3A_200, %get3A_244 : vector<16xf32>
        %add3A_246 = arith.constant 10 : i32
        %add3A_247 = vector.broadcast %add3A_246 : i32 to vector<16xi32>
        %add3A_248 = arith.addi %broadcast_in_dim3A, %add3A_247 : vector<16xi32>
        %gather3A_249 = tpu.vector_load_idx %arg8[%add3A_248] : memref<2560xf32, #tpu.memory_space<vmem>>[vector<16xi32>], vector<16xf32>,
        %add3A_250 = arith.constant 10 : i32
        %add3A_251 = vector.broadcast %add3A_250 : i32 to vector<16xi32>
        %add3A_252 = arith.addi %broadcast_in_dim3A, %add3A_251 : vector<16xi32>
        %add3A_253 = arith.constant 1 : i32
        %add3A_254 = vector.broadcast %add3A_253 : i32 to vector<16xi32>
        %add3A_255 = arith.addi %add3A_252, %add3A_254 : vector<16xi32>
        %gather3A_256 = tpu.vector_load_idx %arg8[%add3A_255] : memref<2560xf32, #tpu.memory_space<vmem>>[vector<16xi32>], vector<16xf32>,
        %add3A_257 = arith.constant 10 : i32
        %add3A_258 = arith.addi %mul3A_40, %add3A_257 : i32
        %get3A_259 = arith.index_cast %add3A_258 : i32 to index
        %get3A_260 = arith.constant 0 : index
        %get3A_261 = tpu.vector_load %arg9[%get3A_259, %get3A_260] {strides = array<i32>} : memref<5120x16xf32, #tpu.memory_space<vmem>>, vector<16xf32>,
        %mul3A_262 = arith.mulf %get3A_261, %gather3A_249 : vector<16xf32>
        %add3A_263 = arith.addf %add3A_218, %mul3A_262 : vector<16xf32>
        %add3A_264 = arith.constant 10 : i32
        %add3A_265 = arith.addi %mul3A_40, %add3A_264 : i32
        %add3A_266 = arith.constant 1 : i32
        %add3A_267 = arith.addi %add3A_265, %add3A_266 : i32
        %get3A_268 = arith.index_cast %add3A_267 : i32 to index
        %get3A_269 = arith.constant 0 : index
        %get3A_270 = tpu.vector_load %arg9[%get3A_268, %get3A_269] {strides = array<i32>} : memref<5120x16xf32, #tpu.memory_space<vmem>>, vector<16xf32>,
        %mul3A_271 = arith.mulf %get3A_270, %gather3A_256 : vector<16xf32>
        %add3A_272 = arith.addf %add3A_227, %mul3A_271 : vector<16xf32>
        %add3A_273 = arith.constant 2560 : i32
        %add3A_274 = arith.addi %add3A_273, %mul3A_40 : i32
        %add3A_275 = arith.constant 10 : i32
        %add3A_276 = arith.addi %add3A_274, %add3A_275 : i32
        %get3A_277 = arith.index_cast %add3A_276 : i32 to index
        %get3A_278 = arith.constant 0 : index
        %get3A_279 = tpu.vector_load %arg9[%get3A_277, %get3A_278] {strides = array<i32>} : memref<5120x16xf32, #tpu.memory_space<vmem>>, vector<16xf32>,
        %add3A_280 = arith.addf %add3A_235, %get3A_279 : vector<16xf32>
        %add3A_281 = arith.constant 2560 : i32
        %add3A_282 = arith.addi %add3A_281, %mul3A_40 : i32
        %add3A_283 = arith.constant 10 : i32
        %add3A_284 = arith.addi %add3A_282, %add3A_283 : i32
        %add3A_285 = arith.constant 1 : i32
        %add3A_286 = arith.addi %add3A_284, %add3A_285 : i32
        %get3A_287 = arith.index_cast %add3A_286 : i32 to index
        %get3A_288 = arith.constant 0 : index
        %get3A_289 = tpu.vector_load %arg9[%get3A_287, %get3A_288] {strides = array<i32>} : memref<5120x16xf32, #tpu.memory_space<vmem>>, vector<16xf32>,
        %add3A_290 = arith.addf %add3A_245, %get3A_289 : vector<16xf32>
        %add3A_291 = arith.constant 12 : i32
        %add3A_292 = vector.broadcast %add3A_291 : i32 to vector<16xi32>
        %add3A_293 = arith.addi %broadcast_in_dim3A, %add3A_292 : vector<16xi32>
        %gather3A_294 = tpu.vector_load_idx %arg8[%add3A_293] : memref<2560xf32, #tpu.memory_space<vmem>>[vector<16xi32>], vector<16xf32>,
        %add3A_295 = arith.constant 12 : i32
        %add3A_296 = vector.broadcast %add3A_295 : i32 to vector<16xi32>
        %add3A_297 = arith.addi %broadcast_in_dim3A, %add3A_296 : vector<16xi32>
        %add3A_298 = arith.constant 1 : i32
        %add3A_299 = vector.broadcast %add3A_298 : i32 to vector<16xi32>
        %add3A_300 = arith.addi %add3A_297, %add3A_299 : vector<16xi32>
        %gather3A_301 = tpu.vector_load_idx %arg8[%add3A_300] : memref<2560xf32, #tpu.memory_space<vmem>>[vector<16xi32>], vector<16xf32>,
        %add3A_302 = arith.constant 12 : i32
        %add3A_303 = arith.addi %mul3A_40, %add3A_302 : i32
        %get3A_304 = arith.index_cast %add3A_303 : i32 to index
        %get3A_305 = arith.constant 0 : index
        %get3A_306 = tpu.vector_load %arg9[%get3A_304, %get3A_305] {strides = array<i32>} : memref<5120x16xf32, #tpu.memory_space<vmem>>, vector<16xf32>,
        %mul3A_307 = arith.mulf %get3A_306, %gather3A_294 : vector<16xf32>
        %add3A_308 = arith.addf %add3A_263, %mul3A_307 : vector<16xf32>
        %add3A_309 = arith.constant 12 : i32
        %add3A_310 = arith.addi %mul3A_40, %add3A_309 : i32
        %add3A_311 = arith.constant 1 : i32
        %add3A_312 = arith.addi %add3A_310, %add3A_311 : i32
        %get3A_313 = arith.index_cast %add3A_312 : i32 to index
        %get3A_314 = arith.constant 0 : index
        %get3A_315 = tpu.vector_load %arg9[%get3A_313, %get3A_314] {strides = array<i32>} : memref<5120x16xf32, #tpu.memory_space<vmem>>, vector<16xf32>,
        %mul3A_316 = arith.mulf %get3A_315, %gather3A_301 : vector<16xf32>
        %add3A_317 = arith.addf %add3A_272, %mul3A_316 : vector<16xf32>
        %add3A_318 = arith.constant 2560 : i32
        %add3A_319 = arith.addi %add3A_318, %mul3A_40 : i32
        %add3A_320 = arith.constant 12 : i32
        %add3A_321 = arith.addi %add3A_319, %add3A_320 : i32
        %get3A_322 = arith.index_cast %add3A_321 : i32 to index
        %get3A_323 = arith.constant 0 : index
        %get3A_324 = tpu.vector_load %arg9[%get3A_322, %get3A_323] {strides = array<i32>} : memref<5120x16xf32, #tpu.memory_space<vmem>>, vector<16xf32>,
        %add3A_325 = arith.addf %add3A_280, %get3A_324 : vector<16xf32>
        %add3A_326 = arith.constant 2560 : i32
        %add3A_327 = arith.addi %add3A_326, %mul3A_40 : i32
        %add3A_328 = arith.constant 12 : i32
        %add3A_329 = arith.addi %add3A_327, %add3A_328 : i32
        %add3A_330 = arith.constant 1 : i32
        %add3A_331 = arith.addi %add3A_329, %add3A_330 : i32
        %get3A_332 = arith.index_cast %add3A_331 : i32 to index
        %get3A_333 = arith.constant 0 : index
        %get3A_334 = tpu.vector_load %arg9[%get3A_332, %get3A_333] {strides = array<i32>} : memref<5120x16xf32, #tpu.memory_space<vmem>>, vector<16xf32>,
        %add3A_335 = arith.addf %add3A_290, %get3A_334 : vector<16xf32>
        %add3A_336 = arith.constant 14 : i32
        %add3A_337 = vector.broadcast %add3A_336 : i32 to vector<16xi32>
        %add3A_338 = arith.addi %broadcast_in_dim3A, %add3A_337 : vector<16xi32>
        %gather3A_339 = tpu.vector_load_idx %arg8[%add3A_338] : memref<2560xf32, #tpu.memory_space<vmem>>[vector<16xi32>], vector<16xf32>,
        %add3A_340 = arith.constant 14 : i32
        %add3A_341 = vector.broadcast %add3A_340 : i32 to vector<16xi32>
        %add3A_342 = arith.addi %broadcast_in_dim3A, %add3A_341 : vector<16xi32>
        %add3A_343 = arith.constant 1 : i32
        %add3A_344 = vector.broadcast %add3A_343 : i32 to vector<16xi32>
        %add3A_345 = arith.addi %add3A_342, %add3A_344 : vector<16xi32>
        %gather3A_346 = tpu.vector_load_idx %arg8[%add3A_345] : memref<2560xf32, #tpu.memory_space<vmem>>[vector<16xi32>], vector<16xf32>,
        %add3A_347 = arith.constant 14 : i32
        %add3A_348 = arith.addi %mul3A_40, %add3A_347 : i32
        %get3A_349 = arith.index_cast %add3A_348 : i32 to index
        %get3A_350 = arith.constant 0 : index
        %get3A_351 = tpu.vector_load %arg9[%get3A_349, %get3A_350] {strides = array<i32>} : memref<5120x16xf32, #tpu.memory_space<vmem>>, vector<16xf32>,
        %mul3A_352 = arith.mulf %get3A_351, %gather3A_339 : vector<16xf32>
        %add3A_353 = arith.addf %add3A_308, %mul3A_352 : vector<16xf32>
        %add3A_354 = arith.constant 14 : i32
        %add3A_355 = arith.addi %mul3A_40, %add3A_354 : i32
        %add3A_356 = arith.constant 1 : i32
        %add3A_357 = arith.addi %add3A_355, %add3A_356 : i32
        %get3A_358 = arith.index_cast %add3A_357 : i32 to index
        %get3A_359 = arith.constant 0 : index
        %get3A_360 = tpu.vector_load %arg9[%get3A_358, %get3A_359] {strides = array<i32>} : memref<5120x16xf32, #tpu.memory_space<vmem>>, vector<16xf32>,
        %mul3A_361 = arith.mulf %get3A_360, %gather3A_346 : vector<16xf32>
        %add3A_362 = arith.addf %add3A_317, %mul3A_361 : vector<16xf32>
        %add3A_363 = arith.constant 2560 : i32
        %add3A_364 = arith.addi %add3A_363, %mul3A_40 : i32
        %add3A_365 = arith.constant 14 : i32
        %add3A_366 = arith.addi %add3A_364, %add3A_365 : i32
        %get3A_367 = arith.index_cast %add3A_366 : i32 to index
        %get3A_368 = arith.constant 0 : index
        %get3A_369 = tpu.vector_load %arg9[%get3A_367, %get3A_368] {strides = array<i32>} : memref<5120x16xf32, #tpu.memory_space<vmem>>, vector<16xf32>,
        %add3A_370 = arith.addf %add3A_325, %get3A_369 : vector<16xf32>
        %add3A_371 = arith.constant 2560 : i32
        %add3A_372 = arith.addi %add3A_371, %mul3A_40 : i32
        %add3A_373 = arith.constant 14 : i32
        %add3A_374 = arith.addi %add3A_372, %add3A_373 : i32
        %add3A_375 = arith.constant 1 : i32
        %add3A_376 = arith.addi %add3A_374, %add3A_375 : i32
        %get3A_377 = arith.index_cast %add3A_376 : i32 to index
        %get3A_378 = arith.constant 0 : index
        %get3A_379 = tpu.vector_load %arg9[%get3A_377, %get3A_378] {strides = array<i32>} : memref<5120x16xf32, #tpu.memory_space<vmem>>, vector<16xf32>,
        %add3A_380 = arith.addf %add3A_335, %get3A_379 : vector<16xf32>
        %add3A_381 = arith.constant 16 : i32
        %add3A_382 = vector.broadcast %add3A_381 : i32 to vector<16xi32>
        %add3A_383 = arith.addi %broadcast_in_dim3A, %add3A_382 : vector<16xi32>
        %gather3A_384 = tpu.vector_load_idx %arg8[%add3A_383] : memref<2560xf32, #tpu.memory_space<vmem>>[vector<16xi32>], vector<16xf32>,
        %add3A_385 = arith.constant 16 : i32
        %add3A_386 = vector.broadcast %add3A_385 : i32 to vector<16xi32>
        %add3A_387 = arith.addi %broadcast_in_dim3A, %add3A_386 : vector<16xi32>
        %add3A_388 = arith.constant 1 : i32
        %add3A_389 = vector.broadcast %add3A_388 : i32 to vector<16xi32>
        %add3A_390 = arith.addi %add3A_387, %add3A_389 : vector<16xi32>
        %gather3A_391 = tpu.vector_load_idx %arg8[%add3A_390] : memref<2560xf32, #tpu.memory_space<vmem>>[vector<16xi32>], vector<16xf32>,
        %add3A_392 = arith.constant 16 : i32
        %add3A_393 = arith.addi %mul3A_40, %add3A_392 : i32
        %get3A_394 = arith.index_cast %add3A_393 : i32 to index
        %get3A_395 = arith.constant 0 : index
        %get3A_396 = tpu.vector_load %arg9[%get3A_394, %get3A_395] {strides = array<i32>} : memref<5120x16xf32, #tpu.memory_space<vmem>>, vector<16xf32>,
        %mul3A_397 = arith.mulf %get3A_396, %gather3A_384 : vector<16xf32>
        %add3A_398 = arith.addf %add3A_353, %mul3A_397 : vector<16xf32>
        %add3A_399 = arith.constant 16 : i32
        %add3A_400 = arith.addi %mul3A_40, %add3A_399 : i32
        %add3A_401 = arith.constant 1 : i32
        %add3A_402 = arith.addi %add3A_400, %add3A_401 : i32
        %get3A_403 = arith.index_cast %add3A_402 : i32 to index
        %get3A_404 = arith.constant 0 : index
        %get3A_405 = tpu.vector_load %arg9[%get3A_403, %get3A_404] {strides = array<i32>} : memref<5120x16xf32, #tpu.memory_space<vmem>>, vector<16xf32>,
        %mul3A_406 = arith.mulf %get3A_405, %gather3A_391 : vector<16xf32>
        %add3A_407 = arith.addf %add3A_362, %mul3A_406 : vector<16xf32>
        %add3A_408 = arith.constant 2560 : i32
        %add3A_409 = arith.addi %add3A_408, %mul3A_40 : i32
        %add3A_410 = arith.constant 16 : i32
        %add3A_411 = arith.addi %add3A_409, %add3A_410 : i32
        %get3A_412 = arith.index_cast %add3A_411 : i32 to index
        %get3A_413 = arith.constant 0 : index
        %get3A_414 = tpu.vector_load %arg9[%get3A_412, %get3A_413] {strides = array<i32>} : memref<5120x16xf32, #tpu.memory_space<vmem>>, vector<16xf32>,
        %add3A_415 = arith.addf %add3A_370, %get3A_414 : vector<16xf32>
        %add3A_416 = arith.constant 2560 : i32
        %add3A_417 = arith.addi %add3A_416, %mul3A_40 : i32
        %add3A_418 = arith.constant 16 : i32
        %add3A_419 = arith.addi %add3A_417, %add3A_418 : i32
        %add3A_420 = arith.constant 1 : i32
        %add3A_421 = arith.addi %add3A_419, %add3A_420 : i32
        %get3A_422 = arith.index_cast %add3A_421 : i32 to index
        %get3A_423 = arith.constant 0 : index
        %get3A_424 = tpu.vector_load %arg9[%get3A_422, %get3A_423] {strides = array<i32>} : memref<5120x16xf32, #tpu.memory_space<vmem>>, vector<16xf32>,
        %add3A_425 = arith.addf %add3A_380, %get3A_424 : vector<16xf32>
        %add3A_426 = arith.constant 18 : i32
        %add3A_427 = vector.broadcast %add3A_426 : i32 to vector<16xi32>
        %add3A_428 = arith.addi %broadcast_in_dim3A, %add3A_427 : vector<16xi32>
        %gather3A_429 = tpu.vector_load_idx %arg8[%add3A_428] : memref<2560xf32, #tpu.memory_space<vmem>>[vector<16xi32>], vector<16xf32>,
        %add3A_430 = arith.constant 18 : i32
        %add3A_431 = vector.broadcast %add3A_430 : i32 to vector<16xi32>
        %add3A_432 = arith.addi %broadcast_in_dim3A, %add3A_431 : vector<16xi32>
        %add3A_433 = arith.constant 1 : i32
        %add3A_434 = vector.broadcast %add3A_433 : i32 to vector<16xi32>
        %add3A_435 = arith.addi %add3A_432, %add3A_434 : vector<16xi32>
        %gather3A_436 = tpu.vector_load_idx %arg8[%add3A_435] : memref<2560xf32, #tpu.memory_space<vmem>>[vector<16xi32>], vector<16xf32>,
        %add3A_437 = arith.constant 18 : i32
        %add3A_438 = arith.addi %mul3A_40, %add3A_437 : i32
        %get3A_439 = arith.index_cast %add3A_438 : i32 to index
        %get3A_440 = arith.constant 0 : index
        %get3A_441 = tpu.vector_load %arg9[%get3A_439, %get3A_440] {strides = array<i32>} : memref<5120x16xf32, #tpu.memory_space<vmem>>, vector<16xf32>,
        %mul3A_442 = arith.mulf %get3A_441, %gather3A_429 : vector<16xf32>
        %add3A_443 = arith.addf %add3A_398, %mul3A_442 : vector<16xf32>
        %add3A_444 = arith.constant 18 : i32
        %add3A_445 = arith.addi %mul3A_40, %add3A_444 : i32
        %add3A_446 = arith.constant 1 : i32
        %add3A_447 = arith.addi %add3A_445, %add3A_446 : i32
        %get3A_448 = arith.index_cast %add3A_447 : i32 to index
        %get3A_449 = arith.constant 0 : index
        %get3A_450 = tpu.vector_load %arg9[%get3A_448, %get3A_449] {strides = array<i32>} : memref<5120x16xf32, #tpu.memory_space<vmem>>, vector<16xf32>,
        %mul3A_451 = arith.mulf %get3A_450, %gather3A_436 : vector<16xf32>
        %add3A_452 = arith.addf %add3A_407, %mul3A_451 : vector<16xf32>
        %add3A_453 = arith.constant 2560 : i32
        %add3A_454 = arith.addi %add3A_453, %mul3A_40 : i32
        %add3A_455 = arith.constant 18 : i32
        %add3A_456 = arith.addi %add3A_454, %add3A_455 : i32
        %get3A_457 = arith.index_cast %add3A_456 : i32 to index
        %get3A_458 = arith.constant 0 : index
        %get3A_459 = tpu.vector_load %arg9[%get3A_457, %get3A_458] {strides = array<i32>} : memref<5120x16xf32, #tpu.memory_space<vmem>>, vector<16xf32>,
        %add3A_460 = arith.addf %add3A_415, %get3A_459 : vector<16xf32>
        %add3A_461 = arith.constant 2560 : i32
        %add3A_462 = arith.addi %add3A_461, %mul3A_40 : i32
        %add3A_463 = arith.constant 18 : i32
        %add3A_464 = arith.addi %add3A_462, %add3A_463 : i32
        %add3A_465 = arith.constant 1 : i32
        %add3A_466 = arith.addi %add3A_464, %add3A_465 : i32
        %get3A_467 = arith.index_cast %add3A_466 : i32 to index
        %get3A_468 = arith.constant 0 : index
        %get3A_469 = tpu.vector_load %arg9[%get3A_467, %get3A_468] {strides = array<i32>} : memref<5120x16xf32, #tpu.memory_space<vmem>>, vector<16xf32>,
        %add3A_470 = arith.addf %add3A_425, %get3A_469 : vector<16xf32>
        %add3A_471 = arith.addf %add3A_443, %add3A_452 : vector<16xf32>
        %swap3A = arith.index_cast %scan3A_38 : i32 to index
        %swap3A_472 = arith.constant 0 : index
        %swap3A_473 = tpu.vector_load %arg10[%swap3A, %swap3A_472] {strides = array<i32>} : memref<128x16xf32, #tpu.memory_space<vmem>>, vector<16xf32>,
        tpu.vector_store %arg10[%swap3A, %swap3A_472], %add3A_471 {strides = array<i32>} : memref<128x16xf32, #tpu.memory_space<vmem>>, vector<16xf32>,
        %add3A_474 = arith.addf %add3A_460, %add3A_470 : vector<16xf32>
        %swap3A_475 = arith.index_cast %scan3A_38 : i32 to index
        %swap3A_476 = arith.constant 0 : index
        %swap3A_477 = tpu.vector_load %arg11[%swap3A_475, %swap3A_476] {strides = array<i32>} : memref<128x16xf32, #tpu.memory_space<vmem>>, vector<16xf32>,
        tpu.vector_store %arg11[%swap3A_475, %swap3A_476], %add3A_474 {strides = array<i32>} : memref<128x16xf32, #tpu.memory_space<vmem>>, vector<16xf32>,
      }
      %scan3A_31 = arith.constant 128 : i32
      %scan3A_32 = arith.constant 0 : i32
      %scan3A_33 = arith.constant 0 : i32
      %scan3A_34 = arith.constant 8 : i32
      %scan3A_35 = arith.addi %scan3A_33, %scan3A_34 : i32
      %scan3A_36 = arith.constant 1 : i32
      scf.for %scan3A_38 = %scan3A_33 to %scan3A_35 step %scan3A_36  : i32 {
        %mul3A_39 = arith.constant 16 : i32
        %mul3A_40 = arith.muli %scan3A_38, %mul3A_39 : i32
        %add3A_41 = vector.broadcast %mul3A_40 : i32 to vector<16xi32>
        %add3A_42 = arith.addi %add3A_41, %iota3A : vector<16xi32>
        %mul3A_43 = arith.constant 20 : i32
        %mul3A_44 = vector.broadcast %mul3A_43 : i32 to vector<16xi32>
        %mul3A_45 = arith.muli %add3A_42, %mul3A_44 : vector<16xi32>
        %broadcast_in_dim3A = arith.constant 0.000000e+00 : f32
        %broadcast_in_dim3A_46 = vector.broadcast %broadcast_in_dim3A : f32 to vector<16xf32>
        %broadcast_in_dim3A_47 = arith.constant 0 : i32
        %broadcast_in_dim3A_48 = vector.broadcast %broadcast_in_dim3A_47 : i32 to vector<16xi32>
        %gather3A = tpu.vector_load_idx %arg10[%add3A_42, %broadcast_in_dim3A_48] : memref<128x16xf32, #tpu.memory_space<vmem>>[vector<16xi32>, vector<16xi32>], vector<16xf32>,
        %gather3A_49 = tpu.vector_load_idx %arg11[%add3A_42, %broadcast_in_dim3A_48] : memref<128x16xf32, #tpu.memory_space<vmem>>[vector<16xi32>, vector<16xi32>], vector<16xf32>,
        %mul3A_50 = arith.mulf %gather3A, %gather3A_49 : vector<16xf32>
        %add3A_51 = arith.addf %broadcast_in_dim3A_46, %mul3A_50 : vector<16xf32>
        %mul3A_52 = arith.mulf %gather3A, %gather3A : vector<16xf32>
        %add3A_53 = arith.addf %broadcast_in_dim3A_46, %mul3A_52 : vector<16xf32>
        %mul3A_54 = arith.mulf %gather3A_49, %gather3A_49 : vector<16xf32>
        %add3A_55 = arith.addf %broadcast_in_dim3A_46, %mul3A_54 : vector<16xf32>
        %broadcast_in_dim3A_56 = arith.constant 1 : i32
        %broadcast_in_dim3A_57 = vector.broadcast %broadcast_in_dim3A_56 : i32 to vector<16xi32>
        %gather3A_58 = tpu.vector_load_idx %arg10[%add3A_42, %broadcast_in_dim3A_57] : memref<128x16xf32, #tpu.memory_space<vmem>>[vector<16xi32>, vector<16xi32>], vector<16xf32>,
        %gather3A_59 = tpu.vector_load_idx %arg11[%add3A_42, %broadcast_in_dim3A_57] : memref<128x16xf32, #tpu.memory_space<vmem>>[vector<16xi32>, vector<16xi32>], vector<16xf32>,
        %mul3A_60 = arith.mulf %gather3A_58, %gather3A_59 : vector<16xf32>
        %add3A_61 = arith.addf %add3A_51, %mul3A_60 : vector<16xf32>
        %mul3A_62 = arith.mulf %gather3A_58, %gather3A_58 : vector<16xf32>
        %add3A_63 = arith.addf %add3A_53, %mul3A_62 : vector<16xf32>
        %mul3A_64 = arith.mulf %gather3A_59, %gather3A_59 : vector<16xf32>
        %add3A_65 = arith.addf %add3A_55, %mul3A_64 : vector<16xf32>
        %broadcast_in_dim3A_66 = arith.constant 2 : i32
        %broadcast_in_dim3A_67 = vector.broadcast %broadcast_in_dim3A_66 : i32 to vector<16xi32>
        %gather3A_68 = tpu.vector_load_idx %arg10[%add3A_42, %broadcast_in_dim3A_67] : memref<128x16xf32, #tpu.memory_space<vmem>>[vector<16xi32>, vector<16xi32>], vector<16xf32>,
        %gather3A_69 = tpu.vector_load_idx %arg11[%add3A_42, %broadcast_in_dim3A_67] : memref<128x16xf32, #tpu.memory_space<vmem>>[vector<16xi32>, vector<16xi32>], vector<16xf32>,
        %mul3A_70 = arith.mulf %gather3A_68, %gather3A_69 : vector<16xf32>
        %add3A_71 = arith.addf %add3A_61, %mul3A_70 : vector<16xf32>
        %mul3A_72 = arith.mulf %gather3A_68, %gather3A_68 : vector<16xf32>
        %add3A_73 = arith.addf %add3A_63, %mul3A_72 : vector<16xf32>
        %mul3A_74 = arith.mulf %gather3A_69, %gather3A_69 : vector<16xf32>
        %add3A_75 = arith.addf %add3A_65, %mul3A_74 : vector<16xf32>
        %broadcast_in_dim3A_76 = arith.constant 3 : i32
        %broadcast_in_dim3A_77 = vector.broadcast %broadcast_in_dim3A_76 : i32 to vector<16xi32>
        %gather3A_78 = tpu.vector_load_idx %arg10[%add3A_42, %broadcast_in_dim3A_77] : memref<128x16xf32, #tpu.memory_space<vmem>>[vector<16xi32>, vector<16xi32>], vector<16xf32>,
        %gather3A_79 = tpu.vector_load_idx %arg11[%add3A_42, %broadcast_in_dim3A_77] : memref<128x16xf32, #tpu.memory_space<vmem>>[vector<16xi32>, vector<16xi32>], vector<16xf32>,
        %mul3A_80 = arith.mulf %gather3A_78, %gather3A_79 : vector<16xf32>
        %add3A_81 = arith.addf %add3A_71, %mul3A_80 : vector<16xf32>
        %mul3A_82 = arith.mulf %gather3A_78, %gather3A_78 : vector<16xf32>
        %add3A_83 = arith.addf %add3A_73, %mul3A_82 : vector<16xf32>
        %mul3A_84 = arith.mulf %gather3A_79, %gather3A_79 : vector<16xf32>
        %add3A_85 = arith.addf %add3A_75, %mul3A_84 : vector<16xf32>
        %broadcast_in_dim3A_86 = arith.constant 4 : i32
        %broadcast_in_dim3A_87 = vector.broadcast %broadcast_in_dim3A_86 : i32 to vector<16xi32>
        %gather3A_88 = tpu.vector_load_idx %arg10[%add3A_42, %broadcast_in_dim3A_87] : memref<128x16xf32, #tpu.memory_space<vmem>>[vector<16xi32>, vector<16xi32>], vector<16xf32>,
        %gather3A_89 = tpu.vector_load_idx %arg11[%add3A_42, %broadcast_in_dim3A_87] : memref<128x16xf32, #tpu.memory_space<vmem>>[vector<16xi32>, vector<16xi32>], vector<16xf32>,
        %mul3A_90 = arith.mulf %gather3A_88, %gather3A_89 : vector<16xf32>
        %add3A_91 = arith.addf %add3A_81, %mul3A_90 : vector<16xf32>
        %mul3A_92 = arith.mulf %gather3A_88, %gather3A_88 : vector<16xf32>
        %add3A_93 = arith.addf %add3A_83, %mul3A_92 : vector<16xf32>
        %mul3A_94 = arith.mulf %gather3A_89, %gather3A_89 : vector<16xf32>
        %add3A_95 = arith.addf %add3A_85, %mul3A_94 : vector<16xf32>
        %broadcast_in_dim3A_96 = arith.constant 5 : i32
        %broadcast_in_dim3A_97 = vector.broadcast %broadcast_in_dim3A_96 : i32 to vector<16xi32>
        %gather3A_98 = tpu.vector_load_idx %arg10[%add3A_42, %broadcast_in_dim3A_97] : memref<128x16xf32, #tpu.memory_space<vmem>>[vector<16xi32>, vector<16xi32>], vector<16xf32>,
        %gather3A_99 = tpu.vector_load_idx %arg11[%add3A_42, %broadcast_in_dim3A_97] : memref<128x16xf32, #tpu.memory_space<vmem>>[vector<16xi32>, vector<16xi32>], vector<16xf32>,
        %mul3A_100 = arith.mulf %gather3A_98, %gather3A_99 : vector<16xf32>
        %add3A_101 = arith.addf %add3A_91, %mul3A_100 : vector<16xf32>
        %mul3A_102 = arith.mulf %gather3A_98, %gather3A_98 : vector<16xf32>
        %add3A_103 = arith.addf %add3A_93, %mul3A_102 : vector<16xf32>
        %mul3A_104 = arith.mulf %gather3A_99, %gather3A_99 : vector<16xf32>
        %add3A_105 = arith.addf %add3A_95, %mul3A_104 : vector<16xf32>
        %broadcast_in_dim3A_106 = arith.constant 6 : i32
        %broadcast_in_dim3A_107 = vector.broadcast %broadcast_in_dim3A_106 : i32 to vector<16xi32>
        %gather3A_108 = tpu.vector_load_idx %arg10[%add3A_42, %broadcast_in_dim3A_107] : memref<128x16xf32, #tpu.memory_space<vmem>>[vector<16xi32>, vector<16xi32>], vector<16xf32>,
        %gather3A_109 = tpu.vector_load_idx %arg11[%add3A_42, %broadcast_in_dim3A_107] : memref<128x16xf32, #tpu.memory_space<vmem>>[vector<16xi32>, vector<16xi32>], vector<16xf32>,
        %mul3A_110 = arith.mulf %gather3A_108, %gather3A_109 : vector<16xf32>
        %add3A_111 = arith.addf %add3A_101, %mul3A_110 : vector<16xf32>
        %mul3A_112 = arith.mulf %gather3A_108, %gather3A_108 : vector<16xf32>
        %add3A_113 = arith.addf %add3A_103, %mul3A_112 : vector<16xf32>
        %mul3A_114 = arith.mulf %gather3A_109, %gather3A_109 : vector<16xf32>
        %add3A_115 = arith.addf %add3A_105, %mul3A_114 : vector<16xf32>
        %broadcast_in_dim3A_116 = arith.constant 7 : i32
        %broadcast_in_dim3A_117 = vector.broadcast %broadcast_in_dim3A_116 : i32 to vector<16xi32>
        %gather3A_118 = tpu.vector_load_idx %arg10[%add3A_42, %broadcast_in_dim3A_117] : memref<128x16xf32, #tpu.memory_space<vmem>>[vector<16xi32>, vector<16xi32>], vector<16xf32>,
        %gather3A_119 = tpu.vector_load_idx %arg11[%add3A_42, %broadcast_in_dim3A_117] : memref<128x16xf32, #tpu.memory_space<vmem>>[vector<16xi32>, vector<16xi32>], vector<16xf32>,
        %mul3A_120 = arith.mulf %gather3A_118, %gather3A_119 : vector<16xf32>
        %add3A_121 = arith.addf %add3A_111, %mul3A_120 : vector<16xf32>
        %mul3A_122 = arith.mulf %gather3A_118, %gather3A_118 : vector<16xf32>
        %add3A_123 = arith.addf %add3A_113, %mul3A_122 : vector<16xf32>
        %mul3A_124 = arith.mulf %gather3A_119, %gather3A_119 : vector<16xf32>
        %add3A_125 = arith.addf %add3A_115, %mul3A_124 : vector<16xf32>
        %broadcast_in_dim3A_126 = arith.constant 8 : i32
        %broadcast_in_dim3A_127 = vector.broadcast %broadcast_in_dim3A_126 : i32 to vector<16xi32>
        %gather3A_128 = tpu.vector_load_idx %arg10[%add3A_42, %broadcast_in_dim3A_127] : memref<128x16xf32, #tpu.memory_space<vmem>>[vector<16xi32>, vector<16xi32>], vector<16xf32>,
        %gather3A_129 = tpu.vector_load_idx %arg11[%add3A_42, %broadcast_in_dim3A_127] : memref<128x16xf32, #tpu.memory_space<vmem>>[vector<16xi32>, vector<16xi32>], vector<16xf32>,
        %mul3A_130 = arith.mulf %gather3A_128, %gather3A_129 : vector<16xf32>
        %add3A_131 = arith.addf %add3A_121, %mul3A_130 : vector<16xf32>
        %mul3A_132 = arith.mulf %gather3A_128, %gather3A_128 : vector<16xf32>
        %add3A_133 = arith.addf %add3A_123, %mul3A_132 : vector<16xf32>
        %mul3A_134 = arith.mulf %gather3A_129, %gather3A_129 : vector<16xf32>
        %add3A_135 = arith.addf %add3A_125, %mul3A_134 : vector<16xf32>
        %broadcast_in_dim3A_136 = arith.constant 9 : i32
        %broadcast_in_dim3A_137 = vector.broadcast %broadcast_in_dim3A_136 : i32 to vector<16xi32>
        %gather3A_138 = tpu.vector_load_idx %arg10[%add3A_42, %broadcast_in_dim3A_137] : memref<128x16xf32, #tpu.memory_space<vmem>>[vector<16xi32>, vector<16xi32>], vector<16xf32>,
        %gather3A_139 = tpu.vector_load_idx %arg11[%add3A_42, %broadcast_in_dim3A_137] : memref<128x16xf32, #tpu.memory_space<vmem>>[vector<16xi32>, vector<16xi32>], vector<16xf32>,
        %mul3A_140 = arith.mulf %gather3A_138, %gather3A_139 : vector<16xf32>
        %add3A_141 = arith.addf %add3A_131, %mul3A_140 : vector<16xf32>
        %mul3A_142 = arith.mulf %gather3A_138, %gather3A_138 : vector<16xf32>
        %add3A_143 = arith.addf %add3A_133, %mul3A_142 : vector<16xf32>
        %mul3A_144 = arith.mulf %gather3A_139, %gather3A_139 : vector<16xf32>
        %add3A_145 = arith.addf %add3A_135, %mul3A_144 : vector<16xf32>
        %broadcast_in_dim3A_146 = arith.constant 10 : i32
        %broadcast_in_dim3A_147 = vector.broadcast %broadcast_in_dim3A_146 : i32 to vector<16xi32>
        %gather3A_148 = tpu.vector_load_idx %arg10[%add3A_42, %broadcast_in_dim3A_147] : memref<128x16xf32, #tpu.memory_space<vmem>>[vector<16xi32>, vector<16xi32>], vector<16xf32>,
        %gather3A_149 = tpu.vector_load_idx %arg11[%add3A_42, %broadcast_in_dim3A_147] : memref<128x16xf32, #tpu.memory_space<vmem>>[vector<16xi32>, vector<16xi32>], vector<16xf32>,
        %mul3A_150 = arith.mulf %gather3A_148, %gather3A_149 : vector<16xf32>
        %add3A_151 = arith.addf %add3A_141, %mul3A_150 : vector<16xf32>
        %mul3A_152 = arith.mulf %gather3A_148, %gather3A_148 : vector<16xf32>
        %add3A_153 = arith.addf %add3A_143, %mul3A_152 : vector<16xf32>
        %mul3A_154 = arith.mulf %gather3A_149, %gather3A_149 : vector<16xf32>
        %add3A_155 = arith.addf %add3A_145, %mul3A_154 : vector<16xf32>
        %broadcast_in_dim3A_156 = arith.constant 11 : i32
        %broadcast_in_dim3A_157 = vector.broadcast %broadcast_in_dim3A_156 : i32 to vector<16xi32>
        %gather3A_158 = tpu.vector_load_idx %arg10[%add3A_42, %broadcast_in_dim3A_157] : memref<128x16xf32, #tpu.memory_space<vmem>>[vector<16xi32>, vector<16xi32>], vector<16xf32>,
        %gather3A_159 = tpu.vector_load_idx %arg11[%add3A_42, %broadcast_in_dim3A_157] : memref<128x16xf32, #tpu.memory_space<vmem>>[vector<16xi32>, vector<16xi32>], vector<16xf32>,
        %mul3A_160 = arith.mulf %gather3A_158, %gather3A_159 : vector<16xf32>
        %add3A_161 = arith.addf %add3A_151, %mul3A_160 : vector<16xf32>
        %mul3A_162 = arith.mulf %gather3A_158, %gather3A_158 : vector<16xf32>
        %add3A_163 = arith.addf %add3A_153, %mul3A_162 : vector<16xf32>
        %mul3A_164 = arith.mulf %gather3A_159, %gather3A_159 : vector<16xf32>
        %add3A_165 = arith.addf %add3A_155, %mul3A_164 : vector<16xf32>
        %broadcast_in_dim3A_166 = arith.constant 12 : i32
        %broadcast_in_dim3A_167 = vector.broadcast %broadcast_in_dim3A_166 : i32 to vector<16xi32>
        %gather3A_168 = tpu.vector_load_idx %arg10[%add3A_42, %broadcast_in_dim3A_167] : memref<128x16xf32, #tpu.memory_space<vmem>>[vector<16xi32>, vector<16xi32>], vector<16xf32>,
        %gather3A_169 = tpu.vector_load_idx %arg11[%add3A_42, %broadcast_in_dim3A_167] : memref<128x16xf32, #tpu.memory_space<vmem>>[vector<16xi32>, vector<16xi32>], vector<16xf32>,
        %mul3A_170 = arith.mulf %gather3A_168, %gather3A_169 : vector<16xf32>
        %add3A_171 = arith.addf %add3A_161, %mul3A_170 : vector<16xf32>
        %mul3A_172 = arith.mulf %gather3A_168, %gather3A_168 : vector<16xf32>
        %add3A_173 = arith.addf %add3A_163, %mul3A_172 : vector<16xf32>
        %mul3A_174 = arith.mulf %gather3A_169, %gather3A_169 : vector<16xf32>
        %add3A_175 = arith.addf %add3A_165, %mul3A_174 : vector<16xf32>
        %broadcast_in_dim3A_176 = arith.constant 13 : i32
        %broadcast_in_dim3A_177 = vector.broadcast %broadcast_in_dim3A_176 : i32 to vector<16xi32>
        %gather3A_178 = tpu.vector_load_idx %arg10[%add3A_42, %broadcast_in_dim3A_177] : memref<128x16xf32, #tpu.memory_space<vmem>>[vector<16xi32>, vector<16xi32>], vector<16xf32>,
        %gather3A_179 = tpu.vector_load_idx %arg11[%add3A_42, %broadcast_in_dim3A_177] : memref<128x16xf32, #tpu.memory_space<vmem>>[vector<16xi32>, vector<16xi32>], vector<16xf32>,
        %mul3A_180 = arith.mulf %gather3A_178, %gather3A_179 : vector<16xf32>
        %add3A_181 = arith.addf %add3A_171, %mul3A_180 : vector<16xf32>
        %mul3A_182 = arith.mulf %gather3A_178, %gather3A_178 : vector<16xf32>
        %add3A_183 = arith.addf %add3A_173, %mul3A_182 : vector<16xf32>
        %mul3A_184 = arith.mulf %gather3A_179, %gather3A_179 : vector<16xf32>
        %add3A_185 = arith.addf %add3A_175, %mul3A_184 : vector<16xf32>
        %broadcast_in_dim3A_186 = arith.constant 14 : i32
        %broadcast_in_dim3A_187 = vector.broadcast %broadcast_in_dim3A_186 : i32 to vector<16xi32>
        %gather3A_188 = tpu.vector_load_idx %arg10[%add3A_42, %broadcast_in_dim3A_187] : memref<128x16xf32, #tpu.memory_space<vmem>>[vector<16xi32>, vector<16xi32>], vector<16xf32>,
        %gather3A_189 = tpu.vector_load_idx %arg11[%add3A_42, %broadcast_in_dim3A_187] : memref<128x16xf32, #tpu.memory_space<vmem>>[vector<16xi32>, vector<16xi32>], vector<16xf32>,
        %mul3A_190 = arith.mulf %gather3A_188, %gather3A_189 : vector<16xf32>
        %add3A_191 = arith.addf %add3A_181, %mul3A_190 : vector<16xf32>
        %mul3A_192 = arith.mulf %gather3A_188, %gather3A_188 : vector<16xf32>
        %add3A_193 = arith.addf %add3A_183, %mul3A_192 : vector<16xf32>
        %mul3A_194 = arith.mulf %gather3A_189, %gather3A_189 : vector<16xf32>
        %add3A_195 = arith.addf %add3A_185, %mul3A_194 : vector<16xf32>
        %broadcast_in_dim3A_196 = arith.constant 15 : i32
        %broadcast_in_dim3A_197 = vector.broadcast %broadcast_in_dim3A_196 : i32 to vector<16xi32>
        %gather3A_198 = tpu.vector_load_idx %arg10[%add3A_42, %broadcast_in_dim3A_197] : memref<128x16xf32, #tpu.memory_space<vmem>>[vector<16xi32>, vector<16xi32>], vector<16xf32>,
        %gather3A_199 = tpu.vector_load_idx %arg11[%add3A_42, %broadcast_in_dim3A_197] : memref<128x16xf32, #tpu.memory_space<vmem>>[vector<16xi32>, vector<16xi32>], vector<16xf32>,
        %mul3A_200 = arith.mulf %gather3A_198, %gather3A_199 : vector<16xf32>
        %add3A_201 = arith.addf %add3A_191, %mul3A_200 : vector<16xf32>
        %mul3A_202 = arith.mulf %gather3A_198, %gather3A_198 : vector<16xf32>
        %add3A_203 = arith.addf %add3A_193, %mul3A_202 : vector<16xf32>
        %mul3A_204 = arith.mulf %gather3A_199, %gather3A_199 : vector<16xf32>
        %add3A_205 = arith.addf %add3A_195, %mul3A_204 : vector<16xf32>
        %add3A_206 = arith.constant 0 : i32
        %add3A_207 = vector.broadcast %add3A_206 : i32 to vector<16xi32>
        %add3A_208 = arith.addi %mul3A_45, %add3A_207 : vector<16xi32>
        %gather3A_209 = tpu.vector_load_idx %arg8[%add3A_208] : memref<2560xf32, #tpu.memory_space<vmem>>[vector<16xi32>], vector<16xf32>,
        %add3A_210 = arith.addf %broadcast_in_dim3A_46, %gather3A_209 : vector<16xf32>
        %add3A_211 = arith.constant 1 : i32
        %add3A_212 = vector.broadcast %add3A_211 : i32 to vector<16xi32>
        %add3A_213 = arith.addi %mul3A_45, %add3A_212 : vector<16xi32>
        %gather3A_214 = tpu.vector_load_idx %arg8[%add3A_213] : memref<2560xf32, #tpu.memory_space<vmem>>[vector<16xi32>], vector<16xf32>,
        %add3A_215 = arith.addf %add3A_210, %gather3A_214 : vector<16xf32>
        %add3A_216 = arith.constant 2 : i32
        %add3A_217 = vector.broadcast %add3A_216 : i32 to vector<16xi32>
        %add3A_218 = arith.addi %mul3A_45, %add3A_217 : vector<16xi32>
        %gather3A_219 = tpu.vector_load_idx %arg8[%add3A_218] : memref<2560xf32, #tpu.memory_space<vmem>>[vector<16xi32>], vector<16xf32>,
        %add3A_220 = arith.addf %add3A_215, %gather3A_219 : vector<16xf32>
        %add3A_221 = arith.constant 3 : i32
        %add3A_222 = vector.broadcast %add3A_221 : i32 to vector<16xi32>
        %add3A_223 = arith.addi %mul3A_45, %add3A_222 : vector<16xi32>
        %gather3A_224 = tpu.vector_load_idx %arg8[%add3A_223] : memref<2560xf32, #tpu.memory_space<vmem>>[vector<16xi32>], vector<16xf32>,
        %add3A_225 = arith.addf %add3A_220, %gather3A_224 : vector<16xf32>
        %add3A_226 = arith.constant 4 : i32
        %add3A_227 = vector.broadcast %add3A_226 : i32 to vector<16xi32>
        %add3A_228 = arith.addi %mul3A_45, %add3A_227 : vector<16xi32>
        %gather3A_229 = tpu.vector_load_idx %arg8[%add3A_228] : memref<2560xf32, #tpu.memory_space<vmem>>[vector<16xi32>], vector<16xf32>,
        %add3A_230 = arith.addf %add3A_225, %gather3A_229 : vector<16xf32>
        %add3A_231 = arith.constant 5 : i32
        %add3A_232 = vector.broadcast %add3A_231 : i32 to vector<16xi32>
        %add3A_233 = arith.addi %mul3A_45, %add3A_232 : vector<16xi32>
        %gather3A_234 = tpu.vector_load_idx %arg8[%add3A_233] : memref<2560xf32, #tpu.memory_space<vmem>>[vector<16xi32>], vector<16xf32>,
        %add3A_235 = arith.addf %add3A_230, %gather3A_234 : vector<16xf32>
        %add3A_236 = arith.constant 6 : i32
        %add3A_237 = vector.broadcast %add3A_236 : i32 to vector<16xi32>
        %add3A_238 = arith.addi %mul3A_45, %add3A_237 : vector<16xi32>
        %gather3A_239 = tpu.vector_load_idx %arg8[%add3A_238] : memref<2560xf32, #tpu.memory_space<vmem>>[vector<16xi32>], vector<16xf32>,
        %add3A_240 = arith.addf %add3A_235, %gather3A_239 : vector<16xf32>
        %add3A_241 = arith.constant 7 : i32
        %add3A_242 = vector.broadcast %add3A_241 : i32 to vector<16xi32>
        %add3A_243 = arith.addi %mul3A_45, %add3A_242 : vector<16xi32>
        %gather3A_244 = tpu.vector_load_idx %arg8[%add3A_243] : memref<2560xf32, #tpu.memory_space<vmem>>[vector<16xi32>], vector<16xf32>,
        %add3A_245 = arith.addf %add3A_240, %gather3A_244 : vector<16xf32>
        %add3A_246 = arith.constant 8 : i32
        %add3A_247 = vector.broadcast %add3A_246 : i32 to vector<16xi32>
        %add3A_248 = arith.addi %mul3A_45, %add3A_247 : vector<16xi32>
        %gather3A_249 = tpu.vector_load_idx %arg8[%add3A_248] : memref<2560xf32, #tpu.memory_space<vmem>>[vector<16xi32>], vector<16xf32>,
        %add3A_250 = arith.addf %add3A_245, %gather3A_249 : vector<16xf32>
        %add3A_251 = arith.constant 9 : i32
        %add3A_252 = vector.broadcast %add3A_251 : i32 to vector<16xi32>
        %add3A_253 = arith.addi %mul3A_45, %add3A_252 : vector<16xi32>
        %gather3A_254 = tpu.vector_load_idx %arg8[%add3A_253] : memref<2560xf32, #tpu.memory_space<vmem>>[vector<16xi32>], vector<16xf32>,
        %add3A_255 = arith.addf %add3A_250, %gather3A_254 : vector<16xf32>
        %add3A_256 = arith.constant 10 : i32
        %add3A_257 = vector.broadcast %add3A_256 : i32 to vector<16xi32>
        %add3A_258 = arith.addi %mul3A_45, %add3A_257 : vector<16xi32>
        %gather3A_259 = tpu.vector_load_idx %arg8[%add3A_258] : memref<2560xf32, #tpu.memory_space<vmem>>[vector<16xi32>], vector<16xf32>,
        %add3A_260 = arith.addf %add3A_255, %gather3A_259 : vector<16xf32>
        %add3A_261 = arith.constant 11 : i32
        %add3A_262 = vector.broadcast %add3A_261 : i32 to vector<16xi32>
        %add3A_263 = arith.addi %mul3A_45, %add3A_262 : vector<16xi32>
        %gather3A_264 = tpu.vector_load_idx %arg8[%add3A_263] : memref<2560xf32, #tpu.memory_space<vmem>>[vector<16xi32>], vector<16xf32>,
        %add3A_265 = arith.addf %add3A_260, %gather3A_264 : vector<16xf32>
        %add3A_266 = arith.constant 12 : i32
        %add3A_267 = vector.broadcast %add3A_266 : i32 to vector<16xi32>
        %add3A_268 = arith.addi %mul3A_45, %add3A_267 : vector<16xi32>
        %gather3A_269 = tpu.vector_load_idx %arg8[%add3A_268] : memref<2560xf32, #tpu.memory_space<vmem>>[vector<16xi32>], vector<16xf32>,
        %add3A_270 = arith.addf %add3A_265, %gather3A_269 : vector<16xf32>
        %add3A_271 = arith.constant 13 : i32
        %add3A_272 = vector.broadcast %add3A_271 : i32 to vector<16xi32>
        %add3A_273 = arith.addi %mul3A_45, %add3A_272 : vector<16xi32>
        %gather3A_274 = tpu.vector_load_idx %arg8[%add3A_273] : memref<2560xf32, #tpu.memory_space<vmem>>[vector<16xi32>], vector<16xf32>,
        %add3A_275 = arith.addf %add3A_270, %gather3A_274 : vector<16xf32>
        %add3A_276 = arith.constant 14 : i32
        %add3A_277 = vector.broadcast %add3A_276 : i32 to vector<16xi32>
        %add3A_278 = arith.addi %mul3A_45, %add3A_277 : vector<16xi32>
        %gather3A_279 = tpu.vector_load_idx %arg8[%add3A_278] : memref<2560xf32, #tpu.memory_space<vmem>>[vector<16xi32>], vector<16xf32>,
        %add3A_280 = arith.addf %add3A_275, %gather3A_279 : vector<16xf32>
        %add3A_281 = arith.constant 15 : i32
        %add3A_282 = vector.broadcast %add3A_281 : i32 to vector<16xi32>
        %add3A_283 = arith.addi %mul3A_45, %add3A_282 : vector<16xi32>
        %gather3A_284 = tpu.vector_load_idx %arg8[%add3A_283] : memref<2560xf32, #tpu.memory_space<vmem>>[vector<16xi32>], vector<16xf32>,
        %add3A_285 = arith.addf %add3A_280, %gather3A_284 : vector<16xf32>
        %add3A_286 = arith.constant 16 : i32
        %add3A_287 = vector.broadcast %add3A_286 : i32 to vector<16xi32>
        %add3A_288 = arith.addi %mul3A_45, %add3A_287 : vector<16xi32>
        %gather3A_289 = tpu.vector_load_idx %arg8[%add3A_288] : memref<2560xf32, #tpu.memory_space<vmem>>[vector<16xi32>], vector<16xf32>,
        %add3A_290 = arith.addf %add3A_285, %gather3A_289 : vector<16xf32>
        %add3A_291 = arith.constant 17 : i32
        %add3A_292 = vector.broadcast %add3A_291 : i32 to vector<16xi32>
        %add3A_293 = arith.addi %mul3A_45, %add3A_292 : vector<16xi32>
        %gather3A_294 = tpu.vector_load_idx %arg8[%add3A_293] : memref<2560xf32, #tpu.memory_space<vmem>>[vector<16xi32>], vector<16xf32>,
        %add3A_295 = arith.addf %add3A_290, %gather3A_294 : vector<16xf32>
        %add3A_296 = arith.constant 18 : i32
        %add3A_297 = vector.broadcast %add3A_296 : i32 to vector<16xi32>
        %add3A_298 = arith.addi %mul3A_45, %add3A_297 : vector<16xi32>
        %gather3A_299 = tpu.vector_load_idx %arg8[%add3A_298] : memref<2560xf32, #tpu.memory_space<vmem>>[vector<16xi32>], vector<16xf32>,
        %add3A_300 = arith.addf %add3A_295, %gather3A_299 : vector<16xf32>
        %add3A_301 = arith.constant 19 : i32
        %add3A_302 = vector.broadcast %add3A_301 : i32 to vector<16xi32>
        %add3A_303 = arith.addi %mul3A_45, %add3A_302 : vector<16xi32>
        %gather3A_304 = tpu.vector_load_idx %arg8[%add3A_303] : memref<2560xf32, #tpu.memory_space<vmem>>[vector<16xi32>], vector<16xf32>,
        %add3A_305 = arith.addf %add3A_300, %gather3A_304 : vector<16xf32>
        %add3A_306 = arith.constant 9.99999993E-9 : f32
        %add3A_307 = vector.broadcast %add3A_306 : f32 to vector<16xf32>
        %add3A_308 = arith.addf %add3A_305, %add3A_307 : vector<16xf32>
        %div3A = arith.constant 1.000000e+00 : f32
        %div3A_309 = vector.broadcast %div3A : f32 to vector<16xf32>
        %div3A_310 = arith.divf %div3A_309, %add3A_308 : vector<16xf32>
        %mul3A_311 = arith.mulf %add3A_203, %div3A_310 : vector<16xf32>
        %mul3A_312 = arith.mulf %mul3A_311, %div3A_310 : vector<16xf32>
        %max3A = arith.constant 1.000000e-16 : f32
        %max3A_313 = vector.broadcast %max3A : f32 to vector<16xf32>
        %max3A_314 = arith.maximumf %mul3A_312, %max3A_313 : vector<16xf32>
        %mul3A_315 = arith.constant 2.500000e-03 : f32
        %mul3A_316 = vector.broadcast %mul3A_315 : f32 to vector<16xf32>
        %mul3A_317 = arith.mulf %add3A_205, %mul3A_316 : vector<16xf32>
        %max3A_318 = arith.constant 1.000000e-16 : f32
        %max3A_319 = vector.broadcast %max3A_318 : f32 to vector<16xf32>
        %max3A_320 = arith.maximumf %mul3A_317, %max3A_319 : vector<16xf32>
        %mul3A_321 = arith.constant 5.000000e-02 : f32
        %mul3A_322 = vector.broadcast %mul3A_321 : f32 to vector<16xf32>
        %mul3A_323 = arith.mulf %div3A_310, %mul3A_322 : vector<16xf32>
        %mul3A_324 = arith.mulf %add3A_201, %mul3A_323 : vector<16xf32>
        %mul3A_325 = arith.mulf %max3A_314, %max3A_320 : vector<16xf32>
        %bitcast_convert_type3A = tpu.bitcast %mul3A_325 : vector<16xf32> -> vector<16xi32>
        %shift_right_logical3A = arith.constant 1 : i32
        %shift_right_logical3A_326 = vector.broadcast %shift_right_logical3A : i32 to vector<16xi32>
        %shift_right_logical3A_327 = arith.shrui %bitcast_convert_type3A, %shift_right_logical3A_326 : vector<16xi32>
        %sub3A = arith.constant 1597463007 : i32
        %sub3A_328 = vector.broadcast %sub3A : i32 to vector<16xi32>
        %sub3A_329 = arith.subi %sub3A_328, %shift_right_logical3A_327 : vector<16xi32>
        %bitcast_convert_type3A_330 = tpu.bitcast %sub3A_329 : vector<16xi32> -> vector<16xf32>
        %mul3A_331 = arith.constant 5.000000e-01 : f32
        %mul3A_332 = vector.broadcast %mul3A_331 : f32 to vector<16xf32>
        %mul3A_333 = arith.mulf %mul3A_332, %mul3A_325 : vector<16xf32>
        %mul3A_334 = arith.mulf %mul3A_333, %bitcast_convert_type3A_330 : vector<16xf32>
        %mul3A_335 = arith.mulf %mul3A_334, %bitcast_convert_type3A_330 : vector<16xf32>
        %sub3A_336 = arith.constant 1.500000e+00 : f32
        %sub3A_337 = vector.broadcast %sub3A_336 : f32 to vector<16xf32>
        %sub3A_338 = arith.subf %sub3A_337, %mul3A_335 : vector<16xf32>
        %mul3A_339 = arith.mulf %bitcast_convert_type3A_330, %sub3A_338 : vector<16xf32>
        %mul3A_340 = arith.constant 5.000000e-01 : f32
        %mul3A_341 = vector.broadcast %mul3A_340 : f32 to vector<16xf32>
        %mul3A_342 = arith.mulf %mul3A_341, %mul3A_325 : vector<16xf32>
        %mul3A_343 = arith.mulf %mul3A_342, %mul3A_339 : vector<16xf32>
        %mul3A_344 = arith.mulf %mul3A_343, %mul3A_339 : vector<16xf32>
        %sub3A_345 = arith.constant 1.500000e+00 : f32
        %sub3A_346 = vector.broadcast %sub3A_345 : f32 to vector<16xf32>
        %sub3A_347 = arith.subf %sub3A_346, %mul3A_344 : vector<16xf32>
        %mul3A_348 = arith.mulf %mul3A_339, %sub3A_347 : vector<16xf32>
        %mul3A_349 = arith.constant 5.000000e-01 : f32
        %mul3A_350 = vector.broadcast %mul3A_349 : f32 to vector<16xf32>
        %mul3A_351 = arith.mulf %mul3A_350, %mul3A_325 : vector<16xf32>
        %mul3A_352 = arith.mulf %mul3A_351, %mul3A_348 : vector<16xf32>
        %mul3A_353 = arith.mulf %mul3A_352, %mul3A_348 : vector<16xf32>
        %sub3A_354 = arith.constant 1.500000e+00 : f32
        %sub3A_355 = vector.broadcast %sub3A_354 : f32 to vector<16xf32>
        %sub3A_356 = arith.subf %sub3A_355, %mul3A_353 : vector<16xf32>
        %mul3A_357 = arith.mulf %mul3A_348, %sub3A_356 : vector<16xf32>
        %mul3A_358 = arith.mulf %mul3A_324, %mul3A_357 : vector<16xf32>
        %mul3A_359 = arith.constant 16 : i32
        %mul3A_360 = arith.muli %scan3A_38, %mul3A_359 : i32
        %multiple_of3A_361 = tpu.assume_multiple %mul3A_360, 16 : i32
        %swap3A = arith.index_cast %multiple_of3A_361 : i32 to index
        %swap3A_362 = tpu.vector_load %arg12[%swap3A] {strides = array<i32>} : memref<128xf32, #tpu.memory_space<vmem>>, vector<16xf32>,
        tpu.vector_store %arg12[%swap3A], %mul3A_358 {strides = array<i32>} : memref<128xf32, #tpu.memory_space<vmem>>, vector<16xf32>,
      }
      %scan3A_37 = arith.constant 8 : i32
      "tpu.region"() ({
        %run_scoped3A = tpu.sem_alloc : memref<!tpu.dma_semaphore, #tpu.memory_space<semaphore_mem>>
        %dma_start3A = tpu.memref_slice %arg6[%multiple_of3A] : memref<16384xf32, #tpu.memory_space<hbm>> -> memref<128xf32, #tpu.memory_space<hbm>>
        %dma_start3A_38 = tpu.memref_slice %arg6[%multiple_of3A] : memref<16384xf32, #tpu.memory_space<hbm>> -> memref<128xf32, #tpu.memory_space<hbm>>
        tpu.enqueue_dma source(%arg12 : memref<128xf32, #tpu.memory_space<vmem>>) target(%dma_start3A_38 : memref<128xf32, #tpu.memory_space<hbm>>) target_semaphore(%run_scoped3A : memref<!tpu.dma_semaphore, #tpu.memory_space<semaphore_mem>>)
        %dma_wait3A_39 = tpu.memref_slice %arg6[%multiple_of3A] : memref<16384xf32, #tpu.memory_space<hbm>> -> memref<128xf32, #tpu.memory_space<hbm>>
        %dma_wait3A_40 = tpu.memref_slice %arg6[%multiple_of3A] : memref<16384xf32, #tpu.memory_space<hbm>> -> memref<128xf32, #tpu.memory_space<hbm>>
        tpu.wait_dma2 semaphore(%run_scoped3A : memref<!tpu.dma_semaphore, #tpu.memory_space<semaphore_mem>>) src(%arg12 : memref<128xf32, #tpu.memory_space<vmem>>) dst(%dma_wait3A_40 : memref<128xf32, #tpu.memory_space<hbm>>)
        tpu.yield
      }) : () -> ()
    }
    %scan3A_7 = arith.constant 4 : i32
    return
  }
}

</mosaic_0001>

<sc_bundles>
// kernel: kernel.4.cloned.1.call-start
scs
__scs_entry_jumppad:
0x0: {  	(pc) =	sbr.rel $0x88, $3  }
0x1: {  	(tag) =	ssettag $0x0;
	lr =	simm.s32 $0x1  }
0x2: {  	[smem:$0x3F99] =	sst lr;
	_ =	strace $0xD0000000  }
0x3: {  	_ = 	snop  }
0x4: {  	_ = 	snop  }
0x5: {  	_ = 	snop  }
0x6: {  	_ = 	snop  }
0x7: {  	_ = 	snop  }
__scs_overlays_trampoline_lowered:
0x8: {  	[smem:$0x3FA8] =	sst s0  }
0x9: {  	[smem:$0x3FA9] =	sst s1  }
0xa: {  	[smem:$0x3FAA] =	sst s2  }
0xb: {  	[smem:$0x3FAB] =	sst s3  }
0xc: {  	[smem:$0x3FAC] =	sst s4  }
0xd: {  	[smem:$0x3FAD] =	sst s5  }
0xe: {  	[smem:$0x3FAE] =	sst s6  }
0xf: {  	[smem:$0x3FAF] =	sst s7  }
0x10: {  	[smem:$0x3FB0] =	sst s8  }
0x11: {  	[smem:$0x3FB1] =	sst s9;
	s0 =	simm.s32 @!p0 $0x0  }
0x12: {  	s1 =	sld [smem:$0x3F97];
	s0 =	simm.s32 @p0 $0x1  }
0x13: {  	[smem:$0x3FB2] =	sst s0;
	s0 =	simm.s32 @!p1 $0x0  }
0x14: {  	s2 =	sld [smem:$0x3F96];
	s0 =	simm.s32 @p1 $0x1  }
0x15: {  	[smem:$0x3FB3] =	sst s0;
	s0 =	simm.s32 @!p2 $0x0  }
0x16: {  	s3 =	sld [smem:$0x3FDB];
	s0 =	simm.s32 @p2 $0x1  }
0x17: {  	s4 =	simm.s32 $0x1BF5;
	[smem:$0x3FB5] =	sst s0  }
0x18: {  	s0 =	sld [smem:$0x3F98];
	_ =	swait.ge [sflag:s4], $0x0  }
0x19: {  	s7 =	sld [smem:$0x3F99]  }
0x1a: {  	s8 =	sadd.s32 $0xFFFFE003, lr  }
0x1b: {  	s9 =	sadd.s32 $0xFFFFFEF7, lr;
	s5 =	simm.s32 $0xFFFFFFFF;
	p2 =	slt.u32 s8, $0xFFFFF086  }
0x1c: {  	p1 =	slt.u32 s9, $0xF7A;
	s5 =	simm.s32 @!p2 $0x0  }
0x1d: {  	s5 =	simm.s32 @p1 $0x1;
	p0 =	seq.s32 s7, s2  }
0x1e: {  	s7 =	smul.u32 @!p0 $0xF7A, s2;
	p2 =	seq.s32 @!p0 s5, $0x0  }
0x1f: {  	s9 =	smul.u32 $0xF7A, s1;
	s8 =	simm.s32 @!p0 $0x1BF5;
	p2 =	por !p2, p0  }
0x20: {  	[sflag:s8] =	ssyncset.s32 @!p0 $0xFFFFF086;
	s6 =	sadd.s32 @!p0 s3, s7;
	s7 =	simm.s32 @!p0 $0x108  }
0x21: {  	s3 =	sadd.s32 s3, s9;
	s6 =	sadd.s32 @!p0 $0x88, s6;
	s7 =	simm.s32 @p2 $0x1082  }
0x22: {  	[simem:s7], [sflag:s8] =	dma.local @!p0 [hbm:s6], $0xF7A  }
0x23: {  	s9 =	sor.u32 $0xD0000000, s2;
	s6 =	simm.s32 $0x108;
	_ =	swait.ge @!p0 [sflag:s8], $0x0  }
0x24: {  	s3 =	sadd.s32 $0x88, s3;
	s6 =	simm.s32 @!p1 $0x1082;
	[sflag:s4] =	ssyncset.s32 $0xFFFFF086  }
0x25: {  	[simem:s6], [sflag:s4] =	dma.local [hbm:s3], $0xF7A  }
0x26: {  	[smem:$0x3F99] =	sst s1;
	(tag) =	ssettag s2;
	_ =	strace s9  }
0x27: {  	s1 =	sld [smem:$0x3FA9]  }
0x28: {  	s2 =	sld [smem:$0x3FAA]  }
0x29: {  	s4 =	sld [smem:$0x3FAC]  }
0x2a: {  	p0 =	seq.s32 s5, $0x0;
	s5 =	sld [smem:$0x3FAD]  }
0x2b: {  	s6 =	sld [smem:$0x3FAE]  }
0x2c: {  	s7 =	sld [smem:$0x3FAF]  }
0x2d: {  	s3 =	simm.s32 $0x108;
	s8 =	sld [smem:$0x3FB0]  }
0x2e: {  	s3 =	simm.s32 @!p0 $0x1082;
	s9 =	sld [smem:$0x3FB1]  }
0x2f: {  	lr =	sadd.s32 s0, s3;
	s0 =	sld [smem:$0x3FA8]  }
0x30: {  	s3 =	sld [smem:$0x3FAB]  }
0x31: {  	[smem:$0x3FB4] =	sst s10  }
0x32: {  	s10 =	sld [smem:$0x3FB2];
	_ =	sdelay $0x3  }
0x33: {  	p0 =	seq.s32 s10, $0x1;
	s10 =	sld [smem:$0x3FB4];
	_ =	sdelay $0x3  }
0x34: {  	[smem:$0x3FB4] =	sst s10  }
0x35: {  	s10 =	sld [smem:$0x3FB3];
	_ =	sdelay $0x3  }
0x36: {  	p1 =	seq.s32 s10, $0x1;
	s10 =	sld [smem:$0x3FB4];
	_ =	sdelay $0x3  }
0x37: {  	[smem:$0x3FB4] =	sst s10  }
0x38: {  	s10 =	sld [smem:$0x3FB5]  }
0x39: {  	_ = 	snop;
	(pc) =	sbr.ind lr, $3  }
0x3a: {  	_ = 	snop  }
0x3b: {  	_ = 	snop  }
0x3c: {  	p2 =	seq.s32 s10, $0x1;
	s10 =	sld [smem:$0x3FB4]  }
0x3d: {  	_ =	shalt  }
0x3e: {  	_ =	shalt  }
0x3f: {  	_ =	shalt  }
0x40: {  	_ =	shalt  }
0x41: {  	_ =	shalt  }
0x42: {  	_ =	shalt  }
0x43: {  	_ =	shalt  }
0x44: {  	_ =	shalt  }
0x45: {  	_ =	shalt  }
0x46: {  	_ =	shalt  }
0x47: {  	_ =	shalt  }
0x48: {  	_ =	shalt  }
0x49: {  	_ =	shalt  }
0x4a: {  	_ =	shalt  }
0x4b: {  	_ =	shalt  }
0x4c: {  	_ =	shalt  }
0x4d: {  	_ =	shalt  }
0x4e: {  	_ =	shalt  }
0x4f: {  	_ =	shalt  }
0x50: {  	_ =	shalt  }
0x51: {  	_ =	shalt  }
0x52: {  	_ =	shalt  }
0x53: {  	_ =	shalt  }
0x54: {  	_ =	shalt  }
0x55: {  	_ =	shalt  }
0x56: {  	_ =	shalt  }
0x57: {  	_ =	shalt  }
0x58: {  	_ =	shalt  }
0x59: {  	_ =	shalt  }
0x5a: {  	_ =	shalt  }
0x5b: {  	_ =	shalt  }
0x5c: {  	_ =	shalt  }
0x5d: {  	_ =	shalt  }
0x5e: {  	_ =	shalt  }
0x5f: {  	_ =	shalt  }
0x60: {  	_ =	shalt  }
0x61: {  	_ =	shalt  }
0x62: {  	_ =	shalt  }
0x63: {  	_ =	shalt  }
0x64: {  	_ =	shalt  }
0x65: {  	_ =	shalt  }
0x66: {  	_ =	shalt  }
0x67: {  	_ =	shalt  }
0x68: {  	_ =	shalt  }
0x69: {  	_ =	shalt  }
0x6a: {  	_ =	shalt  }
0x6b: {  	_ =	shalt  }
0x6c: {  	_ =	shalt  }
0x6d: {  	_ =	shalt  }
0x6e: {  	_ =	shalt  }
0x6f: {  	_ =	shalt  }
0x70: {  	_ =	shalt  }
0x71: {  	_ =	shalt  }
0x72: {  	_ =	shalt  }
0x73: {  	_ =	shalt  }
0x74: {  	_ =	shalt  }
0x75: {  	_ =	shalt  }
0x76: {  	_ =	shalt  }
0x77: {  	_ =	shalt  }
0x78: {  	_ =	shalt  }
0x79: {  	_ =	shalt  }
0x7a: {  	_ =	shalt  }
0x7b: {  	_ =	shalt  }
0x7c: {  	_ =	shalt  }
0x7d: {  	_ =	shalt  }
0x7e: {  	_ =	shalt  }
0x7f: {  	_ =	shalt  }
0x80: {  	_ =	shalt  }
0x81: {  	_ =	shalt  }
0x82: {  	_ =	shalt  }
0x83: {  	_ =	shalt  }
0x84: {  	_ =	shalt  }
0x85: {  	_ =	shalt  }
0x86: {  	_ =	shalt  }
0x87: {  	_ =	shalt  }
.Lfunc_end0:
.L_simem_size_0:
called_computation_lowered:
.L_overlay_start_0:
0x88: {  	s2 =	sld [smem:$0x3FD9]  }
0x89: {  	s3 =	sld [smem:$0x3FFE];
	_ =	sdelay $0x1  }
0x8a: {  	s1 =	srdreg.scid  }
0x8b: {  	s0 =	sand.u32 $0x1, s1  }
0x8c: {  	s16 =	sshll.u32 s0, $0xA;
	s2 =	sadd.s32 s3, s2  }
0x8d: {  	s2 =	sadd.s32 s2, s16  }
0x8e: {  	[smem:$0x3FC0] =	sst s2  }
0x8f: {  	_ = 	snop  }
0x90: {  	(tm) =	ssettm $0x1  }
0x91: {  	s17 =	sld [smem:$0x3FFB];
	_ =	sdelay $0x3  }
0x92: {  	_ =	strace s17  }
0x93: {  	s2 =	sld [smem:$0x3FFC];
	_ =	sdelay $0x3  }
0x94: {  	_ =	strace s2  }
0x95: {  	s2 =	sld [smem:$0x3FFD];
	_ =	sdelay $0x3  }
0x96: {  	_ =	strace s2  }
0x97: {  	_ =	strace $0x8FFFFFFF  }
0x98: {  	s18 =	sld [smem:$0x3FDB];
	_ =	sdelay $0x1  }
0x99: {  	s19 =	simm.s32 $_scs_section_size  }
0x9a: {  	s4 =	simm.s32 $_size__tile_overlayer_lowered;
	s5 =	simm.s32 $_tile_overlayer_lowered  }
0x9b: {  	s22 =	simm.s32 $0x1BFF;
	s21 =	sshll.u32 s5, $0x1;
	s2 =	sadd.s32 s19, s18  }
0x9c: {  	s6 =	simm.s32 $0x0;
	s20 =	sshll.u32 s4, $0x1;
	s4 =	sadd.s32 s21, s2  }
0x9d: {  	[timem:s6], [sflag:s22] =	dma.local [hbm:s4], s20  }
0x9e: {  	_ =	swait.ge [sflag:s22], s20  }
0x9f: {  	s3 =	ssub.s32 $0x0, s20;
	[sflag:s22] =	ssyncset.done $0x0  }
0xa0: {  	[sflag:s22] =	ssyncadd.s32 s3;
	_ =	sdelay $0x1  }
0xa1: {  	s23 =	simm.s32 $0x1B8B  }
0xa2: {  	_ =	swait.ge [sflag:s23], $0x1  }
0xa3: {  	[sflag:s23] =	ssyncset.done $0x0  }
0xa4: {  	s25 =	simm.s32 $0x1B8E;
	s24 =	sld [smem:$0x3FFE];
	[sflag:s23] =	ssyncadd.s32 $0xFFFFFFFF  }
0xa5: {  	s26 =	simm.s32 $execute0_lowered;
	[smem:$0x3FD2] =	sst s25  }
0xa6: {  	s4 =	sshll.u32 s26, $0x1;
	_ =	strace $0x80000046;
	[dreg:$0x1] =	wrdreg $0xFFFFFFFF  }
0xa7: {  	s28 =	simm.s32 $_size_execute0_lowered;
	s2 =	sadd.s32 s2, s4;
	[dreg:$0x0] =	wrdreg $0x0  }
0xa8: {  	s4 =	sshll.u32 s28, $0x1;
	[dreg:$0x2] =	wrdreg s2  }
0xa9: {  	[dreg:$0x3] =	wrdreg s4  }
0xaa: {  	[dreg:$0x4] =	wrdreg $0xC0  }
0xab: {  	_ =	task [dreg:s6], $0x5FFFF  }
0xac: {  	[dreg:$0x1] =	wrdreg $0xFFFFFFFF  }
0xad: {  	[dreg:$0x0] =	wrdreg $0x60  }
0xae: {  	[dreg:$0x2] =	wrdreg s24  }
0xaf: {  	[dreg:$0x3] =	wrdreg $0x9  }
0xb0: {  	_ =	task.clear_ibuf [dreg:s6], $0x4FFFF;
	_ =	strace $0x90000046  }
0xb1: {  	s29 =	simm.s32 $0x9;
	_ =	strace $0x80000048  }
0xb2: {  	_ =	swait.ge [sflag:s29], $0x1  }
0xb3: {  	[sflag:s29] =	ssyncadd.s32 $0xFFFFFFFF  }
0xb4: {  	_ =	strace $0x90000048  }
0xb5: {  	_ =	sfence  }
0xb6: {  	s30 =	sld [smem:$0x0];
	_ =	sdelay $0x2  }
0xb7: {  	s31 =	sshll.u32 s1, $0xD;
	s1 =	sshrl.u32 s1, $0x2  }
0xb8: {  	s3 =	sand.u32 $0x4000, s31;
	s1 =	sadd.s32 s1, s30  }
0xb9: {  	s0 =	sor.u32 s3, s0;
	s1 =	sshll.u32 s1, $0x11  }
0xba: {  	s0 =	sor.u32 s1, s0  }
0xbb: {  	s0 =	sadd.s32 $0x8F2B, s0  }
0xbc: {  	[sflag:s0] =	ssyncadd.remote.s32 $0x1  }
0xbd: {  	_ =	sfence.sel $0xFFFF  }
0xbe: {  	[dreg:$0x0] =	wrdreg $0xFFFFFFFF;
	(pc) =	sbr.abs _section_cstart, $3  }
0xbf: {  	[dreg:$0x1] =	wrdreg $0xFFFFFFFF  }
0xc0: {  	_ =	task.clear_ibuf [dreg:s6], $0x2FFFF;
	_ =	strace $0x9FFFFFFF  }
0xc1: {  	(tm) =	ssettm $0x7FFFFFFF  }
tec
execute0_lowered:
.L_overlay_start_1:
0x0: {  	(tag) =	ssettag $0x1  }
0x1: {  	s7 =	rddreg [dreg:$0x0]  }
0x2: {  	s0 =	rddreg [dreg:$0x1]  }
0x3: {  	s1 =	simm.s32 $0x0;
	s3 =	srdreg.scid;
	s11 =	simm.s32 $0xA00  }
0x4: {  	s12 =	simm.s32 $0x1400;
	s13 =	simm.s32 $0x80;
	s14 =	simm.s32 $0x1  }
0x5: {  	s15 =	simm.s32 $0x15E00;
	s16 =	simm.s32 $0x16600;
	s17 =	simm.s32 $0x16E00  }
0x6: {  	s18 =	simm.s32 $0x0;
	[smem:$0x7FF] =	sst s1;
	s2 =	sadd.s32 $0x1400, s7  }
0x7: {  	s8 =	sand.u32 $0x1, s3;
	s4 =	sadd.s32 $0xB400, s7;
	s5 =	sadd.s32 $0x15400, s7  }
0x8: {  	s6 =	sadd.s32 $0x1A5E00, s7;
	s3 =	stileid.u32;
	s9 =	ssub.s32 $0x2, s8  }
0x9: {  	s7 =	sadd.s32 $0x1F400, s7;
	_ =	strace $0x80000047;
	s10 =	sshrl.u32 s9, $0x1  }
0xa: {  	s31 =	sshll.u32 s3, $0xA;
	s8 =	sshll.u32 s8, $0x9;
	s9 =	ssub.s32 s9, s10  }
0xb: {  	v0 =	vlaneseq.u32;
	s8 =	sor.u32 s8, s31;
	s10 =	simm.s32 $0x2;
	s9 =	smax.u32 s9, $0x1  }
.LBB2_1:
0xc: {  	s19 =	simm.s32 $0x0  }
.LBB2_2:
0xd: {  	s20 =	sshll.u32 s19, $0x7  }
0xe: {  	s20 =	sadd.s32 s8, s20  }
0xf: {  	s21 =	smul.u32 $0x14, s20;
	_ =	sdelay $0x1  }
0x10: {  	s21 =	sshrl.u32 s21, $0x3  }
0x11: {  	s23 =	simm.s32 $0x0;
	s22 =	sadd.s32 s2, s21  }
0x12: {  	[tilespmem:s23], [sflag:$0x2] =	stream.linear.gather [hbm4b:s22+s23], $0xA00, $0x38;
	[tilespmem:$0x16E80] =	vst v63  }
0x13: {  	_ =	swait.ge [sflag:s10], $0xA00  }
0x14: {  	[sflag:s10] =	ssyncset.done $0x0  }
0x15: {  	s31 =	sadd.s32 s5, s21;
	[sflag:s10] =	ssyncadd.s32 $0xFFFFF600  }
0x16: {  	[tilespmem:s11], [sflag:$0x2] =	stream.linear.gather [hbm4b:s31+s23], $0xA00, $0x38;
	[tilespmem:$0x16E80] =	vst v63  }
0x17: {  	_ =	swait.ge [sflag:s10], $0xA00  }
0x18: {  	[sflag:s10] =	ssyncset.done $0x0  }
0x19: {  	s21 =	sadd.s32 s4, s21;
	[sflag:s10] =	ssyncadd.s32 $0xFFFFF600  }
0x1a: {  	[tilespmem:s12], [sflag:$0x2] =	stream.linear.gather [hbm4b:s21+s23], $0xA00, $0x38;
	[tilespmem:$0x16E80] =	vst v63  }
0x1b: {  	_ =	swait.ge [sflag:s10], $0xA00  }
0x1c: {  	s24 =	simm.s32 $0x0;
	s22 =	simm.s32 $0x1E00;
	[sflag:s10] =	ssyncset.done $0x0  }
0x1d: {  	s21 =	simm.s32 $0x200;
	s23 =	simm.s32 $0x2600;
	[sflag:s10] =	ssyncadd.s32 $0xFFFFF600  }
.LBB2_3:
0x1e: {  	[tilespmem:s22], [sflag:$0x1] =	stream.indirect.gather [hbm4b:s6+s13], $0x10, s24, s13, $0xb8;
	[tilespmem:$0x16E80] =	vst v63  }
0x1f: {  	s24 =	smov.u32 s21;
	s22 =	smov.u32 s23;
	p0 =	sne.s32 s21, $0x4E00  }
.Ltmp0:
0x20: {  	s21 =	sadd.s32 $0x200, s21;
	(pc) =	sbr.rel @p0 .LBB2_3-.Ltmp0, $2  }
0x21: {  	_ =	sdelay $0x2  }
0x22: {  	s23 =	sadd.s32 $0x800, s23;
	s24 =	sshra.s32 s24, $0x2  }
0x23: {  	[tilespmem:s22], [sflag:$0x1] =	stream.indirect.gather [hbm4b:s6+s13], $0x10, s24, s13, $0xb8;
	[tilespmem:$0x16E80] =	vst v63  }
0x24: {  	_ =	swait.ge [sflag:s14], $0x14000  }
0x25: {  	[sflag:s14] =	ssyncset.done $0x0  }
0x26: {  	s31 =	simm.s32 $0x0;
	[sflag:s14] =	ssyncadd.s32 $0xFFFEC000  }
0x27: {  	v7 =	vld [tilespmem:s31+$0x1F20]  }
0x28: {  	v9 =	vld [tilespmem:s31+$0x1F30]  }
0x29: {  	v11 =	vld [tilespmem:s31+$0x1F00]  }
0x2a: {  	v13 =	vld [tilespmem:s31+$0x1F10]  }
0x2b: {  	v15 =	vld [tilespmem:s31+$0x1EE0]  }
0x2c: {  	v17 =	vld [tilespmem:s31+$0x1EF0]  }
0x2d: {  	v19 =	vld [tilespmem:s31+$0x1EC0]  }
0x2e: {  	v20 =	vld [tilespmem:s31+$0x1ED0]  }
0x2f: {  	v22 =	vld [tilespmem:s31+$0x1EA0]  }
0x30: {  	v24 =	vld [tilespmem:s31+$0x1EB0]  }
0x31: {  	v26 =	vld [tilespmem:s31+$0x1E80]  }
0x32: {  	v28 =	vld [tilespmem:s31+$0x1E90]  }
0x33: {  	v30 =	vld [tilespmem:s31+$0x1E60]  }
0x34: {  	v31 =	vld [tilespmem:s31+$0x1E70]  }
0x35: {  	v32 =	vld [tilespmem:s31+$0x1E40]  }
0x36: {  	v34 =	vld [tilespmem:s31+$0x1E50]  }
0x37: {  	v36 =	vld [tilespmem:s31+$0xBE30]  }
0x38: {  	v37 =	vld [tilespmem:s31+$0x1E00]  }
0x39: {  	v39 =	vld [tilespmem:s31+$0x1E20]  }
0x3a: {  	v40 =	vld [tilespmem:s31+$0x1E10]  }
0x3b: {  	v41 =	vld [tilespmem:s31+$0x1E30]  }
0x3c: {  	v42 =	vld [tilespmem:s31+$0xBE20]  }
0x3d: {  	s21 =	simm.s32 $0x0;
	v43 =	vld [tilespmem:s31+$0xBE10]  }
0x3e: {  	v1 =	vmov s21;
	v44 =	vld [tilespmem:s31+$0xBE00]  }
0x3f: {  	v2 =	vadd.s32 $0x12, v1;
	v57 =	vld [tilespmem:s31+$0xBE50]  }
0x40: {  	v3 =	vadd.s32 $0x13, v1;
	v58 =	vld [tilespmem:s31+$0xBE40]  }
0x41: {  	v6 =	vadd.s32 $0x11, v1;
	v59 =	vld [tilespmem:s31+$0xBE70]  }
0x42: {  	v8 =	vadd.s32 $0xE, v1;
	v60 =	vld [tilespmem:s31+$0xBE60]  }
0x43: {  	v10 =	vadd.s32 $0xF, v1;
	v38 =	vld.idx.msk [tilespmem:v1+s12+$0x0], $0xffff  }
0x44: {  	v12 =	vadd.s32 $0xC, v1;
	v2 =	vld.idx.msk [tilespmem:v2+s12+$0x0], $0xffff  }
0x45: {  	v14 =	vadd.s32 $0xD, v1;
	v3 =	vld.idx.msk [tilespmem:v3+s12+$0x0], $0xffff  }
0x46: {  	v16 =	vadd.s32 $0xA, v1;
	v6 =	vld.idx.msk [tilespmem:v6+s12+$0x0], $0xffff  }
0x47: {  	v18 =	vadd.s32 $0xB, v1;
	v8 =	vld.idx.msk [tilespmem:v8+s12+$0x0], $0xffff  }
0x48: {  	v4 =	vand.u32 $0xFFC, v1;
	v21 =	vadd.s32 $0x9, v1;
	v33 =	vor.u32 $0x2, v1;
	v10 =	vld.idx.msk [tilespmem:v10+s12+$0x0], $0xffff  }
0x49: {  	v23 =	vadd.s32 $0x6, v1;
	v25 =	vadd.s32 $0x7, v1;
	v35 =	vor.u32 $0x1, v1;
	v12 =	vld.idx.msk [tilespmem:v12+s12+$0x0], $0xffff  }
0x4a: {  	v27 =	vadd.s32 $0x4, v1;
	v29 =	vadd.s32 $0x5, v1;
	v1 =	vor.u32 $0x3, v1;
	v14 =	vld.idx.msk [tilespmem:v14+s12+$0x0], $0xffff  }
0x4b: {  	v16 =	vld.idx.msk [tilespmem:v16+s12+$0x0], $0xffff  }
0x4c: {  	v18 =	vld.idx.msk [tilespmem:v18+s12+$0x0], $0xffff  }
0x4d: {  	v33 =	vld.idx.msk [tilespmem:v33+s12+$0x0], $0xffff  }
0x4e: {  	v35 =	vld.idx.msk [tilespmem:v35+s12+$0x0], $0xffff  }
0x4f: {  	v5 =	vadd.s32 $0x10, v4;
	v4 =	vadd.s32 $0x8, v4;
	v1 =	vld.idx.msk [tilespmem:v1+s12+$0x0], $0xffff  }
0x50: {  	v27 =	vld.idx.msk [tilespmem:v27+s12+$0x0], $0xffff  }
0x51: {  	v29 =	vld.idx.msk [tilespmem:v29+s12+$0x0], $0xffff  }
0x52: {  	v23 =	vld.idx.msk [tilespmem:v23+s12+$0x0], $0xffff  }
0x53: {  	v25 =	vld.idx.msk [tilespmem:v25+s12+$0x0], $0xffff;
	v37 =	vmul.f32 v37, v38;
	v33 =	vmul.f32 v39, v33  }
0x54: {  	v4 =	vld.idx.msk [tilespmem:v4+s12+$0x0], $0xffff;
	v35 =	vmul.f32 v40, v35;
	v1 =	vmul.f32 v41, v1  }
0x55: {  	v21 =	vld.idx.msk [tilespmem:v21+s12+$0x0], $0xffff;
	v27 =	vmul.f32 v32, v27  }
0x56: {  	v5 =	vld.idx.msk [tilespmem:v5+s12+$0x0], $0xffff;
	v29 =	vmul.f32 v34, v29;
	v33 =	vadd.f32 v33, v37;
	v1 =	vadd.f32 v1, v35  }
0x57: {  	v61 =	vadd.f32 v42, v44;
	v36 =	vadd.f32 v36, v43;
	v23 =	vmul.f32 v30, v23;
	v30 =	vld [tilespmem:s31+$0xBE90]  }
0x58: {  	v25 =	vmul.f32 v31, v25;
	v27 =	vadd.f32 v27, v33;
	v1 =	vadd.f32 v29, v1;
	v29 =	vld [tilespmem:s31+$0xBE80]  }
0x59: {  	v62 =	vadd.f32 v57, v36;
	v31 =	vadd.f32 v58, v61;
	v4 =	vmul.f32 v26, v4;
	v26 =	vld [tilespmem:s31+$0xBEB0]  }
0x5a: {  	v21 =	vmul.f32 v28, v21;
	v23 =	vadd.f32 v23, v27;
	v1 =	vadd.f32 v25, v1;
	v25 =	vld [tilespmem:s31+$0xBEA0]  }
0x5b: {  	v16 =	vmul.f32 v22, v16;
	v22 =	vld [tilespmem:s31+$0xBED0];
	v28 =	vadd.f32 v59, v62;
	v27 =	vadd.f32 v60, v31  }
0x5c: {  	v18 =	vmul.f32 v24, v18;
	v4 =	vadd.f32 v4, v23;
	v1 =	vadd.f32 v21, v1;
	v21 =	vld [tilespmem:s31+$0xBEC0]  }
0x5d: {  	v12 =	vmul.f32 v19, v12;
	v19 =	vld [tilespmem:s31+$0xBEF0];
	v24 =	vadd.f32 v30, v28;
	v23 =	vadd.f32 v29, v27  }
0x5e: {  	v14 =	vmul.f32 v20, v14;
	v4 =	vadd.f32 v16, v4;
	v16 =	vld [tilespmem:s31+$0xBEE0];
	v1 =	vadd.f32 v18, v1  }
0x5f: {  	v8 =	vmul.f32 v15, v8;
	v15 =	vld [tilespmem:s31+$0xBF10];
	v20 =	vadd.f32 v26, v24;
	v18 =	vadd.f32 v25, v23  }
0x60: {  	v10 =	vmul.f32 v17, v10;
	v4 =	vadd.f32 v12, v4;
	v12 =	vld [tilespmem:s31+$0xBF00];
	v1 =	vadd.f32 v14, v1  }
0x61: {  	v5 =	vmul.f32 v11, v5;
	v11 =	vld [tilespmem:s31+$0xBF30];
	v17 =	vadd.f32 v22, v20;
	v14 =	vadd.f32 v21, v18  }
0x62: {  	v6 =	vmul.f32 v13, v6;
	v4 =	vadd.f32 v8, v4;
	v8 =	vld [tilespmem:s31+$0xBF20];
	v1 =	vadd.f32 v10, v1  }
0x63: {  	v2 =	vmul.f32 v7, v2;
	v13 =	vadd.f32 v19, v17;
	v10 =	vadd.f32 v16, v14  }
0x64: {  	v3 =	vmul.f32 v9, v3;
	v4 =	vadd.f32 v5, v4;
	v1 =	vadd.f32 v6, v1  }
0x65: {  	s25 =	simm.s32 $0x14;
	v6 =	vadd.f32 v15, v13;
	v5 =	vadd.f32 v12, v10  }
0x66: {  	v63 =	vmov s25;
	v2 =	vadd.f32 v2, v4;
	v1 =	vadd.f32 v3, v1  }
0x67: {  	v3 =	vadd.s32 $0x12, v63;
	v4 =	vadd.f32 v8, v5;
	v5 =	vadd.f32 v11, v6  }
0x68: {  	v1 =	vadd.f32 v1, v2  }
0x69: {  	s22 =	simm.s32 $0x15E00;
	v4 =	vadd.f32 v5, v4  }
0x6a: {  	s23 =	simm.s32 $0x16600;
	[tilespmem:s22+$0x0] =	vst v1  }
0x6b: {  	v9 =	vadd.s32 $0xE, v63;
	[tilespmem:s23+$0x0] =	vst v4  }
0x6c: {  	s24 =	simm.s32 $0x140;
	v1 =	vld.idx.msk [tilespmem:v3+s12+$0x0], $0xffff  }
0x6d: {  	v11 =	vadd.s32 $0xF, v63;
	v3 =	vld [tilespmem:s24+$0x1F20]  }
0x6e: {  	v4 =	vld [tilespmem:s24+$0x1F30]  }
0x6f: {  	v13 =	vadd.s32 $0xC, v63;
	v8 =	vld [tilespmem:s24+$0x1F00]  }
0x70: {  	v10 =	vld.idx.msk [tilespmem:v9+s12+$0x0], $0xffff  }
0x71: {  	v17 =	vadd.s32 $0xD, v63;
	v12 =	vld [tilespmem:s24+$0x1EE0]  }
0x72: {  	v9 =	vld.idx.msk [tilespmem:v11+s12+$0x0], $0xffff  }
0x73: {  	v18 =	vadd.s32 $0xA, v63;
	v11 =	vld [tilespmem:s24+$0x1EF0]  }
0x74: {  	v14 =	vld.idx.msk [tilespmem:v13+s12+$0x0], $0xffff  }
0x75: {  	v19 =	vadd.s32 $0xB, v63;
	v16 =	vld [tilespmem:s24+$0x1EC0]  }
0x76: {  	v15 =	vand.u32 $0xFFC, v63;
	v13 =	vld.idx.msk [tilespmem:v17+s12+$0x0], $0xffff  }
0x77: {  	v21 =	vadd.s32 $0x8, v15;
	v5 =	vadd.s32 $0x10, v15;
	v15 =	vld [tilespmem:s24+$0x1ED0]  }
0x78: {  	v18 =	vld.idx.msk [tilespmem:v18+s12+$0x0], $0xffff  }
0x79: {  	v23 =	vadd.s32 $0x9, v63;
	v20 =	vld [tilespmem:s24+$0x1EA0]  }
0x7a: {  	v17 =	vld.idx.msk [tilespmem:v19+s12+$0x0], $0xffff  }
0x7b: {  	v25 =	vadd.s32 $0x6, v63;
	v19 =	vld [tilespmem:s24+$0x1EB0]  }
0x7c: {  	v22 =	vld.idx.msk [tilespmem:v21+s12+$0x0], $0xffff  }
0x7d: {  	v27 =	vadd.s32 $0x7, v63;
	v24 =	vld [tilespmem:s24+$0x1E80]  }
0x7e: {  	v21 =	vld.idx.msk [tilespmem:v23+s12+$0x0], $0xffff  }
0x7f: {  	v29 =	vadd.s32 $0x4, v63;
	v23 =	vld [tilespmem:s24+$0x1E90]  }
0x80: {  	v26 =	vld.idx.msk [tilespmem:v25+s12+$0x0], $0xffff  }
0x81: {  	v30 =	vadd.s32 $0x5, v63;
	v28 =	vld [tilespmem:s24+$0x1E60]  }
0x82: {  	v25 =	vld.idx.msk [tilespmem:v27+s12+$0x0], $0xffff  }
0x83: {  	v27 =	vld [tilespmem:s24+$0x1E70]  }
0x84: {  	v31 =	vld.idx.msk [tilespmem:v29+s12+$0x0], $0xffff  }
0x85: {  	v33 =	vld [tilespmem:s24+$0x1E40]  }
0x86: {  	v2 =	vadd.s32 $0x13, v63;
	v29 =	vld.idx.msk [tilespmem:v30+s12+$0x0], $0xffff  }
0x87: {  	v32 =	vld [tilespmem:s24+$0x1E50]  }
0x88: {  	v7 =	vadd.s32 $0x11, v63;
	v30 =	vld [tilespmem:s24+$0xBE30]  }
0x89: {  	v34 =	vld [tilespmem:s24+$0x1E00]  }
0x8a: {  	v36 =	vor.u32 $0x2, v63;
	v35 =	vld.idx.msk [tilespmem:v63+s12+$0x0], $0xffff  }
0x8b: {  	v2 =	vld.idx.msk [tilespmem:v2+s12+$0x0], $0xffff  }
0x8c: {  	v37 =	vor.u32 $0x1, v63;
	v6 =	vld.idx.msk [tilespmem:v5+s12+$0x0], $0xffff  }
0x8d: {  	v5 =	vld.idx.msk [tilespmem:v7+s12+$0x0], $0xffff  }
0x8e: {  	s26 =	simm.s32 $0xA00;
	v38 =	vor.u32 $0x3, v63;
	v7 =	vld [tilespmem:s24+$0x1F10]  }
.LBB2_5:
0x8f: {  	p0 =	sne.s32 s26, $0x27B00;
	v36 =	vld.idx.msk [tilespmem:v36+s12+$0x0], $0xffff  }
0x90: {  	v39 =	vld [tilespmem:s24+$0x1E20]  }
0x91: {  	v37 =	vld.idx.msk [tilespmem:v37+s12+$0x0], $0xffff  }
0x92: {  	v40 =	vld [tilespmem:s24+$0x1E10]  }
0x93: {  	v38 =	vld.idx.msk [tilespmem:v38+s12+$0x0], $0xffff  }
0x94: {  	v41 =	vld [tilespmem:s24+$0x1E30]  }
0x95: {  	v42 =	vld [tilespmem:s24+$0xBE20]  }
0x96: {  	v43 =	vld [tilespmem:s24+$0xBE10]  }
0x97: {  	v44 =	vld [tilespmem:s24+$0xBE00]  }
0x98: {  	v34 =	vmul.f32 v34, v35;
	v35 =	vmul.f32 v39, v36;
	v36 =	vld [tilespmem:s24+$0xBE50]  }
0x99: {  	v37 =	vmul.f32 v40, v37;
	v38 =	vmul.f32 v41, v38;
	v39 =	vld [tilespmem:s24+$0xBE40]  }
0x9a: {  	v31 =	vmul.f32 v33, v31;
	v33 =	vld [tilespmem:s24+$0xBE70]  }
0x9b: {  	v29 =	vmul.f32 v32, v29;
	v34 =	vadd.f32 v35, v34;
	v35 =	vadd.f32 v38, v37;
	v32 =	vld [tilespmem:s24+$0xBE60]  }
0x9c: {  	v26 =	vmul.f32 v28, v26;
	v30 =	vadd.f32 v30, v43;
	v37 =	vadd.f32 v42, v44;
	v28 =	vld [tilespmem:s24+$0xBE90]  }
0x9d: {  	v25 =	vmul.f32 v27, v25;
	v31 =	vadd.f32 v31, v34;
	v29 =	vadd.f32 v29, v35;
	v27 =	vld [tilespmem:s24+$0xBE80]  }
0x9e: {  	v22 =	vmul.f32 v24, v22;
	v30 =	vadd.f32 v36, v30;
	v34 =	vadd.f32 v39, v37;
	v24 =	vld [tilespmem:s24+$0xBEB0]  }
0x9f: {  	v21 =	vmul.f32 v23, v21;
	v26 =	vadd.f32 v26, v31;
	v25 =	vadd.f32 v25, v29;
	v23 =	vld [tilespmem:s24+$0xBEA0]  }
0xa0: {  	v18 =	vmul.f32 v20, v18;
	v30 =	vadd.f32 v33, v30;
	v29 =	vadd.f32 v32, v34;
	v20 =	vld [tilespmem:s24+$0xBED0]  }
0xa1: {  	v17 =	vmul.f32 v19, v17;
	v22 =	vadd.f32 v22, v26;
	v21 =	vadd.f32 v21, v25;
	v19 =	vld [tilespmem:s24+$0xBEC0]  }
0xa2: {  	v14 =	vmul.f32 v16, v14;
	v26 =	vadd.f32 v28, v30;
	v25 =	vadd.f32 v27, v29;
	v16 =	vld [tilespmem:s24+$0xBEF0]  }
0xa3: {  	v13 =	vmul.f32 v15, v13;
	v18 =	vadd.f32 v18, v22;
	v17 =	vadd.f32 v17, v21;
	v15 =	vld [tilespmem:s24+$0xBEE0]  }
0xa4: {  	v10 =	vmul.f32 v12, v10;
	v22 =	vadd.f32 v24, v26;
	v21 =	vadd.f32 v23, v25;
	v12 =	vld [tilespmem:s24+$0xBF10]  }
0xa5: {  	v9 =	vmul.f32 v11, v9;
	v14 =	vadd.f32 v14, v18;
	v13 =	vadd.f32 v13, v17;
	v11 =	vld [tilespmem:s24+$0xBF00]  }
0xa6: {  	v6 =	vmul.f32 v8, v6;
	v18 =	vadd.f32 v20, v22;
	v17 =	vadd.f32 v19, v21;
	v8 =	vld [tilespmem:s24+$0xBF30]  }
0xa7: {  	v5 =	vmul.f32 v7, v5;
	v10 =	vadd.f32 v10, v14;
	v9 =	vadd.f32 v9, v13;
	v7 =	vld [tilespmem:s24+$0xBF20]  }
0xa8: {  	v1 =	vmul.f32 v3, v1;
	v14 =	vadd.f32 v16, v18;
	v13 =	vadd.f32 v15, v17  }
0xa9: {  	v2 =	vmul.f32 v4, v2;
	v3 =	vadd.f32 v6, v10;
	v5 =	vadd.f32 v5, v9  }
0xaa: {  	s25 =	sadd.s32 $0x14, s25;
	v6 =	vadd.f32 v12, v14;
	v4 =	vadd.f32 v11, v13  }
0xab: {  	v38 =	vmov s25;
	v1 =	vadd.f32 v1, v3;
	v2 =	vadd.f32 v2, v5  }
0xac: {  	v3 =	vadd.s32 $0x12, v38;
	v5 =	vadd.f32 v8, v6;
	v4 =	vadd.f32 v7, v4  }
0xad: {  	v1 =	vadd.f32 v2, v1  }
0xae: {  	s22 =	sadd.s32 $0x10, s22;
	v2 =	vadd.s32 $0x13, v38;
	v4 =	vadd.f32 v5, v4  }
0xaf: {  	s23 =	sadd.s32 $0x10, s23;
	v15 =	vand.u32 $0xFFC, v38;
	[tilespmem:s22+$0x0] =	vst v1  }
0xb0: {  	v5 =	vadd.s32 $0x10, v15;
	[tilespmem:s23+$0x0] =	vst v4  }
0xb1: {  	s24 =	sshra.s32 s26, $0x2;
	v1 =	vld.idx.msk [tilespmem:v3+s12+$0x0], $0xffff  }
0xb2: {  	v7 =	vadd.s32 $0x11, v38;
	v3 =	vld [tilespmem:s24+$0x1F20]  }
0xb3: {  	v2 =	vld.idx.msk [tilespmem:v2+s12+$0x0], $0xffff  }
0xb4: {  	v9 =	vadd.s32 $0xE, v38;
	v4 =	vld [tilespmem:s24+$0x1F30]  }
0xb5: {  	v6 =	vld.idx.msk [tilespmem:v5+s12+$0x0], $0xffff  }
0xb6: {  	v11 =	vadd.s32 $0xF, v38;
	v8 =	vld [tilespmem:s24+$0x1F00]  }
0xb7: {  	v5 =	vld.idx.msk [tilespmem:v7+s12+$0x0], $0xffff  }
0xb8: {  	v13 =	vadd.s32 $0xC, v38;
	v7 =	vld [tilespmem:s24+$0x1F10]  }
0xb9: {  	v10 =	vld.idx.msk [tilespmem:v9+s12+$0x0], $0xffff  }
0xba: {  	v17 =	vadd.s32 $0xD, v38;
	v12 =	vld [tilespmem:s24+$0x1EE0]  }
0xbb: {  	v9 =	vld.idx.msk [tilespmem:v11+s12+$0x0], $0xffff  }
0xbc: {  	v18 =	vadd.s32 $0xA, v38;
	v11 =	vld [tilespmem:s24+$0x1EF0]  }
0xbd: {  	v14 =	vld.idx.msk [tilespmem:v13+s12+$0x0], $0xffff  }
0xbe: {  	v19 =	vadd.s32 $0xB, v38;
	v16 =	vld [tilespmem:s24+$0x1EC0]  }
0xbf: {  	v13 =	vld.idx.msk [tilespmem:v17+s12+$0x0], $0xffff  }
0xc0: {  	v21 =	vadd.s32 $0x8, v15;
	v15 =	vld [tilespmem:s24+$0x1ED0]  }
0xc1: {  	v18 =	vld.idx.msk [tilespmem:v18+s12+$0x0], $0xffff  }
0xc2: {  	v23 =	vadd.s32 $0x9, v38;
	v20 =	vld [tilespmem:s24+$0x1EA0]  }
0xc3: {  	v17 =	vld.idx.msk [tilespmem:v19+s12+$0x0], $0xffff  }
0xc4: {  	v25 =	vadd.s32 $0x6, v38;
	v19 =	vld [tilespmem:s24+$0x1EB0]  }
0xc5: {  	v22 =	vld.idx.msk [tilespmem:v21+s12+$0x0], $0xffff  }
0xc6: {  	v27 =	vadd.s32 $0x7, v38;
	v24 =	vld [tilespmem:s24+$0x1E80]  }
0xc7: {  	v21 =	vld.idx.msk [tilespmem:v23+s12+$0x0], $0xffff  }
0xc8: {  	v29 =	vadd.s32 $0x4, v38;
	v23 =	vld [tilespmem:s24+$0x1E90]  }
0xc9: {  	v26 =	vld.idx.msk [tilespmem:v25+s12+$0x0], $0xffff  }
0xca: {  	v30 =	vadd.s32 $0x5, v38;
	v28 =	vld [tilespmem:s24+$0x1E60]  }
0xcb: {  	v25 =	vld.idx.msk [tilespmem:v27+s12+$0x0], $0xffff  }
0xcc: {  	v27 =	vld [tilespmem:s24+$0x1E70]  }
0xcd: {  	v31 =	vld.idx.msk [tilespmem:v29+s12+$0x0], $0xffff  }
0xce: {  	v33 =	vld [tilespmem:s24+$0x1E40]  }
.Ltmp1:
0xcf: {  	v36 =	vor.u32 $0x2, v38;
	v29 =	vld.idx.msk [tilespmem:v30+s12+$0x0], $0xffff;
	(pc) =	sbr.rel @p0 .LBB2_5-.Ltmp1, $4  }
0xd0: {  	v32 =	vld [tilespmem:s24+$0x1E50]  }
0xd1: {  	v37 =	vor.u32 $0x1, v38;
	v30 =	vld [tilespmem:s24+$0xBE30]  }
0xd2: {  	v34 =	vld [tilespmem:s24+$0x1E00]  }
0xd3: {  	s26 =	sadd.s32 $0x500, s26;
	v35 =	vld.idx.msk [tilespmem:v38+s12+$0x0], $0xffff;
	v38 =	vor.u32 $0x3, v38  }
0xd4: {  	_ =	sdelay $0x3  }
0xd5: {  	v36 =	vld.idx.msk [tilespmem:v36+s12+$0x0], $0xffff  }
0xd6: {  	v39 =	vld [tilespmem:s24+$0x1E20]  }
0xd7: {  	v37 =	vld.idx.msk [tilespmem:v37+s12+$0x0], $0xffff  }
0xd8: {  	v40 =	vld [tilespmem:s24+$0x1E10]  }
0xd9: {  	v38 =	vld.idx.msk [tilespmem:v38+s12+$0x0], $0xffff  }
0xda: {  	v41 =	vld [tilespmem:s24+$0x1E30]  }
0xdb: {  	v42 =	vld [tilespmem:s24+$0xBE20]  }
0xdc: {  	v43 =	vld [tilespmem:s24+$0xBE00]  }
0xdd: {  	v44 =	vld [tilespmem:s24+$0xBE10]  }
0xde: {  	v55 =	vld [tilespmem:s24+$0xBE40];
	v34 =	vmul.f32 v34, v35;
	v54 =	vmul.f32 v39, v36  }
0xdf: {  	v56 =	vld [tilespmem:s24+$0xBE50];
	v37 =	vmul.f32 v40, v37;
	v38 =	vmul.f32 v41, v38  }
0xe0: {  	v31 =	vmul.f32 v33, v31;
	v58 =	vld [tilespmem:s24+$0xBE60];
	v26 =	vmul.f32 v28, v26  }
0xe1: {  	v59 =	vld [tilespmem:s24+$0xBE70];
	v29 =	vmul.f32 v32, v29;
	v57 =	vadd.f32 v54, v34;
	v37 =	vadd.f32 v38, v37  }
0xe2: {  	v62 =	vld [tilespmem:s24+$0xBE80];
	v25 =	vmul.f32 v27, v25;
	v60 =	vadd.f32 v42, v43;
	v30 =	vadd.f32 v30, v44  }
0xe3: {  	v63 =	vld [tilespmem:s24+$0xBE90];
	v22 =	vmul.f32 v24, v22;
	v61 =	vadd.f32 v31, v57;
	v29 =	vadd.f32 v29, v37  }
0xe4: {  	v21 =	vmul.f32 v23, v21;
	v39 =	vld [tilespmem:s24+$0xBEA0];
	v30 =	vadd.f32 v56, v30;
	v37 =	vadd.f32 v55, v60  }
0xe5: {  	v18 =	vmul.f32 v20, v18;
	v40 =	vld [tilespmem:s24+$0xBEB0];
	v38 =	vadd.f32 v26, v61;
	v25 =	vadd.f32 v25, v29  }
0xe6: {  	v45 =	vld [tilespmem:s24+$0xBED0];
	v17 =	vmul.f32 v19, v17;
	v42 =	vadd.f32 v59, v30;
	v41 =	vadd.f32 v58, v37  }
0xe7: {  	v14 =	vmul.f32 v16, v14;
	v44 =	vld [tilespmem:s24+$0xBEC0];
	v43 =	vadd.f32 v22, v38;
	v21 =	vadd.f32 v21, v25  }
0xe8: {  	v49 =	vld [tilespmem:s24+$0xBEE0];
	v13 =	vmul.f32 v15, v13;
	v47 =	vadd.f32 v63, v42;
	v46 =	vadd.f32 v62, v41  }
0xe9: {  	v50 =	vld [tilespmem:s24+$0xBEF0];
	v10 =	vmul.f32 v12, v10;
	v48 =	vadd.f32 v18, v43;
	v17 =	vadd.f32 v17, v21  }
0xea: {  	v53 =	vld [tilespmem:s24+$0xBF10];
	v9 =	vmul.f32 v11, v9;
	v52 =	vadd.f32 v40, v47;
	v51 =	vadd.f32 v39, v46  }
0xeb: {  	v6 =	vmul.f32 v8, v6;
	v54 =	vld [tilespmem:s24+$0xBF00];
	v14 =	vadd.f32 v14, v48;
	v13 =	vadd.f32 v13, v17  }
0xec: {  	v8 =	vld [tilespmem:s24+$0xBF30];
	v5 =	vmul.f32 v7, v5;
	v55 =	vadd.f32 v45, v52;
	v15 =	vadd.f32 v44, v51  }
0xed: {  	v7 =	vld [tilespmem:s24+$0xBF20];
	v1 =	vmul.f32 v3, v1;
	v10 =	vadd.f32 v10, v14;
	v9 =	vadd.f32 v9, v13  }
0xee: {  	v2 =	vmul.f32 v4, v2;
	v57 =	vadd.f32 v50, v55;
	v56 =	vadd.f32 v49, v15  }
0xef: {  	v4 =	vor.u32 s21, v0;
	v3 =	vadd.f32 v6, v10;
	v5 =	vadd.f32 v5, v9  }
0xf0: {  	v59 =	vmul.u32 $0x14, v4;
	v58 =	vadd.f32 v53, v57;
	v6 =	vadd.f32 v54, v56  }
0xf1: {  	v1 =	vadd.f32 v1, v3;
	v2 =	vadd.f32 v2, v5  }
0xf2: {  	v3 =	vadd.f32 v7, v6;
	v5 =	vadd.f32 v8, v58;
	v6 =	vadd.s32 $0x13, v59  }
0xf3: {  	v7 =	vadd.s32 $0x12, v59;
	v1 =	vadd.f32 v2, v1  }
0xf4: {  	s28 =	sadd.s32 $0x10, s22;
	v2 =	vadd.f32 v5, v3  }
0xf5: {  	s29 =	sadd.s32 $0x10, s23;
	v61 =	vadd.s32 $0xF, v59;
	[tilespmem:s28+$0x0] =	vst v1  }
0xf6: {  	v1 =	vadd.s32 $0x11, v59;
	[tilespmem:s29+$0x0] =	vst v2  }
0xf7: {  	v3 =	vor.u32 $0x1, v59;
	v2 =	vld.idx.msk [tilespmem:v6+s12+$0x0], $0xffff  }
0xf8: {  	v62 =	vor.u32 $0x3, v59;
	v7 =	vld.idx.msk [tilespmem:v7+s12+$0x0], $0xffff  }
0xf9: {  	v6 =	vor.u32 $0x2, v59;
	v60 =	vld.idx.msk [tilespmem:v59+s12+$0x0], $0xffff  }
0xfa: {  	v23 =	vadd.s32 $0x4, v59;
	v11 =	vld.idx.msk [tilespmem:v61+s12+$0x0], $0xffff  }
0xfb: {  	v24 =	vadd.s32 $0x5, v59;
	v63 =	vld.idx.msk [tilespmem:v1+s12+$0x0], $0xffff  }
0xfc: {  	v25 =	vadd.s32 $0xD, v59;
	v1 =	vld.idx.msk [tilespmem:v3+s12+$0x0], $0xffff  }
0xfd: {  	v26 =	vadd.s32 $0x6, v59;
	v12 =	vld.idx.msk [tilespmem:v62+s12+$0x0], $0xffff  }
0xfe: {  	v27 =	vadd.s32 $0xC, v59;
	v6 =	vld.idx.msk [tilespmem:v6+s12+$0x0], $0xffff  }
0xff: {  	v28 =	vadd.s32 $0x7, v59;
	v14 =	vld.idx.msk [tilespmem:v23+s12+$0x0], $0xffff;
	v9 =	vadd.f32 $0.0e+00, v60  }
0x100: {  	v30 =	vadd.s32 $0xB, v59;
	v29 =	vld.idx.msk [tilespmem:v24+s12+$0x0], $0xffff  }
0x101: {  	v32 =	vadd.s32 $0xA, v59;
	v17 =	vld.idx.msk [tilespmem:v25+s12+$0x0], $0xffff;
	v9 =	vadd.f32 v1, v9  }
0x102: {  	v10 =	vadd.s32 $0x9, v59;
	v31 =	vld.idx.msk [tilespmem:v26+s12+$0x0], $0xffff  }
0x103: {  	v4 =	vshll.u32 v4, $0x4;
	v19 =	vld.idx.msk [tilespmem:v27+s12+$0x0], $0xffff;
	v6 =	vadd.f32 v6, v9  }
0x104: {  	v5 =	vand.u32 $0xFFC, v59;
	v20 =	vld.idx.msk [tilespmem:v28+s12+$0x0], $0xffff  }
0x105: {  	v8 =	vadd.s32 $0x10, v5;
	v5 =	vadd.s32 $0x8, v5;
	v16 =	vld.idx.msk [tilespmem:v30+s12+$0x0], $0xffff;
	v6 =	vadd.f32 v12, v6  }
0x106: {  	v36 =	vor.u32 $0x3, v4;
	v35 =	vld.idx.msk [tilespmem:v32+s12+$0x0], $0xffff  }
0x107: {  	v37 =	vor.u32 $0x4, v4;
	v10 =	vld.idx.msk [tilespmem:v10+s12+$0x0], $0xffff;
	v6 =	vadd.f32 v14, v6  }
0x108: {  	v38 =	vor.u32 $0x5, v4;
	v22 =	vld.idx.msk [tilespmem:v4+s15+$0x0], $0xffff  }
0x109: {  	v34 =	vor.u32 $0x1, v4;
	v21 =	vld.idx.msk [tilespmem:v4+s16+$0x0], $0xffff;
	v6 =	vadd.f32 v29, v6  }
0x10a: {  	v5 =	vld.idx.msk [tilespmem:v5+s12+$0x0], $0xffff  }
0x10b: {  	v33 =	vor.u32 $0x2, v4;
	v18 =	vld.idx.msk [tilespmem:v36+s16+$0x0], $0xffff;
	v6 =	vadd.f32 v31, v6  }
0x10c: {  	v23 =	vld.idx.msk [tilespmem:v37+s16+$0x0], $0xffff  }
0x10d: {  	v24 =	vld.idx.msk [tilespmem:v38+s16+$0x0], $0xffff;
	v6 =	vadd.f32 v20, v6  }
0x10e: {  	v39 =	vor.u32 $0x6, v4;
	v20 =	vld.idx.msk [tilespmem:v34+s15+$0x0], $0xffff  }
0x10f: {  	v5 =	vadd.f32 v5, v6;
	v6 =	vld.idx.msk [tilespmem:v34+s16+$0x0], $0xffff  }
0x110: {  	v3 =	vadd.s32 $0xE, v59;
	v12 =	vld.idx.msk [tilespmem:v33+s15+$0x0], $0xffff  }
0x111: {  	v14 =	vld.idx.msk [tilespmem:v33+s16+$0x0], $0xffff;
	v5 =	vadd.f32 v10, v5  }
0x112: {  	v42 =	vor.u32 $0x7, v4;
	v10 =	vld.idx.msk [tilespmem:v36+s15+$0x0], $0xffff  }
0x113: {  	v25 =	vld.idx.msk [tilespmem:v39+s16+$0x0], $0xffff;
	v40 =	vmul.f32 v22, v22;
	v41 =	vmul.f32 v20, v20;
	v5 =	vadd.f32 v35, v5  }
0x114: {  	v46 =	vor.u32 $0x8, v4;
	v44 =	vmul.f32 v21, v21;
	v9 =	vld.idx.msk [tilespmem:v37+s15+$0x0], $0xffff;
	v45 =	vmul.f32 v6, v6  }
0x115: {  	v3 =	vld.idx.msk [tilespmem:v3+s12+$0x0], $0xffff;
	v43 =	vmul.f32 v12, v12;
	v26 =	vadd.f32 v41, v40;
	v5 =	vadd.f32 v16, v5  }
0x116: {  	v49 =	vor.u32 $0x9, v4;
	v48 =	vmul.f32 v14, v14;
	v16 =	vld.idx.msk [tilespmem:v38+s15+$0x0], $0xffff;
	v27 =	vadd.f32 v45, v44  }
0x117: {  	v28 =	vld.idx.msk [tilespmem:v42+s16+$0x0], $0xffff;
	v47 =	vmul.f32 v10, v10;
	v26 =	vadd.f32 v43, v26;
	v5 =	vadd.f32 v19, v5  }
0x118: {  	v52 =	vor.u32 $0xA, v4;
	v51 =	vmul.f32 v18, v18;
	v19 =	vld.idx.msk [tilespmem:v39+s15+$0x0], $0xffff;
	v27 =	vadd.f32 v48, v27  }
0x119: {  	v8 =	vld.idx.msk [tilespmem:v8+s12+$0x0], $0xffff;
	v50 =	vmul.f32 v9, v9;
	v26 =	vadd.f32 v47, v26;
	v5 =	vadd.f32 v17, v5  }
0x11a: {  	v55 =	vor.u32 $0xB, v4;
	v54 =	vmul.f32 v23, v23;
	v17 =	vld.idx.msk [tilespmem:v42+s15+$0x0], $0xffff;
	v27 =	vadd.f32 v51, v27  }
0x11b: {  	v30 =	vld.idx.msk [tilespmem:v49+s16+$0x0], $0xffff;
	v53 =	vmul.f32 v16, v16;
	v26 =	vadd.f32 v50, v26;
	v3 =	vadd.f32 v3, v5  }
0x11c: {  	v15 =	vor.u32 $0xC, v4;
	v57 =	vmul.f32 v24, v24;
	v5 =	vld.idx.msk [tilespmem:v46+s15+$0x0], $0xffff;
	v27 =	vadd.f32 v54, v27  }
0x11d: {  	v31 =	vld.idx.msk [tilespmem:v46+s16+$0x0], $0xffff;
	v56 =	vmul.f32 v19, v19;
	v26 =	vadd.f32 v53, v26;
	v3 =	vadd.f32 v11, v3  }
0x11e: {  	v59 =	vmul.f32 v25, v25;
	v11 =	vld.idx.msk [tilespmem:v49+s15+$0x0], $0xffff;
	v27 =	vadd.f32 v57, v27  }
0x11f: {  	v13 =	vld.idx.msk [tilespmem:v55+s15+$0x0], $0xffff;
	v58 =	vmul.f32 v17, v17;
	v26 =	vadd.f32 v56, v26;
	v3 =	vadd.f32 v8, v3  }
0x120: {  	v60 =	vor.u32 $0xD, v4;
	v62 =	vmul.f32 v28, v28;
	v8 =	vld.idx.msk [tilespmem:v52+s15+$0x0], $0xffff;
	v27 =	vadd.f32 v59, v27  }
0x121: {  	v32 =	vld.idx.msk [tilespmem:v52+s16+$0x0], $0xffff;
	v61 =	vmul.f32 v5, v5;
	v26 =	vadd.f32 v58, v26;
	v3 =	vadd.f32 v63, v3  }
0x122: {  	v1 =	vld.idx.msk [tilespmem:v15+s15+$0x0], $0xffff;
	v43 =	vmul.f32 v31, v31;
	v63 =	vor.u32 $0xE, v4;
	v27 =	vadd.f32 v62, v27  }
0x123: {  	v42 =	vmul.f32 v11, v11;
	v26 =	vadd.f32 v61, v26;
	v3 =	vadd.f32 v7, v3;
	v7 =	vld.idx.msk [tilespmem:v55+s16+$0x0], $0xffff  }
0x124: {  	v45 =	vmul.f32 v30, v30;
	v4 =	vor.u32 $0xF, v4;
	v27 =	vadd.f32 v43, v27  }
0x125: {  	v15 =	vld.idx.msk [tilespmem:v15+s16+$0x0], $0xffff;
	v44 =	vmul.f32 v8, v8;
	v26 =	vadd.f32 v42, v26;
	v2 =	vadd.f32 v2, v3  }
0x126: {  	v48 =	vmul.f32 v32, v32;
	v3 =	vld.idx.msk [tilespmem:v60+s15+$0x0], $0xffff;
	v27 =	vadd.f32 v45, v27  }
0x127: {  	v46 =	vmul.f32 v13, v13;
	v49 =	vld.idx.msk [tilespmem:v60+s16+$0x0], $0xffff;
	v26 =	vadd.f32 v44, v26;
	v2 =	vadd.f32 $9.999999930e-09, v2  }
0x128: {  	v51 =	vmul.f32 v1, v1;
	v47 =	vld.idx.msk [tilespmem:v63+s15+$0x0], $0xffff;
	v50 =	vmul.f32 v7, v7  }
0x129: {  	v52 =	vld.idx.msk [tilespmem:v4+s15+$0x0], $0xffff;
	v27 =	vadd.f32 v48, v27;
	v26 =	vadd.f32 v46, v26;
	(erf) = vrcp.f32 v2  }
0x12a: {  	v54 =	vmul.f32 v15, v15;
	v2 =	vld.idx.msk [tilespmem:v63+s16+$0x0], $0xffff  }
0x12b: {  	v53 =	vmul.f32 v3, v3;
	v27 =	vadd.f32 v50, v27;
	v26 =	vadd.f32 v51, v26  }
0x12c: {  	v56 =	vmul.f32 v49, v49;
	v4 =	vld.idx.msk [tilespmem:v4+s16+$0x0], $0xffff  }
0x12d: {  	v55 =	vmul.f32 v47, v47;
	v27 =	vadd.f32 v54, v27;
	v26 =	vadd.f32 v53, v26  }
0x12e: {  	v21 =	vmul.f32 v21, v22;
	v57 =	vmul.f32 v52, v52  }
0x12f: {  	v27 =	vadd.f32 v56, v27;
	v26 =	vadd.f32 v55, v26;
	v58 =	vmul.f32 v2, v2  }
0x130: {  	v21 =	vadd.f32 $0.0e+00, v21;
	v6 =	vmul.f32 v6, v20  }
0x131: {  	v60 =	vmul.f32 v4, v4;
	v59 =	vadd.f32 v58, v27;
	v26 =	vadd.f32 v57, v26  }
0x132: {  	v12 =	vmul.f32 v14, v12;
	v61 =	vpop (erf)  }
0x133: {  	v6 =	vadd.f32 v6, v21;
	v22 =	vadd.f32 v60, v59;
	v26 =	vmul.f32 v61, v26  }
0x134: {  	v10 =	vmul.f32 v18, v10  }
0x135: {  	v6 =	vadd.f32 v12, v6;
	v63 =	vmul.f32 $2.499999940e-03, v22;
	v62 =	vmul.f32 v26, v61  }
0x136: {  	v9 =	vmul.f32 v23, v9  }
0x137: {  	v6 =	vadd.f32 v10, v6;
	v22 =	vmax.f32 v63, $1.000000020e-16;
	v18 =	vmax.f32 v62, $1.000000020e-16  }
0x138: {  	v23 =	vmul.f32 v18, v22  }
0x139: {  	v6 =	vadd.f32 v9, v6;
	v26 =	vmul.f32 v24, v16  }
0x13a: {  	v27 =	vshrl.u32 v23, $0x1;
	v10 =	vmul.f32 $5.000000000e-01, v23  }
0x13b: {  	v29 =	vmul.f32 v25, v19;
	v6 =	vadd.f32 v26, v6;
	v9 =	vsub.s32 $0x5F3759DF, v27  }
0x13c: {  	v34 =	vmul.f32 v9, v10  }
0x13d: {  	v35 =	vmul.f32 v28, v17;
	v6 =	vadd.f32 v29, v6  }
0x13e: {  	v14 =	vmul.f32 v9, v34  }
0x13f: {  	v5 =	vmul.f32 v31, v5;
	v6 =	vadd.f32 v35, v6  }
0x140: {  	v36 =	vsub.f32 $1.500000000e+00, v14  }
0x141: {  	v5 =	vadd.f32 v5, v6;
	v6 =	vmul.f32 v30, v11  }
0x142: {  	v9 =	vmul.f32 v9, v36  }
0x143: {  	v5 =	vadd.f32 v6, v5;
	v6 =	vmul.f32 v32, v8  }
0x144: {  	v8 =	vmul.f32 v9, v10  }
0x145: {  	v5 =	vadd.f32 v6, v5;
	v6 =	vmul.f32 v7, v13  }
0x146: {  	v7 =	vmul.f32 v8, v9  }
0x147: {  	v1 =	vmul.f32 v15, v1;
	v5 =	vadd.f32 v6, v5  }
0x148: {  	v6 =	vsub.f32 $1.500000000e+00, v7  }
0x149: {  	v3 =	vmul.f32 v49, v3;
	v1 =	vadd.f32 v1, v5  }
0x14a: {  	v5 =	vmul.f32 v6, v9  }
0x14b: {  	v2 =	vmul.f32 v2, v47;
	v1 =	vadd.f32 v3, v1  }
0x14c: {  	v3 =	vmul.f32 v5, v10  }
0x14d: {  	s30 =	simm.s32 $0x10;
	v1 =	vadd.f32 v2, v1  }
0x14e: {  	v2 =	vmul.f32 v4, v52;
	v6 =	vor.u32 s30, v0;
	v3 =	vmul.f32 v3, v5  }
0x14f: {  	v4 =	vmul.u32 $0x14, v6  }
0x150: {  	v1 =	vadd.f32 v2, v1;
	v2 =	vmul.f32 $5.000000070e-02, v61;
	v3 =	vsub.f32 $1.500000000e+00, v3;
	_ =	sdelay $0x1  }
0x151: {  	v7 =	vadd.s32 $0x13, v4;
	v1 =	vmul.f32 v2, v1;
	v2 =	vmul.f32 v3, v5  }
0x152: {  	v3 =	vadd.s32 $0x12, v4  }
0x153: {  	v1 =	vmul.f32 v2, v1  }
0x154: {  	s21 =	simm.s32 $0x16E00;
	v5 =	vadd.s32 $0x11, v4  }
0x155: {  	v8 =	vor.u32 $0x1, v4;
	[tilespmem:s21+$0x0] =	vst v1  }
0x156: {  	v40 =	vadd.s32 $0xF, v4;
	v2 =	vld.idx.msk [tilespmem:v7+s12+$0x0], $0xffff  }
0x157: {  	v41 =	vor.u32 $0x3, v4;
	v3 =	vld.idx.msk [tilespmem:v3+s12+$0x0], $0xffff  }
0x158: {  	v38 =	vand.u32 $0xFFC, v4;
	v7 =	vor.u32 $0x2, v4;
	v39 =	vld.idx.msk [tilespmem:v4+s12+$0x0], $0xffff  }
0x159: {  	v1 =	vadd.s32 $0x10, v38;
	v5 =	vld.idx.msk [tilespmem:v5+s12+$0x0], $0xffff  }
0x15a: {  	v42 =	vadd.s32 $0xE, v4;
	v8 =	vld.idx.msk [tilespmem:v8+s12+$0x0], $0xffff  }
0x15b: {  	v43 =	vadd.s32 $0x4, v4;
	v11 =	vld.idx.msk [tilespmem:v40+s12+$0x0], $0xffff  }
0x15c: {  	v46 =	vadd.s32 $0xD, v4;
	v45 =	vld.idx.msk [tilespmem:v41+s12+$0x0], $0xffff  }
0x15d: {  	v47 =	vadd.s32 $0x6, v4;
	v7 =	vld.idx.msk [tilespmem:v7+s12+$0x0], $0xffff  }
0x15e: {  	v44 =	vadd.s32 $0x5, v4;
	v15 =	vld.idx.msk [tilespmem:v1+s12+$0x0], $0xffff;
	v1 =	vadd.f32 $0.0e+00, v39  }
0x15f: {  	v48 =	vadd.s32 $0xC, v4;
	v13 =	vld.idx.msk [tilespmem:v42+s12+$0x0], $0xffff  }
0x160: {  	v49 =	vadd.s32 $0x7, v4;
	v14 =	vld.idx.msk [tilespmem:v43+s12+$0x0], $0xffff;
	v8 =	vadd.f32 v8, v1  }
0x161: {  	v50 =	vadd.s32 $0xB, v4;
	v12 =	vld.idx.msk [tilespmem:v46+s12+$0x0], $0xffff  }
0x162: {  	v6 =	vshll.u32 v6, $0x4;
	v52 =	vadd.s32 $0xA, v4;
	v51 =	vld.idx.msk [tilespmem:v47+s12+$0x0], $0xffff;
	v7 =	vadd.f32 v7, v8  }
0x163: {  	v53 =	vor.u32 $0x2, v6;
	v8 =	vld.idx.msk [tilespmem:v44+s12+$0x0], $0xffff  }
0x164: {  	v9 =	vadd.s32 $0x8, v38;
	v19 =	vld.idx.msk [tilespmem:v48+s12+$0x0], $0xffff;
	v7 =	vadd.f32 v45, v7  }
0x165: {  	v20 =	vld.idx.msk [tilespmem:v49+s12+$0x0], $0xffff  }
0x166: {  	v4 =	vadd.s32 $0x9, v4;
	v17 =	vld.idx.msk [tilespmem:v50+s12+$0x0], $0xffff;
	v7 =	vadd.f32 v14, v7  }
0x167: {  	v55 =	vld.idx.msk [tilespmem:v52+s12+$0x0], $0xffff  }
0x168: {  	v54 =	vor.u32 $0x1, v6;
	v10 =	vld.idx.msk [tilespmem:v53+s15+$0x0], $0xffff;
	v7 =	vadd.f32 v8, v7  }
0x169: {  	v8 =	vld.idx.msk [tilespmem:v9+s12+$0x0], $0xffff  }
0x16a: {  	v56 =	vor.u32 $0x3, v6;
	v22 =	vld.idx.msk [tilespmem:v6+s15+$0x0], $0xffff;
	v7 =	vadd.f32 v51, v7  }
0x16b: {  	v4 =	vld.idx.msk [tilespmem:v4+s12+$0x0], $0xffff  }
0x16c: {  	v21 =	vld.idx.msk [tilespmem:v6+s16+$0x0], $0xffff;
	v7 =	vadd.f32 v20, v7  }
0x16d: {  	v57 =	vor.u32 $0x4, v6;
	v20 =	vld.idx.msk [tilespmem:v54+s15+$0x0], $0xffff  }
0x16e: {  	v7 =	vadd.f32 v8, v7;
	v8 =	vld.idx.msk [tilespmem:v54+s16+$0x0], $0xffff  }
0x16f: {  	v58 =	vor.u32 $0x5, v6;
	v18 =	vld.idx.msk [tilespmem:v56+s16+$0x0], $0xffff  }
0x170: {  	v14 =	vld.idx.msk [tilespmem:v53+s16+$0x0], $0xffff;
	v4 =	vadd.f32 v4, v7  }
0x171: {  	v16 =	vor.u32 $0xC, v6;
	v59 =	vor.u32 $0x6, v6;
	v7 =	vld.idx.msk [tilespmem:v56+s15+$0x0], $0xffff  }
0x172: {  	v23 =	vld.idx.msk [tilespmem:v57+s16+$0x0], $0xffff;
	v60 =	vmul.f32 v22, v22;
	v61 =	vmul.f32 v20, v20;
	v4 =	vadd.f32 v55, v4  }
0x173: {  	v62 =	vor.u32 $0x7, v6;
	v36 =	vmul.f32 v21, v21;
	v9 =	vld.idx.msk [tilespmem:v57+s15+$0x0], $0xffff;
	v37 =	vmul.f32 v8, v8  }
0x174: {  	v24 =	vld.idx.msk [tilespmem:v58+s16+$0x0], $0xffff;
	v63 =	vmul.f32 v10, v10;
	v26 =	vadd.f32 v61, v60;
	v4 =	vadd.f32 v17, v4  }
0x175: {  	v38 =	vor.u32 $0x8, v6;
	v40 =	vmul.f32 v14, v14;
	v17 =	vld.idx.msk [tilespmem:v58+s15+$0x0], $0xffff;
	v27 =	vadd.f32 v37, v36  }
0x176: {  	v25 =	vld.idx.msk [tilespmem:v59+s16+$0x0], $0xffff;
	v39 =	vmul.f32 v7, v7;
	v26 =	vadd.f32 v63, v26;
	v4 =	vadd.f32 v19, v4  }
0x177: {  	v41 =	vor.u32 $0x9, v6;
	v43 =	vmul.f32 v18, v18;
	v19 =	vld.idx.msk [tilespmem:v59+s15+$0x0], $0xffff;
	v27 =	vadd.f32 v40, v27  }
0x178: {  	v28 =	vld.idx.msk [tilespmem:v62+s16+$0x0], $0xffff;
	v42 =	vmul.f32 v9, v9;
	v26 =	vadd.f32 v39, v26;
	v4 =	vadd.f32 v12, v4  }
0x179: {  	v46 =	vmul.f32 v23, v23;
	v44 =	vor.u32 $0xA, v6;
	v12 =	vld.idx.msk [tilespmem:v62+s15+$0x0], $0xffff;
	v27 =	vadd.f32 v43, v27  }
0x17a: {  	v31 =	vld.idx.msk [tilespmem:v38+s16+$0x0], $0xffff;
	v45 =	vmul.f32 v17, v17;
	v26 =	vadd.f32 v42, v26;
	v4 =	vadd.f32 v13, v4  }
0x17b: {  	v47 =	vor.u32 $0xB, v6;
	v49 =	vmul.f32 v24, v24;
	v13 =	vld.idx.msk [tilespmem:v38+s15+$0x0], $0xffff;
	v27 =	vadd.f32 v46, v27  }
0x17c: {  	v30 =	vld.idx.msk [tilespmem:v41+s16+$0x0], $0xffff;
	v48 =	vmul.f32 v19, v19;
	v26 =	vadd.f32 v45, v26;
	v4 =	vadd.f32 v11, v4  }
0x17d: {  	v51 =	vmul.f32 v25, v25;
	v11 =	vld.idx.msk [tilespmem:v41+s15+$0x0], $0xffff;
	v27 =	vadd.f32 v49, v27  }
0x17e: {  	v1 =	vld.idx.msk [tilespmem:v16+s15+$0x0], $0xffff;
	v50 =	vmul.f32 v12, v12;
	v26 =	vadd.f32 v48, v26;
	v4 =	vadd.f32 v15, v4  }
0x17f: {  	v52 =	vor.u32 $0xD, v6;
	v54 =	vmul.f32 v28, v28;
	v15 =	vld.idx.msk [tilespmem:v44+s15+$0x0], $0xffff;
	v27 =	vadd.f32 v51, v27  }
0x180: {  	v32 =	vld.idx.msk [tilespmem:v44+s16+$0x0], $0xffff;
	v53 =	vmul.f32 v13, v13;
	v26 =	vadd.f32 v50, v26;
	v4 =	vadd.f32 v5, v4  }
0x181: {  	v57 =	vmul.f32 v31, v31;
	v55 =	vor.u32 $0xE, v6;
	v5 =	vld.idx.msk [tilespmem:v47+s15+$0x0], $0xffff;
	v27 =	vadd.f32 v54, v27  }
0x182: {  	v56 =	vmul.f32 v11, v11;
	v26 =	vadd.f32 v53, v26;
	v3 =	vadd.f32 v3, v4;
	v4 =	vld.idx.msk [tilespmem:v47+s16+$0x0], $0xffff  }
0x183: {  	v6 =	vor.u32 $0xF, v6;
	v59 =	vmul.f32 v30, v30;
	v27 =	vadd.f32 v57, v27  }
0x184: {  	v16 =	vld.idx.msk [tilespmem:v16+s16+$0x0], $0xffff;
	v58 =	vmul.f32 v15, v15;
	v26 =	vadd.f32 v56, v26;
	v2 =	vadd.f32 v2, v3  }
0x185: {  	v61 =	vmul.f32 v32, v32;
	v3 =	vld.idx.msk [tilespmem:v52+s15+$0x0], $0xffff;
	v27 =	vadd.f32 v59, v27  }
0x186: {  	v37 =	vld.idx.msk [tilespmem:v55+s15+$0x0], $0xffff;
	v60 =	vmul.f32 v5, v5;
	v26 =	vadd.f32 v58, v26;
	v2 =	vadd.f32 $9.999999930e-09, v2  }
0x187: {  	v33 =	vld.idx.msk [tilespmem:v52+s16+$0x0], $0xffff;
	v63 =	vmul.f32 v1, v1;
	v62 =	vmul.f32 v4, v4  }
0x188: {  	v39 =	vld.idx.msk [tilespmem:v6+s15+$0x0], $0xffff;
	v27 =	vadd.f32 v61, v27;
	v26 =	vadd.f32 v60, v26;
	(erf) = vrcp.f32 v2  }
0x189: {  	v42 =	vmul.f32 v16, v16;
	v2 =	vld.idx.msk [tilespmem:v55+s16+$0x0], $0xffff  }
0x18a: {  	v41 =	vmul.f32 v3, v3;
	v27 =	vadd.f32 v62, v27;
	v26 =	vadd.f32 v63, v26  }
0x18b: {  	v6 =	vld.idx.msk [tilespmem:v6+s16+$0x0], $0xffff;
	v43 =	vmul.f32 v37, v37  }
0x18c: {  	v44 =	vmul.f32 v33, v33;
	v27 =	vadd.f32 v42, v27;
	v26 =	vadd.f32 v41, v26  }
0x18d: {  	v21 =	vmul.f32 v21, v22;
	v45 =	vmul.f32 v39, v39  }
0x18e: {  	v27 =	vadd.f32 v44, v27;
	v26 =	vadd.f32 v43, v26;
	v46 =	vmul.f32 v2, v2  }
0x18f: {  	v21 =	vadd.f32 $0.0e+00, v21;
	v8 =	vmul.f32 v8, v20  }
0x190: {  	v48 =	vmul.f32 v6, v6;
	v47 =	vadd.f32 v46, v27;
	v26 =	vadd.f32 v45, v26  }
0x191: {  	v10 =	vmul.f32 v14, v10;
	v8 =	vadd.f32 v8, v21;
	v49 =	vpop (erf)  }
0x192: {  	v22 =	vadd.f32 v48, v47;
	v26 =	vmul.f32 v49, v26  }
0x193: {  	v7 =	vmul.f32 v18, v7;
	v8 =	vadd.f32 v10, v8  }
0x194: {  	v51 =	vmul.f32 $2.499999940e-03, v22;
	v50 =	vmul.f32 v26, v49  }
0x195: {  	v7 =	vadd.f32 v7, v8  }
0x196: {  	v8 =	vmul.f32 v23, v9;
	v53 =	vmax.f32 v51, $1.000000020e-16;
	v52 =	vmax.f32 v50, $1.000000020e-16  }
0x197: {  	v54 =	vmul.f32 v52, v53  }
0x198: {  	v7 =	vadd.f32 v8, v7  }
0x199: {  	v55 =	vmul.f32 v24, v17;
	v8 =	vshrl.u32 v54, $0x1;
	v9 =	vmul.f32 $5.000000000e-01, v54  }
0x19a: {  	v8 =	vsub.s32 $0x5F3759DF, v8  }
0x19b: {  	v56 =	vmul.f32 v25, v19;
	v7 =	vadd.f32 v55, v7;
	v57 =	vmul.f32 v8, v9;
	_ =	sdelay $0x1  }
0x19c: {  	v58 =	vmul.f32 v28, v12;
	v7 =	vadd.f32 v56, v7;
	v59 =	vmul.f32 v8, v57;
	_ =	sdelay $0x1  }
0x19d: {  	v60 =	vmul.f32 v31, v13;
	v7 =	vadd.f32 v58, v7;
	v12 =	vsub.f32 $1.500000000e+00, v59;
	_ =	sdelay $0x1  }
0x19e: {  	v61 =	vmul.f32 v30, v11;
	v7 =	vadd.f32 v60, v7;
	v8 =	vmul.f32 v8, v12;
	_ =	sdelay $0x1  }
0x19f: {  	v62 =	vmul.f32 v32, v15;
	v7 =	vadd.f32 v61, v7;
	v63 =	vmul.f32 v8, v9;
	_ =	sdelay $0x1  }
0x1a0: {  	v4 =	vmul.f32 v4, v5;
	v7 =	vadd.f32 v62, v7;
	v5 =	vmul.f32 v63, v8;
	_ =	sdelay $0x1  }
0x1a1: {  	v1 =	vmul.f32 v16, v1;
	v4 =	vadd.f32 v4, v7;
	v5 =	vsub.f32 $1.500000000e+00, v5;
	_ =	sdelay $0x1  }
0x1a2: {  	v3 =	vmul.f32 v33, v3;
	v1 =	vadd.f32 v1, v4;
	v4 =	vmul.f32 v5, v8;
	_ =	sdelay $0x1  }
0x1a3: {  	v2 =	vmul.f32 v2, v37;
	v3 =	vadd.f32 v3, v1;
	v5 =	vmul.f32 v4, v9;
	_ =	sdelay $0x1  }
0x1a4: {  	s31 =	simm.s32 $0x20;
	v6 =	vmul.f32 v6, v39;
	v2 =	vadd.f32 v2, v3;
	v5 =	vmul.f32 v5, v4  }
0x1a5: {  	v7 =	vmul.f32 $5.000000070e-02, v49;
	v1 =	vor.u32 s31, v0  }
0x1a6: {  	v3 =	vmul.u32 $0x14, v1;
	v6 =	vadd.f32 v6, v2;
	v8 =	vsub.f32 $1.500000000e+00, v5;
	_ =	sdelay $0x1  }
0x1a7: {  	v2 =	vadd.s32 $0x13, v3;
	v5 =	vmul.f32 v7, v6;
	v6 =	vmul.f32 v8, v4  }
0x1a8: {  	s22 =	simm.s32 $0x30;
	v4 =	vadd.s32 $0x12, v3  }
.LBB2_7:
0x1a9: {  	p0 =	sne.s32 s22, $0x70;
	v5 =	vmul.f32 v6, v5  }
0x1aa: {  	v6 =	vadd.s32 $0x11, v3;
	s21 =	sadd.s32 $0x10, s21  }
0x1ab: {  	v7 =	vor.u32 $0x1, v3;
	v8 =	vand.u32 $0xFFC, v3;
	[tilespmem:s21+$0x0] =	vst v5  }
0x1ac: {  	v5 =	vadd.s32 $0x10, v8;
	v2 =	vld.idx.msk [tilespmem:v2+s12+$0x0], $0xffff  }
0x1ad: {  	v10 =	vor.u32 $0x2, v3;
	v4 =	vld.idx.msk [tilespmem:v4+s12+$0x0], $0xffff  }
0x1ae: {  	v12 =	vadd.s32 $0xF, v3;
	v11 =	vld.idx.msk [tilespmem:v3+s12+$0x0], $0xffff  }
0x1af: {  	v13 =	vor.u32 $0x3, v3;
	v14 =	vld.idx.msk [tilespmem:v6+s12+$0x0], $0xffff  }
0x1b0: {  	v6 =	vld.idx.msk [tilespmem:v7+s12+$0x0], $0xffff;
	v7 =	vadd.s32 $0xE, v3  }
0x1b1: {  	v9 =	vshll.u32 v1, $0x4;
	v1 =	vadd.s32 $0x4, v3;
	v25 =	vld.idx.msk [tilespmem:v5+s12+$0x0], $0xffff  }
0x1b2: {  	v5 =	vor.u32 $0xC, v9;
	v10 =	vld.idx.msk [tilespmem:v10+s12+$0x0], $0xffff  }
0x1b3: {  	v15 =	vadd.s32 $0x5, v3;
	v24 =	vld.idx.msk [tilespmem:v12+s12+$0x0], $0xffff  }
0x1b4: {  	v11 =	vadd.f32 $0.0e+00, v11;
	v12 =	vld.idx.msk [tilespmem:v13+s12+$0x0], $0xffff;
	v13 =	vadd.s32 $0xD, v3  }
0x1b5: {  	v16 =	vadd.s32 $0x6, v3;
	v21 =	vld.idx.msk [tilespmem:v7+s12+$0x0], $0xffff  }
0x1b6: {  	v6 =	vadd.f32 v6, v11;
	v11 =	vadd.s32 $0xC, v3;
	v7 =	vld.idx.msk [tilespmem:v1+s12+$0x0], $0xffff  }
0x1b7: {  	v17 =	vadd.s32 $0x7, v3;
	v1 =	vld.idx.msk [tilespmem:v5+s15+$0x0], $0xffff  }
0x1b8: {  	v6 =	vadd.f32 v10, v6;
	v10 =	vld.idx.msk [tilespmem:v15+s12+$0x0], $0xffff;
	v15 =	vadd.s32 $0xB, v3  }
0x1b9: {  	v8 =	vadd.s32 $0x8, v8;
	v20 =	vld.idx.msk [tilespmem:v13+s12+$0x0], $0xffff  }
0x1ba: {  	v6 =	vadd.f32 v12, v6;
	v13 =	vadd.s32 $0xA, v3;
	v12 =	vld.idx.msk [tilespmem:v16+s12+$0x0], $0xffff  }
0x1bb: {  	v3 =	vadd.s32 $0x9, v3;
	v22 =	vld.idx.msk [tilespmem:v11+s12+$0x0], $0xffff  }
0x1bc: {  	v16 =	vor.u32 $0x2, v9;
	v6 =	vadd.f32 v7, v6;
	v7 =	vld.idx.msk [tilespmem:v17+s12+$0x0], $0xffff  }
0x1bd: {  	v11 =	vor.u32 $0x1, v9;
	v17 =	vld.idx.msk [tilespmem:v15+s12+$0x0], $0xffff  }
0x1be: {  	v6 =	vadd.f32 v10, v6;
	v10 =	vld.idx.msk [tilespmem:v8+s12+$0x0], $0xffff  }
0x1bf: {  	v18 =	vld.idx.msk [tilespmem:v13+s12+$0x0], $0xffff  }
0x1c0: {  	v6 =	vadd.f32 v12, v6;
	v12 =	vld.idx.msk [tilespmem:v3+s12+$0x0], $0xffff  }
0x1c1: {  	v23 =	vor.u32 $0x3, v9;
	v3 =	vld.idx.msk [tilespmem:v16+s15+$0x0], $0xffff  }
0x1c2: {  	v6 =	vadd.f32 v7, v6;
	v8 =	vld.idx.msk [tilespmem:v11+s15+$0x0], $0xffff  }
0x1c3: {  	v26 =	vor.u32 $0x4, v9;
	v15 =	vld.idx.msk [tilespmem:v9+s15+$0x0], $0xffff  }
0x1c4: {  	v7 =	vadd.f32 v10, v6;
	v11 =	vld.idx.msk [tilespmem:v11+s16+$0x0], $0xffff  }
0x1c5: {  	v27 =	vor.u32 $0x5, v9;
	v19 =	vld.idx.msk [tilespmem:v9+s16+$0x0], $0xffff  }
0x1c6: {  	v10 =	vadd.f32 v12, v7;
	v6 =	vld.idx.msk [tilespmem:v23+s15+$0x0], $0xffff  }
0x1c7: {  	v28 =	vor.u32 $0x6, v9;
	v13 =	vld.idx.msk [tilespmem:v16+s16+$0x0], $0xffff  }
0x1c8: {  	v12 =	vadd.f32 v18, v10;
	v7 =	vld.idx.msk [tilespmem:v26+s15+$0x0], $0xffff  }
0x1c9: {  	v30 =	vor.u32 $0x7, v9;
	v29 =	vmul.f32 v8, v8;
	v18 =	vmul.f32 v15, v15;
	v16 =	vld.idx.msk [tilespmem:v23+s16+$0x0], $0xffff  }
0x1ca: {  	v31 =	vor.u32 $0x8, v9;
	v23 =	vmul.f32 v3, v3;
	v17 =	vadd.f32 v17, v12;
	v10 =	vld.idx.msk [tilespmem:v27+s15+$0x0], $0xffff  }
0x1cb: {  	v33 =	vmul.f32 v11, v11;
	v32 =	vmul.f32 v19, v19;
	v29 =	vadd.f32 v29, v18;
	v18 =	vld.idx.msk [tilespmem:v26+s16+$0x0], $0xffff  }
0x1cc: {  	v34 =	vor.u32 $0x9, v9;
	v26 =	vmul.f32 v6, v6;
	v35 =	vadd.f32 v22, v17;
	v12 =	vld.idx.msk [tilespmem:v28+s15+$0x0], $0xffff  }
0x1cd: {  	v32 =	vadd.f32 v33, v32;
	v23 =	vadd.f32 v23, v29;
	v29 =	vmul.f32 v13, v13;
	v22 =	vld.idx.msk [tilespmem:v27+s16+$0x0], $0xffff  }
0x1ce: {  	v33 =	vor.u32 $0xA, v9;
	v27 =	vmul.f32 v7, v7;
	v35 =	vadd.f32 v20, v35;
	v17 =	vld.idx.msk [tilespmem:v30+s15+$0x0], $0xffff  }
0x1cf: {  	v29 =	vadd.f32 v29, v32;
	v26 =	vadd.f32 v26, v23;
	v32 =	vmul.f32 v16, v16;
	v23 =	vld.idx.msk [tilespmem:v28+s16+$0x0], $0xffff  }
0x1d0: {  	v36 =	vor.u32 $0xB, v9;
	v28 =	vmul.f32 v10, v10;
	v35 =	vadd.f32 v21, v35;
	v20 =	vld.idx.msk [tilespmem:v31+s15+$0x0], $0xffff  }
0x1d1: {  	v29 =	vadd.f32 v32, v29;
	v27 =	vadd.f32 v27, v26;
	v32 =	vmul.f32 v18, v18;
	v26 =	vld.idx.msk [tilespmem:v30+s16+$0x0], $0xffff  }
0x1d2: {  	v30 =	vmul.f32 v12, v12;
	v35 =	vadd.f32 v24, v35;
	v21 =	vld.idx.msk [tilespmem:v34+s15+$0x0], $0xffff  }
0x1d3: {  	v29 =	vadd.f32 v32, v29;
	v27 =	vadd.f32 v28, v27;
	v28 =	vmul.f32 v22, v22;
	v31 =	vld.idx.msk [tilespmem:v31+s16+$0x0], $0xffff  }
0x1d4: {  	v37 =	vor.u32 $0xD, v9;
	v32 =	vmul.f32 v17, v17;
	v25 =	vadd.f32 v25, v35;
	v24 =	vld.idx.msk [tilespmem:v33+s15+$0x0], $0xffff  }
0x1d5: {  	v28 =	vadd.f32 v28, v29;
	v27 =	vadd.f32 v30, v27;
	v29 =	vmul.f32 v23, v23;
	v30 =	vld.idx.msk [tilespmem:v34+s16+$0x0], $0xffff  }
0x1d6: {  	v38 =	vor.u32 $0xE, v9;
	v34 =	vmul.f32 v20, v20;
	v14 =	vadd.f32 v14, v25;
	v35 =	vld.idx.msk [tilespmem:v36+s15+$0x0], $0xffff  }
0x1d7: {  	v25 =	vadd.f32 v29, v28;
	v27 =	vadd.f32 v32, v27;
	v28 =	vmul.f32 v26, v26;
	v29 =	vld.idx.msk [tilespmem:v33+s16+$0x0], $0xffff  }
0x1d8: {  	v9 =	vor.u32 $0xF, v9;
	v32 =	vmul.f32 v21, v21;
	v4 =	vadd.f32 v4, v14;
	v33 =	vld.idx.msk [tilespmem:v36+s16+$0x0], $0xffff  }
0x1d9: {  	v14 =	vadd.f32 v28, v25;
	v25 =	vadd.f32 v34, v27;
	v27 =	vmul.f32 v31, v31  }
0x1da: {  	v28 =	vmul.f32 v24, v24;
	v2 =	vadd.f32 v2, v4;
	v34 =	vld.idx.msk [tilespmem:v37+s15+$0x0], $0xffff  }
0x1db: {  	v4 =	vadd.f32 v27, v14;
	v14 =	vadd.f32 v32, v25;
	v25 =	vmul.f32 v30, v30;
	v5 =	vld.idx.msk [tilespmem:v5+s16+$0x0], $0xffff  }
0x1dc: {  	v27 =	vmul.f32 v35, v35;
	v2 =	vadd.f32 $9.999999930e-09, v2;
	v32 =	vld.idx.msk [tilespmem:v38+s15+$0x0], $0xffff  }
0x1dd: {  	v4 =	vadd.f32 v25, v4;
	v14 =	vadd.f32 v28, v14;
	v25 =	vmul.f32 v29, v29;
	v28 =	vld.idx.msk [tilespmem:v37+s16+$0x0], $0xffff  }
0x1de: {  	v36 =	vmul.f32 v33, v33;
	v37 =	vmul.f32 v1, v1;
	v39 =	vld.idx.msk [tilespmem:v9+s15+$0x0], $0xffff  }
0x1df: {  	v4 =	vadd.f32 v25, v4;
	v14 =	vadd.f32 v27, v14;
	v25 =	vld.idx.msk [tilespmem:v38+s16+$0x0], $0xffff;
	(erf) = vrcp.f32 v2  }
0x1e0: {  	v2 =	vmul.f32 v34, v34  }
0x1e1: {  	v4 =	vadd.f32 v36, v4;
	v14 =	vadd.f32 v37, v14;
	v27 =	vmul.f32 v5, v5;
	v9 =	vld.idx.msk [tilespmem:v9+s16+$0x0], $0xffff  }
0x1e2: {  	v36 =	vmul.f32 v32, v32  }
0x1e3: {  	v4 =	vadd.f32 v27, v4;
	v2 =	vadd.f32 v2, v14;
	v14 =	vmul.f32 v28, v28  }
0x1e4: {  	v27 =	vmul.f32 v39, v39  }
0x1e5: {  	v4 =	vadd.f32 v14, v4;
	v2 =	vadd.f32 v36, v2;
	v14 =	vmul.f32 v25, v25  }
0x1e6: {  	v15 =	vmul.f32 v19, v15  }
0x1e7: {  	v4 =	vadd.f32 v14, v4;
	v2 =	vadd.f32 v27, v2;
	v14 =	vmul.f32 v9, v9  }
0x1e8: {  	v8 =	vmul.f32 v11, v8;
	v15 =	vadd.f32 $0.0e+00, v15;
	v11 =	vpop (erf)  }
0x1e9: {  	v4 =	vadd.f32 v14, v4;
	v2 =	vmul.f32 v11, v2  }
0x1ea: {  	v3 =	vmul.f32 v13, v3;
	v8 =	vadd.f32 v8, v15  }
0x1eb: {  	v4 =	vmul.f32 $2.499999940e-03, v4;
	v2 =	vmul.f32 v2, v11  }
0x1ec: {  	v6 =	vmul.f32 v16, v6;
	v3 =	vadd.f32 v3, v8  }
0x1ed: {  	v4 =	vmax.f32 v4, $1.000000020e-16;
	v2 =	vmax.f32 v2, $1.000000020e-16  }
0x1ee: {  	v3 =	vadd.f32 v6, v3;
	v6 =	vmul.f32 v18, v7;
	v2 =	vmul.f32 v2, v4  }
0x1ef: {  	v4 =	vmul.f32 v22, v10  }
0x1f0: {  	v3 =	vadd.f32 v6, v3;
	v6 =	vshrl.u32 v2, $0x1;
	v2 =	vmul.f32 $5.000000000e-01, v2  }
0x1f1: {  	v6 =	vsub.s32 $0x5F3759DF, v6  }
0x1f2: {  	v3 =	vadd.f32 v4, v3;
	v4 =	vmul.f32 v23, v12;
	v7 =	vmul.f32 v6, v2;
	_ =	sdelay $0x1  }
0x1f3: {  	v3 =	vadd.f32 v4, v3;
	v4 =	vmul.f32 v26, v17;
	v7 =	vmul.f32 v6, v7;
	_ =	sdelay $0x1  }
0x1f4: {  	v3 =	vadd.f32 v4, v3;
	v4 =	vmul.f32 v31, v20;
	v7 =	vsub.f32 $1.500000000e+00, v7;
	_ =	sdelay $0x1  }
0x1f5: {  	v3 =	vadd.f32 v4, v3;
	v4 =	vmul.f32 v30, v21;
	v6 =	vmul.f32 v6, v7;
	_ =	sdelay $0x1  }
0x1f6: {  	v3 =	vadd.f32 v4, v3;
	v4 =	vmul.f32 v29, v24;
	v7 =	vmul.f32 v6, v2;
	_ =	sdelay $0x1  }
0x1f7: {  	v3 =	vadd.f32 v4, v3;
	v4 =	vmul.f32 v33, v35;
	v7 =	vmul.f32 v7, v6;
	_ =	sdelay $0x1  }
0x1f8: {  	v1 =	vmul.f32 v5, v1;
	v3 =	vadd.f32 v4, v3;
	v4 =	vsub.f32 $1.500000000e+00, v7;
	_ =	sdelay $0x1  }
0x1f9: {  	v1 =	vadd.f32 v1, v3;
	v3 =	vmul.f32 v28, v34;
	v4 =	vmul.f32 v4, v6;
	_ =	sdelay $0x1  }
0x1fa: {  	v5 =	vmul.f32 v25, v32;
	v3 =	vadd.f32 v3, v1;
	v2 =	vmul.f32 v4, v2  }
0x1fb: {  	v1 =	vor.u32 s22, v0  }
0x1fc: {  	v6 =	vmul.f32 v9, v39;
	v5 =	vadd.f32 v5, v3;
	v2 =	vmul.f32 v2, v4  }
.Ltmp2:
0x1fd: {  	v3 =	vmul.u32 $0x14, v1;
	(pc) =	sbr.rel @p0 .LBB2_7-.Ltmp2, $3  }
0x1fe: {  	v5 =	vadd.f32 v6, v5;
	v6 =	vmul.f32 $5.000000070e-02, v11;
	v7 =	vsub.f32 $1.500000000e+00, v2;
	_ =	sdelay $0x1  }
0x1ff: {  	v2 =	vadd.s32 $0x13, v3;
	v5 =	vmul.f32 v6, v5;
	v6 =	vmul.f32 v7, v4  }
0x200: {  	s22 =	sadd.s32 $0x10, s22;
	v4 =	vadd.s32 $0x12, v3  }
0x201: {  	_ = 	snop  }
0x202: {  	v5 =	vmul.f32 v6, v5  }
0x203: {  	v34 =	vadd.s32 $0x11, v3;
	s21 =	sadd.s32 $0x10, s21  }
0x204: {  	v7 =	vor.u32 $0x1, v3;
	[tilespmem:s21+$0x0] =	vst v5  }
0x205: {  	v9 =	vor.u32 $0x2, v3;
	v2 =	vld.idx.msk [tilespmem:v2+s12+$0x0], $0xffff  }
0x206: {  	v11 =	vadd.s32 $0xF, v3;
	v4 =	vld.idx.msk [tilespmem:v4+s12+$0x0], $0xffff  }
0x207: {  	v12 =	vor.u32 $0x3, v3;
	v10 =	vld.idx.msk [tilespmem:v3+s12+$0x0], $0xffff  }
0x208: {  	v13 =	vadd.s32 $0xE, v3;
	v6 =	vld.idx.msk [tilespmem:v34+s12+$0x0], $0xffff  }
0x209: {  	v14 =	vshll.u32 v1, $0x4;
	v1 =	vadd.s32 $0x4, v3;
	v7 =	vld.idx.msk [tilespmem:v7+s12+$0x0], $0xffff  }
0x20a: {  	v16 =	vadd.s32 $0x5, v3;
	v9 =	vld.idx.msk [tilespmem:v9+s12+$0x0], $0xffff  }
0x20b: {  	v17 =	vadd.s32 $0xD, v3;
	v11 =	vld.idx.msk [tilespmem:v11+s12+$0x0], $0xffff  }
0x20c: {  	v18 =	vadd.s32 $0x6, v3;
	v12 =	vld.idx.msk [tilespmem:v12+s12+$0x0], $0xffff  }
0x20d: {  	v19 =	vadd.s32 $0xC, v3;
	v13 =	vld.idx.msk [tilespmem:v13+s12+$0x0], $0xffff;
	v10 =	vadd.f32 $0.0e+00, v10  }
0x20e: {  	v20 =	vadd.s32 $0x7, v3;
	v36 =	vld.idx.msk [tilespmem:v1+s12+$0x0], $0xffff  }
0x20f: {  	v38 =	vadd.s32 $0xB, v3;
	v37 =	vld.idx.msk [tilespmem:v16+s12+$0x0], $0xffff;
	v7 =	vadd.f32 v7, v10  }
0x210: {  	v40 =	vadd.s32 $0xA, v3;
	v17 =	vld.idx.msk [tilespmem:v17+s12+$0x0], $0xffff  }
0x211: {  	v39 =	vld.idx.msk [tilespmem:v18+s12+$0x0], $0xffff;
	v7 =	vadd.f32 v9, v7  }
0x212: {  	v8 =	vand.u32 $0xFFC, v3;
	v19 =	vld.idx.msk [tilespmem:v19+s12+$0x0], $0xffff  }
0x213: {  	v35 =	vadd.s32 $0x10, v8;
	v8 =	vadd.s32 $0x8, v8;
	v20 =	vld.idx.msk [tilespmem:v20+s12+$0x0], $0xffff;
	v7 =	vadd.f32 v12, v7  }
0x214: {  	v16 =	vld.idx.msk [tilespmem:v38+s12+$0x0], $0xffff  }
0x215: {  	v3 =	vadd.s32 $0x9, v3;
	v42 =	vld.idx.msk [tilespmem:v40+s12+$0x0], $0xffff;
	v7 =	vadd.f32 v36, v7  }
0x216: {  	v15 =	vor.u32 $0xC, v14;
	v22 =	vld.idx.msk [tilespmem:v14+s15+$0x0], $0xffff  }
0x217: {  	v21 =	vor.u32 $0x1, v14;
	v44 =	vld.idx.msk [tilespmem:v14+s16+$0x0], $0xffff;
	v7 =	vadd.f32 v37, v7  }
0x218: {  	v8 =	vld.idx.msk [tilespmem:v8+s12+$0x0], $0xffff  }
0x219: {  	v41 =	vor.u32 $0x2, v14;
	v5 =	vld.idx.msk [tilespmem:v35+s12+$0x0], $0xffff;
	v7 =	vadd.f32 v39, v7  }
0x21a: {  	v3 =	vld.idx.msk [tilespmem:v3+s12+$0x0], $0xffff  }
0x21b: {  	v43 =	vor.u32 $0x3, v14;
	v1 =	vld.idx.msk [tilespmem:v15+s15+$0x0], $0xffff;
	v7 =	vadd.f32 v20, v7  }
0x21c: {  	v20 =	vld.idx.msk [tilespmem:v21+s15+$0x0], $0xffff  }
0x21d: {  	v23 =	vor.u32 $0x4, v14;
	v7 =	vadd.f32 v8, v7;
	v8 =	vld.idx.msk [tilespmem:v21+s16+$0x0], $0xffff  }
0x21e: {  	v12 =	vld.idx.msk [tilespmem:v41+s15+$0x0], $0xffff  }
0x21f: {  	v24 =	vor.u32 $0x5, v14;
	v10 =	vld.idx.msk [tilespmem:v41+s16+$0x0], $0xffff;
	v3 =	vadd.f32 v3, v7  }
0x220: {  	v25 =	vor.u32 $0x6, v14;
	v7 =	vld.idx.msk [tilespmem:v43+s15+$0x0], $0xffff  }
0x221: {  	v18 =	vld.idx.msk [tilespmem:v43+s16+$0x0], $0xffff;
	v26 =	vmul.f32 v22, v22;
	v27 =	vmul.f32 v20, v20;
	v3 =	vadd.f32 v42, v3  }
0x222: {  	v28 =	vor.u32 $0x7, v14;
	v30 =	vmul.f32 v44, v44;
	v9 =	vld.idx.msk [tilespmem:v23+s15+$0x0], $0xffff;
	v45 =	vmul.f32 v8, v8  }
0x223: {  	v23 =	vld.idx.msk [tilespmem:v23+s16+$0x0], $0xffff;
	v29 =	vmul.f32 v12, v12;
	v26 =	vadd.f32 v27, v26;
	v3 =	vadd.f32 v16, v3  }
0x224: {  	v31 =	vor.u32 $0x8, v14;
	v46 =	vmul.f32 v10, v10;
	v16 =	vld.idx.msk [tilespmem:v24+s15+$0x0], $0xffff;
	v27 =	vadd.f32 v45, v30  }
0x225: {  	v24 =	vld.idx.msk [tilespmem:v24+s16+$0x0], $0xffff;
	v32 =	vmul.f32 v7, v7;
	v26 =	vadd.f32 v29, v26;
	v3 =	vadd.f32 v19, v3  }
0x226: {  	v47 =	vor.u32 $0x9, v14;
	v48 =	vmul.f32 v18, v18;
	v19 =	vld.idx.msk [tilespmem:v25+s15+$0x0], $0xffff;
	v27 =	vadd.f32 v46, v27  }
0x227: {  	v33 =	vmul.f32 v9, v9;
	v25 =	vld.idx.msk [tilespmem:v25+s16+$0x0], $0xffff;
	v26 =	vadd.f32 v32, v26;
	v3 =	vadd.f32 v17, v3  }
0x228: {  	v49 =	vor.u32 $0xA, v14;
	v50 =	vmul.f32 v23, v23;
	v17 =	vld.idx.msk [tilespmem:v28+s15+$0x0], $0xffff;
	v27 =	vadd.f32 v48, v27  }
0x229: {  	v28 =	vld.idx.msk [tilespmem:v28+s16+$0x0], $0xffff;
	v34 =	vmul.f32 v16, v16;
	v26 =	vadd.f32 v33, v26;
	v3 =	vadd.f32 v13, v3  }
0x22a: {  	v51 =	vor.u32 $0xB, v14;
	v52 =	vmul.f32 v24, v24;
	v13 =	vld.idx.msk [tilespmem:v31+s15+$0x0], $0xffff;
	v27 =	vadd.f32 v50, v27  }
0x22b: {  	v31 =	vld.idx.msk [tilespmem:v31+s16+$0x0], $0xffff;
	v35 =	vmul.f32 v19, v19;
	v26 =	vadd.f32 v34, v26;
	v3 =	vadd.f32 v11, v3  }
0x22c: {  	v54 =	vmul.f32 v25, v25;
	v11 =	vld.idx.msk [tilespmem:v47+s15+$0x0], $0xffff;
	v27 =	vadd.f32 v52, v27  }
0x22d: {  	v30 =	vld.idx.msk [tilespmem:v47+s16+$0x0], $0xffff;
	v53 =	vmul.f32 v17, v17;
	v26 =	vadd.f32 v35, v26;
	v3 =	vadd.f32 v5, v3  }
0x22e: {  	v55 =	vor.u32 $0xD, v14;
	v56 =	vmul.f32 v28, v28;
	v5 =	vld.idx.msk [tilespmem:v49+s15+$0x0], $0xffff;
	v27 =	vadd.f32 v54, v27  }
0x22f: {  	v32 =	vld.idx.msk [tilespmem:v49+s16+$0x0], $0xffff;
	v36 =	vmul.f32 v13, v13;
	v26 =	vadd.f32 v53, v26;
	v3 =	vadd.f32 v6, v3  }
0x230: {  	v57 =	vor.u32 $0xE, v14;
	v58 =	vmul.f32 v31, v31;
	v6 =	vld.idx.msk [tilespmem:v51+s15+$0x0], $0xffff;
	v27 =	vadd.f32 v56, v27  }
0x231: {  	v37 =	vmul.f32 v11, v11;
	v26 =	vadd.f32 v36, v26;
	v3 =	vadd.f32 v4, v3;
	v4 =	vld.idx.msk [tilespmem:v51+s16+$0x0], $0xffff  }
0x232: {  	v14 =	vor.u32 $0xF, v14;
	v60 =	vmul.f32 v30, v30;
	v27 =	vadd.f32 v58, v27  }
0x233: {  	v59 =	vmul.f32 v5, v5;
	v26 =	vadd.f32 v37, v26;
	v2 =	vadd.f32 v2, v3;
	v3 =	vld.idx.msk [tilespmem:v55+s15+$0x0], $0xffff  }
0x234: {  	v15 =	vld.idx.msk [tilespmem:v15+s16+$0x0], $0xffff;
	v62 =	vmul.f32 v32, v32;
	v27 =	vadd.f32 v60, v27  }
0x235: {  	v33 =	vld.idx.msk [tilespmem:v55+s16+$0x0], $0xffff;
	v61 =	vmul.f32 v6, v6;
	v26 =	vadd.f32 v59, v26;
	v2 =	vadd.f32 $9.999999930e-09, v2  }
0x236: {  	v38 =	vmul.f32 v1, v1;
	v37 =	vld.idx.msk [tilespmem:v57+s15+$0x0], $0xffff;
	v63 =	vmul.f32 v4, v4  }
0x237: {  	v39 =	vld.idx.msk [tilespmem:v14+s15+$0x0], $0xffff;
	v27 =	vadd.f32 v62, v27;
	v26 =	vadd.f32 v61, v26;
	(erf) = vrcp.f32 v2  }
0x238: {  	v2 =	vld.idx.msk [tilespmem:v57+s16+$0x0], $0xffff;
	v36 =	vmul.f32 v3, v3  }
0x239: {  	v27 =	vadd.f32 v63, v27;
	v26 =	vadd.f32 v38, v26;
	v38 =	vmul.f32 v15, v15  }
0x23a: {  	v14 =	vld.idx.msk [tilespmem:v14+s16+$0x0], $0xffff;
	v41 =	vmul.f32 v33, v33  }
0x23b: {  	v40 =	vmul.f32 v37, v37;
	v27 =	vadd.f32 v38, v27;
	v26 =	vadd.f32 v36, v26  }
0x23c: {  	v42 =	vmul.f32 v39, v39  }
0x23d: {  	v27 =	vadd.f32 v41, v27;
	v26 =	vadd.f32 v40, v26;
	v43 =	vmul.f32 v2, v2  }
0x23e: {  	v21 =	vmul.f32 v44, v22  }
0x23f: {  	v45 =	vmul.f32 v14, v14;
	v44 =	vadd.f32 v43, v27;
	v26 =	vadd.f32 v42, v26  }
0x240: {  	v21 =	vadd.f32 $0.0e+00, v21;
	v8 =	vmul.f32 v8, v20;
	v46 =	vpop (erf)  }
0x241: {  	v22 =	vadd.f32 v45, v44;
	v26 =	vmul.f32 v46, v26  }
0x242: {  	v10 =	vmul.f32 v10, v12;
	v8 =	vadd.f32 v8, v21  }
0x243: {  	v48 =	vmul.f32 $2.499999940e-03, v22;
	v47 =	vmul.f32 v26, v46  }
0x244: {  	v7 =	vmul.f32 v18, v7;
	v8 =	vadd.f32 v10, v8  }
0x245: {  	v50 =	vmax.f32 v48, $1.000000020e-16;
	v49 =	vmax.f32 v47, $1.000000020e-16  }
0x246: {  	v7 =	vadd.f32 v7, v8;
	v51 =	vmul.f32 v23, v9;
	v52 =	vmul.f32 v49, v50  }
0x247: {  	v53 =	vmul.f32 v24, v16  }
0x248: {  	v7 =	vadd.f32 v51, v7;
	v54 =	vshrl.u32 v52, $0x1;
	v9 =	vmul.f32 $5.000000000e-01, v52  }
0x249: {  	v8 =	vsub.s32 $0x5F3759DF, v54  }
0x24a: {  	v55 =	vmul.f32 v25, v19;
	v7 =	vadd.f32 v53, v7;
	v56 =	vmul.f32 v8, v9;
	_ =	sdelay $0x1  }
0x24b: {  	v7 =	vadd.f32 v55, v7;
	v57 =	vmul.f32 v28, v17;
	v12 =	vmul.f32 v8, v56;
	_ =	sdelay $0x1  }
0x24c: {  	v58 =	vmul.f32 v31, v13;
	v7 =	vadd.f32 v57, v7;
	v12 =	vsub.f32 $1.500000000e+00, v12;
	_ =	sdelay $0x1  }
0x24d: {  	v59 =	vmul.f32 v30, v11;
	v7 =	vadd.f32 v58, v7;
	v8 =	vmul.f32 v8, v12;
	_ =	sdelay $0x1  }
0x24e: {  	v5 =	vmul.f32 v32, v5;
	v7 =	vadd.f32 v59, v7;
	v60 =	vmul.f32 v8, v9;
	_ =	sdelay $0x1  }
0x24f: {  	v4 =	vmul.f32 v4, v6;
	v5 =	vadd.f32 v5, v7;
	v61 =	vmul.f32 v60, v8;
	_ =	sdelay $0x1  }
0x250: {  	v1 =	vmul.f32 v15, v1;
	v4 =	vadd.f32 v4, v5;
	v62 =	vsub.f32 $1.500000000e+00, v61;
	_ =	sdelay $0x1  }
0x251: {  	v3 =	vmul.f32 v33, v3;
	v1 =	vadd.f32 v1, v4;
	v63 =	vmul.f32 v62, v8;
	_ =	sdelay $0x1  }
0x252: {  	v2 =	vmul.f32 v2, v37;
	v1 =	vadd.f32 v3, v1;
	v3 =	vmul.f32 v63, v9;
	_ =	sdelay $0x1  }
0x253: {  	v1 =	vadd.f32 v2, v1;
	v2 =	vmul.f32 v14, v39;
	v3 =	vmul.f32 v3, v63;
	_ =	sdelay $0x1  }
0x254: {  	v1 =	vadd.f32 v2, v1;
	v2 =	vmul.f32 $5.000000070e-02, v46;
	v3 =	vsub.f32 $1.500000000e+00, v3;
	_ =	sdelay $0x1  }
0x255: {  	v1 =	vmul.f32 v2, v1;
	v2 =	vmul.f32 v3, v63;
	_ =	sdelay $0x1  }
0x256: {  	s19 =	sadd.s32 $0x1, s19;
	v1 =	vmul.f32 v2, v1  }
0x257: {  	s20 =	sshrl.u32 s20, $0x3;
	p0 =	sne.s32 s19, $0x4;
	s21 =	sadd.s32 $0x10, s21  }
.Ltmp3:
0x258: {  	s20 =	sadd.s32 s7, s20;
	[tilespmem:s21+$0x0] =	vst v1;
	(pc) =	sbr.rel @p0 .LBB2_2-.Ltmp3, $4  }
0x259: {  	[hbm4b:s20+s1] =	stream.linear.scatter [tilespmem:s17], [sflag:$0x2], $0x80, $0x38;
	[tilespmem:$0x16E80] =	vst v63  }
0x25a: {  	_ =	swait.ge [sflag:s10], $0x80  }
0x25b: {  	[sflag:s10] =	ssyncset.done $0x0  }
0x25c: {  	[sflag:s10] =	ssyncadd.s32 $0xFFFFFF80  }
0x25d: {  	s18 =	sadd.s32 $0x1, s18  }
0x25e: {  	p0 =	sne.s32 s18, s9  }
.Ltmp4:
0x25f: {  	_ = 	snop;
	(pc) =	sbr.rel @p0 .LBB2_1-.Ltmp4, $1  }
0x260: {  	_ =	sdelay $0x3  }
0x261: {  	_ =	sfence.sel $0x180000  }
0x262: {  	[bflag:$0x0] =	sbarrier.arrive $0xFFFF  }
0x263: {  	p0 =	sne.s32 s3, $0x0;
	_ =	strace $0x90000047  }
0x264: {  	s0 =	sadd.s32 @!p0 $0x100000, s0;
	[bflag:$0x2] =	sbarrier.arrive $0xFFFF  }
0x265: {  	[sflag:s0] =	ssyncadd.tile.s32 @!p0 $0x1;
	_ =	shalt  }
.Lfunc_end2:
_tile_overlayer_lowered:
.L_overlay_start_2:
0x266: {  	(tag) =	ssettag $0x2  }
0x267: {  	s0 =	rddreg [dreg:$0x0];
	s2 =	stileid.u32  }
0x268: {  	s1 =	rddreg [dreg:$0x1];
	p0 =	sne.s32 s2, $0x0  }
0x269: {  	s3 =	rddreg [dreg:$0x2];
	[bflag:$0x3] =	sbarrier.arrive $0xFFFF;
	s2 =	simm.s32 @!p0 $0x1C02  }
0x26a: {  	[timem:s3], [sflag:s2] =	dma.local @!p0 [hbm:s0], s1  }
0x26b: {  	s0 =	simm.s32 @!p0 $0x2  }
0x26c: {  	_ =	swait.ge @!p0 [sflag:s0], s1  }
0x26d: {  	s1 =	ssub.s32 @!p0 $0x0, s1;
	[sflag:s0] =	ssyncset.done @!p0 $0x0  }
0x26e: {  	[sflag:s0] =	ssyncadd.s32 @!p0 s1  }
0x26f: {  	[bflag:$0x3] =	sbarrier.arrive $0xFFFF  }
0x270: {  	_ =	shalt  }

// kernel: kernel.7.cloned.1.call-start
scs
__scs_entry_jumppad:
0x0: {  	(pc) =	sbr.rel $0x88, $3  }
0x1: {  	(tag) =	ssettag $0x0;
	lr =	simm.s32 $0x1  }
0x2: {  	[smem:$0x3F99] =	sst lr;
	_ =	strace $0xD0000000  }
0x3: {  	_ = 	snop  }
0x4: {  	_ = 	snop  }
0x5: {  	_ = 	snop  }
0x6: {  	_ = 	snop  }
0x7: {  	_ = 	snop  }
__scs_overlays_trampoline_lowered:
0x8: {  	[smem:$0x3FA8] =	sst s0  }
0x9: {  	[smem:$0x3FA9] =	sst s1  }
0xa: {  	[smem:$0x3FAA] =	sst s2  }
0xb: {  	[smem:$0x3FAB] =	sst s3  }
0xc: {  	[smem:$0x3FAC] =	sst s4  }
0xd: {  	[smem:$0x3FAD] =	sst s5  }
0xe: {  	[smem:$0x3FAE] =	sst s6  }
0xf: {  	[smem:$0x3FAF] =	sst s7  }
0x10: {  	[smem:$0x3FB0] =	sst s8  }
0x11: {  	[smem:$0x3FB1] =	sst s9;
	s0 =	simm.s32 @!p0 $0x0  }
0x12: {  	s1 =	sld [smem:$0x3F97];
	s0 =	simm.s32 @p0 $0x1  }
0x13: {  	[smem:$0x3FB2] =	sst s0;
	s0 =	simm.s32 @!p1 $0x0  }
0x14: {  	s2 =	sld [smem:$0x3F96];
	s0 =	simm.s32 @p1 $0x1  }
0x15: {  	[smem:$0x3FB3] =	sst s0;
	s0 =	simm.s32 @!p2 $0x0  }
0x16: {  	s3 =	sld [smem:$0x3FDB];
	s0 =	simm.s32 @p2 $0x1  }
0x17: {  	s4 =	simm.s32 $0x1BF5;
	[smem:$0x3FB5] =	sst s0  }
0x18: {  	s0 =	sld [smem:$0x3F98];
	_ =	swait.ge [sflag:s4], $0x0  }
0x19: {  	s7 =	sld [smem:$0x3F99]  }
0x1a: {  	s8 =	sadd.s32 $0xFFFFE003, lr  }
0x1b: {  	s9 =	sadd.s32 $0xFFFFFEF7, lr;
	s5 =	simm.s32 $0xFFFFFFFF;
	p2 =	slt.u32 s8, $0xFFFFF086  }
0x1c: {  	p1 =	slt.u32 s9, $0xF7A;
	s5 =	simm.s32 @!p2 $0x0  }
0x1d: {  	s5 =	simm.s32 @p1 $0x1;
	p0 =	seq.s32 s7, s2  }
0x1e: {  	s7 =	smul.u32 @!p0 $0xF7A, s2;
	p2 =	seq.s32 @!p0 s5, $0x0  }
0x1f: {  	s9 =	smul.u32 $0xF7A, s1;
	s8 =	simm.s32 @!p0 $0x1BF5;
	p2 =	por !p2, p0  }
0x20: {  	[sflag:s8] =	ssyncset.s32 @!p0 $0xFFFFF086;
	s6 =	sadd.s32 @!p0 s3, s7;
	s7 =	simm.s32 @!p0 $0x108  }
0x21: {  	s3 =	sadd.s32 s3, s9;
	s6 =	sadd.s32 @!p0 $0x88, s6;
	s7 =	simm.s32 @p2 $0x1082  }
0x22: {  	[simem:s7], [sflag:s8] =	dma.local @!p0 [hbm:s6], $0xF7A  }
0x23: {  	s9 =	sor.u32 $0xD0000000, s2;
	s6 =	simm.s32 $0x108;
	_ =	swait.ge @!p0 [sflag:s8], $0x0  }
0x24: {  	s3 =	sadd.s32 $0x88, s3;
	s6 =	simm.s32 @!p1 $0x1082;
	[sflag:s4] =	ssyncset.s32 $0xFFFFF086  }
0x25: {  	[simem:s6], [sflag:s4] =	dma.local [hbm:s3], $0xF7A  }
0x26: {  	[smem:$0x3F99] =	sst s1;
	(tag) =	ssettag s2;
	_ =	strace s9  }
0x27: {  	s1 =	sld [smem:$0x3FA9]  }
0x28: {  	s2 =	sld [smem:$0x3FAA]  }
0x29: {  	s4 =	sld [smem:$0x3FAC]  }
0x2a: {  	p0 =	seq.s32 s5, $0x0;
	s5 =	sld [smem:$0x3FAD]  }
0x2b: {  	s6 =	sld [smem:$0x3FAE]  }
0x2c: {  	s7 =	sld [smem:$0x3FAF]  }
0x2d: {  	s3 =	simm.s32 $0x108;
	s8 =	sld [smem:$0x3FB0]  }
0x2e: {  	s3 =	simm.s32 @!p0 $0x1082;
	s9 =	sld [smem:$0x3FB1]  }
0x2f: {  	lr =	sadd.s32 s0, s3;
	s0 =	sld [smem:$0x3FA8]  }
0x30: {  	s3 =	sld [smem:$0x3FAB]  }
0x31: {  	[smem:$0x3FB4] =	sst s10  }
0x32: {  	s10 =	sld [smem:$0x3FB2];
	_ =	sdelay $0x3  }
0x33: {  	p0 =	seq.s32 s10, $0x1;
	s10 =	sld [smem:$0x3FB4];
	_ =	sdelay $0x3  }
0x34: {  	[smem:$0x3FB4] =	sst s10  }
0x35: {  	s10 =	sld [smem:$0x3FB3];
	_ =	sdelay $0x3  }
0x36: {  	p1 =	seq.s32 s10, $0x1;
	s10 =	sld [smem:$0x3FB4];
	_ =	sdelay $0x3  }
0x37: {  	[smem:$0x3FB4] =	sst s10  }
0x38: {  	s10 =	sld [smem:$0x3FB5]  }
0x39: {  	_ = 	snop;
	(pc) =	sbr.ind lr, $3  }
0x3a: {  	_ = 	snop  }
0x3b: {  	_ = 	snop  }
0x3c: {  	p2 =	seq.s32 s10, $0x1;
	s10 =	sld [smem:$0x3FB4]  }
0x3d: {  	_ =	shalt  }
0x3e: {  	_ =	shalt  }
0x3f: {  	_ =	shalt  }
0x40: {  	_ =	shalt  }
0x41: {  	_ =	shalt  }
0x42: {  	_ =	shalt  }
0x43: {  	_ =	shalt  }
0x44: {  	_ =	shalt  }
0x45: {  	_ =	shalt  }
0x46: {  	_ =	shalt  }
0x47: {  	_ =	shalt  }
0x48: {  	_ =	shalt  }
0x49: {  	_ =	shalt  }
0x4a: {  	_ =	shalt  }
0x4b: {  	_ =	shalt  }
0x4c: {  	_ =	shalt  }
0x4d: {  	_ =	shalt  }
0x4e: {  	_ =	shalt  }
0x4f: {  	_ =	shalt  }
0x50: {  	_ =	shalt  }
0x51: {  	_ =	shalt  }
0x52: {  	_ =	shalt  }
0x53: {  	_ =	shalt  }
0x54: {  	_ =	shalt  }
0x55: {  	_ =	shalt  }
0x56: {  	_ =	shalt  }
0x57: {  	_ =	shalt  }
0x58: {  	_ =	shalt  }
0x59: {  	_ =	shalt  }
0x5a: {  	_ =	shalt  }
0x5b: {  	_ =	shalt  }
0x5c: {  	_ =	shalt  }
0x5d: {  	_ =	shalt  }
0x5e: {  	_ =	shalt  }
0x5f: {  	_ =	shalt  }
0x60: {  	_ =	shalt  }
0x61: {  	_ =	shalt  }
0x62: {  	_ =	shalt  }
0x63: {  	_ =	shalt  }
0x64: {  	_ =	shalt  }
0x65: {  	_ =	shalt  }
0x66: {  	_ =	shalt  }
0x67: {  	_ =	shalt  }
0x68: {  	_ =	shalt  }
0x69: {  	_ =	shalt  }
0x6a: {  	_ =	shalt  }
0x6b: {  	_ =	shalt  }
0x6c: {  	_ =	shalt  }
0x6d: {  	_ =	shalt  }
0x6e: {  	_ =	shalt  }
0x6f: {  	_ =	shalt  }
0x70: {  	_ =	shalt  }
0x71: {  	_ =	shalt  }
0x72: {  	_ =	shalt  }
0x73: {  	_ =	shalt  }
0x74: {  	_ =	shalt  }
0x75: {  	_ =	shalt  }
0x76: {  	_ =	shalt  }
0x77: {  	_ =	shalt  }
0x78: {  	_ =	shalt  }
0x79: {  	_ =	shalt  }
0x7a: {  	_ =	shalt  }
0x7b: {  	_ =	shalt  }
0x7c: {  	_ =	shalt  }
0x7d: {  	_ =	shalt  }
0x7e: {  	_ =	shalt  }
0x7f: {  	_ =	shalt  }
0x80: {  	_ =	shalt  }
0x81: {  	_ =	shalt  }
0x82: {  	_ =	shalt  }
0x83: {  	_ =	shalt  }
0x84: {  	_ =	shalt  }
0x85: {  	_ =	shalt  }
0x86: {  	_ =	shalt  }
0x87: {  	_ =	shalt  }
.Lfunc_end0:
.L_simem_size_0:
called_computation.1_lowered:
.L_overlay_start_0:
0x88: {  	s2 =	sld [smem:$0x3FD9]  }
0x89: {  	s3 =	sld [smem:$0x3FFE];
	_ =	sdelay $0x1  }
0x8a: {  	s1 =	srdreg.scid  }
0x8b: {  	s0 =	sand.u32 $0x1, s1  }
0x8c: {  	s17 =	sshll.u32 s0, $0xA;
	s2 =	sadd.s32 s3, s2  }
0x8d: {  	s2 =	sadd.s32 s2, s17  }
0x8e: {  	[smem:$0x3FC0] =	sst s2  }
0x8f: {  	_ = 	snop  }
0x90: {  	s2 =	sld [smem:$0x3FC9]  }
0x91: {  	s18 =	sld [smem:$0x3FC8]  }
0x92: {  	s4 =	sld [smem:$0x3FD0];
	(tm) =	ssettm $0x1  }
0x93: {  	s5 =	sld [smem:$0x3FFB];
	_ =	sdelay $0x3  }
0x94: {  	_ =	strace s5  }
0x95: {  	s5 =	sld [smem:$0x3FFC];
	_ =	sdelay $0x3  }
0x96: {  	_ =	strace s5  }
0x97: {  	s5 =	sld [smem:$0x3FFD];
	_ =	sdelay $0x3  }
0x98: {  	_ =	strace s5  }
0x99: {  	_ =	strace $0x8FFFFFFF  }
0x9a: {  	s19 =	sld [smem:$0x3FDB];
	_ =	sdelay $0x1  }
0x9b: {  	s6 =	simm.s32 $_scs_section_size  }
0x9c: {  	s7 =	simm.s32 $_size__tile_overlayer_lowered;
	s8 =	simm.s32 $_tile_overlayer_lowered  }
0x9d: {  	s22 =	simm.s32 $0x1BFF;
	s21 =	sshll.u32 s8, $0x1;
	s5 =	sadd.s32 s6, s19  }
0x9e: {  	s9 =	simm.s32 $0x0;
	s20 =	sshll.u32 s7, $0x1;
	s7 =	sadd.s32 s21, s5  }
0x9f: {  	[timem:s9], [sflag:s22] =	dma.local [hbm:s7], s20  }
0xa0: {  	_ =	swait.ge [sflag:s22], s20  }
0xa1: {  	s6 =	ssub.s32 $0x0, s20;
	[sflag:s22] =	ssyncset.done $0x0  }
0xa2: {  	[sflag:s22] =	ssyncadd.s32 s6;
	_ =	sdelay $0x1  }
0xa3: {  	s23 =	simm.s32 $0x1B8B  }
0xa4: {  	_ =	swait.ge [sflag:s23], $0x1  }
0xa5: {  	[sflag:s23] =	ssyncset.done $0x0  }
0xa6: {  	s25 =	simm.s32 $0x1B8E;
	s24 =	sld [smem:$0x3FFE];
	[sflag:s23] =	ssyncadd.s32 $0xFFFFFFFF  }
0xa7: {  	s26 =	simm.s32 $execute0_lowered;
	[smem:$0x3FD2] =	sst s25  }
0xa8: {  	s7 =	sshll.u32 s26, $0x1;
	_ =	strace $0x80000049;
	[dreg:$0x1] =	wrdreg $0xFFFFFFFF  }
0xa9: {  	s28 =	simm.s32 $_size_execute0_lowered;
	s5 =	sadd.s32 s5, s7;
	[dreg:$0x0] =	wrdreg $0x0  }
0xaa: {  	s7 =	sshll.u32 s28, $0x1;
	[dreg:$0x2] =	wrdreg s5  }
0xab: {  	[dreg:$0x3] =	wrdreg s7  }
0xac: {  	[dreg:$0x4] =	wrdreg $0xC0  }
0xad: {  	_ =	task [dreg:s9], $0x5FFFF  }
0xae: {  	[dreg:$0x1] =	wrdreg $0xFFFFFFFF  }
0xaf: {  	[dreg:$0x0] =	wrdreg $0x60  }
0xb0: {  	[dreg:$0x2] =	wrdreg s2  }
0xb1: {  	[dreg:$0x3] =	wrdreg s18  }
0xb2: {  	[dreg:$0x4] =	wrdreg s24  }
0xb3: {  	[dreg:$0x5] =	wrdreg s4  }
0xb4: {  	[dreg:$0x6] =	wrdreg $0x9  }
0xb5: {  	_ =	task.clear_ibuf [dreg:s9], $0x7FFFF;
	_ =	strace $0x90000049  }
0xb6: {  	s29 =	simm.s32 $0x9;
	_ =	strace $0x8000004B  }
0xb7: {  	_ =	swait.ge [sflag:s29], $0x1  }
0xb8: {  	[sflag:s29] =	ssyncadd.s32 $0xFFFFFFFF  }
0xb9: {  	_ =	strace $0x9000004B  }
0xba: {  	_ =	sfence  }
0xbb: {  	s30 =	sld [smem:$0x0];
	_ =	sdelay $0x2  }
0xbc: {  	s31 =	sshll.u32 s1, $0xD;
	s1 =	sshrl.u32 s1, $0x2  }
0xbd: {  	s3 =	sand.u32 $0x4000, s31;
	s1 =	sadd.s32 s1, s30  }
0xbe: {  	s0 =	sor.u32 s3, s0;
	s1 =	sshll.u32 s1, $0x11  }
0xbf: {  	s0 =	sor.u32 s1, s0  }
0xc0: {  	s0 =	sadd.s32 $0x8F2B, s0  }
0xc1: {  	[sflag:s0] =	ssyncadd.remote.s32 $0x1  }
0xc2: {  	_ =	sfence.sel $0xFFFF  }
0xc3: {  	[dreg:$0x0] =	wrdreg $0xFFFFFFFF;
	(pc) =	sbr.abs _section_cstart, $3  }
0xc4: {  	[dreg:$0x1] =	wrdreg $0xFFFFFFFF  }
0xc5: {  	_ =	task.clear_ibuf [dreg:s9], $0x2FFFF;
	_ =	strace $0x9FFFFFFF  }
0xc6: {  	(tm) =	ssettm $0x7FFFFFFF  }
0xc7: {  	_ =	shalt  }
tec
execute0_lowered:
.L_overlay_start_1:
0x0: {  	(tag) =	ssettag $0x1  }
0x1: {  	s0 =	rddreg [dreg:$0x0]  }
0x2: {  	s1 =	rddreg [dreg:$0x1]  }
0x3: {  	s2 =	rddreg [dreg:$0x2]  }
0x4: {  	s3 =	rddreg [dreg:$0x3];
	s4 =	srdreg.scid  }
0x5: {  	s5 =	stileid.u32;
	s12 =	simm.s32 $0x0;
	s4 =	sand.u32 $0x1, s4  }
0x6: {  	s5 =	sshll.u32 s5, $0x7;
	[smem:$0x7FF] =	sst s12;
	s6 =	sshll.u32 s4, $0x6  }
0x7: {  	s13 =	sadd.s32 $0x1D6C00, s2;
	s29 =	sadd.s32 $0x1119000, s2;
	s5 =	sor.u32 s6, s5  }
0x8: {  	_ =	strace $0x8000004A;
	s7 =	ssub.s32 $0x2, s4;
	s0 =	sadd.s32 s0, s5  }
0x9: {  	s25 =	sshrl.u32 s7, $0x1;
	s26 =	sadd.s32 s1, s5;
	[dreg:$0xf] =	wrdreg s0  }
0xa: {  	s6 =	sadd.s32 s5, s2;
	s30 =	sadd.s32 s3, s5;
	[dreg:$0x10] =	wrdreg s26  }
0xb: {  	s2 =	ssub.s32 s7, s25;
	s28 =	sadd.s32 $0x1F400, s6;
	[dreg:$0x12] =	wrdreg s30  }
0xc: {  	s11 =	simm.s32 $0x1;
	v0 =	vlaneseq.u32;
	s31 =	smax.u32 s2, $0x1;
	[dreg:$0x11] =	wrdreg s28  }
0xd: {  	v0 =	vmul.u32 $0x80, v0;
	s1 =	simm.s32 $0x2;
	s2 =	simm.s32 $0x0;
	[dreg:$0x13] =	wrdreg s31  }
.LBB2_1:
0xe: {  	[dreg:$0x14] =	wrdreg s2  }
0xf: {  	s0 =	rddreg [dreg:$0xf]  }
0x10: {  	[tilespmem:s12], [sflag:$0x2] =	stream.linear.gather [hbm4b:s0+s12], $0x200, $0x38;
	[tilespmem:$0x8800] =	vst v63  }
0x11: {  	_ =	swait.ge [sflag:s1], $0x200  }
0x12: {  	[sflag:s1] =	ssyncset.done $0x0  }
0x13: {  	s7 =	simm.s32 $0x200;
	s30 =	rddreg [dreg:$0x10];
	[sflag:s1] =	ssyncadd.s32 $0xFFFFFE00  }
0x14: {  	[tilespmem:s7], [sflag:$0x2] =	stream.linear.gather [hbm4b:s30+s12], $0x200, $0x38;
	[tilespmem:$0x8800] =	vst v63  }
0x15: {  	_ =	swait.ge [sflag:s1], $0x200  }
0x16: {  	[sflag:s1] =	ssyncset.done $0x0  }
0x17: {  	s3 =	simm.s32 $0x8400;
	s31 =	rddreg [dreg:$0x11];
	[sflag:s1] =	ssyncadd.s32 $0xFFFFFE00  }
0x18: {  	[tilespmem:s3], [sflag:$0x2] =	stream.linear.gather [hbm4b:s31+s12], $0x200, $0x38;
	[tilespmem:$0x8800] =	vst v63  }
0x19: {  	_ =	swait.ge [sflag:s1], $0x200  }
0x1a: {  	s4 =	simm.s32 $0x8600;
	[sflag:s1] =	ssyncset.done $0x0  }
0x1b: {  	s15 =	simm.s32 $0x0;
	[sflag:s1] =	ssyncadd.s32 $0xFFFFFE00;
	s1 =	simm.s32 $0x0  }
.LBB2_2:
0x1c: {  	v1 =	vld [tilespmem:s15+$0x0];
	_ =	sdelay $0x1  }
0x1d: {  	v3 =	vld [tilespmem:s7+$0x0];
	_ =	sdelay $0x2  }
0x1e: {  	v2 =	vshll.u32 v1, $0x4  }
0x1f: {  	(v2sf) =	vpush v2, $0x0  }
0x20: {  	v1 =	vshll.u32 v3, $0x4  }
0x21: {  	(v2sf) =	vpush v1, $0x0;
	_ =	sdelay $0x1  }
0x22: {  	(v2sf) =	vpush v2, $0x1  }
0x23: {  	(v2sf) =	vpush v1, $0x1  }
0x24: {  	(v2sf) =	vpush v2, $0x2;
	_ =	sdelay $0x1  }
0x25: {  	[dreg:$0x19] =	wrdreg s1  }
0x26: {  	[dreg:$0x17] =	wrdreg s4  }
0x27: {  	[dreg:$0x16] =	wrdreg s3;
	(v2sf) =	vpush v1, $0x2  }
0x28: {  	s22 =	simm.s32 $0x2000;
	s21 =	simm.s32 $0x0;
	s17 =	simm.s32 $0x4400  }
0x29: {  	s1 =	simm.s32 $0x680;
	s2 =	simm.s32 $0x880;
	s5 =	simm.s32 $0x400;
	(v2sf) =	vpush v2, $0x3  }
0x2a: {  	s4 =	simm.s32 $0x600;
	s0 =	simm.s32 $0x4900;
	s8 =	simm.s32 $0x580  }
0x2b: {  	s20 =	simm.s32 $0x480;
	s25 =	simm.s32 $0x4480;
	[dreg:$0x15] =	wrdreg s7  }
0x2c: {  	s31 =	simm.s32 $0xA00;
	[dreg:$0x18] =	wrdreg s15;
	s6 =	spop (v2sf)  }
0x2d: {  	s28 =	sadd.s32 $0x10, s15;
	s30 =	simm.s32 $0xB00;
	(v2sf) =	vpush v1, $0x3;
	s6 =	sand.u32 $0x1FFFFFF0, s6  }
0x2e: {  	s15 =	simm.s32 $0x4B00;
	s9 =	spop (v2sf);
	s6 =	sadd.s32 s13, s6  }
0x2f: {  	(v2sf) =	vpush v2, $0x4;
	[tilespmem:s5], [sflag:$0x1] =	stream.linear.gather [hbm4b:s6+s12], $0x80, $0x38;
	[tilespmem:$0x8800] =	vst v63  }
0x30: {  	(v2sf) =	vpush v1, $0x4;
	s18 =	sand.u32 $0x1FFFFFF0, s9;
	s19 =	spop (v2sf);
	s5 =	simm.s32 $0x4580  }
0x31: {  	s6 =	sadd.s32 s29, s18;
	s9 =	sand.u32 $0x1FFFFFF0, s19;
	s10 =	spop (v2sf)  }
0x32: {  	(v2sf) =	vpush v2, $0x5;
	s23 =	sadd.s32 s13, s9;
	s24 =	sand.u32 $0x1FFFFFF0, s10;
	s26 =	spop (v2sf)  }
0x33: {  	(v2sf) =	vpush v1, $0x5;
	[tilespmem:s17], [sflag:$0x1] =	stream.linear.gather [hbm4b:s6+s12], $0x80, $0x38;
	[tilespmem:$0x8800] =	vst v63  }
0x34: {  	s10 =	simm.s32 $0x500;
	s9 =	sadd.s32 s29, s24;
	s6 =	sand.u32 $0x1FFFFFF0, s26  }
0x35: {  	[tilespmem:s20], [sflag:$0x1] =	stream.linear.gather [hbm4b:s23+s12], $0x80, $0x38;
	[tilespmem:$0x8800] =	vst v63  }
0x36: {  	s14 =	spop (v2sf);
	s17 =	simm.s32 $0x4500;
	s24 =	simm.s32 $0x4600  }
0x37: {  	(v2sf) =	vpush v2, $0x6;
	[tilespmem:s25], [sflag:$0x1] =	stream.linear.gather [hbm4b:s9+s12], $0x80, $0x38;
	[tilespmem:$0x8800] =	vst v63  }
0x38: {  	s6 =	sadd.s32 s13, s6;
	s16 =	spop (v2sf);
	s9 =	sand.u32 $0x1FFFFFF0, s14  }
0x39: {  	(v2sf) =	vpush v1, $0x6;
	[tilespmem:s10], [sflag:$0x1] =	stream.linear.gather [hbm4b:s6+s12], $0x80, $0x38;
	[tilespmem:$0x8800] =	vst v63  }
0x3a: {  	s19 =	sand.u32 $0x1FFFFFF0, s16;
	s16 =	simm.s32 $0xA80;
	s18 =	sadd.s32 s29, s9  }
0x3b: {  	[tilespmem:s17], [sflag:$0x1] =	stream.linear.gather [hbm4b:s18+s12], $0x80, $0x38;
	[tilespmem:$0x8800] =	vst v63  }
0x3c: {  	s23 =	sadd.s32 s13, s19;
	s19 =	simm.s32 $0x700;
	s20 =	spop (v2sf)  }
0x3d: {  	(v2sf) =	vpush v2, $0x7;
	[tilespmem:s8], [sflag:$0x1] =	stream.linear.gather [hbm4b:s23+s12], $0x80, $0x38;
	[tilespmem:$0x8800] =	vst v63  }
0x3e: {  	s10 =	simm.s32 $0x4A00;
	s3 =	sand.u32 $0x1FFFFFF0, s20;
	s25 =	spop (v2sf)  }
0x3f: {  	(v2sf) =	vpush v1, $0x7;
	s3 =	sadd.s32 s29, s3;
	s8 =	sand.u32 $0x1FFFFFF0, s25;
	s26 =	spop (v2sf)  }
0x40: {  	(v2sf) =	vpush v2, $0x8;
	[tilespmem:s5], [sflag:$0x1] =	stream.linear.gather [hbm4b:s3+s12], $0x80, $0x38;
	[tilespmem:$0x8800] =	vst v63  }
0x41: {  	s17 =	simm.s32 $0x4680;
	s8 =	sadd.s32 s13, s8;
	s18 =	spop (v2sf)  }
0x42: {  	s14 =	sand.u32 $0x1FFFFFF0, s26;
	s20 =	sand.u32 $0x1FFFFFF0, s18;
	s23 =	spop (v2sf)  }
0x43: {  	(v2sf) =	vpush v1, $0x8;
	[tilespmem:s4], [sflag:$0x1] =	stream.linear.gather [hbm4b:s8+s12], $0x80, $0x38;
	[tilespmem:$0x8800] =	vst v63  }
0x44: {  	s5 =	sadd.s32 s29, s14;
	s6 =	sadd.s32 s13, s20;
	s4 =	sand.u32 $0x1FFFFFF0, s23  }
0x45: {  	(v2sf) =	vpush v2, $0x9;
	[tilespmem:s24], [sflag:$0x1] =	stream.linear.gather [hbm4b:s5+s12], $0x80, $0x38;
	[tilespmem:$0x8800] =	vst v63  }
0x46: {  	s8 =	simm.s32 $0x4A80;
	s20 =	simm.s32 $0x780;
	s24 =	spop (v2sf)  }
0x47: {  	(v2sf) =	vpush v1, $0x9;
	[tilespmem:s1], [sflag:$0x1] =	stream.linear.gather [hbm4b:s6+s12], $0x80, $0x38;
	[tilespmem:$0x8800] =	vst v63  }
0x48: {  	s25 =	sadd.s32 s29, s4;
	s26 =	sand.u32 $0x1FFFFFF0, s24;
	s9 =	spop (v2sf)  }
0x49: {  	(v2sf) =	vpush v2, $0xA;
	[tilespmem:s17], [sflag:$0x1] =	stream.linear.gather [hbm4b:s25+s12], $0x80, $0x38;
	[tilespmem:$0x8800] =	vst v63  }
0x4a: {  	s4 =	simm.s32 $0x800;
	s14 =	sadd.s32 s13, s26;
	s3 =	sand.u32 $0x1FFFFFF0, s9  }
0x4b: {  	(v2sf) =	vpush v1, $0xA;
	[tilespmem:s19], [sflag:$0x1] =	stream.linear.gather [hbm4b:s14+s12], $0x80, $0x38;
	[tilespmem:$0x8800] =	vst v63  }
0x4c: {  	s3 =	sadd.s32 s29, s3;
	s17 =	simm.s32 $0x4700;
	s18 =	spop (v2sf)  }
0x4d: {  	(v2sf) =	vpush v2, $0xB;
	[tilespmem:s17], [sflag:$0x1] =	stream.linear.gather [hbm4b:s3+s12], $0x80, $0x38;
	[tilespmem:$0x8800] =	vst v63  }
0x4e: {  	s25 =	simm.s32 $0x4780;
	s6 =	sand.u32 $0x1FFFFFF0, s18;
	s19 =	spop (v2sf)  }
0x4f: {  	(v2sf) =	vpush v1, $0xB;
	s23 =	sadd.s32 s13, s6;
	s24 =	sand.u32 $0x1FFFFFF0, s19;
	s26 =	spop (v2sf)  }
0x50: {  	[tilespmem:s20], [sflag:$0x1] =	stream.linear.gather [hbm4b:s23+s12], $0x80, $0x38;
	[tilespmem:$0x8800] =	vst v63  }
0x51: {  	s17 =	simm.s32 $0x4800;
	s6 =	sadd.s32 s29, s24;
	s5 =	sand.u32 $0x1FFFFFF0, s26  }
0x52: {  	s9 =	spop (v2sf);
	s20 =	simm.s32 $0x4880;
	s24 =	simm.s32 $0x900  }
0x53: {  	(v2sf) =	vpush v2, $0xC;
	[tilespmem:s25], [sflag:$0x1] =	stream.linear.gather [hbm4b:s6+s12], $0x80, $0x38;
	[tilespmem:$0x8800] =	vst v63  }
0x54: {  	s5 =	sadd.s32 s13, s5;
	s14 =	spop (v2sf);
	s6 =	sand.u32 $0x1FFFFFF0, s9  }
0x55: {  	(v2sf) =	vpush v1, $0xC;
	[tilespmem:s4], [sflag:$0x1] =	stream.linear.gather [hbm4b:s5+s12], $0x80, $0x38;
	[tilespmem:$0x8800] =	vst v63  }
0x56: {  	s19 =	sand.u32 $0x1FFFFFF0, s14;
	s23 =	spop (v2sf);
	s18 =	sadd.s32 s29, s6  }
0x57: {  	[tilespmem:s17], [sflag:$0x1] =	stream.linear.gather [hbm4b:s18+s12], $0x80, $0x38;
	[tilespmem:$0x8800] =	vst v63  }
0x58: {  	s6 =	sadd.s32 s13, s19;
	s5 =	sand.u32 $0x1FFFFFF0, s23;
	s25 =	spop (v2sf)  }
0x59: {  	[tilespmem:s2], [sflag:$0x1] =	stream.linear.gather [hbm4b:s6+s12], $0x80, $0x38;
	[tilespmem:$0x8800] =	vst v63  }
0x5a: {  	s5 =	sadd.s32 s29, s5;
	s26 =	spop (v2sf);
	s6 =	sand.u32 $0x1FFFFFF0, s25  }
0x5b: {  	[tilespmem:s20], [sflag:$0x1] =	stream.linear.gather [hbm4b:s5+s12], $0x80, $0x38;
	[tilespmem:$0x8800] =	vst v63  }
0x5c: {  	s5 =	sadd.s32 s13, s6;
	s6 =	sand.u32 $0x1FFFFFF0, s26;
	s9 =	spop (v2sf)  }
0x5d: {  	[tilespmem:s24], [sflag:$0x1] =	stream.linear.gather [hbm4b:s5+s12], $0x80, $0x38;
	[tilespmem:$0x8800] =	vst v63  }
0x5e: {  	s14 =	sadd.s32 s29, s6;
	s17 =	sand.u32 $0x1FFFFFF0, s9;
	s18 =	spop (v2sf)  }
0x5f: {  	(v2sf) =	vpush v2, $0xD;
	[tilespmem:s0], [sflag:$0x1] =	stream.linear.gather [hbm4b:s14+s12], $0x80, $0x38;
	[tilespmem:$0x8800] =	vst v63  }
0x60: {  	s19 =	simm.s32 $0x980;
	(v2sf) =	vpush v1, $0xD;
	s20 =	sadd.s32 s13, s17;
	s23 =	sand.u32 $0x1FFFFFF0, s18  }
0x61: {  	(v2sf) =	vpush v2, $0xE;
	[tilespmem:s19], [sflag:$0x1] =	stream.linear.gather [hbm4b:s20+s12], $0x80, $0x38;
	[tilespmem:$0x8800] =	vst v63  }
0x62: {  	s1 =	simm.s32 $0x4980;
	s24 =	sadd.s32 s29, s23;
	(v2sf) =	vpush v1, $0xE;
	s25 =	spop (v2sf)  }
0x63: {  	(v2sf) =	vpush v2, $0xF;
	[tilespmem:s1], [sflag:$0x1] =	stream.linear.gather [hbm4b:s24+s12], $0x80, $0x38;
	[tilespmem:$0x8800] =	vst v63  }
0x64: {  	s26 =	sadd.s32 $0x10, s7;
	s0 =	sand.u32 $0x1FFFFFF0, s25;
	(v2sf) =	vpush v1, $0xF;
	s1 =	spop (v2sf)  }
.LBB2_3:
0x65: {  	_ =	sdelay $0x4  }
0x66: {  	s0 =	sadd.s32 s13, s0;
	s1 =	sand.u32 $0x1FFFFFF0, s1  }
0x67: {  	[tilespmem:s31], [sflag:$0x1] =	stream.linear.gather [hbm4b:s0+s12], $0x80, $0x38;
	[tilespmem:$0x8800] =	vst v63  }
0x68: {  	s18 =	sadd.s32 s29, s1  }
0x69: {  	[tilespmem:s10], [sflag:$0x1] =	stream.linear.gather [hbm4b:s18+s12], $0x80, $0x38;
	[tilespmem:$0x8800] =	vst v63  }
0x6a: {  	s2 =	spop (v2sf)  }
0x6b: {  	s19 =	sand.u32 $0x1FFFFFF0, s2;
	s20 =	spop (v2sf)  }
0x6c: {  	s23 =	sadd.s32 s13, s19;
	s24 =	sand.u32 $0x1FFFFFF0, s20;
	s25 =	spop (v2sf)  }
0x6d: {  	[tilespmem:s16], [sflag:$0x1] =	stream.linear.gather [hbm4b:s23+s12], $0x80, $0x38;
	[tilespmem:$0x8800] =	vst v63  }
0x6e: {  	s3 =	sadd.s32 s29, s24;
	s4 =	sand.u32 $0x1FFFFFF0, s25;
	s5 =	spop (v2sf)  }
0x6f: {  	[tilespmem:s8], [sflag:$0x1] =	stream.linear.gather [hbm4b:s3+s12], $0x80, $0x38;
	[tilespmem:$0x8800] =	vst v63  }
0x70: {  	s6 =	sadd.s32 s13, s4;
	s7 =	sand.u32 $0x1FFFFFF0, s5;
	s8 =	spop (v2sf)  }
0x71: {  	[tilespmem:s30], [sflag:$0x1] =	stream.linear.gather [hbm4b:s6+s12], $0x80, $0x38;
	[tilespmem:$0x8800] =	vst v63  }
0x72: {  	s9 =	sadd.s32 s29, s7;
	s10 =	sand.u32 $0x1FFFFFF0, s8;
	s14 =	spop (v2sf)  }
0x73: {  	[tilespmem:s15], [sflag:$0x1] =	stream.linear.gather [hbm4b:s9+s12], $0x80, $0x38;
	[tilespmem:$0x8800] =	vst v63  }
0x74: {  	s1 =	sadd.s32 s13, s10;
	s2 =	sand.u32 $0x1FFFFFF0, s14;
	s15 =	sadd.s32 $0xB80, s21  }
0x75: {  	[tilespmem:s15], [sflag:$0x1] =	stream.linear.gather [hbm4b:s1+s12], $0x80, $0x38;
	[tilespmem:$0x8800] =	vst v63  }
0x76: {  	s16 =	sadd.s32 $0x4B80, s21;
	s17 =	sadd.s32 s29, s2  }
0x77: {  	[tilespmem:s16], [sflag:$0x1] =	stream.linear.gather [hbm4b:s17+s12], $0x80, $0x38;
	[tilespmem:$0x8800] =	vst v63  }
0x78: {  	v1 =	vld [tilespmem:s28+$0x0]  }
0x79: {  	v3 =	vld [tilespmem:s26+$0x0];
	_ =	sdelay $0x3  }
0x7a: {  	v2 =	vshll.u32 v1, $0x4  }
0x7b: {  	p0 =	sne.s32 s22, $0xE000;
	s18 =	smov.u32 s22;
	v1 =	vshll.u32 v3, $0x4;
	(v2sf) =	vpush v2, $0x0  }
0x7c: {  	s22 =	sadd.s32 $0x2000, s22;
	s6 =	simm.s32 $0x0;
	s21 =	sshra.s32 s18, $0x2;
	(v2sf) =	vpush v1, $0x0  }
0x7d: {  	s14 =	sadd.s32 $0x4400, s21;
	s0 =	sadd.s32 $0x680, s21;
	s19 =	sadd.s32 $0x880, s21;
	(v2sf) =	vpush v2, $0x1  }
0x7e: {  	s4 =	sadd.s32 $0x400, s21;
	s18 =	sadd.s32 $0x600, s21;
	s20 =	sadd.s32 $0x4900, s21  }
0x7f: {  	s9 =	sadd.s32 $0x4580, s21;
	s10 =	sadd.s32 $0x4A00, s21;
	[dreg:$0xd] =	wrdreg s0;
	(v2sf) =	vpush v1, $0x1  }
0x80: {  	s23 =	sadd.s32 $0xA80, s21;
	s3 =	sadd.s32 $0x4480, s21;
	[dreg:$0x7] =	wrdreg s19  }
0x81: {  	s2 =	sadd.s32 $0x4500, s21;
	s5 =	sadd.s32 $0x4980, s21;
	[dreg:$0x5] =	wrdreg s20;
	(v2sf) =	vpush v2, $0x2  }
0x82: {  	s8 =	sadd.s32 $0x4A80, s21;
	s24 =	sadd.s32 $0x4880, s21;
	[dreg:$0xb] =	wrdreg s23  }
0x83: {  	s25 =	sadd.s32 $0x900, s21;
	s7 =	sadd.s32 $0x4800, s21;
	[dreg:$0x6] =	wrdreg s5;
	(v2sf) =	vpush v1, $0x2  }
0x84: {  	s31 =	sadd.s32 $0xA00, s21;
	s30 =	sadd.s32 $0xB00, s21;
	[dreg:$0x9] =	wrdreg s24  }
0x85: {  	s0 =	sadd.s32 $0x580, s21;
	s1 =	sadd.s32 $0x500, s21;
	[dreg:$0x8] =	wrdreg s25;
	(v2sf) =	vpush v2, $0x3  }
0x86: {  	s19 =	sadd.s32 $0x700, s21;
	[dreg:$0xa] =	wrdreg s7;
	s15 =	sadd.s32 $0x4780, s21  }
0x87: {  	s20 =	sadd.s32 $0x780, s21;
	s24 =	sadd.s32 $0x800, s21;
	[dreg:$0xe] =	wrdreg s15;
	(v2sf) =	vpush v1, $0x3  }
0x88: {  	s23 =	sadd.s32 $0x480, s21;
	s5 =	sadd.s32 $0x980, s21;
	[dreg:$0xc] =	wrdreg s24  }
0x89: {  	s15 =	sadd.s32 $0x4B00, s21;
	s12 =	sadd.s32 $0x4600, s21;
	s17 =	sadd.s32 $0x4680, s21;
	(v2sf) =	vpush v2, $0x4  }
0x8a: {  	s16 =	sadd.s32 $0x4700, s21;
	s26 =	sadd.s32 $0x10, s26;
	s25 =	spop (v2sf)  }
0x8b: {  	s28 =	sadd.s32 $0x10, s28;
	s7 =	sand.u32 $0x1FFFFFF0, s25;
	s24 =	spop (v2sf);
	(v2sf) =	vpush v1, $0x4  }
0x8c: {  	s7 =	sadd.s32 s13, s7;
	s24 =	sand.u32 $0x1FFFFFF0, s24;
	s25 =	spop (v2sf)  }
0x8d: {  	(v2sf) =	vpush v2, $0x5;
	[tilespmem:s4], [sflag:$0x1] =	stream.linear.gather [hbm4b:s7+s6], $0x80, $0x38;
	[tilespmem:$0x8800] =	vst v63  }
0x8e: {  	s7 =	sadd.s32 s29, s24;
	s24 =	sand.u32 $0x1FFFFFF0, s25;
	s25 =	spop (v2sf)  }
0x8f: {  	(v2sf) =	vpush v1, $0x5;
	[tilespmem:s14], [sflag:$0x1] =	stream.linear.gather [hbm4b:s7+s6], $0x80, $0x38;
	[tilespmem:$0x8800] =	vst v63  }
0x90: {  	s14 =	sadd.s32 s13, s24;
	s24 =	sand.u32 $0x1FFFFFF0, s25;
	s25 =	spop (v2sf)  }
0x91: {  	(v2sf) =	vpush v2, $0x6;
	[tilespmem:s23], [sflag:$0x1] =	stream.linear.gather [hbm4b:s14+s6], $0x80, $0x38;
	[tilespmem:$0x8800] =	vst v63  }
0x92: {  	s23 =	sadd.s32 s29, s24;
	s24 =	sand.u32 $0x1FFFFFF0, s25;
	s25 =	spop (v2sf);
	(v2sf) =	vpush v1, $0x6  }
0x93: {  	[tilespmem:s3], [sflag:$0x1] =	stream.linear.gather [hbm4b:s23+s6], $0x80, $0x38;
	[tilespmem:$0x8800] =	vst v63  }
0x94: {  	s23 =	sadd.s32 s13, s24;
	s24 =	sand.u32 $0x1FFFFFF0, s25;
	s25 =	spop (v2sf)  }
0x95: {  	(v2sf) =	vpush v2, $0x7;
	[tilespmem:s1], [sflag:$0x1] =	stream.linear.gather [hbm4b:s23+s6], $0x80, $0x38;
	[tilespmem:$0x8800] =	vst v63  }
0x96: {  	s4 =	sadd.s32 s29, s24;
	s7 =	sand.u32 $0x1FFFFFF0, s25;
	s14 =	spop (v2sf)  }
0x97: {  	(v2sf) =	vpush v1, $0x7;
	[tilespmem:s2], [sflag:$0x1] =	stream.linear.gather [hbm4b:s4+s6], $0x80, $0x38;
	[tilespmem:$0x8800] =	vst v63  }
0x98: {  	s23 =	sadd.s32 s13, s7;
	s24 =	sand.u32 $0x1FFFFFF0, s14;
	s25 =	spop (v2sf)  }
0x99: {  	(v2sf) =	vpush v2, $0x8;
	[tilespmem:s0], [sflag:$0x1] =	stream.linear.gather [hbm4b:s23+s6], $0x80, $0x38;
	[tilespmem:$0x8800] =	vst v63  }
0x9a: {  	s3 =	sand.u32 $0x1FFFFFF0, s25;
	s2 =	sadd.s32 s29, s24;
	s4 =	spop (v2sf)  }
0x9b: {  	[tilespmem:s9], [sflag:$0x1] =	stream.linear.gather [hbm4b:s2+s6], $0x80, $0x38;
	[tilespmem:$0x8800] =	vst v63  }
0x9c: {  	s7 =	sadd.s32 s13, s3;
	s9 =	sand.u32 $0x1FFFFFF0, s4;
	s14 =	spop (v2sf)  }
0x9d: {  	(v2sf) =	vpush v1, $0x8;
	[tilespmem:s18], [sflag:$0x1] =	stream.linear.gather [hbm4b:s7+s6], $0x80, $0x38;
	[tilespmem:$0x8800] =	vst v63  }
0x9e: {  	(v2sf) =	vpush v2, $0x9;
	s23 =	sadd.s32 s29, s9;
	s24 =	sand.u32 $0x1FFFFFF0, s14;
	s25 =	spop (v2sf)  }
0x9f: {  	[tilespmem:s12], [sflag:$0x1] =	stream.linear.gather [hbm4b:s23+s6], $0x80, $0x38;
	[tilespmem:$0x8800] =	vst v63  }
0xa0: {  	(v2sf) =	vpush v1, $0x9;
	s3 =	sadd.s32 s13, s24;
	s4 =	sand.u32 $0x1FFFFFF0, s25;
	s6 =	spop (v2sf)  }
0xa1: {  	s7 =	rddreg [dreg:$0xd];
	s12 =	simm.s32 $0x0;
	s18 =	spop (v2sf)  }
0xa2: {  	[tilespmem:s7], [sflag:$0x1] =	stream.linear.gather [hbm4b:s3+s12], $0x80, $0x38;
	[tilespmem:$0x8800] =	vst v63  }
0xa3: {  	s9 =	sadd.s32 s29, s4;
	s14 =	sand.u32 $0x1FFFFFF0, s6;
	s24 =	sand.u32 $0x1FFFFFF0, s18  }
0xa4: {  	(v2sf) =	vpush v2, $0xA;
	s23 =	sadd.s32 s13, s14;
	s25 =	spop (v2sf);
	s1 =	sadd.s32 s29, s24  }
0xa5: {  	[tilespmem:s17], [sflag:$0x1] =	stream.linear.gather [hbm4b:s9+s12], $0x80, $0x38;
	[tilespmem:$0x8800] =	vst v63  }
0xa6: {  	(v2sf) =	vpush v1, $0xA;
	s3 =	sand.u32 $0x1FFFFFF0, s25;
	s4 =	spop (v2sf);
	s25 =	rddreg [dreg:$0xc]  }
0xa7: {  	[tilespmem:s19], [sflag:$0x1] =	stream.linear.gather [hbm4b:s23+s12], $0x80, $0x38;
	[tilespmem:$0x8800] =	vst v63  }
0xa8: {  	(v2sf) =	vpush v2, $0xB;
	s6 =	sadd.s32 s13, s3;
	s9 =	spop (v2sf);
	s19 =	rddreg [dreg:$0xe]  }
0xa9: {  	[tilespmem:s16], [sflag:$0x1] =	stream.linear.gather [hbm4b:s1+s12], $0x80, $0x38;
	[tilespmem:$0x8800] =	vst v63  }
0xaa: {  	s7 =	sand.u32 $0x1FFFFFF0, s4;
	s17 =	sand.u32 $0x1FFFFFF0, s9;
	s9 =	rddreg [dreg:$0xa]  }
0xab: {  	[tilespmem:s20], [sflag:$0x1] =	stream.linear.gather [hbm4b:s6+s12], $0x80, $0x38;
	[tilespmem:$0x8800] =	vst v63  }
0xac: {  	(v2sf) =	vpush v1, $0xB;
	s14 =	sadd.s32 s29, s7;
	s16 =	rddreg [dreg:$0xb];
	s18 =	spop (v2sf)  }
0xad: {  	(v2sf) =	vpush v2, $0xC;
	s20 =	sadd.s32 s13, s17;
	s23 =	sand.u32 $0x1FFFFFF0, s18;
	s24 =	spop (v2sf)  }
0xae: {  	[tilespmem:s19], [sflag:$0x1] =	stream.linear.gather [hbm4b:s14+s12], $0x80, $0x38;
	[tilespmem:$0x8800] =	vst v63  }
0xaf: {  	(v2sf) =	vpush v1, $0xC;
	s4 =	sadd.s32 s29, s23;
	s6 =	sand.u32 $0x1FFFFFF0, s24;
	s7 =	spop (v2sf)  }
0xb0: {  	[tilespmem:s25], [sflag:$0x1] =	stream.linear.gather [hbm4b:s20+s12], $0x80, $0x38;
	[tilespmem:$0x8800] =	vst v63  }
0xb1: {  	s19 =	rddreg [dreg:$0x7];
	s14 =	sadd.s32 s13, s6;
	s17 =	sand.u32 $0x1FFFFFF0, s7  }
0xb2: {  	[tilespmem:s9], [sflag:$0x1] =	stream.linear.gather [hbm4b:s4+s12], $0x80, $0x38;
	[tilespmem:$0x8800] =	vst v63  }
0xb3: {  	s7 =	rddreg [dreg:$0x8];
	s20 =	sadd.s32 s29, s17;
	s18 =	spop (v2sf)  }
0xb4: {  	[tilespmem:s19], [sflag:$0x1] =	stream.linear.gather [hbm4b:s14+s12], $0x80, $0x38;
	[tilespmem:$0x8800] =	vst v63  }
0xb5: {  	s25 =	rddreg [dreg:$0x9];
	s23 =	sand.u32 $0x1FFFFFF0, s18;
	s24 =	spop (v2sf)  }
0xb6: {  	[tilespmem:s25], [sflag:$0x1] =	stream.linear.gather [hbm4b:s20+s12], $0x80, $0x38;
	[tilespmem:$0x8800] =	vst v63  }
0xb7: {  	s3 =	sadd.s32 s13, s23;
	s4 =	sand.u32 $0x1FFFFFF0, s24;
	s6 =	spop (v2sf)  }
0xb8: {  	[tilespmem:s7], [sflag:$0x1] =	stream.linear.gather [hbm4b:s3+s12], $0x80, $0x38;
	[tilespmem:$0x8800] =	vst v63  }
0xb9: {  	s18 =	rddreg [dreg:$0x5];
	s9 =	sadd.s32 s29, s4;
	s14 =	sand.u32 $0x1FFFFFF0, s6  }
0xba: {  	(v2sf) =	vpush v2, $0xD;
	[tilespmem:s18], [sflag:$0x1] =	stream.linear.gather [hbm4b:s9+s12], $0x80, $0x38;
	[tilespmem:$0x8800] =	vst v63  }
.Ltmp0:
0xbb: {  	(v2sf) =	vpush v1, $0xD;
	s17 =	spop (v2sf);
	s19 =	sadd.s32 s13, s14;
	(pc) =	sbr.rel @p0 .LBB2_3-.Ltmp0, $4  }
0xbc: {  	(v2sf) =	vpush v2, $0xE;
	s20 =	sand.u32 $0x1FFFFFF0, s17;
	s23 =	spop (v2sf);
	s25 =	rddreg [dreg:$0x6]  }
0xbd: {  	(v2sf) =	vpush v1, $0xE;
	[tilespmem:s5], [sflag:$0x1] =	stream.linear.gather [hbm4b:s19+s12], $0x80, $0x38;
	[tilespmem:$0x8800] =	vst v63  }
0xbe: {  	(v2sf) =	vpush v2, $0xF;
	s24 =	sadd.s32 s29, s20;
	s0 =	sand.u32 $0x1FFFFFF0, s23;
	s1 =	spop (v2sf)  }
0xbf: {  	(v2sf) =	vpush v1, $0xF;
	[tilespmem:s25], [sflag:$0x1] =	stream.linear.gather [hbm4b:s24+s12], $0x80, $0x38;
	[tilespmem:$0x8800] =	vst v63  }
0xc0: {  	_ =	sdelay $0x4  }
0xc1: {  	s0 =	sadd.s32 s13, s0;
	s1 =	sand.u32 $0x1FFFFFF0, s1  }
0xc2: {  	[tilespmem:s31], [sflag:$0x1] =	stream.linear.gather [hbm4b:s0+s12], $0x80, $0x38;
	[tilespmem:$0x8800] =	vst v63  }
0xc3: {  	s5 =	sadd.s32 s29, s1  }
0xc4: {  	[tilespmem:s10], [sflag:$0x1] =	stream.linear.gather [hbm4b:s5+s12], $0x80, $0x38;
	[tilespmem:$0x8800] =	vst v63  }
0xc5: {  	s2 =	spop (v2sf)  }
0xc6: {  	s6 =	sand.u32 $0x1FFFFFF0, s2;
	s7 =	spop (v2sf)  }
0xc7: {  	s9 =	sadd.s32 s13, s6;
	s10 =	sand.u32 $0x1FFFFFF0, s7;
	s14 =	spop (v2sf)  }
0xc8: {  	[tilespmem:s16], [sflag:$0x1] =	stream.linear.gather [hbm4b:s9+s12], $0x80, $0x38;
	[tilespmem:$0x8800] =	vst v63  }
0xc9: {  	s17 =	sadd.s32 s29, s10;
	s18 =	sand.u32 $0x1FFFFFF0, s14;
	s19 =	spop (v2sf)  }
0xca: {  	[tilespmem:s8], [sflag:$0x1] =	stream.linear.gather [hbm4b:s17+s12], $0x80, $0x38;
	[tilespmem:$0x8800] =	vst v63  }
0xcb: {  	s20 =	sadd.s32 s13, s18;
	s22 =	sand.u32 $0x1FFFFFF0, s19;
	s23 =	spop (v2sf)  }
0xcc: {  	[tilespmem:s30], [sflag:$0x1] =	stream.linear.gather [hbm4b:s20+s12], $0x80, $0x38;
	[tilespmem:$0x8800] =	vst v63  }
0xcd: {  	s24 =	sadd.s32 s29, s22;
	s25 =	sand.u32 $0x1FFFFFF0, s23;
	s26 =	spop (v2sf)  }
0xce: {  	[tilespmem:s15], [sflag:$0x1] =	stream.linear.gather [hbm4b:s24+s12], $0x80, $0x38;
	[tilespmem:$0x8800] =	vst v63  }
0xcf: {  	s28 =	sadd.s32 $0xB80, s21;
	s1 =	sadd.s32 s13, s25;
	s2 =	sand.u32 $0x1FFFFFF0, s26  }
0xd0: {  	[tilespmem:s28], [sflag:$0x1] =	stream.linear.gather [hbm4b:s1+s12], $0x80, $0x38;
	[tilespmem:$0x8800] =	vst v63  }
0xd1: {  	s30 =	sadd.s32 $0x4B80, s21;
	s31 =	sadd.s32 s29, s2  }
0xd2: {  	[tilespmem:s30], [sflag:$0x1] =	stream.linear.gather [hbm4b:s31+s12], $0x80, $0x38;
	[tilespmem:$0x8800] =	vst v63  }
0xd3: {  	_ =	swait.ge [sflag:s11], $0x80  }
0xd4: {  	[sflag:s11] =	ssyncset.done $0x0  }
0xd5: {  	[sflag:s11] =	ssyncadd.s32 $0xFFFFFF80  }
0xd6: {  	_ =	swait.ge [sflag:s11], $0x80  }
0xd7: {  	[sflag:s11] =	ssyncset.done $0x0  }
0xd8: {  	[sflag:s11] =	ssyncadd.s32 $0xFFFFFF80  }
0xd9: {  	_ =	swait.ge [sflag:s11], $0x80  }
0xda: {  	[sflag:s11] =	ssyncset.done $0x0  }
0xdb: {  	[sflag:s11] =	ssyncadd.s32 $0xFFFFFF80  }
0xdc: {  	_ =	swait.ge [sflag:s11], $0x80  }
0xdd: {  	[sflag:s11] =	ssyncset.done $0x0  }
0xde: {  	[sflag:s11] =	ssyncadd.s32 $0xFFFFFF80  }
0xdf: {  	_ =	swait.ge [sflag:s11], $0x80  }
0xe0: {  	[sflag:s11] =	ssyncset.done $0x0  }
0xe1: {  	[sflag:s11] =	ssyncadd.s32 $0xFFFFFF80  }
0xe2: {  	_ =	swait.ge [sflag:s11], $0x80  }
0xe3: {  	[sflag:s11] =	ssyncset.done $0x0  }
0xe4: {  	[sflag:s11] =	ssyncadd.s32 $0xFFFFFF80  }
0xe5: {  	_ =	swait.ge [sflag:s11], $0x80  }
0xe6: {  	[sflag:s11] =	ssyncset.done $0x0  }
0xe7: {  	[sflag:s11] =	ssyncadd.s32 $0xFFFFFF80  }
0xe8: {  	_ =	swait.ge [sflag:s11], $0x80  }
0xe9: {  	[sflag:s11] =	ssyncset.done $0x0  }
0xea: {  	[sflag:s11] =	ssyncadd.s32 $0xFFFFFF80  }
0xeb: {  	_ =	swait.ge [sflag:s11], $0x80  }
0xec: {  	[sflag:s11] =	ssyncset.done $0x0  }
0xed: {  	[sflag:s11] =	ssyncadd.s32 $0xFFFFFF80  }
0xee: {  	_ =	swait.ge [sflag:s11], $0x80  }
0xef: {  	[sflag:s11] =	ssyncset.done $0x0  }
0xf0: {  	[sflag:s11] =	ssyncadd.s32 $0xFFFFFF80  }
0xf1: {  	_ =	swait.ge [sflag:s11], $0x80  }
0xf2: {  	[sflag:s11] =	ssyncset.done $0x0  }
0xf3: {  	[sflag:s11] =	ssyncadd.s32 $0xFFFFFF80  }
0xf4: {  	_ =	swait.ge [sflag:s11], $0x80  }
0xf5: {  	[sflag:s11] =	ssyncset.done $0x0  }
0xf6: {  	[sflag:s11] =	ssyncadd.s32 $0xFFFFFF80  }
0xf7: {  	_ =	swait.ge [sflag:s11], $0x80  }
0xf8: {  	[sflag:s11] =	ssyncset.done $0x0  }
0xf9: {  	[sflag:s11] =	ssyncadd.s32 $0xFFFFFF80  }
0xfa: {  	_ =	swait.ge [sflag:s11], $0x80  }
0xfb: {  	[sflag:s11] =	ssyncset.done $0x0  }
0xfc: {  	[sflag:s11] =	ssyncadd.s32 $0xFFFFFF80  }
0xfd: {  	_ =	swait.ge [sflag:s11], $0x80  }
0xfe: {  	[sflag:s11] =	ssyncset.done $0x0  }
0xff: {  	[sflag:s11] =	ssyncadd.s32 $0xFFFFFF80  }
0x100: {  	_ =	swait.ge [sflag:s11], $0x80  }
0x101: {  	[sflag:s11] =	ssyncset.done $0x0  }
0x102: {  	[sflag:s11] =	ssyncadd.s32 $0xFFFFFF80  }
0x103: {  	_ =	swait.ge [sflag:s11], $0x80  }
0x104: {  	[sflag:s11] =	ssyncset.done $0x0  }
0x105: {  	[sflag:s11] =	ssyncadd.s32 $0xFFFFFF80  }
0x106: {  	_ =	swait.ge [sflag:s11], $0x80  }
0x107: {  	[sflag:s11] =	ssyncset.done $0x0  }
0x108: {  	[sflag:s11] =	ssyncadd.s32 $0xFFFFFF80  }
0x109: {  	_ =	swait.ge [sflag:s11], $0x80  }
0x10a: {  	[sflag:s11] =	ssyncset.done $0x0  }
0x10b: {  	[sflag:s11] =	ssyncadd.s32 $0xFFFFFF80  }
0x10c: {  	_ =	swait.ge [sflag:s11], $0x80  }
0x10d: {  	[sflag:s11] =	ssyncset.done $0x0  }
0x10e: {  	[sflag:s11] =	ssyncadd.s32 $0xFFFFFF80  }
0x10f: {  	_ =	swait.ge [sflag:s11], $0x80  }
0x110: {  	[sflag:s11] =	ssyncset.done $0x0  }
0x111: {  	[sflag:s11] =	ssyncadd.s32 $0xFFFFFF80  }
0x112: {  	_ =	swait.ge [sflag:s11], $0x80  }
0x113: {  	[sflag:s11] =	ssyncset.done $0x0  }
0x114: {  	[sflag:s11] =	ssyncadd.s32 $0xFFFFFF80  }
0x115: {  	_ =	swait.ge [sflag:s11], $0x80  }
0x116: {  	[sflag:s11] =	ssyncset.done $0x0  }
0x117: {  	[sflag:s11] =	ssyncadd.s32 $0xFFFFFF80  }
0x118: {  	_ =	swait.ge [sflag:s11], $0x80  }
0x119: {  	[sflag:s11] =	ssyncset.done $0x0  }
0x11a: {  	[sflag:s11] =	ssyncadd.s32 $0xFFFFFF80  }
0x11b: {  	_ =	swait.ge [sflag:s11], $0x80  }
0x11c: {  	[sflag:s11] =	ssyncset.done $0x0  }
0x11d: {  	[sflag:s11] =	ssyncadd.s32 $0xFFFFFF80  }
0x11e: {  	_ =	swait.ge [sflag:s11], $0x80  }
0x11f: {  	[sflag:s11] =	ssyncset.done $0x0  }
0x120: {  	[sflag:s11] =	ssyncadd.s32 $0xFFFFFF80  }
0x121: {  	_ =	swait.ge [sflag:s11], $0x80  }
0x122: {  	[sflag:s11] =	ssyncset.done $0x0  }
0x123: {  	[sflag:s11] =	ssyncadd.s32 $0xFFFFFF80  }
0x124: {  	_ =	swait.ge [sflag:s11], $0x80  }
0x125: {  	[sflag:s11] =	ssyncset.done $0x0  }
0x126: {  	[sflag:s11] =	ssyncadd.s32 $0xFFFFFF80  }
0x127: {  	_ =	swait.ge [sflag:s11], $0x80  }
0x128: {  	[sflag:s11] =	ssyncset.done $0x0  }
0x129: {  	[sflag:s11] =	ssyncadd.s32 $0xFFFFFF80  }
0x12a: {  	_ =	swait.ge [sflag:s11], $0x80  }
0x12b: {  	[sflag:s11] =	ssyncset.done $0x0  }
0x12c: {  	[sflag:s11] =	ssyncadd.s32 $0xFFFFFF80  }
0x12d: {  	_ =	swait.ge [sflag:s11], $0x80  }
0x12e: {  	[sflag:s11] =	ssyncset.done $0x0  }
0x12f: {  	[sflag:s11] =	ssyncadd.s32 $0xFFFFFF80  }
0x130: {  	_ =	swait.ge [sflag:s11], $0x80  }
0x131: {  	s3 =	rddreg [dreg:$0x16]  }
0x132: {  	s0 =	simm.s32 $0x7;
	[sflag:s11] =	ssyncset.done $0x0;
	s4 =	rddreg [dreg:$0x17]  }
.LBB2_5:
0x133: {  	p0 =	sne.s32 s0, $0x1;
	s0 =	sadd.s32 $0xFFFFFFFF, s0;
	[sflag:s11] =	ssyncadd.s32 $0xFFFFFF80  }
0x134: {  	_ =	swait.ge [sflag:s11], $0x80  }
0x135: {  	[sflag:s11] =	ssyncset.done $0x0  }
0x136: {  	[sflag:s11] =	ssyncadd.s32 $0xFFFFFF80  }
0x137: {  	_ =	swait.ge [sflag:s11], $0x80  }
0x138: {  	[sflag:s11] =	ssyncset.done $0x0  }
0x139: {  	[sflag:s11] =	ssyncadd.s32 $0xFFFFFF80  }
0x13a: {  	_ =	swait.ge [sflag:s11], $0x80  }
0x13b: {  	[sflag:s11] =	ssyncset.done $0x0  }
0x13c: {  	[sflag:s11] =	ssyncadd.s32 $0xFFFFFF80  }
0x13d: {  	_ =	swait.ge [sflag:s11], $0x80  }
0x13e: {  	[sflag:s11] =	ssyncset.done $0x0  }
0x13f: {  	[sflag:s11] =	ssyncadd.s32 $0xFFFFFF80  }
0x140: {  	_ =	swait.ge [sflag:s11], $0x80  }
0x141: {  	[sflag:s11] =	ssyncset.done $0x0  }
0x142: {  	[sflag:s11] =	ssyncadd.s32 $0xFFFFFF80  }
0x143: {  	_ =	swait.ge [sflag:s11], $0x80  }
0x144: {  	[sflag:s11] =	ssyncset.done $0x0  }
0x145: {  	[sflag:s11] =	ssyncadd.s32 $0xFFFFFF80  }
0x146: {  	_ =	swait.ge [sflag:s11], $0x80  }
0x147: {  	[sflag:s11] =	ssyncset.done $0x0  }
0x148: {  	[sflag:s11] =	ssyncadd.s32 $0xFFFFFF80  }
0x149: {  	_ =	swait.ge [sflag:s11], $0x80  }
0x14a: {  	[sflag:s11] =	ssyncset.done $0x0  }
0x14b: {  	[sflag:s11] =	ssyncadd.s32 $0xFFFFFF80  }
0x14c: {  	_ =	swait.ge [sflag:s11], $0x80  }
0x14d: {  	[sflag:s11] =	ssyncset.done $0x0  }
0x14e: {  	[sflag:s11] =	ssyncadd.s32 $0xFFFFFF80  }
0x14f: {  	_ =	swait.ge [sflag:s11], $0x80  }
0x150: {  	[sflag:s11] =	ssyncset.done $0x0  }
0x151: {  	[sflag:s11] =	ssyncadd.s32 $0xFFFFFF80  }
0x152: {  	_ =	swait.ge [sflag:s11], $0x80  }
0x153: {  	[sflag:s11] =	ssyncset.done $0x0  }
0x154: {  	[sflag:s11] =	ssyncadd.s32 $0xFFFFFF80  }
0x155: {  	_ =	swait.ge [sflag:s11], $0x80  }
0x156: {  	[sflag:s11] =	ssyncset.done $0x0  }
0x157: {  	[sflag:s11] =	ssyncadd.s32 $0xFFFFFF80  }
0x158: {  	_ =	swait.ge [sflag:s11], $0x80  }
0x159: {  	[sflag:s11] =	ssyncset.done $0x0  }
0x15a: {  	[sflag:s11] =	ssyncadd.s32 $0xFFFFFF80  }
0x15b: {  	_ =	swait.ge [sflag:s11], $0x80  }
0x15c: {  	[sflag:s11] =	ssyncset.done $0x0  }
0x15d: {  	[sflag:s11] =	ssyncadd.s32 $0xFFFFFF80  }
0x15e: {  	_ =	swait.ge [sflag:s11], $0x80  }
0x15f: {  	[sflag:s11] =	ssyncset.done $0x0  }
0x160: {  	[sflag:s11] =	ssyncadd.s32 $0xFFFFFF80  }
0x161: {  	_ =	swait.ge [sflag:s11], $0x80  }
0x162: {  	[sflag:s11] =	ssyncset.done $0x0  }
0x163: {  	[sflag:s11] =	ssyncadd.s32 $0xFFFFFF80  }
0x164: {  	_ =	swait.ge [sflag:s11], $0x80  }
0x165: {  	[sflag:s11] =	ssyncset.done $0x0  }
0x166: {  	[sflag:s11] =	ssyncadd.s32 $0xFFFFFF80  }
0x167: {  	_ =	swait.ge [sflag:s11], $0x80  }
0x168: {  	[sflag:s11] =	ssyncset.done $0x0  }
0x169: {  	[sflag:s11] =	ssyncadd.s32 $0xFFFFFF80  }
0x16a: {  	_ =	swait.ge [sflag:s11], $0x80  }
0x16b: {  	[sflag:s11] =	ssyncset.done $0x0  }
0x16c: {  	[sflag:s11] =	ssyncadd.s32 $0xFFFFFF80  }
0x16d: {  	_ =	swait.ge [sflag:s11], $0x80  }
0x16e: {  	[sflag:s11] =	ssyncset.done $0x0  }
0x16f: {  	[sflag:s11] =	ssyncadd.s32 $0xFFFFFF80  }
0x170: {  	_ =	swait.ge [sflag:s11], $0x80  }
0x171: {  	[sflag:s11] =	ssyncset.done $0x0  }
0x172: {  	[sflag:s11] =	ssyncadd.s32 $0xFFFFFF80  }
0x173: {  	_ =	swait.ge [sflag:s11], $0x80  }
0x174: {  	[sflag:s11] =	ssyncset.done $0x0  }
0x175: {  	[sflag:s11] =	ssyncadd.s32 $0xFFFFFF80  }
0x176: {  	_ =	swait.ge [sflag:s11], $0x80  }
0x177: {  	[sflag:s11] =	ssyncset.done $0x0  }
0x178: {  	[sflag:s11] =	ssyncadd.s32 $0xFFFFFF80  }
0x179: {  	_ =	swait.ge [sflag:s11], $0x80  }
0x17a: {  	[sflag:s11] =	ssyncset.done $0x0  }
0x17b: {  	[sflag:s11] =	ssyncadd.s32 $0xFFFFFF80  }
0x17c: {  	_ =	swait.ge [sflag:s11], $0x80  }
0x17d: {  	[sflag:s11] =	ssyncset.done $0x0  }
0x17e: {  	[sflag:s11] =	ssyncadd.s32 $0xFFFFFF80  }
0x17f: {  	_ =	swait.ge [sflag:s11], $0x80  }
0x180: {  	[sflag:s11] =	ssyncset.done $0x0  }
0x181: {  	[sflag:s11] =	ssyncadd.s32 $0xFFFFFF80  }
0x182: {  	_ =	swait.ge [sflag:s11], $0x80  }
0x183: {  	[sflag:s11] =	ssyncset.done $0x0  }
0x184: {  	[sflag:s11] =	ssyncadd.s32 $0xFFFFFF80  }
0x185: {  	_ =	swait.ge [sflag:s11], $0x80  }
0x186: {  	[sflag:s11] =	ssyncset.done $0x0  }
0x187: {  	[sflag:s11] =	ssyncadd.s32 $0xFFFFFF80  }
0x188: {  	_ =	swait.ge [sflag:s11], $0x80  }
0x189: {  	[sflag:s11] =	ssyncset.done $0x0  }
0x18a: {  	[sflag:s11] =	ssyncadd.s32 $0xFFFFFF80  }
0x18b: {  	_ =	swait.ge [sflag:s11], $0x80  }
0x18c: {  	[sflag:s11] =	ssyncset.done $0x0  }
0x18d: {  	[sflag:s11] =	ssyncadd.s32 $0xFFFFFF80  }
.Ltmp1:
0x18e: {  	_ =	swait.ge [sflag:s11], $0x80;
	(pc) =	sbr.rel @p0 .LBB2_5-.Ltmp1, $4  }
0x18f: {  	[sflag:s11] =	ssyncset.done $0x0  }
0x190: {  	[sflag:s11] =	ssyncadd.s32 $0xFFFFFF80  }
0x191: {  	_ =	swait.ge [sflag:s11], $0x80  }
0x192: {  	[sflag:s11] =	ssyncset.done $0x0  }
0x193: {  	s0 =	simm.s32 $0x0  }
0x194: {  	v1 =	vmov s0  }
0x195: {  	v1 =	vshll.u32 v1, $0x7  }
0x196: {  	v1 =	vor.u32 v0, v1;
	_ =	sdelay $0x1  }
0x197: {  	v2 =	vor.u32 $0x1, v1;
	_ =	sdelay $0x1  }
0x198: {  	[sflag:s11] =	ssyncadd.s32 $0xFFFFFF80;
	s2 =	simm.s32 $0x4400;
	v3 =	vor.u32 $0x2, v1  }
0x199: {  	s1 =	simm.s32 $0x400;
	v6 =	vld.idx.msk [tilespmem:v1+s2+$0x0], $0xffff  }
0x19a: {  	v5 =	vor.u32 $0x3, v1;
	v7 =	vld.idx.msk [tilespmem:v1+s1+$0x0], $0xffff  }
0x19b: {  	v4 =	vld.idx.msk [tilespmem:v2+s2+$0x0], $0xffff  }
0x19c: {  	v8 =	vor.u32 $0x4, v1;
	v2 =	vld.idx.msk [tilespmem:v2+s1+$0x0], $0xffff  }
0x19d: {  	v9 =	vld.idx.msk [tilespmem:v3+s2+$0x0], $0xffff  }
0x19e: {  	v10 =	vor.u32 $0x5, v1;
	v3 =	vld.idx.msk [tilespmem:v3+s1+$0x0], $0xffff  }
0x19f: {  	v11 =	vld.idx.msk [tilespmem:v5+s2+$0x0], $0xffff  }
0x1a0: {  	v12 =	vor.u32 $0x6, v1;
	v5 =	vld.idx.msk [tilespmem:v5+s1+$0x0], $0xffff;
	v16 =	vmul.f32 v7, v7;
	v17 =	vmul.f32 v6, v6  }
0x1a1: {  	v15 =	vld.idx.msk [tilespmem:v8+s2+$0x0], $0xffff;
	v13 =	vmul.f32 v2, v2;
	v14 =	vmul.f32 v4, v4  }
0x1a2: {  	v18 =	vor.u32 $0x7, v1;
	v8 =	vld.idx.msk [tilespmem:v8+s1+$0x0], $0xffff;
	v19 =	vmul.f32 v9, v9  }
0x1a3: {  	v20 =	vld.idx.msk [tilespmem:v10+s2+$0x0], $0xffff;
	v44 =	vmul.f32 v3, v3;
	v13 =	vadd.f32 v13, v16;
	v14 =	vadd.f32 v14, v17  }
0x1a4: {  	v45 =	vor.u32 $0x8, v1;
	v10 =	vld.idx.msk [tilespmem:v10+s1+$0x0], $0xffff;
	v21 =	vmul.f32 v11, v11  }
0x1a5: {  	v22 =	vld.idx.msk [tilespmem:v12+s2+$0x0], $0xffff;
	v46 =	vmul.f32 v5, v5;
	v13 =	vadd.f32 v44, v13;
	v14 =	vadd.f32 v19, v14  }
0x1a6: {  	v47 =	vor.u32 $0x9, v1;
	v12 =	vld.idx.msk [tilespmem:v12+s1+$0x0], $0xffff;
	v23 =	vmul.f32 v15, v15  }
0x1a7: {  	v24 =	vld.idx.msk [tilespmem:v18+s2+$0x0], $0xffff;
	v48 =	vmul.f32 v8, v8;
	v13 =	vadd.f32 v46, v13;
	v14 =	vadd.f32 v21, v14  }
0x1a8: {  	v49 =	vor.u32 $0xA, v1;
	v18 =	vld.idx.msk [tilespmem:v18+s1+$0x0], $0xffff;
	v25 =	vmul.f32 v20, v20  }
0x1a9: {  	v26 =	vld.idx.msk [tilespmem:v45+s2+$0x0], $0xffff;
	v50 =	vmul.f32 v10, v10;
	v13 =	vadd.f32 v48, v13;
	v14 =	vadd.f32 v23, v14  }
0x1aa: {  	v51 =	vor.u32 $0xB, v1;
	v27 =	vmul.f32 v22, v22;
	v17 =	vld.idx.msk [tilespmem:v45+s1+$0x0], $0xffff  }
0x1ab: {  	v28 =	vld.idx.msk [tilespmem:v47+s2+$0x0], $0xffff;
	v52 =	vmul.f32 v12, v12;
	v13 =	vadd.f32 v50, v13;
	v14 =	vadd.f32 v25, v14  }
0x1ac: {  	v53 =	vor.u32 $0xC, v1;
	v29 =	vmul.f32 v24, v24;
	v19 =	vld.idx.msk [tilespmem:v47+s1+$0x0], $0xffff  }
0x1ad: {  	v30 =	vld.idx.msk [tilespmem:v49+s2+$0x0], $0xffff;
	v54 =	vmul.f32 v18, v18;
	v13 =	vadd.f32 v52, v13;
	v14 =	vadd.f32 v27, v14  }
0x1ae: {  	v55 =	vor.u32 $0xD, v1;
	v31 =	vmul.f32 v26, v26;
	v21 =	vld.idx.msk [tilespmem:v49+s1+$0x0], $0xffff  }
0x1af: {  	v32 =	vld.idx.msk [tilespmem:v51+s2+$0x0], $0xffff;
	v56 =	vmul.f32 v17, v17;
	v13 =	vadd.f32 v54, v13;
	v14 =	vadd.f32 v29, v14  }
0x1b0: {  	v57 =	vor.u32 $0xE, v1;
	v33 =	vmul.f32 v28, v28;
	v23 =	vld.idx.msk [tilespmem:v51+s1+$0x0], $0xffff  }
0x1b1: {  	v34 =	vld.idx.msk [tilespmem:v53+s2+$0x0], $0xffff;
	v58 =	vmul.f32 v19, v19;
	v13 =	vadd.f32 v56, v13;
	v14 =	vadd.f32 v31, v14  }
0x1b2: {  	v1 =	vor.u32 $0xF, v1;
	v59 =	vmul.f32 v30, v30;
	v25 =	vld.idx.msk [tilespmem:v53+s1+$0x0], $0xffff  }
0x1b3: {  	v35 =	vld.idx.msk [tilespmem:v55+s2+$0x0], $0xffff;
	v60 =	vmul.f32 v21, v21;
	v13 =	vadd.f32 v58, v13;
	v14 =	vadd.f32 v33, v14  }
0x1b4: {  	v61 =	vmul.f32 v32, v32;
	v27 =	vld.idx.msk [tilespmem:v55+s1+$0x0], $0xffff  }
0x1b5: {  	v36 =	vld.idx.msk [tilespmem:v57+s2+$0x0], $0xffff;
	v62 =	vmul.f32 v23, v23;
	v13 =	vadd.f32 v60, v13;
	v14 =	vadd.f32 v59, v14  }
0x1b6: {  	v63 =	vmul.f32 v34, v34;
	v29 =	vld.idx.msk [tilespmem:v57+s1+$0x0], $0xffff  }
0x1b7: {  	v37 =	vld.idx.msk [tilespmem:v1+s2+$0x0], $0xffff;
	v38 =	vmul.f32 v25, v25;
	v13 =	vadd.f32 v62, v13;
	v14 =	vadd.f32 v61, v14  }
0x1b8: {  	v1 =	vld.idx.msk [tilespmem:v1+s1+$0x0], $0xffff;
	v39 =	vmul.f32 v35, v35  }
0x1b9: {  	v40 =	vmul.f32 v27, v27;
	v13 =	vadd.f32 v38, v13;
	v14 =	vadd.f32 v63, v14  }
0x1ba: {  	v41 =	vmul.f32 v36, v36  }
0x1bb: {  	v42 =	vmul.f32 v29, v29;
	v13 =	vadd.f32 v40, v13;
	v14 =	vadd.f32 v39, v14  }
0x1bc: {  	v6 =	vmul.f32 v6, v7;
	v7 =	vmul.f32 v37, v37  }
0x1bd: {  	v43 =	vmul.f32 v1, v1;
	v13 =	vadd.f32 v42, v13;
	v14 =	vadd.f32 v41, v14  }
0x1be: {  	v2 =	vmul.f32 v4, v2;
	v6 =	vadd.f32 $0.0e+00, v6  }
0x1bf: {  	v4 =	vadd.f32 v43, v13;
	v7 =	vadd.f32 v7, v14  }
0x1c0: {  	v3 =	vmul.f32 v9, v3;
	v2 =	vadd.f32 v2, v6  }
0x1c1: {  	v4 =	vmax.f32 v4, $1.000000020e-16;
	v6 =	vmax.f32 v7, $1.000000020e-16  }
0x1c2: {  	v2 =	vadd.f32 v3, v2;
	v3 =	vmul.f32 v11, v5;
	v4 =	vmul.f32 v6, v4  }
0x1c3: {  	v5 =	vmul.f32 v15, v8  }
0x1c4: {  	v2 =	vadd.f32 v3, v2;
	v3 =	vshrl.u32 v4, $0x1;
	v4 =	vmul.f32 $5.000000000e-01, v4  }
0x1c5: {  	v3 =	vsub.s32 $0x5F3759DF, v3  }
0x1c6: {  	v2 =	vadd.f32 v5, v2;
	v5 =	vmul.f32 v20, v10;
	v6 =	vmul.f32 v3, v4;
	_ =	sdelay $0x1  }
0x1c7: {  	v2 =	vadd.f32 v5, v2;
	v5 =	vmul.f32 v22, v12;
	v6 =	vmul.f32 v3, v6;
	_ =	sdelay $0x1  }
0x1c8: {  	v2 =	vadd.f32 v5, v2;
	v5 =	vmul.f32 v24, v18;
	v6 =	vsub.f32 $1.500000000e+00, v6;
	_ =	sdelay $0x1  }
0x1c9: {  	v2 =	vadd.f32 v5, v2;
	v5 =	vmul.f32 v26, v17;
	v3 =	vmul.f32 v3, v6;
	_ =	sdelay $0x1  }
0x1ca: {  	v2 =	vadd.f32 v5, v2;
	v5 =	vmul.f32 v28, v19;
	v6 =	vmul.f32 v3, v4;
	_ =	sdelay $0x1  }
0x1cb: {  	v2 =	vadd.f32 v5, v2;
	v5 =	vmul.f32 v30, v21;
	v6 =	vmul.f32 v6, v3;
	_ =	sdelay $0x1  }
0x1cc: {  	v2 =	vadd.f32 v5, v2;
	v5 =	vmul.f32 v32, v23;
	v6 =	vsub.f32 $1.500000000e+00, v6;
	_ =	sdelay $0x1  }
0x1cd: {  	v2 =	vadd.f32 v5, v2;
	v5 =	vmul.f32 v34, v25;
	v3 =	vmul.f32 v6, v3;
	_ =	sdelay $0x1  }
0x1ce: {  	v2 =	vadd.f32 v5, v2;
	v5 =	vmul.f32 v35, v27;
	v4 =	vmul.f32 v3, v4;
	_ =	sdelay $0x1  }
0x1cf: {  	v2 =	vadd.f32 v5, v2;
	v5 =	vmul.f32 v36, v29;
	v4 =	vmul.f32 v4, v3;
	_ =	sdelay $0x1  }
0x1d0: {  	v1 =	vmul.f32 v37, v1;
	v2 =	vadd.f32 v5, v2;
	v4 =	vsub.f32 $1.500000000e+00, v4  }
0x1d1: {  	v5 =	vld [tilespmem:s3+$0x0]  }
0x1d2: {  	s30 =	simm.s32 $0x10;
	v1 =	vadd.f32 v1, v2;
	v2 =	vmul.f32 v4, v3  }
0x1d3: {  	v3 =	vmov s30  }
0x1d4: {  	v3 =	vshll.u32 v3, $0x7;
	v1 =	vmul.f32 v2, v1  }
0x1d5: {  	v2 =	vor.u32 v0, v3  }
0x1d6: {  	v4 =	vmul.f32 $5.000000000e-01, v5;
	v3 =	vor.u32 $0x1, v2;
	v1 =	vmul.f32 $5.000000000e-01, v1;
	_ =	sdelay $0x1  }
0x1d7: {  	v1 =	vadd.f32 v1, v4;
	_ =	sdelay $0x1  }
0x1d8: {  	v4 =	vor.u32 $0x2, v2;
	[tilespmem:s4+$0x0] =	vst v1  }
0x1d9: {  	v1 =	vld.idx.msk [tilespmem:v3+s2+$0x0], $0xffff  }
0x1da: {  	v5 =	vor.u32 $0x3, v2;
	v3 =	vld.idx.msk [tilespmem:v3+s1+$0x0], $0xffff  }
0x1db: {  	v6 =	vld.idx.msk [tilespmem:v2+s2+$0x0], $0xffff  }
0x1dc: {  	v44 =	vor.u32 $0x4, v2;
	v7 =	vld.idx.msk [tilespmem:v2+s1+$0x0], $0xffff  }
0x1dd: {  	v9 =	vld.idx.msk [tilespmem:v4+s2+$0x0], $0xffff  }
0x1de: {  	v45 =	vor.u32 $0x5, v2;
	v4 =	vld.idx.msk [tilespmem:v4+s1+$0x0], $0xffff  }
0x1df: {  	v11 =	vld.idx.msk [tilespmem:v5+s2+$0x0], $0xffff  }
0x1e0: {  	v46 =	vor.u32 $0x6, v2;
	v5 =	vld.idx.msk [tilespmem:v5+s1+$0x0], $0xffff;
	v47 =	vmul.f32 v3, v3;
	v48 =	vmul.f32 v1, v1  }
0x1e1: {  	v15 =	vld.idx.msk [tilespmem:v44+s2+$0x0], $0xffff;
	v49 =	vmul.f32 v7, v7;
	v50 =	vmul.f32 v6, v6  }
0x1e2: {  	v51 =	vor.u32 $0x7, v2;
	v8 =	vld.idx.msk [tilespmem:v44+s1+$0x0], $0xffff;
	v52 =	vmul.f32 v9, v9  }
0x1e3: {  	v20 =	vld.idx.msk [tilespmem:v45+s2+$0x0], $0xffff;
	v13 =	vadd.f32 v47, v49;
	v14 =	vadd.f32 v48, v50;
	v53 =	vmul.f32 v4, v4  }
0x1e4: {  	v54 =	vor.u32 $0x8, v2;
	v10 =	vld.idx.msk [tilespmem:v45+s1+$0x0], $0xffff;
	v55 =	vmul.f32 v11, v11  }
0x1e5: {  	v22 =	vld.idx.msk [tilespmem:v46+s2+$0x0], $0xffff;
	v56 =	vmul.f32 v5, v5;
	v13 =	vadd.f32 v53, v13;
	v14 =	vadd.f32 v52, v14  }
0x1e6: {  	v57 =	vor.u32 $0x9, v2;
	v12 =	vld.idx.msk [tilespmem:v46+s1+$0x0], $0xffff;
	v58 =	vmul.f32 v15, v15  }
0x1e7: {  	v24 =	vld.idx.msk [tilespmem:v51+s2+$0x0], $0xffff;
	v59 =	vmul.f32 v8, v8;
	v13 =	vadd.f32 v56, v13;
	v14 =	vadd.f32 v55, v14  }
0x1e8: {  	v60 =	vor.u32 $0xA, v2;
	v18 =	vld.idx.msk [tilespmem:v51+s1+$0x0], $0xffff;
	v61 =	vmul.f32 v20, v20  }
0x1e9: {  	v26 =	vld.idx.msk [tilespmem:v54+s2+$0x0], $0xffff;
	v62 =	vmul.f32 v10, v10;
	v13 =	vadd.f32 v59, v13;
	v14 =	vadd.f32 v58, v14  }
0x1ea: {  	v63 =	vor.u32 $0xB, v2;
	v17 =	vld.idx.msk [tilespmem:v54+s1+$0x0], $0xffff;
	v36 =	vmul.f32 v22, v22  }
0x1eb: {  	v28 =	vld.idx.msk [tilespmem:v57+s2+$0x0], $0xffff;
	v37 =	vmul.f32 v12, v12;
	v13 =	vadd.f32 v62, v13;
	v14 =	vadd.f32 v61, v14  }
0x1ec: {  	v38 =	vor.u32 $0xC, v2;
	v19 =	vld.idx.msk [tilespmem:v57+s1+$0x0], $0xffff;
	v39 =	vmul.f32 v24, v24  }
0x1ed: {  	v40 =	vld.idx.msk [tilespmem:v60+s2+$0x0], $0xffff;
	v41 =	vmul.f32 v18, v18;
	v13 =	vadd.f32 v37, v13;
	v14 =	vadd.f32 v36, v14  }
0x1ee: {  	v42 =	vor.u32 $0xD, v2;
	v21 =	vld.idx.msk [tilespmem:v60+s1+$0x0], $0xffff;
	v43 =	vmul.f32 v26, v26  }
0x1ef: {  	v44 =	vld.idx.msk [tilespmem:v63+s2+$0x0], $0xffff;
	v45 =	vmul.f32 v17, v17;
	v13 =	vadd.f32 v41, v13;
	v14 =	vadd.f32 v39, v14  }
0x1f0: {  	v46 =	vor.u32 $0xE, v2;
	v23 =	vld.idx.msk [tilespmem:v63+s1+$0x0], $0xffff;
	v47 =	vmul.f32 v28, v28  }
0x1f1: {  	v48 =	vld.idx.msk [tilespmem:v38+s2+$0x0], $0xffff;
	v49 =	vmul.f32 v19, v19;
	v13 =	vadd.f32 v45, v13;
	v14 =	vadd.f32 v43, v14  }
0x1f2: {  	v2 =	vor.u32 $0xF, v2;
	v25 =	vld.idx.msk [tilespmem:v38+s1+$0x0], $0xffff;
	v50 =	vmul.f32 v40, v40  }
0x1f3: {  	v27 =	vld.idx.msk [tilespmem:v42+s1+$0x0], $0xffff;
	v52 =	vmul.f32 v21, v21;
	v13 =	vadd.f32 v49, v13;
	v14 =	vadd.f32 v47, v14  }
0x1f4: {  	v51 =	vld.idx.msk [tilespmem:v42+s2+$0x0], $0xffff;
	v53 =	vmul.f32 v44, v44  }
0x1f5: {  	v54 =	vld.idx.msk [tilespmem:v46+s2+$0x0], $0xffff;
	v55 =	vmul.f32 v23, v23;
	v13 =	vadd.f32 v52, v13;
	v14 =	vadd.f32 v50, v14  }
0x1f6: {  	v29 =	vld.idx.msk [tilespmem:v46+s1+$0x0], $0xffff;
	v56 =	vmul.f32 v48, v48  }
0x1f7: {  	v57 =	vld.idx.msk [tilespmem:v2+s2+$0x0], $0xffff;
	v58 =	vmul.f32 v25, v25;
	v13 =	vadd.f32 v55, v13;
	v14 =	vadd.f32 v53, v14  }
0x1f8: {  	v2 =	vld.idx.msk [tilespmem:v2+s1+$0x0], $0xffff;
	v60 =	vmul.f32 v27, v27  }
0x1f9: {  	v59 =	vmul.f32 v51, v51;
	v13 =	vadd.f32 v58, v13;
	v14 =	vadd.f32 v56, v14  }
0x1fa: {  	v61 =	vmul.f32 v54, v54  }
0x1fb: {  	v62 =	vmul.f32 v29, v29;
	v13 =	vadd.f32 v60, v13;
	v14 =	vadd.f32 v59, v14  }
0x1fc: {  	v6 =	vmul.f32 v6, v7;
	v7 =	vmul.f32 v57, v57  }
0x1fd: {  	v63 =	vmul.f32 v2, v2;
	v13 =	vadd.f32 v62, v13;
	v14 =	vadd.f32 v61, v14  }
0x1fe: {  	v1 =	vmul.f32 v1, v3;
	v6 =	vadd.f32 $0.0e+00, v6  }
0x1ff: {  	v3 =	vadd.f32 v63, v13;
	v7 =	vadd.f32 v7, v14  }
0x200: {  	v4 =	vmul.f32 v9, v4;
	v1 =	vadd.f32 v1, v6  }
0x201: {  	v3 =	vmax.f32 v3, $1.000000020e-16;
	v6 =	vmax.f32 v7, $1.000000020e-16  }
0x202: {  	v1 =	vadd.f32 v4, v1;
	v4 =	vmul.f32 v11, v5;
	v3 =	vmul.f32 v6, v3  }
0x203: {  	v5 =	vmul.f32 v15, v8  }
0x204: {  	v1 =	vadd.f32 v4, v1;
	v4 =	vshrl.u32 v3, $0x1;
	v3 =	vmul.f32 $5.000000000e-01, v3  }
0x205: {  	v4 =	vsub.s32 $0x5F3759DF, v4  }
0x206: {  	v1 =	vadd.f32 v5, v1;
	v5 =	vmul.f32 v20, v10;
	v6 =	vmul.f32 v4, v3;
	_ =	sdelay $0x1  }
0x207: {  	v1 =	vadd.f32 v5, v1;
	v5 =	vmul.f32 v22, v12;
	v6 =	vmul.f32 v4, v6;
	_ =	sdelay $0x1  }
0x208: {  	v1 =	vadd.f32 v5, v1;
	v5 =	vmul.f32 v24, v18;
	v6 =	vsub.f32 $1.500000000e+00, v6;
	_ =	sdelay $0x1  }
0x209: {  	v1 =	vadd.f32 v5, v1;
	v5 =	vmul.f32 v26, v17;
	v4 =	vmul.f32 v4, v6;
	_ =	sdelay $0x1  }
0x20a: {  	v1 =	vadd.f32 v5, v1;
	v5 =	vmul.f32 v28, v19;
	v6 =	vmul.f32 v4, v3;
	_ =	sdelay $0x1  }
0x20b: {  	v1 =	vadd.f32 v5, v1;
	v5 =	vmul.f32 v40, v21;
	v6 =	vmul.f32 v6, v4;
	_ =	sdelay $0x1  }
0x20c: {  	v1 =	vadd.f32 v5, v1;
	v5 =	vmul.f32 v44, v23;
	v6 =	vsub.f32 $1.500000000e+00, v6;
	_ =	sdelay $0x1  }
0x20d: {  	v1 =	vadd.f32 v5, v1;
	v5 =	vmul.f32 v48, v25;
	v4 =	vmul.f32 v6, v4;
	_ =	sdelay $0x1  }
0x20e: {  	v1 =	vadd.f32 v5, v1;
	v5 =	vmul.f32 v51, v27;
	v3 =	vmul.f32 v4, v3;
	_ =	sdelay $0x1  }
0x20f: {  	v1 =	vadd.f32 v5, v1;
	v5 =	vmul.f32 v54, v29;
	v3 =	vmul.f32 v3, v4;
	_ =	sdelay $0x1  }
0x210: {  	s21 =	sadd.s32 $0x10, s3;
	v2 =	vmul.f32 v57, v2;
	v1 =	vadd.f32 v5, v1;
	v3 =	vsub.f32 $1.500000000e+00, v3  }
0x211: {  	v5 =	vld [tilespmem:s21+$0x0]  }
0x212: {  	s31 =	simm.s32 $0x20;
	v1 =	vadd.f32 v2, v1;
	v2 =	vmul.f32 v3, v4  }
0x213: {  	v3 =	vmov s31  }
0x214: {  	v3 =	vshll.u32 v3, $0x7;
	v2 =	vmul.f32 v2, v1  }
0x215: {  	s7 =	rddreg [dreg:$0x15];
	v1 =	vor.u32 v0, v3  }
0x216: {  	s22 =	simm.s32 $0x30;
	s23 =	smov.u32 s4;
	s15 =	rddreg [dreg:$0x18];
	v4 =	vmul.f32 $5.000000000e-01, v5;
	v3 =	vor.u32 $0x1, v1;
	v2 =	vmul.f32 $5.000000000e-01, v2  }
.LBB2_7:
0x217: {  	p0 =	sne.s32 s22, $0x70  }
0x218: {  	v2 =	vadd.f32 v2, v4  }
0x219: {  	s23 =	sadd.s32 $0x10, s23  }
0x21a: {  	v4 =	vor.u32 $0x2, v1;
	[tilespmem:s23+$0x0] =	vst v2  }
0x21b: {  	v2 =	vld.idx.msk [tilespmem:v3+s2+$0x0], $0xffff  }
0x21c: {  	v6 =	vor.u32 $0x3, v1;
	v3 =	vld.idx.msk [tilespmem:v3+s1+$0x0], $0xffff  }
0x21d: {  	v13 =	vld.idx.msk [tilespmem:v1+s2+$0x0], $0xffff  }
0x21e: {  	v8 =	vor.u32 $0x4, v1;
	v15 =	vld.idx.msk [tilespmem:v1+s1+$0x0], $0xffff  }
0x21f: {  	v5 =	vld.idx.msk [tilespmem:v4+s2+$0x0], $0xffff  }
0x220: {  	v10 =	vor.u32 $0x5, v1;
	v7 =	vld.idx.msk [tilespmem:v4+s1+$0x0], $0xffff  }
0x221: {  	v4 =	vld.idx.msk [tilespmem:v6+s2+$0x0], $0xffff  }
0x222: {  	v14 =	vor.u32 $0x6, v1;
	v6 =	vld.idx.msk [tilespmem:v6+s1+$0x0], $0xffff  }
0x223: {  	v16 =	vmul.f32 v2, v2;
	v12 =	vmul.f32 v3, v3;
	v9 =	vld.idx.msk [tilespmem:v8+s2+$0x0], $0xffff  }
0x224: {  	v19 =	vor.u32 $0x7, v1;
	v18 =	vmul.f32 v13, v13;
	v17 =	vmul.f32 v15, v15;
	v11 =	vld.idx.msk [tilespmem:v8+s1+$0x0], $0xffff  }
0x225: {  	v21 =	vor.u32 $0x8, v1;
	v20 =	vmul.f32 v5, v5;
	v8 =	vld.idx.msk [tilespmem:v10+s2+$0x0], $0xffff  }
0x226: {  	v16 =	vadd.f32 v16, v18;
	v17 =	vadd.f32 v12, v17;
	v18 =	vmul.f32 v7, v7;
	v12 =	vld.idx.msk [tilespmem:v10+s1+$0x0], $0xffff  }
0x227: {  	v23 =	vor.u32 $0x9, v1;
	v22 =	vmul.f32 v4, v4;
	v10 =	vld.idx.msk [tilespmem:v14+s2+$0x0], $0xffff  }
0x228: {  	v17 =	vadd.f32 v18, v17;
	v18 =	vadd.f32 v20, v16;
	v20 =	vmul.f32 v6, v6;
	v16 =	vld.idx.msk [tilespmem:v14+s1+$0x0], $0xffff  }
0x229: {  	v25 =	vor.u32 $0xA, v1;
	v24 =	vmul.f32 v9, v9;
	v14 =	vld.idx.msk [tilespmem:v19+s2+$0x0], $0xffff  }
0x22a: {  	v17 =	vadd.f32 v20, v17;
	v18 =	vadd.f32 v22, v18;
	v20 =	vmul.f32 v11, v11;
	v19 =	vld.idx.msk [tilespmem:v19+s1+$0x0], $0xffff  }
0x22b: {  	v27 =	vor.u32 $0xB, v1;
	v22 =	vmul.f32 v8, v8;
	v26 =	vld.idx.msk [tilespmem:v21+s2+$0x0], $0xffff  }
0x22c: {  	v17 =	vadd.f32 v20, v17;
	v18 =	vadd.f32 v24, v18;
	v20 =	vmul.f32 v12, v12;
	v21 =	vld.idx.msk [tilespmem:v21+s1+$0x0], $0xffff  }
0x22d: {  	v29 =	vor.u32 $0xC, v1;
	v24 =	vmul.f32 v10, v10;
	v28 =	vld.idx.msk [tilespmem:v23+s2+$0x0], $0xffff  }
0x22e: {  	v17 =	vadd.f32 v20, v17;
	v18 =	vadd.f32 v22, v18;
	v20 =	vmul.f32 v16, v16;
	v22 =	vld.idx.msk [tilespmem:v23+s1+$0x0], $0xffff  }
0x22f: {  	v31 =	vor.u32 $0xD, v1;
	v23 =	vmul.f32 v14, v14;
	v30 =	vld.idx.msk [tilespmem:v25+s2+$0x0], $0xffff  }
0x230: {  	v17 =	vadd.f32 v20, v17;
	v18 =	vadd.f32 v24, v18;
	v20 =	vmul.f32 v19, v19;
	v24 =	vld.idx.msk [tilespmem:v25+s1+$0x0], $0xffff  }
0x231: {  	v33 =	vor.u32 $0xE, v1;
	v25 =	vmul.f32 v26, v26;
	v32 =	vld.idx.msk [tilespmem:v27+s2+$0x0], $0xffff  }
0x232: {  	v17 =	vadd.f32 v20, v17;
	v18 =	vadd.f32 v23, v18;
	v20 =	vmul.f32 v21, v21;
	v23 =	vld.idx.msk [tilespmem:v27+s1+$0x0], $0xffff  }
0x233: {  	v1 =	vor.u32 $0xF, v1;
	v27 =	vmul.f32 v28, v28;
	v34 =	vld.idx.msk [tilespmem:v29+s2+$0x0], $0xffff  }
0x234: {  	v17 =	vadd.f32 v20, v17;
	v18 =	vadd.f32 v25, v18;
	v20 =	vmul.f32 v22, v22;
	v25 =	vld.idx.msk [tilespmem:v29+s1+$0x0], $0xffff  }
0x235: {  	v29 =	vmul.f32 v30, v30;
	v35 =	vld.idx.msk [tilespmem:v31+s2+$0x0], $0xffff  }
0x236: {  	v17 =	vadd.f32 v20, v17;
	v18 =	vadd.f32 v27, v18;
	v20 =	vmul.f32 v24, v24;
	v27 =	vld.idx.msk [tilespmem:v31+s1+$0x0], $0xffff  }
0x237: {  	v31 =	vmul.f32 v32, v32;
	v36 =	vld.idx.msk [tilespmem:v33+s2+$0x0], $0xffff  }
0x238: {  	v17 =	vadd.f32 v20, v17;
	v18 =	vadd.f32 v29, v18;
	v20 =	vmul.f32 v23, v23;
	v29 =	vld.idx.msk [tilespmem:v33+s1+$0x0], $0xffff  }
0x239: {  	v33 =	vmul.f32 v34, v34;
	v37 =	vld.idx.msk [tilespmem:v1+s2+$0x0], $0xffff  }
0x23a: {  	v17 =	vadd.f32 v20, v17;
	v18 =	vadd.f32 v31, v18;
	v20 =	vmul.f32 v25, v25;
	v1 =	vld.idx.msk [tilespmem:v1+s1+$0x0], $0xffff  }
0x23b: {  	v31 =	vmul.f32 v35, v35  }
0x23c: {  	v17 =	vadd.f32 v20, v17;
	v18 =	vadd.f32 v33, v18;
	v20 =	vmul.f32 v27, v27  }
0x23d: {  	v33 =	vmul.f32 v36, v36  }
0x23e: {  	v17 =	vadd.f32 v20, v17;
	v18 =	vadd.f32 v31, v18;
	v20 =	vmul.f32 v29, v29  }
0x23f: {  	v13 =	vmul.f32 v13, v15;
	v15 =	vmul.f32 v37, v37  }
0x240: {  	v17 =	vadd.f32 v20, v17;
	v18 =	vadd.f32 v33, v18;
	v20 =	vmul.f32 v1, v1  }
0x241: {  	v2 =	vmul.f32 v2, v3;
	v13 =	vadd.f32 $0.0e+00, v13  }
0x242: {  	v3 =	vadd.f32 v20, v17;
	v15 =	vadd.f32 v15, v18  }
0x243: {  	v5 =	vmul.f32 v5, v7;
	v2 =	vadd.f32 v2, v13  }
0x244: {  	v3 =	vmax.f32 v3, $1.000000020e-16;
	v7 =	vmax.f32 v15, $1.000000020e-16  }
0x245: {  	v4 =	vmul.f32 v4, v6;
	v2 =	vadd.f32 v5, v2;
	v3 =	vmul.f32 v7, v3  }
0x246: {  	v5 =	vmul.f32 v9, v11  }
0x247: {  	v2 =	vadd.f32 v4, v2;
	v4 =	vshrl.u32 v3, $0x1;
	v3 =	vmul.f32 $5.000000000e-01, v3  }
0x248: {  	v4 =	vsub.s32 $0x5F3759DF, v4  }
0x249: {  	v2 =	vadd.f32 v5, v2;
	v5 =	vmul.f32 v8, v12;
	v6 =	vmul.f32 v4, v3;
	_ =	sdelay $0x1  }
0x24a: {  	v2 =	vadd.f32 v5, v2;
	v5 =	vmul.f32 v10, v16;
	v6 =	vmul.f32 v4, v6;
	_ =	sdelay $0x1  }
0x24b: {  	v2 =	vadd.f32 v5, v2;
	v5 =	vmul.f32 v14, v19;
	v6 =	vsub.f32 $1.500000000e+00, v6;
	_ =	sdelay $0x1  }
0x24c: {  	v2 =	vadd.f32 v5, v2;
	v5 =	vmul.f32 v26, v21;
	v4 =	vmul.f32 v4, v6;
	_ =	sdelay $0x1  }
0x24d: {  	v2 =	vadd.f32 v5, v2;
	v5 =	vmul.f32 v28, v22;
	v6 =	vmul.f32 v4, v3;
	_ =	sdelay $0x1  }
0x24e: {  	v2 =	vadd.f32 v5, v2;
	v5 =	vmul.f32 v30, v24;
	v6 =	vmul.f32 v6, v4;
	_ =	sdelay $0x1  }
0x24f: {  	v2 =	vadd.f32 v5, v2;
	v5 =	vmul.f32 v32, v23;
	v6 =	vsub.f32 $1.500000000e+00, v6;
	_ =	sdelay $0x1  }
0x250: {  	v2 =	vadd.f32 v5, v2;
	v5 =	vmul.f32 v34, v25;
	v4 =	vmul.f32 v6, v4;
	_ =	sdelay $0x1  }
0x251: {  	v2 =	vadd.f32 v5, v2;
	v5 =	vmul.f32 v35, v27;
	v3 =	vmul.f32 v4, v3;
	_ =	sdelay $0x1  }
0x252: {  	v2 =	vadd.f32 v5, v2;
	v5 =	vmul.f32 v36, v29;
	v3 =	vmul.f32 v3, v4;
	_ =	sdelay $0x1  }
0x253: {  	s21 =	sadd.s32 $0x10, s21;
	v1 =	vmul.f32 v37, v1;
	v2 =	vadd.f32 v5, v2;
	v3 =	vsub.f32 $1.500000000e+00, v3  }
0x254: {  	v5 =	vld [tilespmem:s21+$0x0]  }
.Ltmp2:
0x255: {  	v1 =	vadd.f32 v1, v2;
	v2 =	vmul.f32 v3, v4;
	(pc) =	sbr.rel @p0 .LBB2_7-.Ltmp2, $4  }
0x256: {  	v3 =	vmov s22  }
0x257: {  	v3 =	vshll.u32 v3, $0x7;
	v2 =	vmul.f32 v2, v1  }
0x258: {  	v1 =	vor.u32 v0, v3  }
0x259: {  	s22 =	sadd.s32 $0x10, s22;
	v3 =	vor.u32 $0x1, v1;
	v2 =	vmul.f32 $5.000000000e-01, v2;
	v4 =	vmul.f32 $5.000000000e-01, v5  }
0x25a: {  	_ = 	snop  }
0x25b: {  	v2 =	vadd.f32 v2, v4  }
0x25c: {  	s0 =	sadd.s32 $0x10, s23  }
0x25d: {  	v44 =	vor.u32 $0x2, v1;
	[tilespmem:s0+$0x0] =	vst v2  }
0x25e: {  	v2 =	vld.idx.msk [tilespmem:v3+s2+$0x0], $0xffff  }
0x25f: {  	v5 =	vor.u32 $0x3, v1;
	v3 =	vld.idx.msk [tilespmem:v3+s1+$0x0], $0xffff  }
0x260: {  	v6 =	vld.idx.msk [tilespmem:v1+s2+$0x0], $0xffff  }
0x261: {  	v8 =	vor.u32 $0x4, v1;
	v7 =	vld.idx.msk [tilespmem:v1+s1+$0x0], $0xffff  }
0x262: {  	v9 =	vld.idx.msk [tilespmem:v44+s2+$0x0], $0xffff  }
0x263: {  	v10 =	vor.u32 $0x5, v1;
	v4 =	vld.idx.msk [tilespmem:v44+s1+$0x0], $0xffff  }
0x264: {  	v11 =	vld.idx.msk [tilespmem:v5+s2+$0x0], $0xffff  }
0x265: {  	v12 =	vor.u32 $0x6, v1;
	v5 =	vld.idx.msk [tilespmem:v5+s1+$0x0], $0xffff;
	v13 =	vmul.f32 v3, v3;
	v14 =	vmul.f32 v2, v2  }
0x266: {  	v15 =	vld.idx.msk [tilespmem:v8+s2+$0x0], $0xffff;
	v16 =	vmul.f32 v7, v7;
	v17 =	vmul.f32 v6, v6  }
0x267: {  	v18 =	vor.u32 $0x7, v1;
	v8 =	vld.idx.msk [tilespmem:v8+s1+$0x0], $0xffff;
	v19 =	vmul.f32 v9, v9  }
0x268: {  	v20 =	vld.idx.msk [tilespmem:v10+s2+$0x0], $0xffff;
	v45 =	vmul.f32 v4, v4;
	v13 =	vadd.f32 v13, v16;
	v14 =	vadd.f32 v14, v17  }
0x269: {  	v46 =	vor.u32 $0x8, v1;
	v10 =	vld.idx.msk [tilespmem:v10+s1+$0x0], $0xffff;
	v21 =	vmul.f32 v11, v11  }
0x26a: {  	v22 =	vld.idx.msk [tilespmem:v12+s2+$0x0], $0xffff;
	v47 =	vmul.f32 v5, v5;
	v13 =	vadd.f32 v45, v13;
	v14 =	vadd.f32 v19, v14  }
0x26b: {  	v48 =	vor.u32 $0x9, v1;
	v12 =	vld.idx.msk [tilespmem:v12+s1+$0x0], $0xffff;
	v23 =	vmul.f32 v15, v15  }
0x26c: {  	v24 =	vld.idx.msk [tilespmem:v18+s2+$0x0], $0xffff;
	v49 =	vmul.f32 v8, v8;
	v13 =	vadd.f32 v47, v13;
	v14 =	vadd.f32 v21, v14  }
0x26d: {  	v50 =	vor.u32 $0xA, v1;
	v18 =	vld.idx.msk [tilespmem:v18+s1+$0x0], $0xffff;
	v25 =	vmul.f32 v20, v20  }
0x26e: {  	v26 =	vld.idx.msk [tilespmem:v46+s2+$0x0], $0xffff;
	v51 =	vmul.f32 v10, v10;
	v13 =	vadd.f32 v49, v13;
	v14 =	vadd.f32 v23, v14  }
0x26f: {  	v52 =	vor.u32 $0xB, v1;
	v27 =	vmul.f32 v22, v22;
	v17 =	vld.idx.msk [tilespmem:v46+s1+$0x0], $0xffff  }
0x270: {  	v28 =	vld.idx.msk [tilespmem:v48+s2+$0x0], $0xffff;
	v53 =	vmul.f32 v12, v12;
	v13 =	vadd.f32 v51, v13;
	v14 =	vadd.f32 v25, v14  }
0x271: {  	v54 =	vor.u32 $0xC, v1;
	v29 =	vmul.f32 v24, v24;
	v19 =	vld.idx.msk [tilespmem:v48+s1+$0x0], $0xffff  }
0x272: {  	v30 =	vld.idx.msk [tilespmem:v50+s2+$0x0], $0xffff;
	v55 =	vmul.f32 v18, v18;
	v13 =	vadd.f32 v53, v13;
	v14 =	vadd.f32 v27, v14  }
0x273: {  	v56 =	vor.u32 $0xD, v1;
	v31 =	vmul.f32 v26, v26;
	v21 =	vld.idx.msk [tilespmem:v50+s1+$0x0], $0xffff  }
0x274: {  	v32 =	vld.idx.msk [tilespmem:v52+s2+$0x0], $0xffff;
	v57 =	vmul.f32 v17, v17;
	v13 =	vadd.f32 v55, v13;
	v14 =	vadd.f32 v29, v14  }
0x275: {  	v58 =	vor.u32 $0xE, v1;
	v33 =	vmul.f32 v28, v28;
	v23 =	vld.idx.msk [tilespmem:v52+s1+$0x0], $0xffff  }
0x276: {  	v34 =	vld.idx.msk [tilespmem:v54+s2+$0x0], $0xffff;
	v59 =	vmul.f32 v19, v19;
	v13 =	vadd.f32 v57, v13;
	v14 =	vadd.f32 v31, v14  }
0x277: {  	v1 =	vor.u32 $0xF, v1;
	v60 =	vmul.f32 v30, v30;
	v25 =	vld.idx.msk [tilespmem:v54+s1+$0x0], $0xffff  }
0x278: {  	v35 =	vld.idx.msk [tilespmem:v56+s2+$0x0], $0xffff;
	v61 =	vmul.f32 v21, v21;
	v13 =	vadd.f32 v59, v13;
	v14 =	vadd.f32 v33, v14  }
0x279: {  	v62 =	vmul.f32 v32, v32;
	v27 =	vld.idx.msk [tilespmem:v56+s1+$0x0], $0xffff  }
0x27a: {  	v36 =	vld.idx.msk [tilespmem:v58+s2+$0x0], $0xffff;
	v63 =	vmul.f32 v23, v23;
	v13 =	vadd.f32 v61, v13;
	v14 =	vadd.f32 v60, v14  }
0x27b: {  	v40 =	vmul.f32 v34, v34;
	v29 =	vld.idx.msk [tilespmem:v58+s1+$0x0], $0xffff  }
0x27c: {  	v37 =	vld.idx.msk [tilespmem:v1+s2+$0x0], $0xffff;
	v41 =	vmul.f32 v25, v25;
	v13 =	vadd.f32 v63, v13;
	v14 =	vadd.f32 v62, v14  }
0x27d: {  	v1 =	vld.idx.msk [tilespmem:v1+s1+$0x0], $0xffff;
	v42 =	vmul.f32 v35, v35  }
0x27e: {  	v43 =	vmul.f32 v27, v27;
	v13 =	vadd.f32 v41, v13;
	v14 =	vadd.f32 v40, v14  }
0x27f: {  	v44 =	vmul.f32 v36, v36  }
0x280: {  	v45 =	vmul.f32 v29, v29;
	v13 =	vadd.f32 v43, v13;
	v14 =	vadd.f32 v42, v14  }
0x281: {  	v6 =	vmul.f32 v6, v7;
	v46 =	vmul.f32 v37, v37  }
0x282: {  	v47 =	vmul.f32 v1, v1;
	v13 =	vadd.f32 v45, v13;
	v14 =	vadd.f32 v44, v14  }
0x283: {  	v2 =	vmul.f32 v2, v3;
	v6 =	vadd.f32 $0.0e+00, v6  }
0x284: {  	v3 =	vadd.f32 v47, v13;
	v7 =	vadd.f32 v46, v14  }
0x285: {  	v4 =	vmul.f32 v9, v4;
	v2 =	vadd.f32 v2, v6  }
0x286: {  	v3 =	vmax.f32 v3, $1.000000020e-16;
	v48 =	vmax.f32 v7, $1.000000020e-16  }
0x287: {  	v2 =	vadd.f32 v4, v2;
	v49 =	vmul.f32 v11, v5;
	v3 =	vmul.f32 v48, v3  }
0x288: {  	v50 =	vmul.f32 v15, v8  }
0x289: {  	v2 =	vadd.f32 v49, v2;
	v51 =	vshrl.u32 v3, $0x1;
	v3 =	vmul.f32 $5.000000000e-01, v3  }
0x28a: {  	v4 =	vsub.s32 $0x5F3759DF, v51  }
0x28b: {  	v52 =	vmul.f32 v20, v10;
	v2 =	vadd.f32 v50, v2;
	v53 =	vmul.f32 v4, v3;
	_ =	sdelay $0x1  }
0x28c: {  	v54 =	vmul.f32 v22, v12;
	v2 =	vadd.f32 v52, v2;
	v6 =	vmul.f32 v4, v53;
	_ =	sdelay $0x1  }
0x28d: {  	v55 =	vmul.f32 v24, v18;
	v2 =	vadd.f32 v54, v2;
	v6 =	vsub.f32 $1.500000000e+00, v6;
	_ =	sdelay $0x1  }
0x28e: {  	v56 =	vmul.f32 v26, v17;
	v2 =	vadd.f32 v55, v2;
	v4 =	vmul.f32 v4, v6;
	_ =	sdelay $0x1  }
0x28f: {  	v57 =	vmul.f32 v28, v19;
	v2 =	vadd.f32 v56, v2;
	v6 =	vmul.f32 v4, v3;
	_ =	sdelay $0x1  }
0x290: {  	v58 =	vmul.f32 v30, v21;
	v2 =	vadd.f32 v57, v2;
	v6 =	vmul.f32 v6, v4;
	_ =	sdelay $0x1  }
0x291: {  	v59 =	vmul.f32 v32, v23;
	v2 =	vadd.f32 v58, v2;
	v6 =	vsub.f32 $1.500000000e+00, v6;
	_ =	sdelay $0x1  }
0x292: {  	v60 =	vmul.f32 v34, v25;
	v2 =	vadd.f32 v59, v2;
	v4 =	vmul.f32 v6, v4;
	_ =	sdelay $0x1  }
0x293: {  	v61 =	vmul.f32 v35, v27;
	v2 =	vadd.f32 v60, v2;
	v3 =	vmul.f32 v4, v3;
	_ =	sdelay $0x1  }
0x294: {  	v62 =	vmul.f32 v36, v29;
	v2 =	vadd.f32 v61, v2;
	v3 =	vmul.f32 v3, v4;
	_ =	sdelay $0x1  }
0x295: {  	s30 =	sadd.s32 $0x10, s21;
	v1 =	vmul.f32 v37, v1;
	v2 =	vadd.f32 v62, v2;
	v3 =	vsub.f32 $1.500000000e+00, v3  }
0x296: {  	v63 =	vld [tilespmem:s30+$0x0]  }
0x297: {  	v1 =	vadd.f32 v1, v2;
	v2 =	vmul.f32 v3, v4  }
0x298: {  	s31 =	rddreg [dreg:$0x19]  }
0x299: {  	s1 =	sadd.s32 $0x1, s31;
	v1 =	vmul.f32 v2, v1  }
0x29a: {  	p0 =	sne.s32 s1, $0x4  }
.Ltmp3:
0x29b: {  	v2 =	vmul.f32 $5.000000000e-01, v63;
	v1 =	vmul.f32 $5.000000000e-01, v1;
	(pc) =	sbr.rel @p0 .LBB2_2-.Ltmp3, $4  }
0x29c: {  	_ = 	snop  }
0x29d: {  	v1 =	vadd.f32 v1, v2  }
0x29e: {  	s7 =	sadd.s32 $0x80, s7;
	s0 =	sadd.s32 $0x10, s0  }
0x29f: {  	s15 =	sadd.s32 $0x80, s15;
	s3 =	sadd.s32 $0x80, s3;
	s4 =	sadd.s32 $0x80, s4;
	[tilespmem:s0+$0x0] =	vst v1  }
0x2a0: {  	s0 =	rddreg [dreg:$0x12];
	s1 =	simm.s32 $0x8600  }
0x2a1: {  	[hbm4b:s0+s12] =	stream.linear.scatter [tilespmem:s1], [sflag:$0x2], $0x200, $0x38;
	[tilespmem:$0x8800] =	vst v63  }
0x2a2: {  	s1 =	simm.s32 $0x2  }
0x2a3: {  	_ =	swait.ge [sflag:s1], $0x200  }
0x2a4: {  	s2 =	rddreg [dreg:$0x14]  }
0x2a5: {  	s31 =	rddreg [dreg:$0x13];
	s2 =	sadd.s32 $0x1, s2  }
0x2a6: {  	p0 =	sne.s32 s2, s31  }
.Ltmp4:
0x2a7: {  	_ = 	snop;
	(pc) =	sbr.rel @p0 .LBB2_1-.Ltmp4, $3  }
0x2a8: {  	_ =	sdelay $0x1  }
0x2a9: {  	[sflag:s1] =	ssyncset.done $0x0  }
0x2aa: {  	[sflag:s1] =	ssyncadd.s32 $0xFFFFFE00  }
0x2ab: {  	_ =	sfence.sel $0x180000  }
0x2ac: {  	[bflag:$0x0] =	sbarrier.arrive $0xFFFF  }
0x2ad: {  	_ =	strace $0x9000004A  }
0x2ae: {  	s0 =	stileid.u32;
	[bflag:$0x2] =	sbarrier.arrive $0xFFFF  }
0x2af: {  	p0 =	sne.s32 s0, $0x0;
	s0 =	rddreg [dreg:$0x4]  }
0x2b0: {  	s0 =	sadd.s32 @!p0 $0x100000, s0  }
0x2b1: {  	[sflag:s0] =	ssyncadd.tile.s32 @!p0 $0x1;
	_ =	shalt  }
.Lfunc_end2:
_tile_overlayer_lowered:
.L_overlay_start_2:
0x2b2: {  	(tag) =	ssettag $0x2  }
0x2b3: {  	s0 =	rddreg [dreg:$0x0];
	s2 =	stileid.u32  }
0x2b4: {  	s1 =	rddreg [dreg:$0x1];
	p0 =	sne.s32 s2, $0x0  }
0x2b5: {  	s3 =	rddreg [dreg:$0x2];
	[bflag:$0x3] =	sbarrier.arrive $0xFFFF;
	s2 =	simm.s32 @!p0 $0x1C02  }
0x2b6: {  	[timem:s3], [sflag:s2] =	dma.local @!p0 [hbm:s0], s1  }
0x2b7: {  	s0 =	simm.s32 @!p0 $0x2  }
0x2b8: {  	_ =	swait.ge @!p0 [sflag:s0], s1  }
0x2b9: {  	s1 =	ssub.s32 @!p0 $0x0, s1;
	[sflag:s0] =	ssyncset.done @!p0 $0x0  }
0x2ba: {  	[sflag:s0] =	ssyncadd.s32 @!p0 s1  }
0x2bb: {  	[bflag:$0x3] =	sbarrier.arrive $0xFFFF  }
0x2bc: {  	_ =	shalt  }

</sc_bundles>
